<compile_context>
chip_gen: v7x
topology: tpu7x:2x2x1
jax: 0.10.2.dev20260603
libtpu: 0.0.44.dev20260713+nightly
codegen_flags: <defaults>
</compile_context>

<pallas_src>
import dataclasses
import functools

import jax
import jax.numpy as jnp
from jax import lax
from jax.experimental import pallas as pl
from jax.experimental.pallas import tpu as pltpu
from jax.experimental.pallas import tpu_sc as plsc

_N = 10000
_E = 320000
_D = 128
_H = 8
_F = 16
_T = 5

_NC = 2
_NS = 16
_NW = _NC * _NS
_EW = _E // _NW
_CH = 40
_NCHUNK = _EW // _CH
_DRB = 640
_RP = 40

_mesh = plsc.VectorSubcoreMesh(core_axis_name="c", subcore_axis_name="s")

_cp = pltpu.CompilerParams()
if "needs_layout_passes" in pltpu.CompilerParams.__dataclass_fields__:
    _cp = dataclasses.replace(_cp, needs_layout_passes=False)


@functools.partial(
    pl.kernel,
    mesh=_mesh,
    compiler_params=_cp,
    out_type=jax.ShapeDtypeStruct((_NC, _N, _D), jnp.float32),
    scratch_types=[
        pltpu.VMEM((2, _CH), jnp.int32),
        pltpu.VMEM((2, _CH), jnp.int32),
        pltpu.VMEM((2, _CH), jnp.int32),
        pltpu.VMEM((2, _CH, _D), jnp.float32),
        pltpu.VMEM((8, _D), jnp.float32),
        pltpu.VMEM((_T, 16), jnp.float32),
        pltpu.VMEM_SHARED((_N, _D), jnp.float32),
        pltpu.SemaphoreType.DMA((2,)),
        pltpu.SemaphoreType.DMA((2,)),
    ],
)
def _sc_denom(dst_hbm, ef_hbm, embp_hbm, out_hbm, tv2, dv2, dsc, ev2,
              embl, exq16, dacc, si, sc):
    c = lax.axis_index("c")
    s = lax.axis_index("s")
    np_s = jnp.where(s < _NS - 1, _DRB // _RP, 400 // _RP)
    z = jnp.zeros((16,), jnp.float32)

    pltpu.sync_copy(embp_hbm, embl)

    @pl.loop(0, _T)
    def _(t):
        exq16[t] = jnp.exp(embl[t, pl.ds(0, 16)])

    for b in range(2):
        @pl.loop(0, _CH)
        def _(i):
            for j in range(_D // 16):
                ev2[b, i, pl.ds(j * 16, 16)] = z

    @pl.loop(0, np_s)
    def _(p):
        pltpu.sync_copy(ev2.at[0], dacc.at[pl.ds(s * _DRB + p * _RP, _RP)])

    plsc.subcore_barrier()

    base = (c * _NS + s) * _EW

    def issue_idx(q, b):
        eb = base + q * _CH
        pltpu.async_copy(ef_hbm.at[pl.ds(eb, _CH)], tv2.at[b], si.at[b])
        pltpu.async_copy(dst_hbm.at[pl.ds(eb, _CH)], dv2.at[b], si.at[b])

    def wait_idx(b):
        pltpu.make_async_copy(
            ef_hbm.at[pl.ds(base, _CH)], tv2.at[b], si.at[b]).wait()
        pltpu.make_async_copy(
            dst_hbm.at[pl.ds(base, _CH)], dv2.at[b], si.at[b]).wait()

    def wait_scat(b):
        pltpu.make_async_copy(
            ev2.at[b], dacc.at[dsc.at[b]], sc.at[b]).wait()

    issue_idx(0, 0)
    issue_idx(1, 1)

    @pl.loop(0, _NCHUNK // 2)
    def _(k):
        for b in range(2):
            q = 2 * k + b
            wait_idx(b)

            @pl.when(k > 0)
            def _():
                wait_scat(b)

            for o in (0, 16, _CH - 16):
                dsc[b, pl.ds(o, 16)] = dv2[b, pl.ds(o, 16)]

            for o in (0, 16, _CH - 16):
                tvec = tv2[b, pl.ds(o, 16)]
                for j in range(16):
                    ev2[b, o + j, pl.ds(0, 16)] = exq16[tvec[j]]

            pltpu.async_copy(ev2.at[b], dacc.at[dsc.at[b]], sc.at[b],
                             add=True)

            @pl.when(q + 2 < _NCHUNK)
            def _():
                issue_idx(q + 2, b)

    wait_scat(0)
    wait_scat(1)
    plsc.subcore_barrier()

    @pl.loop(0, np_s)
    def _(p):
        r0 = s * _DRB + p * _RP
        pltpu.async_copy(dacc.at[pl.ds(r0, _RP)],
                         out_hbm.at[c, pl.ds(r0, _RP)], si.at[0])

    @pl.loop(0, np_s)
    def _(p):
        pltpu.make_async_copy(
            dacc.at[pl.ds(0, _RP)], out_hbm.at[c, pl.ds(0, _RP)],
            si.at[0]).wait()


@functools.partial(
    pl.kernel,
    mesh=_mesh,
    compiler_params=_cp,
    out_type=(
        jax.ShapeDtypeStruct((_NC, _N, _D), jnp.float32),
        jax.ShapeDtypeStruct((_E, 16), jnp.float32),
    ),
    scratch_types=[
        pltpu.VMEM((2, _CH), jnp.int32),
        pltpu.VMEM((2, _CH), jnp.int32),
        pltpu.VMEM((2, _CH), jnp.int32),
        pltpu.VMEM((2, _CH), jnp.int32),
        pltpu.VMEM((2, _CH, _D), jnp.float32),
        pltpu.VMEM((2, _CH, _D), jnp.float32),
        pltpu.VMEM((2, _CH, 16), jnp.float32),
        pltpu.VMEM_SHARED((_N, _D), jnp.float32),
        pltpu.SemaphoreType.DMA((2,)),
        pltpu.SemaphoreType.DMA((2,)),
        pltpu.SemaphoreType.DMA((2,)),
        pltpu.SemaphoreType.DMA((2,)),
    ],
)
def _sc_main(src_hbm, nt_hbm, dst_hbm, fs_hbm, wexp_hbm, ft_hbm, attn_hbm,
             sv2, nv2, dv2, dsc, rows2, wbuf2, ab2, ftacc, si, sg, sc, sa):
    c = lax.axis_index("c")
    s = lax.axis_index("s")
    np_s = jnp.where(s < _NS - 1, _DRB // _RP, 400 // _RP)
    z = jnp.zeros((16,), jnp.float32)

    @pl.loop(0, _RP)
    def _(i):
        for j in range(_D // 16):
            rows2[0, i, pl.ds(j * 16, 16)] = z

    @pl.loop(0, np_s)
    def _(p):
        pltpu.sync_copy(rows2.at[0],
                        ftacc.at[pl.ds(s * _DRB + p * _RP, _RP)])

    plsc.subcore_barrier()

    base = (c * _NS + s) * _EW

    def issue_idx(q, b):
        eb = base + q * _CH
        pltpu.async_copy(src_hbm.at[pl.ds(eb, _CH)], sv2.at[b], si.at[b])
        pltpu.async_copy(nt_hbm.at[pl.ds(eb, _CH)], nv2.at[b], si.at[b])
        pltpu.async_copy(dst_hbm.at[pl.ds(eb, _CH)], dv2.at[b], si.at[b])

    def wait_idx(b):
        for ref in (sv2, nv2, dv2):
            pltpu.make_async_copy(
                src_hbm.at[pl.ds(base, _CH)], ref.at[b], si.at[b]).wait()

    def issue_gather(b):
        pltpu.async_copy(fs_hbm.at[sv2.at[b]], rows2.at[b], sg.at[b])
        pltpu.async_copy(wexp_hbm.at[nv2.at[b]], wbuf2.at[b], sg.at[b])

    def wait_gather(b):
        pltpu.make_async_copy(
            fs_hbm.at[sv2.at[b]], rows2.at[b], sg.at[b]).wait()
        pltpu.make_async_copy(
            wexp_hbm.at[nv2.at[b]], wbuf2.at[b], sg.at[b]).wait()

    def wait_out(b):
        pltpu.make_async_copy(
            rows2.at[b], ftacc.at[dsc.at[b]], sc.at[b]).wait()
        pltpu.make_async_copy(
            ab2.at[b], attn_hbm.at[pl.ds(base, _CH)], sa.at[b]).wait()

    issue_idx(0, 0)
    issue_idx(1, 1)
    wait_idx(0)
    issue_gather(0)

    @pl.loop(0, _NCHUNK // 2)
    def _(k):
        for b in range(2):
            q = 2 * k + b
            b1 = 1 - b

            if b == 0:
                wait_idx(b1)

                @pl.when(k > 0)
                def _():
                    wait_out(b1)

                issue_gather(b1)
            else:
                @pl.when(k + 1 < _NCHUNK // 2)
                def _():
                    wait_idx(b1)

                wait_out(b1)

                @pl.when(k + 1 < _NCHUNK // 2)
                def _():
                    issue_gather(b1)

            wait_gather(b)

            for o in (0, 16, _CH - 16):
                dsc[b, pl.ds(o, 16)] = dv2[b, pl.ds(o, 16)]

            @pl.loop(0, _CH)
            def _(i):
                w16 = wbuf2[b, i, pl.ds(0, 16)]
                ab2[b, i] = w16
                b0 = jnp.full((16,), w16[0], jnp.float32)
                rows2[b, i, pl.ds(0, 16)] = rows2[b, i, pl.ds(0, 16)] * b0
                for h in range(1, _H):
                    hs = pl.ds(h * 16, 16)
                    rows2[b, i, hs] = rows2[b, i, hs] * wbuf2[b, i, hs]

            pltpu.async_copy(rows2.at[b], ftacc.at[dsc.at[b]], sc.at[b],
                             add=True)
            eb = base + q * _CH
            pltpu.async_copy(ab2.at[b], attn_hbm.at[pl.ds(eb, _CH)],
                             sa.at[b])

            @pl.when(q + 2 < _NCHUNK)
            def _():
                issue_idx(q + 2, b)

    wait_out(1)
    plsc.subcore_barrier()

    @pl.loop(0, np_s)
    def _(p):
        r0 = s * _DRB + p * _RP
        pltpu.async_copy(ftacc.at[pl.ds(r0, _RP)],
                         ft_hbm.at[c, pl.ds(r0, _RP)], si.at[0])

    @pl.loop(0, np_s)
    def _(p):
        pltpu.make_async_copy(
            ftacc.at[pl.ds(0, _RP)], ft_hbm.at[c, pl.ds(0, _RP)],
            si.at[0]).wait()


def _mm_body(f_ref, w_ref, o_ref):
    o_ref[...] = jnp.dot(f_ref[...], w_ref[...],
                         preferred_element_type=jnp.float32)


def _project(feat, wt):
    return pl.pallas_call(
        _mm_body,
        grid=(10,),
        in_specs=[
            pl.BlockSpec((_N // 10, _D), lambda i: (i, 0)),
            pl.BlockSpec((_D, _D), lambda i: (0, 0)),
        ],
        out_specs=pl.BlockSpec((_N // 10, _D), lambda i: (i, 0)),
        out_shape=jax.ShapeDtypeStruct((_N, _D), jnp.float32),
    )(feat, wt)


def _wt_body(dp_ref, emb_ref, o_ref):
    bn = _N // 10
    d8 = dp_ref[0][:, :_H] + dp_ref[1][:, :_H]
    safe = jnp.where(d8 > 0, d8, 1.0)
    rec = 1.0 / safe
    ex = jnp.exp(emb_ref[...])
    rows_t = []
    for t in range(_T):
        a = ex[t][None, :] * rec
        compact = jnp.concatenate(
            [a, jnp.zeros((bn, 8), jnp.float32)], axis=1)
        expanded = jnp.repeat(a[:, 1:], _F, axis=1)
        rows_t.append(jnp.concatenate([compact, expanded], axis=1))
    w = jnp.stack(rows_t, axis=1)
    o_ref[...] = w.reshape(bn * _T, _D)


def _weights(dparts, emb):
    return pl.pallas_call(
        _wt_body,
        grid=(10,),
        in_specs=[
            pl.BlockSpec((_NC, _N // 10, _D), lambda i: (0, i, 0)),
            pl.BlockSpec((_T, _H), lambda i: (0, 0)),
        ],
        out_specs=pl.BlockSpec((_N // 10 * _T, _D), lambda i: (i, 0)),
        out_shape=jax.ShapeDtypeStruct((_N * _T, _D), jnp.float32),
    )(dparts, emb)


def _add_body(p_ref, o_ref):
    o_ref[...] = p_ref[0] + p_ref[1]


def _combine(parts):
    return pl.pallas_call(
        _add_body,
        grid=(10,),
        in_specs=[pl.BlockSpec((_NC, _N // 10, _D), lambda i: (0, i, 0))],
        out_specs=pl.BlockSpec((_N // 10, _D), lambda i: (i, 0)),
        out_shape=jax.ShapeDtypeStruct((_N, _D), jnp.float32),
    )(parts)


def kernel(feat, edge_index, e_feat, W, edge_emb):
    src = edge_index[0].astype(jnp.int32)
    dst = edge_index[1].astype(jnp.int32)
    ef = e_feat.astype(jnp.int32)
    nt = dst * jnp.int32(_T) + ef
    embp = jnp.zeros((8, _D), jnp.float32).at[:_T, :_H].set(
        edge_emb.astype(jnp.float32))

    fs = _project(feat, W.T)
    dparts = _sc_denom(dst, ef, embp)
    wexp = _weights(dparts, edge_emb)
    ftparts, attn16 = _sc_main(src, nt, dst, fs, wexp)
    rst = _combine(ftparts).reshape(_N, _H, _F)
    attn = attn16[:, :_H].reshape(_E, _H, 1)
    return rst, attn

# --- scband reference (transcript-rebuilt; emitter-appended) ---
"""Pipeline reference for scband-my-gatconv-s-13975823582067 (READ-ONLY COPY).

The authoritative reference and input builder live on the scoring server;
editing this copy changes nothing except your own understanding.
"""

import jax, jax.numpy as jnp
import numpy as np

N = 10000
E = 320000
D = 128
H = 8
F = 16
NUM_ETYPES = 5

def setup_inputs(seed: int = 0):
    key = jax.random.key(seed)
    k1, k2, k3, k4, k5 = jax.random.split(key, 5)
    feat = jax.random.normal(k1, (N, D), dtype=jnp.float32)
    edge_index = jax.random.randint(k2, (2, E), 0, N)
    e_feat = jax.random.randint(k3, (E,), 0, NUM_ETYPES)
    gain = np.sqrt(2.0)
    std = gain * np.sqrt(2.0 / (D + H * F))
    W = jax.random.normal(k4, (H * F, D), dtype=jnp.float32) * std
    edge_emb = jax.random.normal(k5, (NUM_ETYPES, H), dtype=jnp.float32)
    return {"feat": feat, "edge_index": edge_index, "e_feat": e_feat, "W": W, "edge_emb": edge_emb}

def reference(feat, edge_index, e_feat, W, edge_emb):
    # Faithful JAX translation of myGATConv_s.forward (eval mode: dropouts are identity,
    # res_attn/res_feat are None, bias=False, activation=None).
    src = edge_index[0]
    dst = edge_index[1]
    # fc projection -> [N, H, F]
    feat_src = (feat @ W.T).reshape(-1, H, F)
    # edge type embedding -> per-edge, per-head logits e: [E, H, 1]
    e = edge_emb[e_feat].reshape(-1, H, 1)
    # edge_softmax over incoming edges of each dst node
    e_max = jax.ops.segment_max(e, dst, num_segments=N)
    e_max = jnp.where(jnp.isfinite(e_max), e_max, 0.0)
    ex = jnp.exp(e - e_max[dst])
    denom = jax.ops.segment_sum(ex, dst, num_segments=N)
    attn = ex / denom[dst]
    # attn_sum = sum_e a (u_mul_e with ones then segment-sum)
    attn_sum = jax.ops.segment_sum(attn, dst, num_segments=N)
    # message passing: u_mul_e('ft','a') then sum per dst
    msg = feat_src[src] * attn
    ft = jax.ops.segment_sum(msg, dst, num_segments=N)
    rst = ft / (attn_sum + 1e-12)
    return rst, jax.lax.stop_gradient(attn)

if __name__ == "__main__":
    import jax
    _d = setup_inputs()
    print(jax.jit(kernel)(*tuple(_d.values())))

</pallas_src>

<mosaic_0001>
#map = affine_map<(d0, d1) -> (0)>
#map1 = affine_map<(d0, d1) -> (0, 0)>
#map2 = affine_map<(d0, d1) -> (0, 0, 0)>
module attributes {stable_mosaic.version = 14 : i64} {
  func.func @_sc_main(%arg0: i32, %arg1: i32, %arg2: memref<320000xi32, #tpu.memory_space<hbm>>, %arg3: memref<320000xi32, #tpu.memory_space<hbm>>, %arg4: memref<320000xi32, #tpu.memory_space<hbm>>, %arg5: memref<10000x128xf32, #tpu.memory_space<hbm>>, %arg6: memref<50000x128xf32, #tpu.memory_space<hbm>>, %arg7: memref<2x10000x128xf32, #tpu.memory_space<hbm>>, %arg8: memref<320000x16xf32, #tpu.memory_space<hbm>>, %arg9: memref<2x40xi32, #tpu.memory_space<vmem>>, %arg10: memref<2x40xi32, #tpu.memory_space<vmem>>, %arg11: memref<2x40xi32, #tpu.memory_space<vmem>>, %arg12: memref<2x40xi32, #tpu.memory_space<vmem>>, %arg13: memref<2x40x128xf32, #tpu.memory_space<vmem>>, %arg14: memref<2x40x128xf32, #tpu.memory_space<vmem>>, %arg15: memref<2x40x16xf32, #tpu.memory_space<vmem>>, %arg16: memref<10000x128xf32, #tpu.memory_space<vmem_shared>>, %arg17: memref<2x!tpu.dma_semaphore, #tpu.memory_space<semaphore_mem>>, %arg18: memref<2x!tpu.dma_semaphore, #tpu.memory_space<semaphore_mem>>, %arg19: memref<2x!tpu.dma_semaphore, #tpu.memory_space<semaphore_mem>>, %arg20: memref<2x!tpu.dma_semaphore, #tpu.memory_space<semaphore_mem>>) attributes {dimension_semantics = [#tpu.dimension_semantics<core_parallel>, #tpu.dimension_semantics<subcore_parallel>], iteration_bounds = array<i64: 2, 16>, scalar_prefetch = 0 : i64, scratch_operands = 12 : i64, tpu.core_type = #tpu.core_type<sc_vector_subcore>, window_params = [{transform_indices = #map}, {transform_indices = #map}, {transform_indices = #map}, {transform_indices = #map1}, {transform_indices = #map1}, {transform_indices = #map2}, {transform_indices = #map1}]} {
    %lt3A = arith.constant 15 : i32
    %lt3A_0 = arith.cmpi slt, %arg1, %lt3A : i32
    %jit3A = arith.constant 16 : i32
    %jit3A_1 = arith.constant 10 : i32
    %select_n3A = arith.select %lt3A_0, %jit3A, %jit3A_1 : i32
    %broadcast_in_dim3A = arith.constant 0.000000e+00 : f32
    %broadcast_in_dim3A_2 = vector.broadcast %broadcast_in_dim3A : f32 to vector<16xf32>
    %scan3A = arith.constant 0 : i32
    %scan3A_3 = arith.constant 40 : i32
    %scan3A_4 = arith.addi %scan3A, %scan3A_3 : i32
    %scan3A_5 = arith.constant 1 : i32
    scf.for %scan3A_241 = %scan3A to %scan3A_4 step %scan3A_5  : i32 {
      %mul3A_242 = arith.constant 1 : i32
      %mul3A_243 = arith.muli %scan3A_241, %mul3A_242 : i32
      %add3A_244 = arith.constant 0 : i32
      %add3A_245 = arith.addi %add3A_244, %mul3A_243 : i32
      %swap3A = arith.constant 0 : i32
      %swap3A_246 = arith.index_cast %swap3A : i32 to index
      %swap3A_247 = arith.index_cast %add3A_245 : i32 to index
      %swap3A_248 = arith.constant 0 : index
      %swap3A_249 = tpu.vector_load %arg13[%swap3A_246, %swap3A_247, %swap3A_248] {strides = array<i32>} : memref<2x40x128xf32, #tpu.memory_space<vmem>>, vector<16xf32>,
      tpu.vector_store %arg13[%swap3A_246, %swap3A_247, %swap3A_248], %broadcast_in_dim3A_2 {strides = array<i32>} : memref<2x40x128xf32, #tpu.memory_space<vmem>>, vector<16xf32>,
      %swap3A_250 = arith.constant 0 : i32
      %swap3A_251 = arith.index_cast %swap3A_250 : i32 to index
      %swap3A_252 = arith.index_cast %add3A_245 : i32 to index
      %swap3A_253 = arith.constant 16 : index
      %swap3A_254 = tpu.vector_load %arg13[%swap3A_251, %swap3A_252, %swap3A_253] {strides = array<i32>} : memref<2x40x128xf32, #tpu.memory_space<vmem>>, vector<16xf32>,
      tpu.vector_store %arg13[%swap3A_251, %swap3A_252, %swap3A_253], %broadcast_in_dim3A_2 {strides = array<i32>} : memref<2x40x128xf32, #tpu.memory_space<vmem>>, vector<16xf32>,
      %swap3A_255 = arith.constant 0 : i32
      %swap3A_256 = arith.index_cast %swap3A_255 : i32 to index
      %swap3A_257 = arith.index_cast %add3A_245 : i32 to index
      %swap3A_258 = arith.constant 32 : index
      %swap3A_259 = tpu.vector_load %arg13[%swap3A_256, %swap3A_257, %swap3A_258] {strides = array<i32>} : memref<2x40x128xf32, #tpu.memory_space<vmem>>, vector<16xf32>,
      tpu.vector_store %arg13[%swap3A_256, %swap3A_257, %swap3A_258], %broadcast_in_dim3A_2 {strides = array<i32>} : memref<2x40x128xf32, #tpu.memory_space<vmem>>, vector<16xf32>,
      %swap3A_260 = arith.constant 0 : i32
      %swap3A_261 = arith.index_cast %swap3A_260 : i32 to index
      %swap3A_262 = arith.index_cast %add3A_245 : i32 to index
      %swap3A_263 = arith.constant 48 : index
      %swap3A_264 = tpu.vector_load %arg13[%swap3A_261, %swap3A_262, %swap3A_263] {strides = array<i32>} : memref<2x40x128xf32, #tpu.memory_space<vmem>>, vector<16xf32>,
      tpu.vector_store %arg13[%swap3A_261, %swap3A_262, %swap3A_263], %broadcast_in_dim3A_2 {strides = array<i32>} : memref<2x40x128xf32, #tpu.memory_space<vmem>>, vector<16xf32>,
      %swap3A_265 = arith.constant 0 : i32
      %swap3A_266 = arith.index_cast %swap3A_265 : i32 to index
      %swap3A_267 = arith.index_cast %add3A_245 : i32 to index
      %swap3A_268 = arith.constant 64 : index
      %swap3A_269 = tpu.vector_load %arg13[%swap3A_266, %swap3A_267, %swap3A_268] {strides = array<i32>} : memref<2x40x128xf32, #tpu.memory_space<vmem>>, vector<16xf32>,
      tpu.vector_store %arg13[%swap3A_266, %swap3A_267, %swap3A_268], %broadcast_in_dim3A_2 {strides = array<i32>} : memref<2x40x128xf32, #tpu.memory_space<vmem>>, vector<16xf32>,
      %swap3A_270 = arith.constant 0 : i32
      %swap3A_271 = arith.index_cast %swap3A_270 : i32 to index
      %swap3A_272 = arith.index_cast %add3A_245 : i32 to index
      %swap3A_273 = arith.constant 80 : index
      %swap3A_274 = tpu.vector_load %arg13[%swap3A_271, %swap3A_272, %swap3A_273] {strides = array<i32>} : memref<2x40x128xf32, #tpu.memory_space<vmem>>, vector<16xf32>,
      tpu.vector_store %arg13[%swap3A_271, %swap3A_272, %swap3A_273], %broadcast_in_dim3A_2 {strides = array<i32>} : memref<2x40x128xf32, #tpu.memory_space<vmem>>, vector<16xf32>,
      %swap3A_275 = arith.constant 0 : i32
      %swap3A_276 = arith.index_cast %swap3A_275 : i32 to index
      %swap3A_277 = arith.index_cast %add3A_245 : i32 to index
      %swap3A_278 = arith.constant 96 : index
      %swap3A_279 = tpu.vector_load %arg13[%swap3A_276, %swap3A_277, %swap3A_278] {strides = array<i32>} : memref<2x40x128xf32, #tpu.memory_space<vmem>>, vector<16xf32>,
      tpu.vector_store %arg13[%swap3A_276, %swap3A_277, %swap3A_278], %broadcast_in_dim3A_2 {strides = array<i32>} : memref<2x40x128xf32, #tpu.memory_space<vmem>>, vector<16xf32>,
      %swap3A_280 = arith.constant 0 : i32
      %swap3A_281 = arith.index_cast %swap3A_280 : i32 to index
      %swap3A_282 = arith.index_cast %add3A_245 : i32 to index
      %swap3A_283 = arith.constant 112 : index
      %swap3A_284 = tpu.vector_load %arg13[%swap3A_281, %swap3A_282, %swap3A_283] {strides = array<i32>} : memref<2x40x128xf32, #tpu.memory_space<vmem>>, vector<16xf32>,
      tpu.vector_store %arg13[%swap3A_281, %swap3A_282, %swap3A_283], %broadcast_in_dim3A_2 {strides = array<i32>} : memref<2x40x128xf32, #tpu.memory_space<vmem>>, vector<16xf32>,
    }
    %scan3A_6 = arith.constant 40 : i32
    %sub3A = arith.constant 0 : i32
    %sub3A_7 = arith.subi %select_n3A, %sub3A : i32
    %sub3A_8 = arith.constant 1 : i32
    %sub3A_9 = arith.constant 1 : i32
    %sub3A_10 = arith.subi %sub3A_8, %sub3A_9 : i32
    %add3A = arith.addi %sub3A_7, %sub3A_10 : i32
    %div3A = arith.constant 1 : i32
    %div3A_11 = arith.divsi %add3A, %div3A : i32
    %while3A = arith.constant 1 : i32
    %while3A_12 = arith.constant 0 : i32
    %while3A_13 = arith.constant 0 : i32
    %while3A_14 = arith.subi %div3A_11, %while3A_13 : i32
    %while3A_15 = arith.addi %while3A_13, %while3A_14 : i32
    %while3A_16 = arith.constant 1 : i32
    %while3A_17 = arith.divsi %while3A_14, %while3A_16 : i32
    %while3A_18 = arith.muli %while3A_17, %while3A_16 : i32
    %while3A_19 = arith.addi %while3A_13, %while3A_18 : i32
    %while3A_20 = arith.constant 1 : i32
    scf.for %while3A_241 = %while3A_13 to %while3A_19 step %while3A_20  : i32 {
      %mul3A_242 = arith.muli %while3A_241, %while3A : i32
      %add3A_243 = arith.addi %while3A_12, %mul3A_242 : i32
      %mul3A_244 = arith.constant 640 : i32
      %mul3A_245 = arith.muli %arg1, %mul3A_244 : i32
      %mul3A_246 = arith.constant 40 : i32
      %mul3A_247 = arith.muli %add3A_243, %mul3A_246 : i32
      %add3A_248 = arith.addi %mul3A_245, %mul3A_247 : i32
      %run_scoped3A = arith.constant 0 : i32
      "tpu.region"() ({
        %run_scoped3A_249 = tpu.sem_alloc : memref<!tpu.dma_semaphore, #tpu.memory_space<semaphore_mem>>
        %dma_start3A_250 = arith.constant 0 : i32
        %dma_start3A_251 = arith.constant 0 : i32
        %dma_start3A_252 = tpu.memref_slice %arg13[%run_scoped3A, %dma_start3A_250, %dma_start3A_251] : memref<2x40x128xf32, #tpu.memory_space<vmem>> -> memref<1x40x128xf32, #tpu.memory_space<vmem>>
        %dma_start3A_253 = tpu.memref_squeeze %dma_start3A_252 : memref<1x40x128xf32, #tpu.memory_space<vmem>> -> memref<40x128xf32, #tpu.memory_space<vmem>>
        %dma_start3A_254 = arith.constant 0 : i32
        %dma_start3A_255 = tpu.memref_slice %arg16[%add3A_248, %dma_start3A_254] : memref<10000x128xf32, #tpu.memory_space<vmem_shared>> -> memref<40x128xf32, #tpu.memory_space<vmem_shared>>
        %dma_start3A_256 = arith.constant 0 : i32
        %dma_start3A_257 = tpu.memref_slice %arg16[%add3A_248, %dma_start3A_256] : memref<10000x128xf32, #tpu.memory_space<vmem_shared>> -> memref<40x128xf32, #tpu.memory_space<vmem_shared>>
        %dma_start3A_258 = arith.constant 0 : i32
        %dma_start3A_259 = arith.constant 0 : i32
        %dma_start3A_260 = tpu.memref_slice %arg13[%run_scoped3A, %dma_start3A_258, %dma_start3A_259] : memref<2x40x128xf32, #tpu.memory_space<vmem>> -> memref<1x40x128xf32, #tpu.memory_space<vmem>>
        %dma_start3A_261 = tpu.memref_squeeze %dma_start3A_260 : memref<1x40x128xf32, #tpu.memory_space<vmem>> -> memref<40x128xf32, #tpu.memory_space<vmem>>
        tpu.enqueue_dma source(%dma_start3A_261 : memref<40x128xf32, #tpu.memory_space<vmem>>) target(%dma_start3A_257 : memref<40x128xf32, #tpu.memory_space<vmem_shared>>) target_semaphore(%run_scoped3A_249 : memref<!tpu.dma_semaphore, #tpu.memory_space<semaphore_mem>>)
        %dma_wait3A_262 = arith.constant 0 : i32
        %dma_wait3A_263 = arith.constant 0 : i32
        %dma_wait3A_264 = tpu.memref_slice %arg13[%run_scoped3A, %dma_wait3A_262, %dma_wait3A_263] : memref<2x40x128xf32, #tpu.memory_space<vmem>> -> memref<1x40x128xf32, #tpu.memory_space<vmem>>
        %dma_wait3A_265 = tpu.memref_squeeze %dma_wait3A_264 : memref<1x40x128xf32, #tpu.memory_space<vmem>> -> memref<40x128xf32, #tpu.memory_space<vmem>>
        %dma_wait3A_266 = arith.constant 0 : i32
        %dma_wait3A_267 = tpu.memref_slice %arg16[%add3A_248, %dma_wait3A_266] : memref<10000x128xf32, #tpu.memory_space<vmem_shared>> -> memref<40x128xf32, #tpu.memory_space<vmem_shared>>
        %dma_wait3A_268 = arith.constant 0 : i32
        %dma_wait3A_269 = tpu.memref_slice %arg16[%add3A_248, %dma_wait3A_268] : memref<10000x128xf32, #tpu.memory_space<vmem_shared>> -> memref<40x128xf32, #tpu.memory_space<vmem_shared>>
        %dma_wait3A_270 = arith.constant 0 : i32
        %dma_wait3A_271 = arith.constant 0 : i32
        %dma_wait3A_272 = tpu.memref_slice %arg13[%run_scoped3A, %dma_wait3A_270, %dma_wait3A_271] : memref<2x40x128xf32, #tpu.memory_space<vmem>> -> memref<1x40x128xf32, #tpu.memory_space<vmem>>
        %dma_wait3A_273 = tpu.memref_squeeze %dma_wait3A_272 : memref<1x40x128xf32, #tpu.memory_space<vmem>> -> memref<40x128xf32, #tpu.memory_space<vmem>>
        tpu.wait_dma2 semaphore(%run_scoped3A_249 : memref<!tpu.dma_semaphore, #tpu.memory_space<semaphore_mem>>) src(%dma_wait3A_273 : memref<40x128xf32, #tpu.memory_space<vmem>>) dst(%dma_wait3A_269 : memref<40x128xf32, #tpu.memory_space<vmem_shared>>)
        tpu.yield
      }) : () -> ()
    }
    %while3A_21 = arith.constant 1 : i32
    scf.for %while3A_241 = %while3A_19 to %while3A_15 step %while3A_21  : i32 {
      %mul3A_242 = arith.muli %while3A_241, %while3A : i32
      %add3A_243 = arith.addi %while3A_12, %mul3A_242 : i32
      %mul3A_244 = arith.constant 640 : i32
      %mul3A_245 = arith.muli %arg1, %mul3A_244 : i32
      %mul3A_246 = arith.constant 40 : i32
      %mul3A_247 = arith.muli %add3A_243, %mul3A_246 : i32
      %add3A_248 = arith.addi %mul3A_245, %mul3A_247 : i32
      %run_scoped3A = arith.constant 0 : i32
      "tpu.region"() ({
        %run_scoped3A_249 = tpu.sem_alloc : memref<!tpu.dma_semaphore, #tpu.memory_space<semaphore_mem>>
        %dma_start3A_250 = arith.constant 0 : i32
        %dma_start3A_251 = arith.constant 0 : i32
        %dma_start3A_252 = tpu.memref_slice %arg13[%run_scoped3A, %dma_start3A_250, %dma_start3A_251] : memref<2x40x128xf32, #tpu.memory_space<vmem>> -> memref<1x40x128xf32, #tpu.memory_space<vmem>>
        %dma_start3A_253 = tpu.memref_squeeze %dma_start3A_252 : memref<1x40x128xf32, #tpu.memory_space<vmem>> -> memref<40x128xf32, #tpu.memory_space<vmem>>
        %dma_start3A_254 = arith.constant 0 : i32
        %dma_start3A_255 = tpu.memref_slice %arg16[%add3A_248, %dma_start3A_254] : memref<10000x128xf32, #tpu.memory_space<vmem_shared>> -> memref<40x128xf32, #tpu.memory_space<vmem_shared>>
        %dma_start3A_256 = arith.constant 0 : i32
        %dma_start3A_257 = tpu.memref_slice %arg16[%add3A_248, %dma_start3A_256] : memref<10000x128xf32, #tpu.memory_space<vmem_shared>> -> memref<40x128xf32, #tpu.memory_space<vmem_shared>>
        %dma_start3A_258 = arith.constant 0 : i32
        %dma_start3A_259 = arith.constant 0 : i32
        %dma_start3A_260 = tpu.memref_slice %arg13[%run_scoped3A, %dma_start3A_258, %dma_start3A_259] : memref<2x40x128xf32, #tpu.memory_space<vmem>> -> memref<1x40x128xf32, #tpu.memory_space<vmem>>
        %dma_start3A_261 = tpu.memref_squeeze %dma_start3A_260 : memref<1x40x128xf32, #tpu.memory_space<vmem>> -> memref<40x128xf32, #tpu.memory_space<vmem>>
        tpu.enqueue_dma source(%dma_start3A_261 : memref<40x128xf32, #tpu.memory_space<vmem>>) target(%dma_start3A_257 : memref<40x128xf32, #tpu.memory_space<vmem_shared>>) target_semaphore(%run_scoped3A_249 : memref<!tpu.dma_semaphore, #tpu.memory_space<semaphore_mem>>)
        %dma_wait3A_262 = arith.constant 0 : i32
        %dma_wait3A_263 = arith.constant 0 : i32
        %dma_wait3A_264 = tpu.memref_slice %arg13[%run_scoped3A, %dma_wait3A_262, %dma_wait3A_263] : memref<2x40x128xf32, #tpu.memory_space<vmem>> -> memref<1x40x128xf32, #tpu.memory_space<vmem>>
        %dma_wait3A_265 = tpu.memref_squeeze %dma_wait3A_264 : memref<1x40x128xf32, #tpu.memory_space<vmem>> -> memref<40x128xf32, #tpu.memory_space<vmem>>
        %dma_wait3A_266 = arith.constant 0 : i32
        %dma_wait3A_267 = tpu.memref_slice %arg16[%add3A_248, %dma_wait3A_266] : memref<10000x128xf32, #tpu.memory_space<vmem_shared>> -> memref<40x128xf32, #tpu.memory_space<vmem_shared>>
        %dma_wait3A_268 = arith.constant 0 : i32
        %dma_wait3A_269 = tpu.memref_slice %arg16[%add3A_248, %dma_wait3A_268] : memref<10000x128xf32, #tpu.memory_space<vmem_shared>> -> memref<40x128xf32, #tpu.memory_space<vmem_shared>>
        %dma_wait3A_270 = arith.constant 0 : i32
        %dma_wait3A_271 = arith.constant 0 : i32
        %dma_wait3A_272 = tpu.memref_slice %arg13[%run_scoped3A, %dma_wait3A_270, %dma_wait3A_271] : memref<2x40x128xf32, #tpu.memory_space<vmem>> -> memref<1x40x128xf32, #tpu.memory_space<vmem>>
        %dma_wait3A_273 = tpu.memref_squeeze %dma_wait3A_272 : memref<1x40x128xf32, #tpu.memory_space<vmem>> -> memref<40x128xf32, #tpu.memory_space<vmem>>
        tpu.wait_dma2 semaphore(%run_scoped3A_249 : memref<!tpu.dma_semaphore, #tpu.memory_space<semaphore_mem>>) src(%dma_wait3A_273 : memref<40x128xf32, #tpu.memory_space<vmem>>) dst(%dma_wait3A_269 : memref<40x128xf32, #tpu.memory_space<vmem_shared>>)
        tpu.yield
      }) : () -> ()
    }
    %barrier3A = arith.constant 0 : index
    tpu.barrier barrier_id(%barrier3A)
    %mul3A = arith.constant 16 : i32
    %mul3A_22 = arith.muli %arg0, %mul3A : i32
    %add3A_23 = arith.addi %mul3A_22, %arg1 : i32
    %mul3A_24 = arith.constant 10000 : i32
    %mul3A_25 = arith.muli %add3A_23, %mul3A_24 : i32
    %add3A_26 = arith.constant 0 : i32
    %add3A_27 = arith.addi %mul3A_25, %add3A_26 : i32
    %dma_start3A = arith.constant 0 : i32
    %dma_start3A_28 = arith.constant 0 : i32
    %dma_start3A_29 = arith.constant 0 : i32
    %dma_start3A_30 = tpu.memref_slice %arg9[%dma_start3A, %dma_start3A_29] : memref<2x40xi32, #tpu.memory_space<vmem>> -> memref<1x40xi32, #tpu.memory_space<vmem>>
    %dma_start3A_31 = tpu.memref_squeeze %dma_start3A_30 : memref<1x40xi32, #tpu.memory_space<vmem>> -> memref<40xi32, #tpu.memory_space<vmem>>
    %dma_start3A_32 = tpu.memref_slice %arg2[%add3A_27] : memref<320000xi32, #tpu.memory_space<hbm>> -> memref<40xi32, #tpu.memory_space<hbm>>
    %dma_start3A_33 = tpu.memref_slice %arg17[%dma_start3A_28] : memref<2x!tpu.dma_semaphore, #tpu.memory_space<semaphore_mem>> -> memref<1x!tpu.dma_semaphore, #tpu.memory_space<semaphore_mem>>
    %dma_start3A_34 = tpu.memref_squeeze %dma_start3A_33 : memref<1x!tpu.dma_semaphore, #tpu.memory_space<semaphore_mem>> -> memref<!tpu.dma_semaphore, #tpu.memory_space<semaphore_mem>>
    %dma_start3A_35 = arith.constant 0 : i32
    %dma_start3A_36 = tpu.memref_slice %arg9[%dma_start3A, %dma_start3A_35] : memref<2x40xi32, #tpu.memory_space<vmem>> -> memref<1x40xi32, #tpu.memory_space<vmem>>
    %dma_start3A_37 = tpu.memref_squeeze %dma_start3A_36 : memref<1x40xi32, #tpu.memory_space<vmem>> -> memref<40xi32, #tpu.memory_space<vmem>>
    %dma_start3A_38 = tpu.memref_slice %arg2[%add3A_27] : memref<320000xi32, #tpu.memory_space<hbm>> -> memref<40xi32, #tpu.memory_space<hbm>>
    tpu.enqueue_dma source(%dma_start3A_38 : memref<40xi32, #tpu.memory_space<hbm>>) target(%dma_start3A_37 : memref<40xi32, #tpu.memory_space<vmem>>) target_semaphore(%dma_start3A_34 : memref<!tpu.dma_semaphore, #tpu.memory_space<semaphore_mem>>)
    %dma_start3A_39 = arith.constant 0 : i32
    %dma_start3A_40 = arith.constant 0 : i32
    %dma_start3A_41 = arith.constant 0 : i32
    %dma_start3A_42 = tpu.memref_slice %arg10[%dma_start3A_39, %dma_start3A_41] : memref<2x40xi32, #tpu.memory_space<vmem>> -> memref<1x40xi32, #tpu.memory_space<vmem>>
    %dma_start3A_43 = tpu.memref_squeeze %dma_start3A_42 : memref<1x40xi32, #tpu.memory_space<vmem>> -> memref<40xi32, #tpu.memory_space<vmem>>
    %dma_start3A_44 = tpu.memref_slice %arg3[%add3A_27] : memref<320000xi32, #tpu.memory_space<hbm>> -> memref<40xi32, #tpu.memory_space<hbm>>
    %dma_start3A_45 = tpu.memref_slice %arg17[%dma_start3A_40] : memref<2x!tpu.dma_semaphore, #tpu.memory_space<semaphore_mem>> -> memref<1x!tpu.dma_semaphore, #tpu.memory_space<semaphore_mem>>
    %dma_start3A_46 = tpu.memref_squeeze %dma_start3A_45 : memref<1x!tpu.dma_semaphore, #tpu.memory_space<semaphore_mem>> -> memref<!tpu.dma_semaphore, #tpu.memory_space<semaphore_mem>>
    %dma_start3A_47 = arith.constant 0 : i32
    %dma_start3A_48 = tpu.memref_slice %arg10[%dma_start3A_39, %dma_start3A_47] : memref<2x40xi32, #tpu.memory_space<vmem>> -> memref<1x40xi32, #tpu.memory_space<vmem>>
    %dma_start3A_49 = tpu.memref_squeeze %dma_start3A_48 : memref<1x40xi32, #tpu.memory_space<vmem>> -> memref<40xi32, #tpu.memory_space<vmem>>
    %dma_start3A_50 = tpu.memref_slice %arg3[%add3A_27] : memref<320000xi32, #tpu.memory_space<hbm>> -> memref<40xi32, #tpu.memory_space<hbm>>
    tpu.enqueue_dma source(%dma_start3A_50 : memref<40xi32, #tpu.memory_space<hbm>>) target(%dma_start3A_49 : memref<40xi32, #tpu.memory_space<vmem>>) target_semaphore(%dma_start3A_46 : memref<!tpu.dma_semaphore, #tpu.memory_space<semaphore_mem>>)
    %dma_start3A_51 = arith.constant 0 : i32
    %dma_start3A_52 = arith.constant 0 : i32
    %dma_start3A_53 = arith.constant 0 : i32
    %dma_start3A_54 = tpu.memref_slice %arg11[%dma_start3A_51, %dma_start3A_53] : memref<2x40xi32, #tpu.memory_space<vmem>> -> memref<1x40xi32, #tpu.memory_space<vmem>>
    %dma_start3A_55 = tpu.memref_squeeze %dma_start3A_54 : memref<1x40xi32, #tpu.memory_space<vmem>> -> memref<40xi32, #tpu.memory_space<vmem>>
    %dma_start3A_56 = tpu.memref_slice %arg4[%add3A_27] : memref<320000xi32, #tpu.memory_space<hbm>> -> memref<40xi32, #tpu.memory_space<hbm>>
    %dma_start3A_57 = tpu.memref_slice %arg17[%dma_start3A_52] : memref<2x!tpu.dma_semaphore, #tpu.memory_space<semaphore_mem>> -> memref<1x!tpu.dma_semaphore, #tpu.memory_space<semaphore_mem>>
    %dma_start3A_58 = tpu.memref_squeeze %dma_start3A_57 : memref<1x!tpu.dma_semaphore, #tpu.memory_space<semaphore_mem>> -> memref<!tpu.dma_semaphore, #tpu.memory_space<semaphore_mem>>
    %dma_start3A_59 = arith.constant 0 : i32
    %dma_start3A_60 = tpu.memref_slice %arg11[%dma_start3A_51, %dma_start3A_59] : memref<2x40xi32, #tpu.memory_space<vmem>> -> memref<1x40xi32, #tpu.memory_space<vmem>>
    %dma_start3A_61 = tpu.memref_squeeze %dma_start3A_60 : memref<1x40xi32, #tpu.memory_space<vmem>> -> memref<40xi32, #tpu.memory_space<vmem>>
    %dma_start3A_62 = tpu.memref_slice %arg4[%add3A_27] : memref<320000xi32, #tpu.memory_space<hbm>> -> memref<40xi32, #tpu.memory_space<hbm>>
    tpu.enqueue_dma source(%dma_start3A_62 : memref<40xi32, #tpu.memory_space<hbm>>) target(%dma_start3A_61 : memref<40xi32, #tpu.memory_space<vmem>>) target_semaphore(%dma_start3A_58 : memref<!tpu.dma_semaphore, #tpu.memory_space<semaphore_mem>>)
    %add3A_63 = arith.constant 40 : i32
    %add3A_64 = arith.addi %mul3A_25, %add3A_63 : i32
    %dma_start3A_65 = arith.constant 1 : i32
    %dma_start3A_66 = arith.constant 1 : i32
    %dma_start3A_67 = arith.constant 0 : i32
    %dma_start3A_68 = tpu.memref_slice %arg9[%dma_start3A_65, %dma_start3A_67] : memref<2x40xi32, #tpu.memory_space<vmem>> -> memref<1x40xi32, #tpu.memory_space<vmem>>
    %dma_start3A_69 = tpu.memref_squeeze %dma_start3A_68 : memref<1x40xi32, #tpu.memory_space<vmem>> -> memref<40xi32, #tpu.memory_space<vmem>>
    %dma_start3A_70 = tpu.memref_slice %arg2[%add3A_64] : memref<320000xi32, #tpu.memory_space<hbm>> -> memref<40xi32, #tpu.memory_space<hbm>>
    %dma_start3A_71 = tpu.memref_slice %arg17[%dma_start3A_66] : memref<2x!tpu.dma_semaphore, #tpu.memory_space<semaphore_mem>> -> memref<1x!tpu.dma_semaphore, #tpu.memory_space<semaphore_mem>>
    %dma_start3A_72 = tpu.memref_squeeze %dma_start3A_71 : memref<1x!tpu.dma_semaphore, #tpu.memory_space<semaphore_mem>> -> memref<!tpu.dma_semaphore, #tpu.memory_space<semaphore_mem>>
    %dma_start3A_73 = arith.constant 0 : i32
    %dma_start3A_74 = tpu.memref_slice %arg9[%dma_start3A_65, %dma_start3A_73] : memref<2x40xi32, #tpu.memory_space<vmem>> -> memref<1x40xi32, #tpu.memory_space<vmem>>
    %dma_start3A_75 = tpu.memref_squeeze %dma_start3A_74 : memref<1x40xi32, #tpu.memory_space<vmem>> -> memref<40xi32, #tpu.memory_space<vmem>>
    %dma_start3A_76 = tpu.memref_slice %arg2[%add3A_64] : memref<320000xi32, #tpu.memory_space<hbm>> -> memref<40xi32, #tpu.memory_space<hbm>>
    tpu.enqueue_dma source(%dma_start3A_76 : memref<40xi32, #tpu.memory_space<hbm>>) target(%dma_start3A_75 : memref<40xi32, #tpu.memory_space<vmem>>) target_semaphore(%dma_start3A_72 : memref<!tpu.dma_semaphore, #tpu.memory_space<semaphore_mem>>)
    %dma_start3A_77 = arith.constant 1 : i32
    %dma_start3A_78 = arith.constant 1 : i32
    %dma_start3A_79 = arith.constant 0 : i32
    %dma_start3A_80 = tpu.memref_slice %arg10[%dma_start3A_77, %dma_start3A_79] : memref<2x40xi32, #tpu.memory_space<vmem>> -> memref<1x40xi32, #tpu.memory_space<vmem>>
    %dma_start3A_81 = tpu.memref_squeeze %dma_start3A_80 : memref<1x40xi32, #tpu.memory_space<vmem>> -> memref<40xi32, #tpu.memory_space<vmem>>
    %dma_start3A_82 = tpu.memref_slice %arg3[%add3A_64] : memref<320000xi32, #tpu.memory_space<hbm>> -> memref<40xi32, #tpu.memory_space<hbm>>
    %dma_start3A_83 = tpu.memref_slice %arg17[%dma_start3A_78] : memref<2x!tpu.dma_semaphore, #tpu.memory_space<semaphore_mem>> -> memref<1x!tpu.dma_semaphore, #tpu.memory_space<semaphore_mem>>
    %dma_start3A_84 = tpu.memref_squeeze %dma_start3A_83 : memref<1x!tpu.dma_semaphore, #tpu.memory_space<semaphore_mem>> -> memref<!tpu.dma_semaphore, #tpu.memory_space<semaphore_mem>>
    %dma_start3A_85 = arith.constant 0 : i32
    %dma_start3A_86 = tpu.memref_slice %arg10[%dma_start3A_77, %dma_start3A_85] : memref<2x40xi32, #tpu.memory_space<vmem>> -> memref<1x40xi32, #tpu.memory_space<vmem>>
    %dma_start3A_87 = tpu.memref_squeeze %dma_start3A_86 : memref<1x40xi32, #tpu.memory_space<vmem>> -> memref<40xi32, #tpu.memory_space<vmem>>
    %dma_start3A_88 = tpu.memref_slice %arg3[%add3A_64] : memref<320000xi32, #tpu.memory_space<hbm>> -> memref<40xi32, #tpu.memory_space<hbm>>
    tpu.enqueue_dma source(%dma_start3A_88 : memref<40xi32, #tpu.memory_space<hbm>>) target(%dma_start3A_87 : memref<40xi32, #tpu.memory_space<vmem>>) target_semaphore(%dma_start3A_84 : memref<!tpu.dma_semaphore, #tpu.memory_space<semaphore_mem>>)
    %dma_start3A_89 = arith.constant 1 : i32
    %dma_start3A_90 = arith.constant 1 : i32
    %dma_start3A_91 = arith.constant 0 : i32
    %dma_start3A_92 = tpu.memref_slice %arg11[%dma_start3A_89, %dma_start3A_91] : memref<2x40xi32, #tpu.memory_space<vmem>> -> memref<1x40xi32, #tpu.memory_space<vmem>>
    %dma_start3A_93 = tpu.memref_squeeze %dma_start3A_92 : memref<1x40xi32, #tpu.memory_space<vmem>> -> memref<40xi32, #tpu.memory_space<vmem>>
    %dma_start3A_94 = tpu.memref_slice %arg4[%add3A_64] : memref<320000xi32, #tpu.memory_space<hbm>> -> memref<40xi32, #tpu.memory_space<hbm>>
    %dma_start3A_95 = tpu.memref_slice %arg17[%dma_start3A_90] : memref<2x!tpu.dma_semaphore, #tpu.memory_space<semaphore_mem>> -> memref<1x!tpu.dma_semaphore, #tpu.memory_space<semaphore_mem>>
    %dma_start3A_96 = tpu.memref_squeeze %dma_start3A_95 : memref<1x!tpu.dma_semaphore, #tpu.memory_space<semaphore_mem>> -> memref<!tpu.dma_semaphore, #tpu.memory_space<semaphore_mem>>
    %dma_start3A_97 = arith.constant 0 : i32
    %dma_start3A_98 = tpu.memref_slice %arg11[%dma_start3A_89, %dma_start3A_97] : memref<2x40xi32, #tpu.memory_space<vmem>> -> memref<1x40xi32, #tpu.memory_space<vmem>>
    %dma_start3A_99 = tpu.memref_squeeze %dma_start3A_98 : memref<1x40xi32, #tpu.memory_space<vmem>> -> memref<40xi32, #tpu.memory_space<vmem>>
    %dma_start3A_100 = tpu.memref_slice %arg4[%add3A_64] : memref<320000xi32, #tpu.memory_space<hbm>> -> memref<40xi32, #tpu.memory_space<hbm>>
    tpu.enqueue_dma source(%dma_start3A_100 : memref<40xi32, #tpu.memory_space<hbm>>) target(%dma_start3A_99 : memref<40xi32, #tpu.memory_space<vmem>>) target_semaphore(%dma_start3A_96 : memref<!tpu.dma_semaphore, #tpu.memory_space<semaphore_mem>>)
    %dma_wait3A = arith.constant 0 : i32
    %dma_wait3A_101 = arith.constant 0 : i32
    %dma_wait3A_102 = arith.constant 0 : i32
    %dma_wait3A_103 = tpu.memref_slice %arg9[%dma_wait3A, %dma_wait3A_102] : memref<2x40xi32, #tpu.memory_space<vmem>> -> memref<1x40xi32, #tpu.memory_space<vmem>>
    %dma_wait3A_104 = tpu.memref_squeeze %dma_wait3A_103 : memref<1x40xi32, #tpu.memory_space<vmem>> -> memref<40xi32, #tpu.memory_space<vmem>>
    %dma_wait3A_105 = tpu.memref_slice %arg2[%mul3A_25] : memref<320000xi32, #tpu.memory_space<hbm>> -> memref<40xi32, #tpu.memory_space<hbm>>
    %dma_wait3A_106 = tpu.memref_slice %arg17[%dma_wait3A_101] : memref<2x!tpu.dma_semaphore, #tpu.memory_space<semaphore_mem>> -> memref<1x!tpu.dma_semaphore, #tpu.memory_space<semaphore_mem>>
    %dma_wait3A_107 = tpu.memref_squeeze %dma_wait3A_106 : memref<1x!tpu.dma_semaphore, #tpu.memory_space<semaphore_mem>> -> memref<!tpu.dma_semaphore, #tpu.memory_space<semaphore_mem>>
    %dma_wait3A_108 = arith.constant 0 : i32
    %dma_wait3A_109 = tpu.memref_slice %arg9[%dma_wait3A, %dma_wait3A_108] : memref<2x40xi32, #tpu.memory_space<vmem>> -> memref<1x40xi32, #tpu.memory_space<vmem>>
    %dma_wait3A_110 = tpu.memref_squeeze %dma_wait3A_109 : memref<1x40xi32, #tpu.memory_space<vmem>> -> memref<40xi32, #tpu.memory_space<vmem>>
    %dma_wait3A_111 = tpu.memref_slice %arg2[%mul3A_25] : memref<320000xi32, #tpu.memory_space<hbm>> -> memref<40xi32, #tpu.memory_space<hbm>>
    tpu.wait_dma2 semaphore(%dma_wait3A_107 : memref<!tpu.dma_semaphore, #tpu.memory_space<semaphore_mem>>) src(%dma_wait3A_111 : memref<40xi32, #tpu.memory_space<hbm>>) dst(%dma_wait3A_110 : memref<40xi32, #tpu.memory_space<vmem>>)
    %dma_wait3A_112 = arith.constant 0 : i32
    %dma_wait3A_113 = arith.constant 0 : i32
    %dma_wait3A_114 = arith.constant 0 : i32
    %dma_wait3A_115 = tpu.memref_slice %arg10[%dma_wait3A_112, %dma_wait3A_114] : memref<2x40xi32, #tpu.memory_space<vmem>> -> memref<1x40xi32, #tpu.memory_space<vmem>>
    %dma_wait3A_116 = tpu.memref_squeeze %dma_wait3A_115 : memref<1x40xi32, #tpu.memory_space<vmem>> -> memref<40xi32, #tpu.memory_space<vmem>>
    %dma_wait3A_117 = tpu.memref_slice %arg2[%mul3A_25] : memref<320000xi32, #tpu.memory_space<hbm>> -> memref<40xi32, #tpu.memory_space<hbm>>
    %dma_wait3A_118 = tpu.memref_slice %arg17[%dma_wait3A_113] : memref<2x!tpu.dma_semaphore, #tpu.memory_space<semaphore_mem>> -> memref<1x!tpu.dma_semaphore, #tpu.memory_space<semaphore_mem>>
    %dma_wait3A_119 = tpu.memref_squeeze %dma_wait3A_118 : memref<1x!tpu.dma_semaphore, #tpu.memory_space<semaphore_mem>> -> memref<!tpu.dma_semaphore, #tpu.memory_space<semaphore_mem>>
    %dma_wait3A_120 = arith.constant 0 : i32
    %dma_wait3A_121 = tpu.memref_slice %arg10[%dma_wait3A_112, %dma_wait3A_120] : memref<2x40xi32, #tpu.memory_space<vmem>> -> memref<1x40xi32, #tpu.memory_space<vmem>>
    %dma_wait3A_122 = tpu.memref_squeeze %dma_wait3A_121 : memref<1x40xi32, #tpu.memory_space<vmem>> -> memref<40xi32, #tpu.memory_space<vmem>>
    %dma_wait3A_123 = tpu.memref_slice %arg2[%mul3A_25] : memref<320000xi32, #tpu.memory_space<hbm>> -> memref<40xi32, #tpu.memory_space<hbm>>
    tpu.wait_dma2 semaphore(%dma_wait3A_119 : memref<!tpu.dma_semaphore, #tpu.memory_space<semaphore_mem>>) src(%dma_wait3A_123 : memref<40xi32, #tpu.memory_space<hbm>>) dst(%dma_wait3A_122 : memref<40xi32, #tpu.memory_space<vmem>>)
    %dma_wait3A_124 = arith.constant 0 : i32
    %dma_wait3A_125 = arith.constant 0 : i32
    %dma_wait3A_126 = arith.constant 0 : i32
    %dma_wait3A_127 = tpu.memref_slice %arg11[%dma_wait3A_124, %dma_wait3A_126] : memref<2x40xi32, #tpu.memory_space<vmem>> -> memref<1x40xi32, #tpu.memory_space<vmem>>
    %dma_wait3A_128 = tpu.memref_squeeze %dma_wait3A_127 : memref<1x40xi32, #tpu.memory_space<vmem>> -> memref<40xi32, #tpu.memory_space<vmem>>
    %dma_wait3A_129 = tpu.memref_slice %arg2[%mul3A_25] : memref<320000xi32, #tpu.memory_space<hbm>> -> memref<40xi32, #tpu.memory_space<hbm>>
    %dma_wait3A_130 = tpu.memref_slice %arg17[%dma_wait3A_125] : memref<2x!tpu.dma_semaphore, #tpu.memory_space<semaphore_mem>> -> memref<1x!tpu.dma_semaphore, #tpu.memory_space<semaphore_mem>>
    %dma_wait3A_131 = tpu.memref_squeeze %dma_wait3A_130 : memref<1x!tpu.dma_semaphore, #tpu.memory_space<semaphore_mem>> -> memref<!tpu.dma_semaphore, #tpu.memory_space<semaphore_mem>>
    %dma_wait3A_132 = arith.constant 0 : i32
    %dma_wait3A_133 = tpu.memref_slice %arg11[%dma_wait3A_124, %dma_wait3A_132] : memref<2x40xi32, #tpu.memory_space<vmem>> -> memref<1x40xi32, #tpu.memory_space<vmem>>
    %dma_wait3A_134 = tpu.memref_squeeze %dma_wait3A_133 : memref<1x40xi32, #tpu.memory_space<vmem>> -> memref<40xi32, #tpu.memory_space<vmem>>
    %dma_wait3A_135 = tpu.memref_slice %arg2[%mul3A_25] : memref<320000xi32, #tpu.memory_space<hbm>> -> memref<40xi32, #tpu.memory_space<hbm>>
    tpu.wait_dma2 semaphore(%dma_wait3A_131 : memref<!tpu.dma_semaphore, #tpu.memory_space<semaphore_mem>>) src(%dma_wait3A_135 : memref<40xi32, #tpu.memory_space<hbm>>) dst(%dma_wait3A_134 : memref<40xi32, #tpu.memory_space<vmem>>)
    %dma_start3A_136 = arith.constant 0 : i32
    %dma_start3A_137 = arith.constant 0 : i32
    %dma_start3A_138 = arith.constant 0 : i32
    %dma_start3A_139 = arith.constant 0 : i32
    %dma_start3A_140 = arith.constant 0 : i32
    %dma_start3A_141 = tpu.memref_slice %arg13[%dma_start3A_137, %dma_start3A_139, %dma_start3A_140] : memref<2x40x128xf32, #tpu.memory_space<vmem>> -> memref<1x40x128xf32, #tpu.memory_space<vmem>>
    %dma_start3A_142 = tpu.memref_squeeze %dma_start3A_141 : memref<1x40x128xf32, #tpu.memory_space<vmem>> -> memref<40x128xf32, #tpu.memory_space<vmem>>
    %dma_start3A_143 = arith.constant 0 : i32
    %dma_start3A_144 = tpu.memref_slice %arg9[%dma_start3A_136, %dma_start3A_143] : memref<2x40xi32, #tpu.memory_space<vmem>> -> memref<1x40xi32, #tpu.memory_space<vmem>>
    %dma_start3A_145 = tpu.memref_squeeze %dma_start3A_144 : memref<1x40xi32, #tpu.memory_space<vmem>> -> memref<40xi32, #tpu.memory_space<vmem>>
    %dma_start3A_146 = arith.constant 0 : i32
    %dma_start3A_147 = arith.constant 0 : i32
    %dma_start3A_148 = tpu.memref_slice %arg5[%dma_start3A_146, %dma_start3A_147] : memref<10000x128xf32, #tpu.memory_space<hbm>> -> memref<10000x128xf32, #tpu.memory_space<hbm>>
    %dma_start3A_149 = tpu.memref_slice %arg18[%dma_start3A_138] : memref<2x!tpu.dma_semaphore, #tpu.memory_space<semaphore_mem>> -> memref<1x!tpu.dma_semaphore, #tpu.memory_space<semaphore_mem>>
    %dma_start3A_150 = tpu.memref_squeeze %dma_start3A_149 : memref<1x!tpu.dma_semaphore, #tpu.memory_space<semaphore_mem>> -> memref<!tpu.dma_semaphore, #tpu.memory_space<semaphore_mem>>
    tpu.enqueue_indirect_dma source(%dma_start3A_148 : memref<10000x128xf32, #tpu.memory_space<hbm>>) target(%dma_start3A_142 : memref<40x128xf32, #tpu.memory_space<vmem>>) offsets(%dma_start3A_145 : memref<40xi32, #tpu.memory_space<vmem>>) semaphore(%dma_start3A_150 : memref<!tpu.dma_semaphore, #tpu.memory_space<semaphore_mem>>)
    %dma_start3A_151 = arith.constant 0 : i32
    %dma_start3A_152 = arith.constant 0 : i32
    %dma_start3A_153 = arith.constant 0 : i32
    %dma_start3A_154 = arith.constant 0 : i32
    %dma_start3A_155 = arith.constant 0 : i32
    %dma_start3A_156 = tpu.memref_slice %arg14[%dma_start3A_152, %dma_start3A_154, %dma_start3A_155] : memref<2x40x128xf32, #tpu.memory_space<vmem>> -> memref<1x40x128xf32, #tpu.memory_space<vmem>>
    %dma_start3A_157 = tpu.memref_squeeze %dma_start3A_156 : memref<1x40x128xf32, #tpu.memory_space<vmem>> -> memref<40x128xf32, #tpu.memory_space<vmem>>
    %dma_start3A_158 = arith.constant 0 : i32
    %dma_start3A_159 = tpu.memref_slice %arg10[%dma_start3A_151, %dma_start3A_158] : memref<2x40xi32, #tpu.memory_space<vmem>> -> memref<1x40xi32, #tpu.memory_space<vmem>>
    %dma_start3A_160 = tpu.memref_squeeze %dma_start3A_159 : memref<1x40xi32, #tpu.memory_space<vmem>> -> memref<40xi32, #tpu.memory_space<vmem>>
    %dma_start3A_161 = arith.constant 0 : i32
    %dma_start3A_162 = arith.constant 0 : i32
    %dma_start3A_163 = tpu.memref_slice %arg6[%dma_start3A_161, %dma_start3A_162] : memref<50000x128xf32, #tpu.memory_space<hbm>> -> memref<50000x128xf32, #tpu.memory_space<hbm>>
    %dma_start3A_164 = tpu.memref_slice %arg18[%dma_start3A_153] : memref<2x!tpu.dma_semaphore, #tpu.memory_space<semaphore_mem>> -> memref<1x!tpu.dma_semaphore, #tpu.memory_space<semaphore_mem>>
    %dma_start3A_165 = tpu.memref_squeeze %dma_start3A_164 : memref<1x!tpu.dma_semaphore, #tpu.memory_space<semaphore_mem>> -> memref<!tpu.dma_semaphore, #tpu.memory_space<semaphore_mem>>
    tpu.enqueue_indirect_dma source(%dma_start3A_163 : memref<50000x128xf32, #tpu.memory_space<hbm>>) target(%dma_start3A_157 : memref<40x128xf32, #tpu.memory_space<vmem>>) offsets(%dma_start3A_160 : memref<40xi32, #tpu.memory_space<vmem>>) semaphore(%dma_start3A_165 : memref<!tpu.dma_semaphore, #tpu.memory_space<semaphore_mem>>)
    %scan3A_166 = arith.constant 0 : i32
    %scan3A_167 = arith.constant 125 : i32
    %scan3A_168 = arith.addi %scan3A_166, %scan3A_167 : i32
    %scan3A_169 = arith.constant 1 : i32
    scf.for %scan3A_241 = %scan3A_166 to %scan3A_168 step %scan3A_169  : i32 {
      %mul3A_242 = arith.constant 1 : i32
      %mul3A_243 = arith.muli %scan3A_241, %mul3A_242 : i32
      %add3A_244 = arith.constant 0 : i32
      %add3A_245 = arith.addi %add3A_244, %mul3A_243 : i32
      %mul3A_246 = arith.constant 2 : i32
      %mul3A_247 = arith.muli %mul3A_246, %add3A_245 : i32
      %add3A_248 = arith.constant 0 : i32
      %add3A_249 = arith.addi %mul3A_247, %add3A_248 : i32
      %dma_wait3A_250 = arith.constant 1 : i32
      %dma_wait3A_251 = arith.constant 1 : i32
      %dma_wait3A_252 = arith.constant 0 : i32
      %dma_wait3A_253 = tpu.memref_slice %arg9[%dma_wait3A_250, %dma_wait3A_252] : memref<2x40xi32, #tpu.memory_space<vmem>> -> memref<1x40xi32, #tpu.memory_space<vmem>>
      %dma_wait3A_254 = tpu.memref_squeeze %dma_wait3A_253 : memref<1x40xi32, #tpu.memory_space<vmem>> -> memref<40xi32, #tpu.memory_space<vmem>>
      %dma_wait3A_255 = tpu.memref_slice %arg2[%mul3A_25] : memref<320000xi32, #tpu.memory_space<hbm>> -> memref<40xi32, #tpu.memory_space<hbm>>
      %dma_wait3A_256 = tpu.memref_slice %arg17[%dma_wait3A_251] : memref<2x!tpu.dma_semaphore, #tpu.memory_space<semaphore_mem>> -> memref<1x!tpu.dma_semaphore, #tpu.memory_space<semaphore_mem>>
      %dma_wait3A_257 = tpu.memref_squeeze %dma_wait3A_256 : memref<1x!tpu.dma_semaphore, #tpu.memory_space<semaphore_mem>> -> memref<!tpu.dma_semaphore, #tpu.memory_space<semaphore_mem>>
      %dma_wait3A_258 = arith.constant 0 : i32
      %dma_wait3A_259 = tpu.memref_slice %arg9[%dma_wait3A_250, %dma_wait3A_258] : memref<2x40xi32, #tpu.memory_space<vmem>> -> memref<1x40xi32, #tpu.memory_space<vmem>>
      %dma_wait3A_260 = tpu.memref_squeeze %dma_wait3A_259 : memref<1x40xi32, #tpu.memory_space<vmem>> -> memref<40xi32, #tpu.memory_space<vmem>>
      %dma_wait3A_261 = tpu.memref_slice %arg2[%mul3A_25] : memref<320000xi32, #tpu.memory_space<hbm>> -> memref<40xi32, #tpu.memory_space<hbm>>
      tpu.wait_dma2 semaphore(%dma_wait3A_257 : memref<!tpu.dma_semaphore, #tpu.memory_space<semaphore_mem>>) src(%dma_wait3A_261 : memref<40xi32, #tpu.memory_space<hbm>>) dst(%dma_wait3A_260 : memref<40xi32, #tpu.memory_space<vmem>>)
      %dma_wait3A_262 = arith.constant 1 : i32
      %dma_wait3A_263 = arith.constant 1 : i32
      %dma_wait3A_264 = arith.constant 0 : i32
      %dma_wait3A_265 = tpu.memref_slice %arg10[%dma_wait3A_262, %dma_wait3A_264] : memref<2x40xi32, #tpu.memory_space<vmem>> -> memref<1x40xi32, #tpu.memory_space<vmem>>
      %dma_wait3A_266 = tpu.memref_squeeze %dma_wait3A_265 : memref<1x40xi32, #tpu.memory_space<vmem>> -> memref<40xi32, #tpu.memory_space<vmem>>
      %dma_wait3A_267 = tpu.memref_slice %arg2[%mul3A_25] : memref<320000xi32, #tpu.memory_space<hbm>> -> memref<40xi32, #tpu.memory_space<hbm>>
      %dma_wait3A_268 = tpu.memref_slice %arg17[%dma_wait3A_263] : memref<2x!tpu.dma_semaphore, #tpu.memory_space<semaphore_mem>> -> memref<1x!tpu.dma_semaphore, #tpu.memory_space<semaphore_mem>>
      %dma_wait3A_269 = tpu.memref_squeeze %dma_wait3A_268 : memref<1x!tpu.dma_semaphore, #tpu.memory_space<semaphore_mem>> -> memref<!tpu.dma_semaphore, #tpu.memory_space<semaphore_mem>>
      %dma_wait3A_270 = arith.constant 0 : i32
      %dma_wait3A_271 = tpu.memref_slice %arg10[%dma_wait3A_262, %dma_wait3A_270] : memref<2x40xi32, #tpu.memory_space<vmem>> -> memref<1x40xi32, #tpu.memory_space<vmem>>
      %dma_wait3A_272 = tpu.memref_squeeze %dma_wait3A_271 : memref<1x40xi32, #tpu.memory_space<vmem>> -> memref<40xi32, #tpu.memory_space<vmem>>
      %dma_wait3A_273 = tpu.memref_slice %arg2[%mul3A_25] : memref<320000xi32, #tpu.memory_space<hbm>> -> memref<40xi32, #tpu.memory_space<hbm>>
      tpu.wait_dma2 semaphore(%dma_wait3A_269 : memref<!tpu.dma_semaphore, #tpu.memory_space<semaphore_mem>>) src(%dma_wait3A_273 : memref<40xi32, #tpu.memory_space<hbm>>) dst(%dma_wait3A_272 : memref<40xi32, #tpu.memory_space<vmem>>)
      %dma_wait3A_274 = arith.constant 1 : i32
      %dma_wait3A_275 = arith.constant 1 : i32
      %dma_wait3A_276 = arith.constant 0 : i32
      %dma_wait3A_277 = tpu.memref_slice %arg11[%dma_wait3A_274, %dma_wait3A_276] : memref<2x40xi32, #tpu.memory_space<vmem>> -> memref<1x40xi32, #tpu.memory_space<vmem>>
      %dma_wait3A_278 = tpu.memref_squeeze %dma_wait3A_277 : memref<1x40xi32, #tpu.memory_space<vmem>> -> memref<40xi32, #tpu.memory_space<vmem>>
      %dma_wait3A_279 = tpu.memref_slice %arg2[%mul3A_25] : memref<320000xi32, #tpu.memory_space<hbm>> -> memref<40xi32, #tpu.memory_space<hbm>>
      %dma_wait3A_280 = tpu.memref_slice %arg17[%dma_wait3A_275] : memref<2x!tpu.dma_semaphore, #tpu.memory_space<semaphore_mem>> -> memref<1x!tpu.dma_semaphore, #tpu.memory_space<semaphore_mem>>
      %dma_wait3A_281 = tpu.memref_squeeze %dma_wait3A_280 : memref<1x!tpu.dma_semaphore, #tpu.memory_space<semaphore_mem>> -> memref<!tpu.dma_semaphore, #tpu.memory_space<semaphore_mem>>
      %dma_wait3A_282 = arith.constant 0 : i32
      %dma_wait3A_283 = tpu.memref_slice %arg11[%dma_wait3A_274, %dma_wait3A_282] : memref<2x40xi32, #tpu.memory_space<vmem>> -> memref<1x40xi32, #tpu.memory_space<vmem>>
      %dma_wait3A_284 = tpu.memref_squeeze %dma_wait3A_283 : memref<1x40xi32, #tpu.memory_space<vmem>> -> memref<40xi32, #tpu.memory_space<vmem>>
      %dma_wait3A_285 = tpu.memref_slice %arg2[%mul3A_25] : memref<320000xi32, #tpu.memory_space<hbm>> -> memref<40xi32, #tpu.memory_space<hbm>>
      tpu.wait_dma2 semaphore(%dma_wait3A_281 : memref<!tpu.dma_semaphore, #tpu.memory_space<semaphore_mem>>) src(%dma_wait3A_285 : memref<40xi32, #tpu.memory_space<hbm>>) dst(%dma_wait3A_284 : memref<40xi32, #tpu.memory_space<vmem>>)
      %gt3A = arith.constant 0 : i32
      %gt3A_286 = arith.cmpi sgt, %add3A_245, %gt3A : i32
      %convert_element_type3A = arith.extui %gt3A_286 : i1 to i32
      %cond3A = arith.constant 0 : i32
      %cond3A_287 = arith.cmpi ne, %convert_element_type3A, %cond3A : i32
      scf.if %cond3A_287 {
        %dma_wait3A_565 = arith.constant 1 : i32
        %dma_wait3A_566 = arith.constant 1 : i32
        %dma_wait3A_567 = arith.constant 1 : i32
        %dma_wait3A_568 = arith.constant 0 : i32
        %dma_wait3A_569 = arith.constant 0 : i32
        %dma_wait3A_570 = tpu.memref_slice %arg13[%dma_wait3A_565, %dma_wait3A_568, %dma_wait3A_569] : memref<2x40x128xf32, #tpu.memory_space<vmem>> -> memref<1x40x128xf32, #tpu.memory_space<vmem>>
        %dma_wait3A_571 = tpu.memref_squeeze %dma_wait3A_570 : memref<1x40x128xf32, #tpu.memory_space<vmem>> -> memref<40x128xf32, #tpu.memory_space<vmem>>
        %dma_wait3A_572 = arith.constant 0 : i32
        %dma_wait3A_573 = tpu.memref_slice %arg12[%dma_wait3A_566, %dma_wait3A_572] : memref<2x40xi32, #tpu.memory_space<vmem>> -> memref<1x40xi32, #tpu.memory_space<vmem>>
        %dma_wait3A_574 = tpu.memref_squeeze %dma_wait3A_573 : memref<1x40xi32, #tpu.memory_space<vmem>> -> memref<40xi32, #tpu.memory_space<vmem>>
        %dma_wait3A_575 = arith.constant 0 : i32
        %dma_wait3A_576 = arith.constant 0 : i32
        %dma_wait3A_577 = tpu.memref_slice %arg16[%dma_wait3A_575, %dma_wait3A_576] : memref<10000x128xf32, #tpu.memory_space<vmem_shared>> -> memref<10000x128xf32, #tpu.memory_space<vmem_shared>>
        %dma_wait3A_578 = tpu.memref_slice %arg19[%dma_wait3A_567] : memref<2x!tpu.dma_semaphore, #tpu.memory_space<semaphore_mem>> -> memref<1x!tpu.dma_semaphore, #tpu.memory_space<semaphore_mem>>
        %dma_wait3A_579 = tpu.memref_squeeze %dma_wait3A_578 : memref<1x!tpu.dma_semaphore, #tpu.memory_space<semaphore_mem>> -> memref<!tpu.dma_semaphore, #tpu.memory_space<semaphore_mem>>
        tpu.wait_indirect_dma semaphore(%dma_wait3A_579 : memref<!tpu.dma_semaphore, #tpu.memory_space<semaphore_mem>>) src(%dma_wait3A_571 : memref<40x128xf32, #tpu.memory_space<vmem>>) dst(%dma_wait3A_577 : memref<10000x128xf32, #tpu.memory_space<vmem_shared>>)
        %dma_wait3A_580 = arith.constant 1 : i32
        %dma_wait3A_581 = arith.constant 1 : i32
        %dma_wait3A_582 = arith.constant 0 : i32
        %dma_wait3A_583 = arith.constant 0 : i32
        %dma_wait3A_584 = tpu.memref_slice %arg15[%dma_wait3A_580, %dma_wait3A_582, %dma_wait3A_583] : memref<2x40x16xf32, #tpu.memory_space<vmem>> -> memref<1x40x16xf32, #tpu.memory_space<vmem>>
        %dma_wait3A_585 = tpu.memref_squeeze %dma_wait3A_584 : memref<1x40x16xf32, #tpu.memory_space<vmem>> -> memref<40x16xf32, #tpu.memory_space<vmem>>
        %dma_wait3A_586 = arith.constant 0 : i32
        %dma_wait3A_587 = tpu.memref_slice %arg8[%mul3A_25, %dma_wait3A_586] : memref<320000x16xf32, #tpu.memory_space<hbm>> -> memref<40x16xf32, #tpu.memory_space<hbm>>
        %dma_wait3A_588 = tpu.memref_slice %arg20[%dma_wait3A_581] : memref<2x!tpu.dma_semaphore, #tpu.memory_space<semaphore_mem>> -> memref<1x!tpu.dma_semaphore, #tpu.memory_space<semaphore_mem>>
        %dma_wait3A_589 = tpu.memref_squeeze %dma_wait3A_588 : memref<1x!tpu.dma_semaphore, #tpu.memory_space<semaphore_mem>> -> memref<!tpu.dma_semaphore, #tpu.memory_space<semaphore_mem>>
        %dma_wait3A_590 = arith.constant 0 : i32
        %dma_wait3A_591 = tpu.memref_slice %arg8[%mul3A_25, %dma_wait3A_590] : memref<320000x16xf32, #tpu.memory_space<hbm>> -> memref<40x16xf32, #tpu.memory_space<hbm>>
        %dma_wait3A_592 = arith.constant 0 : i32
        %dma_wait3A_593 = arith.constant 0 : i32
        %dma_wait3A_594 = tpu.memref_slice %arg15[%dma_wait3A_580, %dma_wait3A_592, %dma_wait3A_593] : memref<2x40x16xf32, #tpu.memory_space<vmem>> -> memref<1x40x16xf32, #tpu.memory_space<vmem>>
        %dma_wait3A_595 = tpu.memref_squeeze %dma_wait3A_594 : memref<1x40x16xf32, #tpu.memory_space<vmem>> -> memref<40x16xf32, #tpu.memory_space<vmem>>
        tpu.wait_dma2 semaphore(%dma_wait3A_589 : memref<!tpu.dma_semaphore, #tpu.memory_space<semaphore_mem>>) src(%dma_wait3A_595 : memref<40x16xf32, #tpu.memory_space<vmem>>) dst(%dma_wait3A_591 : memref<40x16xf32, #tpu.memory_space<hbm>>)
      } else {
      }
      %dma_start3A_288 = arith.constant 1 : i32
      %dma_start3A_289 = arith.constant 1 : i32
      %dma_start3A_290 = arith.constant 1 : i32
      %dma_start3A_291 = arith.constant 0 : i32
      %dma_start3A_292 = arith.constant 0 : i32
      %dma_start3A_293 = tpu.memref_slice %arg13[%dma_start3A_289, %dma_start3A_291, %dma_start3A_292] : memref<2x40x128xf32, #tpu.memory_space<vmem>> -> memref<1x40x128xf32, #tpu.memory_space<vmem>>
      %dma_start3A_294 = tpu.memref_squeeze %dma_start3A_293 : memref<1x40x128xf32, #tpu.memory_space<vmem>> -> memref<40x128xf32, #tpu.memory_space<vmem>>
      %dma_start3A_295 = arith.constant 0 : i32
      %dma_start3A_296 = tpu.memref_slice %arg9[%dma_start3A_288, %dma_start3A_295] : memref<2x40xi32, #tpu.memory_space<vmem>> -> memref<1x40xi32, #tpu.memory_space<vmem>>
      %dma_start3A_297 = tpu.memref_squeeze %dma_start3A_296 : memref<1x40xi32, #tpu.memory_space<vmem>> -> memref<40xi32, #tpu.memory_space<vmem>>
      %dma_start3A_298 = arith.constant 0 : i32
      %dma_start3A_299 = arith.constant 0 : i32
      %dma_start3A_300 = tpu.memref_slice %arg5[%dma_start3A_298, %dma_start3A_299] : memref<10000x128xf32, #tpu.memory_space<hbm>> -> memref<10000x128xf32, #tpu.memory_space<hbm>>
      %dma_start3A_301 = tpu.memref_slice %arg18[%dma_start3A_290] : memref<2x!tpu.dma_semaphore, #tpu.memory_space<semaphore_mem>> -> memref<1x!tpu.dma_semaphore, #tpu.memory_space<semaphore_mem>>
      %dma_start3A_302 = tpu.memref_squeeze %dma_start3A_301 : memref<1x!tpu.dma_semaphore, #tpu.memory_space<semaphore_mem>> -> memref<!tpu.dma_semaphore, #tpu.memory_space<semaphore_mem>>
      tpu.enqueue_indirect_dma source(%dma_start3A_300 : memref<10000x128xf32, #tpu.memory_space<hbm>>) target(%dma_start3A_294 : memref<40x128xf32, #tpu.memory_space<vmem>>) offsets(%dma_start3A_297 : memref<40xi32, #tpu.memory_space<vmem>>) semaphore(%dma_start3A_302 : memref<!tpu.dma_semaphore, #tpu.memory_space<semaphore_mem>>)
      %dma_start3A_303 = arith.constant 1 : i32
      %dma_start3A_304 = arith.constant 1 : i32
      %dma_start3A_305 = arith.constant 1 : i32
      %dma_start3A_306 = arith.constant 0 : i32
      %dma_start3A_307 = arith.constant 0 : i32
      %dma_start3A_308 = tpu.memref_slice %arg14[%dma_start3A_304, %dma_start3A_306, %dma_start3A_307] : memref<2x40x128xf32, #tpu.memory_space<vmem>> -> memref<1x40x128xf32, #tpu.memory_space<vmem>>
      %dma_start3A_309 = tpu.memref_squeeze %dma_start3A_308 : memref<1x40x128xf32, #tpu.memory_space<vmem>> -> memref<40x128xf32, #tpu.memory_space<vmem>>
      %dma_start3A_310 = arith.constant 0 : i32
      %dma_start3A_311 = tpu.memref_slice %arg10[%dma_start3A_303, %dma_start3A_310] : memref<2x40xi32, #tpu.memory_space<vmem>> -> memref<1x40xi32, #tpu.memory_space<vmem>>
      %dma_start3A_312 = tpu.memref_squeeze %dma_start3A_311 : memref<1x40xi32, #tpu.memory_space<vmem>> -> memref<40xi32, #tpu.memory_space<vmem>>
      %dma_start3A_313 = arith.constant 0 : i32
      %dma_start3A_314 = arith.constant 0 : i32
      %dma_start3A_315 = tpu.memref_slice %arg6[%dma_start3A_313, %dma_start3A_314] : memref<50000x128xf32, #tpu.memory_space<hbm>> -> memref<50000x128xf32, #tpu.memory_space<hbm>>
      %dma_start3A_316 = tpu.memref_slice %arg18[%dma_start3A_305] : memref<2x!tpu.dma_semaphore, #tpu.memory_space<semaphore_mem>> -> memref<1x!tpu.dma_semaphore, #tpu.memory_space<semaphore_mem>>
      %dma_start3A_317 = tpu.memref_squeeze %dma_start3A_316 : memref<1x!tpu.dma_semaphore, #tpu.memory_space<semaphore_mem>> -> memref<!tpu.dma_semaphore, #tpu.memory_space<semaphore_mem>>
      tpu.enqueue_indirect_dma source(%dma_start3A_315 : memref<50000x128xf32, #tpu.memory_space<hbm>>) target(%dma_start3A_309 : memref<40x128xf32, #tpu.memory_space<vmem>>) offsets(%dma_start3A_312 : memref<40xi32, #tpu.memory_space<vmem>>) semaphore(%dma_start3A_317 : memref<!tpu.dma_semaphore, #tpu.memory_space<semaphore_mem>>)
      %dma_wait3A_318 = arith.constant 0 : i32
      %dma_wait3A_319 = arith.constant 0 : i32
      %dma_wait3A_320 = arith.constant 0 : i32
      %dma_wait3A_321 = arith.constant 0 : i32
      %dma_wait3A_322 = arith.constant 0 : i32
      %dma_wait3A_323 = tpu.memref_slice %arg13[%dma_wait3A_319, %dma_wait3A_321, %dma_wait3A_322] : memref<2x40x128xf32, #tpu.memory_space<vmem>> -> memref<1x40x128xf32, #tpu.memory_space<vmem>>
      %dma_wait3A_324 = tpu.memref_squeeze %dma_wait3A_323 : memref<1x40x128xf32, #tpu.memory_space<vmem>> -> memref<40x128xf32, #tpu.memory_space<vmem>>
      %dma_wait3A_325 = arith.constant 0 : i32
      %dma_wait3A_326 = tpu.memref_slice %arg9[%dma_wait3A_318, %dma_wait3A_325] : memref<2x40xi32, #tpu.memory_space<vmem>> -> memref<1x40xi32, #tpu.memory_space<vmem>>
      %dma_wait3A_327 = tpu.memref_squeeze %dma_wait3A_326 : memref<1x40xi32, #tpu.memory_space<vmem>> -> memref<40xi32, #tpu.memory_space<vmem>>
      %dma_wait3A_328 = arith.constant 0 : i32
      %dma_wait3A_329 = arith.constant 0 : i32
      %dma_wait3A_330 = tpu.memref_slice %arg5[%dma_wait3A_328, %dma_wait3A_329] : memref<10000x128xf32, #tpu.memory_space<hbm>> -> memref<10000x128xf32, #tpu.memory_space<hbm>>
      %dma_wait3A_331 = tpu.memref_slice %arg18[%dma_wait3A_320] : memref<2x!tpu.dma_semaphore, #tpu.memory_space<semaphore_mem>> -> memref<1x!tpu.dma_semaphore, #tpu.memory_space<semaphore_mem>>
      %dma_wait3A_332 = tpu.memref_squeeze %dma_wait3A_331 : memref<1x!tpu.dma_semaphore, #tpu.memory_space<semaphore_mem>> -> memref<!tpu.dma_semaphore, #tpu.memory_space<semaphore_mem>>
      tpu.wait_indirect_dma semaphore(%dma_wait3A_332 : memref<!tpu.dma_semaphore, #tpu.memory_space<semaphore_mem>>) src(%dma_wait3A_330 : memref<10000x128xf32, #tpu.memory_space<hbm>>) dst(%dma_wait3A_324 : memref<40x128xf32, #tpu.memory_space<vmem>>)
      %dma_wait3A_333 = arith.constant 0 : i32
      %dma_wait3A_334 = arith.constant 0 : i32
      %dma_wait3A_335 = arith.constant 0 : i32
      %dma_wait3A_336 = arith.constant 0 : i32
      %dma_wait3A_337 = arith.constant 0 : i32
      %dma_wait3A_338 = tpu.memref_slice %arg14[%dma_wait3A_334, %dma_wait3A_336, %dma_wait3A_337] : memref<2x40x128xf32, #tpu.memory_space<vmem>> -> memref<1x40x128xf32, #tpu.memory_space<vmem>>
      %dma_wait3A_339 = tpu.memref_squeeze %dma_wait3A_338 : memref<1x40x128xf32, #tpu.memory_space<vmem>> -> memref<40x128xf32, #tpu.memory_space<vmem>>
      %dma_wait3A_340 = arith.constant 0 : i32
      %dma_wait3A_341 = tpu.memref_slice %arg10[%dma_wait3A_333, %dma_wait3A_340] : memref<2x40xi32, #tpu.memory_space<vmem>> -> memref<1x40xi32, #tpu.memory_space<vmem>>
      %dma_wait3A_342 = tpu.memref_squeeze %dma_wait3A_341 : memref<1x40xi32, #tpu.memory_space<vmem>> -> memref<40xi32, #tpu.memory_space<vmem>>
      %dma_wait3A_343 = arith.constant 0 : i32
      %dma_wait3A_344 = arith.constant 0 : i32
      %dma_wait3A_345 = tpu.memref_slice %arg6[%dma_wait3A_343, %dma_wait3A_344] : memref<50000x128xf32, #tpu.memory_space<hbm>> -> memref<50000x128xf32, #tpu.memory_space<hbm>>
      %dma_wait3A_346 = tpu.memref_slice %arg18[%dma_wait3A_335] : memref<2x!tpu.dma_semaphore, #tpu.memory_space<semaphore_mem>> -> memref<1x!tpu.dma_semaphore, #tpu.memory_space<semaphore_mem>>
      %dma_wait3A_347 = tpu.memref_squeeze %dma_wait3A_346 : memref<1x!tpu.dma_semaphore, #tpu.memory_space<semaphore_mem>> -> memref<!tpu.dma_semaphore, #tpu.memory_space<semaphore_mem>>
      tpu.wait_indirect_dma semaphore(%dma_wait3A_347 : memref<!tpu.dma_semaphore, #tpu.memory_space<semaphore_mem>>) src(%dma_wait3A_345 : memref<50000x128xf32, #tpu.memory_space<hbm>>) dst(%dma_wait3A_339 : memref<40x128xf32, #tpu.memory_space<vmem>>)
      %get3A = arith.constant 0 : i32
      %get3A_348 = arith.index_cast %get3A : i32 to index
      %get3A_349 = arith.constant 0 : index
      %get3A_350 = tpu.vector_load %arg11[%get3A_348, %get3A_349] {strides = array<i32>} : memref<2x40xi32, #tpu.memory_space<vmem>>, vector<16xi32>,
      %swap3A = arith.constant 0 : i32
      %swap3A_351 = arith.index_cast %swap3A : i32 to index
      %swap3A_352 = arith.constant 0 : index
      %swap3A_353 = tpu.vector_load %arg12[%swap3A_351, %swap3A_352] {strides = array<i32>} : memref<2x40xi32, #tpu.memory_space<vmem>>, vector<16xi32>,
      tpu.vector_store %arg12[%swap3A_351, %swap3A_352], %get3A_350 {strides = array<i32>} : memref<2x40xi32, #tpu.memory_space<vmem>>, vector<16xi32>,
      %get3A_354 = arith.constant 0 : i32
      %get3A_355 = arith.index_cast %get3A_354 : i32 to index
      %get3A_356 = arith.constant 16 : index
      %get3A_357 = tpu.vector_load %arg11[%get3A_355, %get3A_356] {strides = array<i32>} : memref<2x40xi32, #tpu.memory_space<vmem>>, vector<16xi32>,
      %swap3A_358 = arith.constant 0 : i32
      %swap3A_359 = arith.index_cast %swap3A_358 : i32 to index
      %swap3A_360 = arith.constant 16 : index
      %swap3A_361 = tpu.vector_load %arg12[%swap3A_359, %swap3A_360] {strides = array<i32>} : memref<2x40xi32, #tpu.memory_space<vmem>>, vector<16xi32>,
      tpu.vector_store %arg12[%swap3A_359, %swap3A_360], %get3A_357 {strides = array<i32>} : memref<2x40xi32, #tpu.memory_space<vmem>>, vector<16xi32>,
      %get3A_362 = arith.constant 0 : i32
      %get3A_363 = arith.index_cast %get3A_362 : i32 to index
      %get3A_364 = arith.constant 24 : index
      %get3A_365 = tpu.vector_load %arg11[%get3A_363, %get3A_364] {strides = array<i32>} : memref<2x40xi32, #tpu.memory_space<vmem>>, vector<16xi32>,
      %swap3A_366 = arith.constant 0 : i32
      %swap3A_367 = arith.index_cast %swap3A_366 : i32 to index
      %swap3A_368 = arith.constant 24 : index
      %swap3A_369 = tpu.vector_load %arg12[%swap3A_367, %swap3A_368] {strides = array<i32>} : memref<2x40xi32, #tpu.memory_space<vmem>>, vector<16xi32>,
      tpu.vector_store %arg12[%swap3A_367, %swap3A_368], %get3A_365 {strides = array<i32>} : memref<2x40xi32, #tpu.memory_space<vmem>>, vector<16xi32>,
      %scan3A_370 = arith.constant 0 : i32
      %scan3A_371 = arith.constant 40 : i32
      %scan3A_372 = arith.addi %scan3A_370, %scan3A_371 : i32
      %scan3A_373 = arith.constant 1 : i32
      scf.for %scan3A_565 = %scan3A_370 to %scan3A_372 step %scan3A_373  : i32 {
        %mul3A_566 = arith.constant 1 : i32
        %mul3A_567 = arith.muli %scan3A_565, %mul3A_566 : i32
        %add3A_568 = arith.constant 0 : i32
        %add3A_569 = arith.addi %add3A_568, %mul3A_567 : i32
        %get3A_570 = arith.constant 0 : i32
        %get3A_571 = arith.index_cast %get3A_570 : i32 to index
        %get3A_572 = arith.index_cast %add3A_569 : i32 to index
        %get3A_573 = arith.constant 0 : index
        %get3A_574 = tpu.vector_load %arg14[%get3A_571, %get3A_572, %get3A_573] {strides = array<i32>} : memref<2x40x128xf32, #tpu.memory_space<vmem>>, vector<16xf32>,
        %swap3A_575 = arith.constant 0 : i32
        %swap3A_576 = arith.index_cast %swap3A_575 : i32 to index
        %swap3A_577 = arith.index_cast %add3A_569 : i32 to index
        %swap3A_578 = arith.constant 0 : index
        %swap3A_579 = tpu.vector_load %arg15[%swap3A_576, %swap3A_577, %swap3A_578] {strides = array<i32>} : memref<2x40x16xf32, #tpu.memory_space<vmem>>, vector<16xf32>,
        tpu.vector_store %arg15[%swap3A_576, %swap3A_577, %swap3A_578], %get3A_574 {strides = array<i32>} : memref<2x40x16xf32, #tpu.memory_space<vmem>>, vector<16xf32>,
        %slice3A = vector.extract_strided_slice %get3A_574 {offsets = [0], sizes = [1], strides = [1]} : vector<16xf32> to vector<1xf32>
        %squeeze3A = vector.extract %slice3A[0] : f32 from vector<1xf32>
        %broadcast_in_dim3A_580 = vector.broadcast %squeeze3A : f32 to vector<16xf32>
        %get3A_581 = arith.constant 0 : i32
        %get3A_582 = arith.index_cast %get3A_581 : i32 to index
        %get3A_583 = arith.index_cast %add3A_569 : i32 to index
        %get3A_584 = arith.constant 0 : index
        %get3A_585 = tpu.vector_load %arg13[%get3A_582, %get3A_583, %get3A_584] {strides = array<i32>} : memref<2x40x128xf32, #tpu.memory_space<vmem>>, vector<16xf32>,
        %mul3A_586 = arith.mulf %get3A_585, %broadcast_in_dim3A_580 : vector<16xf32>
        %swap3A_587 = arith.constant 0 : i32
        %swap3A_588 = arith.index_cast %swap3A_587 : i32 to index
        %swap3A_589 = arith.index_cast %add3A_569 : i32 to index
        %swap3A_590 = arith.constant 0 : index
        %swap3A_591 = tpu.vector_load %arg13[%swap3A_588, %swap3A_589, %swap3A_590] {strides = array<i32>} : memref<2x40x128xf32, #tpu.memory_space<vmem>>, vector<16xf32>,
        tpu.vector_store %arg13[%swap3A_588, %swap3A_589, %swap3A_590], %mul3A_586 {strides = array<i32>} : memref<2x40x128xf32, #tpu.memory_space<vmem>>, vector<16xf32>,
        %get3A_592 = arith.constant 0 : i32
        %get3A_593 = arith.index_cast %get3A_592 : i32 to index
        %get3A_594 = arith.index_cast %add3A_569 : i32 to index
        %get3A_595 = arith.constant 16 : index
        %get3A_596 = tpu.vector_load %arg13[%get3A_593, %get3A_594, %get3A_595] {strides = array<i32>} : memref<2x40x128xf32, #tpu.memory_space<vmem>>, vector<16xf32>,
        %get3A_597 = arith.constant 0 : i32
        %get3A_598 = arith.index_cast %get3A_597 : i32 to index
        %get3A_599 = arith.index_cast %add3A_569 : i32 to index
        %get3A_600 = arith.constant 16 : index
        %get3A_601 = tpu.vector_load %arg14[%get3A_598, %get3A_599, %get3A_600] {strides = array<i32>} : memref<2x40x128xf32, #tpu.memory_space<vmem>>, vector<16xf32>,
        %mul3A_602 = arith.mulf %get3A_596, %get3A_601 : vector<16xf32>
        %swap3A_603 = arith.constant 0 : i32
        %swap3A_604 = arith.index_cast %swap3A_603 : i32 to index
        %swap3A_605 = arith.index_cast %add3A_569 : i32 to index
        %swap3A_606 = arith.constant 16 : index
        %swap3A_607 = tpu.vector_load %arg13[%swap3A_604, %swap3A_605, %swap3A_606] {strides = array<i32>} : memref<2x40x128xf32, #tpu.memory_space<vmem>>, vector<16xf32>,
        tpu.vector_store %arg13[%swap3A_604, %swap3A_605, %swap3A_606], %mul3A_602 {strides = array<i32>} : memref<2x40x128xf32, #tpu.memory_space<vmem>>, vector<16xf32>,
        %get3A_608 = arith.constant 0 : i32
        %get3A_609 = arith.index_cast %get3A_608 : i32 to index
        %get3A_610 = arith.index_cast %add3A_569 : i32 to index
        %get3A_611 = arith.constant 32 : index
        %get3A_612 = tpu.vector_load %arg13[%get3A_609, %get3A_610, %get3A_611] {strides = array<i32>} : memref<2x40x128xf32, #tpu.memory_space<vmem>>, vector<16xf32>,
        %get3A_613 = arith.constant 0 : i32
        %get3A_614 = arith.index_cast %get3A_613 : i32 to index
        %get3A_615 = arith.index_cast %add3A_569 : i32 to index
        %get3A_616 = arith.constant 32 : index
        %get3A_617 = tpu.vector_load %arg14[%get3A_614, %get3A_615, %get3A_616] {strides = array<i32>} : memref<2x40x128xf32, #tpu.memory_space<vmem>>, vector<16xf32>,
        %mul3A_618 = arith.mulf %get3A_612, %get3A_617 : vector<16xf32>
        %swap3A_619 = arith.constant 0 : i32
        %swap3A_620 = arith.index_cast %swap3A_619 : i32 to index
        %swap3A_621 = arith.index_cast %add3A_569 : i32 to index
        %swap3A_622 = arith.constant 32 : index
        %swap3A_623 = tpu.vector_load %arg13[%swap3A_620, %swap3A_621, %swap3A_622] {strides = array<i32>} : memref<2x40x128xf32, #tpu.memory_space<vmem>>, vector<16xf32>,
        tpu.vector_store %arg13[%swap3A_620, %swap3A_621, %swap3A_622], %mul3A_618 {strides = array<i32>} : memref<2x40x128xf32, #tpu.memory_space<vmem>>, vector<16xf32>,
        %get3A_624 = arith.constant 0 : i32
        %get3A_625 = arith.index_cast %get3A_624 : i32 to index
        %get3A_626 = arith.index_cast %add3A_569 : i32 to index
        %get3A_627 = arith.constant 48 : index
        %get3A_628 = tpu.vector_load %arg13[%get3A_625, %get3A_626, %get3A_627] {strides = array<i32>} : memref<2x40x128xf32, #tpu.memory_space<vmem>>, vector<16xf32>,
        %get3A_629 = arith.constant 0 : i32
        %get3A_630 = arith.index_cast %get3A_629 : i32 to index
        %get3A_631 = arith.index_cast %add3A_569 : i32 to index
        %get3A_632 = arith.constant 48 : index
        %get3A_633 = tpu.vector_load %arg14[%get3A_630, %get3A_631, %get3A_632] {strides = array<i32>} : memref<2x40x128xf32, #tpu.memory_space<vmem>>, vector<16xf32>,
        %mul3A_634 = arith.mulf %get3A_628, %get3A_633 : vector<16xf32>
        %swap3A_635 = arith.constant 0 : i32
        %swap3A_636 = arith.index_cast %swap3A_635 : i32 to index
        %swap3A_637 = arith.index_cast %add3A_569 : i32 to index
        %swap3A_638 = arith.constant 48 : index
        %swap3A_639 = tpu.vector_load %arg13[%swap3A_636, %swap3A_637, %swap3A_638] {strides = array<i32>} : memref<2x40x128xf32, #tpu.memory_space<vmem>>, vector<16xf32>,
        tpu.vector_store %arg13[%swap3A_636, %swap3A_637, %swap3A_638], %mul3A_634 {strides = array<i32>} : memref<2x40x128xf32, #tpu.memory_space<vmem>>, vector<16xf32>,
        %get3A_640 = arith.constant 0 : i32
        %get3A_641 = arith.index_cast %get3A_640 : i32 to index
        %get3A_642 = arith.index_cast %add3A_569 : i32 to index
        %get3A_643 = arith.constant 64 : index
        %get3A_644 = tpu.vector_load %arg13[%get3A_641, %get3A_642, %get3A_643] {strides = array<i32>} : memref<2x40x128xf32, #tpu.memory_space<vmem>>, vector<16xf32>,
        %get3A_645 = arith.constant 0 : i32
        %get3A_646 = arith.index_cast %get3A_645 : i32 to index
        %get3A_647 = arith.index_cast %add3A_569 : i32 to index
        %get3A_648 = arith.constant 64 : index
        %get3A_649 = tpu.vector_load %arg14[%get3A_646, %get3A_647, %get3A_648] {strides = array<i32>} : memref<2x40x128xf32, #tpu.memory_space<vmem>>, vector<16xf32>,
        %mul3A_650 = arith.mulf %get3A_644, %get3A_649 : vector<16xf32>
        %swap3A_651 = arith.constant 0 : i32
        %swap3A_652 = arith.index_cast %swap3A_651 : i32 to index
        %swap3A_653 = arith.index_cast %add3A_569 : i32 to index
        %swap3A_654 = arith.constant 64 : index
        %swap3A_655 = tpu.vector_load %arg13[%swap3A_652, %swap3A_653, %swap3A_654] {strides = array<i32>} : memref<2x40x128xf32, #tpu.memory_space<vmem>>, vector<16xf32>,
        tpu.vector_store %arg13[%swap3A_652, %swap3A_653, %swap3A_654], %mul3A_650 {strides = array<i32>} : memref<2x40x128xf32, #tpu.memory_space<vmem>>, vector<16xf32>,
        %get3A_656 = arith.constant 0 : i32
        %get3A_657 = arith.index_cast %get3A_656 : i32 to index
        %get3A_658 = arith.index_cast %add3A_569 : i32 to index
        %get3A_659 = arith.constant 80 : index
        %get3A_660 = tpu.vector_load %arg13[%get3A_657, %get3A_658, %get3A_659] {strides = array<i32>} : memref<2x40x128xf32, #tpu.memory_space<vmem>>, vector<16xf32>,
        %get3A_661 = arith.constant 0 : i32
        %get3A_662 = arith.index_cast %get3A_661 : i32 to index
        %get3A_663 = arith.index_cast %add3A_569 : i32 to index
        %get3A_664 = arith.constant 80 : index
        %get3A_665 = tpu.vector_load %arg14[%get3A_662, %get3A_663, %get3A_664] {strides = array<i32>} : memref<2x40x128xf32, #tpu.memory_space<vmem>>, vector<16xf32>,
        %mul3A_666 = arith.mulf %get3A_660, %get3A_665 : vector<16xf32>
        %swap3A_667 = arith.constant 0 : i32
        %swap3A_668 = arith.index_cast %swap3A_667 : i32 to index
        %swap3A_669 = arith.index_cast %add3A_569 : i32 to index
        %swap3A_670 = arith.constant 80 : index
        %swap3A_671 = tpu.vector_load %arg13[%swap3A_668, %swap3A_669, %swap3A_670] {strides = array<i32>} : memref<2x40x128xf32, #tpu.memory_space<vmem>>, vector<16xf32>,
        tpu.vector_store %arg13[%swap3A_668, %swap3A_669, %swap3A_670], %mul3A_666 {strides = array<i32>} : memref<2x40x128xf32, #tpu.memory_space<vmem>>, vector<16xf32>,
        %get3A_672 = arith.constant 0 : i32
        %get3A_673 = arith.index_cast %get3A_672 : i32 to index
        %get3A_674 = arith.index_cast %add3A_569 : i32 to index
        %get3A_675 = arith.constant 96 : index
        %get3A_676 = tpu.vector_load %arg13[%get3A_673, %get3A_674, %get3A_675] {strides = array<i32>} : memref<2x40x128xf32, #tpu.memory_space<vmem>>, vector<16xf32>,
        %get3A_677 = arith.constant 0 : i32
        %get3A_678 = arith.index_cast %get3A_677 : i32 to index
        %get3A_679 = arith.index_cast %add3A_569 : i32 to index
        %get3A_680 = arith.constant 96 : index
        %get3A_681 = tpu.vector_load %arg14[%get3A_678, %get3A_679, %get3A_680] {strides = array<i32>} : memref<2x40x128xf32, #tpu.memory_space<vmem>>, vector<16xf32>,
        %mul3A_682 = arith.mulf %get3A_676, %get3A_681 : vector<16xf32>
        %swap3A_683 = arith.constant 0 : i32
        %swap3A_684 = arith.index_cast %swap3A_683 : i32 to index
        %swap3A_685 = arith.index_cast %add3A_569 : i32 to index
        %swap3A_686 = arith.constant 96 : index
        %swap3A_687 = tpu.vector_load %arg13[%swap3A_684, %swap3A_685, %swap3A_686] {strides = array<i32>} : memref<2x40x128xf32, #tpu.memory_space<vmem>>, vector<16xf32>,
        tpu.vector_store %arg13[%swap3A_684, %swap3A_685, %swap3A_686], %mul3A_682 {strides = array<i32>} : memref<2x40x128xf32, #tpu.memory_space<vmem>>, vector<16xf32>,
        %get3A_688 = arith.constant 0 : i32
        %get3A_689 = arith.index_cast %get3A_688 : i32 to index
        %get3A_690 = arith.index_cast %add3A_569 : i32 to index
        %get3A_691 = arith.constant 112 : index
        %get3A_692 = tpu.vector_load %arg13[%get3A_689, %get3A_690, %get3A_691] {strides = array<i32>} : memref<2x40x128xf32, #tpu.memory_space<vmem>>, vector<16xf32>,
        %get3A_693 = arith.constant 0 : i32
        %get3A_694 = arith.index_cast %get3A_693 : i32 to index
        %get3A_695 = arith.index_cast %add3A_569 : i32 to index
        %get3A_696 = arith.constant 112 : index
        %get3A_697 = tpu.vector_load %arg14[%get3A_694, %get3A_695, %get3A_696] {strides = array<i32>} : memref<2x40x128xf32, #tpu.memory_space<vmem>>, vector<16xf32>,
        %mul3A_698 = arith.mulf %get3A_692, %get3A_697 : vector<16xf32>
        %swap3A_699 = arith.constant 0 : i32
        %swap3A_700 = arith.index_cast %swap3A_699 : i32 to index
        %swap3A_701 = arith.index_cast %add3A_569 : i32 to index
        %swap3A_702 = arith.constant 112 : index
        %swap3A_703 = tpu.vector_load %arg13[%swap3A_700, %swap3A_701, %swap3A_702] {strides = array<i32>} : memref<2x40x128xf32, #tpu.memory_space<vmem>>, vector<16xf32>,
        tpu.vector_store %arg13[%swap3A_700, %swap3A_701, %swap3A_702], %mul3A_698 {strides = array<i32>} : memref<2x40x128xf32, #tpu.memory_space<vmem>>, vector<16xf32>,
      }
      %scan3A_374 = arith.constant 40 : i32
      %dma_start3A_375 = arith.constant 0 : i32
      %dma_start3A_376 = arith.constant 0 : i32
      %dma_start3A_377 = arith.constant 0 : i32
      %dma_start3A_378 = arith.constant 0 : i32
      %dma_start3A_379 = arith.constant 0 : i32
      %dma_start3A_380 = tpu.memref_slice %arg13[%dma_start3A_375, %dma_start3A_378, %dma_start3A_379] : memref<2x40x128xf32, #tpu.memory_space<vmem>> -> memref<1x40x128xf32, #tpu.memory_space<vmem>>
      %dma_start3A_381 = tpu.memref_squeeze %dma_start3A_380 : memref<1x40x128xf32, #tpu.memory_space<vmem>> -> memref<40x128xf32, #tpu.memory_space<vmem>>
      %dma_start3A_382 = arith.constant 0 : i32
      %dma_start3A_383 = tpu.memref_slice %arg12[%dma_start3A_376, %dma_start3A_382] : memref<2x40xi32, #tpu.memory_space<vmem>> -> memref<1x40xi32, #tpu.memory_space<vmem>>
      %dma_start3A_384 = tpu.memref_squeeze %dma_start3A_383 : memref<1x40xi32, #tpu.memory_space<vmem>> -> memref<40xi32, #tpu.memory_space<vmem>>
      %dma_start3A_385 = arith.constant 0 : i32
      %dma_start3A_386 = arith.constant 0 : i32
      %dma_start3A_387 = tpu.memref_slice %arg16[%dma_start3A_385, %dma_start3A_386] : memref<10000x128xf32, #tpu.memory_space<vmem_shared>> -> memref<10000x128xf32, #tpu.memory_space<vmem_shared>>
      %dma_start3A_388 = tpu.memref_slice %arg19[%dma_start3A_377] : memref<2x!tpu.dma_semaphore, #tpu.memory_space<semaphore_mem>> -> memref<1x!tpu.dma_semaphore, #tpu.memory_space<semaphore_mem>>
      %dma_start3A_389 = tpu.memref_squeeze %dma_start3A_388 : memref<1x!tpu.dma_semaphore, #tpu.memory_space<semaphore_mem>> -> memref<!tpu.dma_semaphore, #tpu.memory_space<semaphore_mem>>
      tpu.enqueue_indirect_dma source(%dma_start3A_381 : memref<40x128xf32, #tpu.memory_space<vmem>>) target(%dma_start3A_387 : memref<10000x128xf32, #tpu.memory_space<vmem_shared>>) offsets(%dma_start3A_384 : memref<40xi32, #tpu.memory_space<vmem>>) semaphore(%dma_start3A_389 : memref<!tpu.dma_semaphore, #tpu.memory_space<semaphore_mem>>) {add = true}
      %mul3A_390 = arith.constant 40 : i32
      %mul3A_391 = arith.muli %add3A_249, %mul3A_390 : i32
      %add3A_392 = arith.addi %mul3A_25, %mul3A_391 : i32
      %dma_start3A_393 = arith.constant 0 : i32
      %dma_start3A_394 = arith.constant 0 : i32
      %dma_start3A_395 = arith.constant 0 : i32
      %dma_start3A_396 = arith.constant 0 : i32
      %dma_start3A_397 = tpu.memref_slice %arg15[%dma_start3A_393, %dma_start3A_395, %dma_start3A_396] : memref<2x40x16xf32, #tpu.memory_space<vmem>> -> memref<1x40x16xf32, #tpu.memory_space<vmem>>
      %dma_start3A_398 = tpu.memref_squeeze %dma_start3A_397 : memref<1x40x16xf32, #tpu.memory_space<vmem>> -> memref<40x16xf32, #tpu.memory_space<vmem>>
      %dma_start3A_399 = arith.constant 0 : i32
      %dma_start3A_400 = tpu.memref_slice %arg8[%add3A_392, %dma_start3A_399] : memref<320000x16xf32, #tpu.memory_space<hbm>> -> memref<40x16xf32, #tpu.memory_space<hbm>>
      %dma_start3A_401 = tpu.memref_slice %arg20[%dma_start3A_394] : memref<2x!tpu.dma_semaphore, #tpu.memory_space<semaphore_mem>> -> memref<1x!tpu.dma_semaphore, #tpu.memory_space<semaphore_mem>>
      %dma_start3A_402 = tpu.memref_squeeze %dma_start3A_401 : memref<1x!tpu.dma_semaphore, #tpu.memory_space<semaphore_mem>> -> memref<!tpu.dma_semaphore, #tpu.memory_space<semaphore_mem>>
      %dma_start3A_403 = arith.constant 0 : i32
      %dma_start3A_404 = tpu.memref_slice %arg8[%add3A_392, %dma_start3A_403] : memref<320000x16xf32, #tpu.memory_space<hbm>> -> memref<40x16xf32, #tpu.memory_space<hbm>>
      %dma_start3A_405 = arith.constant 0 : i32
      %dma_start3A_406 = arith.constant 0 : i32
      %dma_start3A_407 = tpu.memref_slice %arg15[%dma_start3A_393, %dma_start3A_405, %dma_start3A_406] : memref<2x40x16xf32, #tpu.memory_space<vmem>> -> memref<1x40x16xf32, #tpu.memory_space<vmem>>
      %dma_start3A_408 = tpu.memref_squeeze %dma_start3A_407 : memref<1x40x16xf32, #tpu.memory_space<vmem>> -> memref<40x16xf32, #tpu.memory_space<vmem>>
      tpu.enqueue_dma source(%dma_start3A_408 : memref<40x16xf32, #tpu.memory_space<vmem>>) target(%dma_start3A_404 : memref<40x16xf32, #tpu.memory_space<hbm>>) target_semaphore(%dma_start3A_402 : memref<!tpu.dma_semaphore, #tpu.memory_space<semaphore_mem>>)
      %add3A_409 = arith.constant 2 : i32
      %add3A_410 = arith.addi %add3A_249, %add3A_409 : i32
      %lt3A_411 = arith.constant 250 : i32
      %lt3A_412 = arith.cmpi slt, %add3A_410, %lt3A_411 : i32
      %convert_element_type3A_413 = arith.extui %lt3A_412 : i1 to i32
      %cond3A_414 = arith.constant 0 : i32
      %cond3A_415 = arith.cmpi ne, %convert_element_type3A_413, %cond3A_414 : i32
      scf.if %cond3A_415 {
        %add3A_565 = arith.constant 2 : i32
        %add3A_566 = arith.addi %add3A_249, %add3A_565 : i32
        %mul3A_567 = arith.constant 40 : i32
        %mul3A_568 = arith.muli %add3A_566, %mul3A_567 : i32
        %add3A_569 = arith.addi %mul3A_25, %mul3A_568 : i32
        %dma_start3A_570 = arith.constant 0 : i32
        %dma_start3A_571 = arith.constant 0 : i32
        %dma_start3A_572 = arith.constant 0 : i32
        %dma_start3A_573 = tpu.memref_slice %arg9[%dma_start3A_570, %dma_start3A_572] : memref<2x40xi32, #tpu.memory_space<vmem>> -> memref<1x40xi32, #tpu.memory_space<vmem>>
        %dma_start3A_574 = tpu.memref_squeeze %dma_start3A_573 : memref<1x40xi32, #tpu.memory_space<vmem>> -> memref<40xi32, #tpu.memory_space<vmem>>
        %dma_start3A_575 = tpu.memref_slice %arg2[%add3A_569] : memref<320000xi32, #tpu.memory_space<hbm>> -> memref<40xi32, #tpu.memory_space<hbm>>
        %dma_start3A_576 = tpu.memref_slice %arg17[%dma_start3A_571] : memref<2x!tpu.dma_semaphore, #tpu.memory_space<semaphore_mem>> -> memref<1x!tpu.dma_semaphore, #tpu.memory_space<semaphore_mem>>
        %dma_start3A_577 = tpu.memref_squeeze %dma_start3A_576 : memref<1x!tpu.dma_semaphore, #tpu.memory_space<semaphore_mem>> -> memref<!tpu.dma_semaphore, #tpu.memory_space<semaphore_mem>>
        %dma_start3A_578 = arith.constant 0 : i32
        %dma_start3A_579 = tpu.memref_slice %arg9[%dma_start3A_570, %dma_start3A_578] : memref<2x40xi32, #tpu.memory_space<vmem>> -> memref<1x40xi32, #tpu.memory_space<vmem>>
        %dma_start3A_580 = tpu.memref_squeeze %dma_start3A_579 : memref<1x40xi32, #tpu.memory_space<vmem>> -> memref<40xi32, #tpu.memory_space<vmem>>
        %dma_start3A_581 = tpu.memref_slice %arg2[%add3A_569] : memref<320000xi32, #tpu.memory_space<hbm>> -> memref<40xi32, #tpu.memory_space<hbm>>
        tpu.enqueue_dma source(%dma_start3A_581 : memref<40xi32, #tpu.memory_space<hbm>>) target(%dma_start3A_580 : memref<40xi32, #tpu.memory_space<vmem>>) target_semaphore(%dma_start3A_577 : memref<!tpu.dma_semaphore, #tpu.memory_space<semaphore_mem>>)
        %dma_start3A_582 = arith.constant 0 : i32
        %dma_start3A_583 = arith.constant 0 : i32
        %dma_start3A_584 = arith.constant 0 : i32
        %dma_start3A_585 = tpu.memref_slice %arg10[%dma_start3A_582, %dma_start3A_584] : memref<2x40xi32, #tpu.memory_space<vmem>> -> memref<1x40xi32, #tpu.memory_space<vmem>>
        %dma_start3A_586 = tpu.memref_squeeze %dma_start3A_585 : memref<1x40xi32, #tpu.memory_space<vmem>> -> memref<40xi32, #tpu.memory_space<vmem>>
        %dma_start3A_587 = tpu.memref_slice %arg3[%add3A_569] : memref<320000xi32, #tpu.memory_space<hbm>> -> memref<40xi32, #tpu.memory_space<hbm>>
        %dma_start3A_588 = tpu.memref_slice %arg17[%dma_start3A_583] : memref<2x!tpu.dma_semaphore, #tpu.memory_space<semaphore_mem>> -> memref<1x!tpu.dma_semaphore, #tpu.memory_space<semaphore_mem>>
        %dma_start3A_589 = tpu.memref_squeeze %dma_start3A_588 : memref<1x!tpu.dma_semaphore, #tpu.memory_space<semaphore_mem>> -> memref<!tpu.dma_semaphore, #tpu.memory_space<semaphore_mem>>
        %dma_start3A_590 = arith.constant 0 : i32
        %dma_start3A_591 = tpu.memref_slice %arg10[%dma_start3A_582, %dma_start3A_590] : memref<2x40xi32, #tpu.memory_space<vmem>> -> memref<1x40xi32, #tpu.memory_space<vmem>>
        %dma_start3A_592 = tpu.memref_squeeze %dma_start3A_591 : memref<1x40xi32, #tpu.memory_space<vmem>> -> memref<40xi32, #tpu.memory_space<vmem>>
        %dma_start3A_593 = tpu.memref_slice %arg3[%add3A_569] : memref<320000xi32, #tpu.memory_space<hbm>> -> memref<40xi32, #tpu.memory_space<hbm>>
        tpu.enqueue_dma source(%dma_start3A_593 : memref<40xi32, #tpu.memory_space<hbm>>) target(%dma_start3A_592 : memref<40xi32, #tpu.memory_space<vmem>>) target_semaphore(%dma_start3A_589 : memref<!tpu.dma_semaphore, #tpu.memory_space<semaphore_mem>>)
        %dma_start3A_594 = arith.constant 0 : i32
        %dma_start3A_595 = arith.constant 0 : i32
        %dma_start3A_596 = arith.constant 0 : i32
        %dma_start3A_597 = tpu.memref_slice %arg11[%dma_start3A_594, %dma_start3A_596] : memref<2x40xi32, #tpu.memory_space<vmem>> -> memref<1x40xi32, #tpu.memory_space<vmem>>
        %dma_start3A_598 = tpu.memref_squeeze %dma_start3A_597 : memref<1x40xi32, #tpu.memory_space<vmem>> -> memref<40xi32, #tpu.memory_space<vmem>>
        %dma_start3A_599 = tpu.memref_slice %arg4[%add3A_569] : memref<320000xi32, #tpu.memory_space<hbm>> -> memref<40xi32, #tpu.memory_space<hbm>>
        %dma_start3A_600 = tpu.memref_slice %arg17[%dma_start3A_595] : memref<2x!tpu.dma_semaphore, #tpu.memory_space<semaphore_mem>> -> memref<1x!tpu.dma_semaphore, #tpu.memory_space<semaphore_mem>>
        %dma_start3A_601 = tpu.memref_squeeze %dma_start3A_600 : memref<1x!tpu.dma_semaphore, #tpu.memory_space<semaphore_mem>> -> memref<!tpu.dma_semaphore, #tpu.memory_space<semaphore_mem>>
        %dma_start3A_602 = arith.constant 0 : i32
        %dma_start3A_603 = tpu.memref_slice %arg11[%dma_start3A_594, %dma_start3A_602] : memref<2x40xi32, #tpu.memory_space<vmem>> -> memref<1x40xi32, #tpu.memory_space<vmem>>
        %dma_start3A_604 = tpu.memref_squeeze %dma_start3A_603 : memref<1x40xi32, #tpu.memory_space<vmem>> -> memref<40xi32, #tpu.memory_space<vmem>>
        %dma_start3A_605 = tpu.memref_slice %arg4[%add3A_569] : memref<320000xi32, #tpu.memory_space<hbm>> -> memref<40xi32, #tpu.memory_space<hbm>>
        tpu.enqueue_dma source(%dma_start3A_605 : memref<40xi32, #tpu.memory_space<hbm>>) target(%dma_start3A_604 : memref<40xi32, #tpu.memory_space<vmem>>) target_semaphore(%dma_start3A_601 : memref<!tpu.dma_semaphore, #tpu.memory_space<semaphore_mem>>)
      } else {
      }
      %mul3A_416 = arith.constant 2 : i32
      %mul3A_417 = arith.muli %mul3A_416, %add3A_245 : i32
      %add3A_418 = arith.constant 1 : i32
      %add3A_419 = arith.addi %mul3A_417, %add3A_418 : i32
      %add3A_420 = arith.constant 1 : i32
      %add3A_421 = arith.addi %add3A_245, %add3A_420 : i32
      %lt3A_422 = arith.constant 125 : i32
      %lt3A_423 = arith.cmpi slt, %add3A_421, %lt3A_422 : i32
      %convert_element_type3A_424 = arith.extui %lt3A_423 : i1 to i32
      %cond3A_425 = arith.constant 0 : i32
      %cond3A_426 = arith.cmpi ne, %convert_element_type3A_424, %cond3A_425 : i32
      scf.if %cond3A_426 {
        %dma_wait3A_565 = arith.constant 0 : i32
        %dma_wait3A_566 = arith.constant 0 : i32
        %dma_wait3A_567 = arith.constant 0 : i32
        %dma_wait3A_568 = tpu.memref_slice %arg9[%dma_wait3A_565, %dma_wait3A_567] : memref<2x40xi32, #tpu.memory_space<vmem>> -> memref<1x40xi32, #tpu.memory_space<vmem>>
        %dma_wait3A_569 = tpu.memref_squeeze %dma_wait3A_568 : memref<1x40xi32, #tpu.memory_space<vmem>> -> memref<40xi32, #tpu.memory_space<vmem>>
        %dma_wait3A_570 = tpu.memref_slice %arg2[%mul3A_25] : memref<320000xi32, #tpu.memory_space<hbm>> -> memref<40xi32, #tpu.memory_space<hbm>>
        %dma_wait3A_571 = tpu.memref_slice %arg17[%dma_wait3A_566] : memref<2x!tpu.dma_semaphore, #tpu.memory_space<semaphore_mem>> -> memref<1x!tpu.dma_semaphore, #tpu.memory_space<semaphore_mem>>
        %dma_wait3A_572 = tpu.memref_squeeze %dma_wait3A_571 : memref<1x!tpu.dma_semaphore, #tpu.memory_space<semaphore_mem>> -> memref<!tpu.dma_semaphore, #tpu.memory_space<semaphore_mem>>
        %dma_wait3A_573 = arith.constant 0 : i32
        %dma_wait3A_574 = tpu.memref_slice %arg9[%dma_wait3A_565, %dma_wait3A_573] : memref<2x40xi32, #tpu.memory_space<vmem>> -> memref<1x40xi32, #tpu.memory_space<vmem>>
        %dma_wait3A_575 = tpu.memref_squeeze %dma_wait3A_574 : memref<1x40xi32, #tpu.memory_space<vmem>> -> memref<40xi32, #tpu.memory_space<vmem>>
        %dma_wait3A_576 = tpu.memref_slice %arg2[%mul3A_25] : memref<320000xi32, #tpu.memory_space<hbm>> -> memref<40xi32, #tpu.memory_space<hbm>>
        tpu.wait_dma2 semaphore(%dma_wait3A_572 : memref<!tpu.dma_semaphore, #tpu.memory_space<semaphore_mem>>) src(%dma_wait3A_576 : memref<40xi32, #tpu.memory_space<hbm>>) dst(%dma_wait3A_575 : memref<40xi32, #tpu.memory_space<vmem>>)
        %dma_wait3A_577 = arith.constant 0 : i32
        %dma_wait3A_578 = arith.constant 0 : i32
        %dma_wait3A_579 = arith.constant 0 : i32
        %dma_wait3A_580 = tpu.memref_slice %arg10[%dma_wait3A_577, %dma_wait3A_579] : memref<2x40xi32, #tpu.memory_space<vmem>> -> memref<1x40xi32, #tpu.memory_space<vmem>>
        %dma_wait3A_581 = tpu.memref_squeeze %dma_wait3A_580 : memref<1x40xi32, #tpu.memory_space<vmem>> -> memref<40xi32, #tpu.memory_space<vmem>>
        %dma_wait3A_582 = tpu.memref_slice %arg2[%mul3A_25] : memref<320000xi32, #tpu.memory_space<hbm>> -> memref<40xi32, #tpu.memory_space<hbm>>
        %dma_wait3A_583 = tpu.memref_slice %arg17[%dma_wait3A_578] : memref<2x!tpu.dma_semaphore, #tpu.memory_space<semaphore_mem>> -> memref<1x!tpu.dma_semaphore, #tpu.memory_space<semaphore_mem>>
        %dma_wait3A_584 = tpu.memref_squeeze %dma_wait3A_583 : memref<1x!tpu.dma_semaphore, #tpu.memory_space<semaphore_mem>> -> memref<!tpu.dma_semaphore, #tpu.memory_space<semaphore_mem>>
        %dma_wait3A_585 = arith.constant 0 : i32
        %dma_wait3A_586 = tpu.memref_slice %arg10[%dma_wait3A_577, %dma_wait3A_585] : memref<2x40xi32, #tpu.memory_space<vmem>> -> memref<1x40xi32, #tpu.memory_space<vmem>>
        %dma_wait3A_587 = tpu.memref_squeeze %dma_wait3A_586 : memref<1x40xi32, #tpu.memory_space<vmem>> -> memref<40xi32, #tpu.memory_space<vmem>>
        %dma_wait3A_588 = tpu.memref_slice %arg2[%mul3A_25] : memref<320000xi32, #tpu.memory_space<hbm>> -> memref<40xi32, #tpu.memory_space<hbm>>
        tpu.wait_dma2 semaphore(%dma_wait3A_584 : memref<!tpu.dma_semaphore, #tpu.memory_space<semaphore_mem>>) src(%dma_wait3A_588 : memref<40xi32, #tpu.memory_space<hbm>>) dst(%dma_wait3A_587 : memref<40xi32, #tpu.memory_space<vmem>>)
        %dma_wait3A_589 = arith.constant 0 : i32
        %dma_wait3A_590 = arith.constant 0 : i32
        %dma_wait3A_591 = arith.constant 0 : i32
        %dma_wait3A_592 = tpu.memref_slice %arg11[%dma_wait3A_589, %dma_wait3A_591] : memref<2x40xi32, #tpu.memory_space<vmem>> -> memref<1x40xi32, #tpu.memory_space<vmem>>
        %dma_wait3A_593 = tpu.memref_squeeze %dma_wait3A_592 : memref<1x40xi32, #tpu.memory_space<vmem>> -> memref<40xi32, #tpu.memory_space<vmem>>
        %dma_wait3A_594 = tpu.memref_slice %arg2[%mul3A_25] : memref<320000xi32, #tpu.memory_space<hbm>> -> memref<40xi32, #tpu.memory_space<hbm>>
        %dma_wait3A_595 = tpu.memref_slice %arg17[%dma_wait3A_590] : memref<2x!tpu.dma_semaphore, #tpu.memory_space<semaphore_mem>> -> memref<1x!tpu.dma_semaphore, #tpu.memory_space<semaphore_mem>>
        %dma_wait3A_596 = tpu.memref_squeeze %dma_wait3A_595 : memref<1x!tpu.dma_semaphore, #tpu.memory_space<semaphore_mem>> -> memref<!tpu.dma_semaphore, #tpu.memory_space<semaphore_mem>>
        %dma_wait3A_597 = arith.constant 0 : i32
        %dma_wait3A_598 = tpu.memref_slice %arg11[%dma_wait3A_589, %dma_wait3A_597] : memref<2x40xi32, #tpu.memory_space<vmem>> -> memref<1x40xi32, #tpu.memory_space<vmem>>
        %dma_wait3A_599 = tpu.memref_squeeze %dma_wait3A_598 : memref<1x40xi32, #tpu.memory_space<vmem>> -> memref<40xi32, #tpu.memory_space<vmem>>
        %dma_wait3A_600 = tpu.memref_slice %arg2[%mul3A_25] : memref<320000xi32, #tpu.memory_space<hbm>> -> memref<40xi32, #tpu.memory_space<hbm>>
        tpu.wait_dma2 semaphore(%dma_wait3A_596 : memref<!tpu.dma_semaphore, #tpu.memory_space<semaphore_mem>>) src(%dma_wait3A_600 : memref<40xi32, #tpu.memory_space<hbm>>) dst(%dma_wait3A_599 : memref<40xi32, #tpu.memory_space<vmem>>)
      } else {
      }
      %dma_wait3A_427 = arith.constant 0 : i32
      %dma_wait3A_428 = arith.constant 0 : i32
      %dma_wait3A_429 = arith.constant 0 : i32
      %dma_wait3A_430 = arith.constant 0 : i32
      %dma_wait3A_431 = arith.constant 0 : i32
      %dma_wait3A_432 = tpu.memref_slice %arg13[%dma_wait3A_427, %dma_wait3A_430, %dma_wait3A_431] : memref<2x40x128xf32, #tpu.memory_space<vmem>> -> memref<1x40x128xf32, #tpu.memory_space<vmem>>
      %dma_wait3A_433 = tpu.memref_squeeze %dma_wait3A_432 : memref<1x40x128xf32, #tpu.memory_space<vmem>> -> memref<40x128xf32, #tpu.memory_space<vmem>>
      %dma_wait3A_434 = arith.constant 0 : i32
      %dma_wait3A_435 = tpu.memref_slice %arg12[%dma_wait3A_428, %dma_wait3A_434] : memref<2x40xi32, #tpu.memory_space<vmem>> -> memref<1x40xi32, #tpu.memory_space<vmem>>
      %dma_wait3A_436 = tpu.memref_squeeze %dma_wait3A_435 : memref<1x40xi32, #tpu.memory_space<vmem>> -> memref<40xi32, #tpu.memory_space<vmem>>
      %dma_wait3A_437 = arith.constant 0 : i32
      %dma_wait3A_438 = arith.constant 0 : i32
      %dma_wait3A_439 = tpu.memref_slice %arg16[%dma_wait3A_437, %dma_wait3A_438] : memref<10000x128xf32, #tpu.memory_space<vmem_shared>> -> memref<10000x128xf32, #tpu.memory_space<vmem_shared>>
      %dma_wait3A_440 = tpu.memref_slice %arg19[%dma_wait3A_429] : memref<2x!tpu.dma_semaphore, #tpu.memory_space<semaphore_mem>> -> memref<1x!tpu.dma_semaphore, #tpu.memory_space<semaphore_mem>>
      %dma_wait3A_441 = tpu.memref_squeeze %dma_wait3A_440 : memref<1x!tpu.dma_semaphore, #tpu.memory_space<semaphore_mem>> -> memref<!tpu.dma_semaphore, #tpu.memory_space<semaphore_mem>>
      tpu.wait_indirect_dma semaphore(%dma_wait3A_441 : memref<!tpu.dma_semaphore, #tpu.memory_space<semaphore_mem>>) src(%dma_wait3A_433 : memref<40x128xf32, #tpu.memory_space<vmem>>) dst(%dma_wait3A_439 : memref<10000x128xf32, #tpu.memory_space<vmem_shared>>)
      %dma_wait3A_442 = arith.constant 0 : i32
      %dma_wait3A_443 = arith.constant 0 : i32
      %dma_wait3A_444 = arith.constant 0 : i32
      %dma_wait3A_445 = arith.constant 0 : i32
      %dma_wait3A_446 = tpu.memref_slice %arg15[%dma_wait3A_442, %dma_wait3A_444, %dma_wait3A_445] : memref<2x40x16xf32, #tpu.memory_space<vmem>> -> memref<1x40x16xf32, #tpu.memory_space<vmem>>
      %dma_wait3A_447 = tpu.memref_squeeze %dma_wait3A_446 : memref<1x40x16xf32, #tpu.memory_space<vmem>> -> memref<40x16xf32, #tpu.memory_space<vmem>>
      %dma_wait3A_448 = arith.constant 0 : i32
      %dma_wait3A_449 = tpu.memref_slice %arg8[%mul3A_25, %dma_wait3A_448] : memref<320000x16xf32, #tpu.memory_space<hbm>> -> memref<40x16xf32, #tpu.memory_space<hbm>>
      %dma_wait3A_450 = tpu.memref_slice %arg20[%dma_wait3A_443] : memref<2x!tpu.dma_semaphore, #tpu.memory_space<semaphore_mem>> -> memref<1x!tpu.dma_semaphore, #tpu.memory_space<semaphore_mem>>
      %dma_wait3A_451 = tpu.memref_squeeze %dma_wait3A_450 : memref<1x!tpu.dma_semaphore, #tpu.memory_space<semaphore_mem>> -> memref<!tpu.dma_semaphore, #tpu.memory_space<semaphore_mem>>
      %dma_wait3A_452 = arith.constant 0 : i32
      %dma_wait3A_453 = tpu.memref_slice %arg8[%mul3A_25, %dma_wait3A_452] : memref<320000x16xf32, #tpu.memory_space<hbm>> -> memref<40x16xf32, #tpu.memory_space<hbm>>
      %dma_wait3A_454 = arith.constant 0 : i32
      %dma_wait3A_455 = arith.constant 0 : i32
      %dma_wait3A_456 = tpu.memref_slice %arg15[%dma_wait3A_442, %dma_wait3A_454, %dma_wait3A_455] : memref<2x40x16xf32, #tpu.memory_space<vmem>> -> memref<1x40x16xf32, #tpu.memory_space<vmem>>
      %dma_wait3A_457 = tpu.memref_squeeze %dma_wait3A_456 : memref<1x40x16xf32, #tpu.memory_space<vmem>> -> memref<40x16xf32, #tpu.memory_space<vmem>>
      tpu.wait_dma2 semaphore(%dma_wait3A_451 : memref<!tpu.dma_semaphore, #tpu.memory_space<semaphore_mem>>) src(%dma_wait3A_457 : memref<40x16xf32, #tpu.memory_space<vmem>>) dst(%dma_wait3A_453 : memref<40x16xf32, #tpu.memory_space<hbm>>)
      %add3A_458 = arith.constant 1 : i32
      %add3A_459 = arith.addi %add3A_245, %add3A_458 : i32
      %lt3A_460 = arith.constant 125 : i32
      %lt3A_461 = arith.cmpi slt, %add3A_459, %lt3A_460 : i32
      %convert_element_type3A_462 = arith.extui %lt3A_461 : i1 to i32
      %cond3A_463 = arith.constant 0 : i32
      %cond3A_464 = arith.cmpi ne, %convert_element_type3A_462, %cond3A_463 : i32
      scf.if %cond3A_464 {
        %dma_start3A_565 = arith.constant 0 : i32
        %dma_start3A_566 = arith.constant 0 : i32
        %dma_start3A_567 = arith.constant 0 : i32
        %dma_start3A_568 = arith.constant 0 : i32
        %dma_start3A_569 = arith.constant 0 : i32
        %dma_start3A_570 = tpu.memref_slice %arg13[%dma_start3A_566, %dma_start3A_568, %dma_start3A_569] : memref<2x40x128xf32, #tpu.memory_space<vmem>> -> memref<1x40x128xf32, #tpu.memory_space<vmem>>
        %dma_start3A_571 = tpu.memref_squeeze %dma_start3A_570 : memref<1x40x128xf32, #tpu.memory_space<vmem>> -> memref<40x128xf32, #tpu.memory_space<vmem>>
        %dma_start3A_572 = arith.constant 0 : i32
        %dma_start3A_573 = tpu.memref_slice %arg9[%dma_start3A_565, %dma_start3A_572] : memref<2x40xi32, #tpu.memory_space<vmem>> -> memref<1x40xi32, #tpu.memory_space<vmem>>
        %dma_start3A_574 = tpu.memref_squeeze %dma_start3A_573 : memref<1x40xi32, #tpu.memory_space<vmem>> -> memref<40xi32, #tpu.memory_space<vmem>>
        %dma_start3A_575 = arith.constant 0 : i32
        %dma_start3A_576 = arith.constant 0 : i32
        %dma_start3A_577 = tpu.memref_slice %arg5[%dma_start3A_575, %dma_start3A_576] : memref<10000x128xf32, #tpu.memory_space<hbm>> -> memref<10000x128xf32, #tpu.memory_space<hbm>>
        %dma_start3A_578 = tpu.memref_slice %arg18[%dma_start3A_567] : memref<2x!tpu.dma_semaphore, #tpu.memory_space<semaphore_mem>> -> memref<1x!tpu.dma_semaphore, #tpu.memory_space<semaphore_mem>>
        %dma_start3A_579 = tpu.memref_squeeze %dma_start3A_578 : memref<1x!tpu.dma_semaphore, #tpu.memory_space<semaphore_mem>> -> memref<!tpu.dma_semaphore, #tpu.memory_space<semaphore_mem>>
        tpu.enqueue_indirect_dma source(%dma_start3A_577 : memref<10000x128xf32, #tpu.memory_space<hbm>>) target(%dma_start3A_571 : memref<40x128xf32, #tpu.memory_space<vmem>>) offsets(%dma_start3A_574 : memref<40xi32, #tpu.memory_space<vmem>>) semaphore(%dma_start3A_579 : memref<!tpu.dma_semaphore, #tpu.memory_space<semaphore_mem>>)
        %dma_start3A_580 = arith.constant 0 : i32
        %dma_start3A_581 = arith.constant 0 : i32
        %dma_start3A_582 = arith.constant 0 : i32
        %dma_start3A_583 = arith.constant 0 : i32
        %dma_start3A_584 = arith.constant 0 : i32
        %dma_start3A_585 = tpu.memref_slice %arg14[%dma_start3A_581, %dma_start3A_583, %dma_start3A_584] : memref<2x40x128xf32, #tpu.memory_space<vmem>> -> memref<1x40x128xf32, #tpu.memory_space<vmem>>
        %dma_start3A_586 = tpu.memref_squeeze %dma_start3A_585 : memref<1x40x128xf32, #tpu.memory_space<vmem>> -> memref<40x128xf32, #tpu.memory_space<vmem>>
        %dma_start3A_587 = arith.constant 0 : i32
        %dma_start3A_588 = tpu.memref_slice %arg10[%dma_start3A_580, %dma_start3A_587] : memref<2x40xi32, #tpu.memory_space<vmem>> -> memref<1x40xi32, #tpu.memory_space<vmem>>
        %dma_start3A_589 = tpu.memref_squeeze %dma_start3A_588 : memref<1x40xi32, #tpu.memory_space<vmem>> -> memref<40xi32, #tpu.memory_space<vmem>>
        %dma_start3A_590 = arith.constant 0 : i32
        %dma_start3A_591 = arith.constant 0 : i32
        %dma_start3A_592 = tpu.memref_slice %arg6[%dma_start3A_590, %dma_start3A_591] : memref<50000x128xf32, #tpu.memory_space<hbm>> -> memref<50000x128xf32, #tpu.memory_space<hbm>>
        %dma_start3A_593 = tpu.memref_slice %arg18[%dma_start3A_582] : memref<2x!tpu.dma_semaphore, #tpu.memory_space<semaphore_mem>> -> memref<1x!tpu.dma_semaphore, #tpu.memory_space<semaphore_mem>>
        %dma_start3A_594 = tpu.memref_squeeze %dma_start3A_593 : memref<1x!tpu.dma_semaphore, #tpu.memory_space<semaphore_mem>> -> memref<!tpu.dma_semaphore, #tpu.memory_space<semaphore_mem>>
        tpu.enqueue_indirect_dma source(%dma_start3A_592 : memref<50000x128xf32, #tpu.memory_space<hbm>>) target(%dma_start3A_586 : memref<40x128xf32, #tpu.memory_space<vmem>>) offsets(%dma_start3A_589 : memref<40xi32, #tpu.memory_space<vmem>>) semaphore(%dma_start3A_594 : memref<!tpu.dma_semaphore, #tpu.memory_space<semaphore_mem>>)
      } else {
      }
      %dma_wait3A_465 = arith.constant 1 : i32
      %dma_wait3A_466 = arith.constant 1 : i32
      %dma_wait3A_467 = arith.constant 1 : i32
      %dma_wait3A_468 = arith.constant 0 : i32
      %dma_wait3A_469 = arith.constant 0 : i32
      %dma_wait3A_470 = tpu.memref_slice %arg13[%dma_wait3A_466, %dma_wait3A_468, %dma_wait3A_469] : memref<2x40x128xf32, #tpu.memory_space<vmem>> -> memref<1x40x128xf32, #tpu.memory_space<vmem>>
      %dma_wait3A_471 = tpu.memref_squeeze %dma_wait3A_470 : memref<1x40x128xf32, #tpu.memory_space<vmem>> -> memref<40x128xf32, #tpu.memory_space<vmem>>
      %dma_wait3A_472 = arith.constant 0 : i32
      %dma_wait3A_473 = tpu.memref_slice %arg9[%dma_wait3A_465, %dma_wait3A_472] : memref<2x40xi32, #tpu.memory_space<vmem>> -> memref<1x40xi32, #tpu.memory_space<vmem>>
      %dma_wait3A_474 = tpu.memref_squeeze %dma_wait3A_473 : memref<1x40xi32, #tpu.memory_space<vmem>> -> memref<40xi32, #tpu.memory_space<vmem>>
      %dma_wait3A_475 = arith.constant 0 : i32
      %dma_wait3A_476 = arith.constant 0 : i32
      %dma_wait3A_477 = tpu.memref_slice %arg5[%dma_wait3A_475, %dma_wait3A_476] : memref<10000x128xf32, #tpu.memory_space<hbm>> -> memref<10000x128xf32, #tpu.memory_space<hbm>>
      %dma_wait3A_478 = tpu.memref_slice %arg18[%dma_wait3A_467] : memref<2x!tpu.dma_semaphore, #tpu.memory_space<semaphore_mem>> -> memref<1x!tpu.dma_semaphore, #tpu.memory_space<semaphore_mem>>
      %dma_wait3A_479 = tpu.memref_squeeze %dma_wait3A_478 : memref<1x!tpu.dma_semaphore, #tpu.memory_space<semaphore_mem>> -> memref<!tpu.dma_semaphore, #tpu.memory_space<semaphore_mem>>
      tpu.wait_indirect_dma semaphore(%dma_wait3A_479 : memref<!tpu.dma_semaphore, #tpu.memory_space<semaphore_mem>>) src(%dma_wait3A_477 : memref<10000x128xf32, #tpu.memory_space<hbm>>) dst(%dma_wait3A_471 : memref<40x128xf32, #tpu.memory_space<vmem>>)
      %dma_wait3A_480 = arith.constant 1 : i32
      %dma_wait3A_481 = arith.constant 1 : i32
      %dma_wait3A_482 = arith.constant 1 : i32
      %dma_wait3A_483 = arith.constant 0 : i32
      %dma_wait3A_484 = arith.constant 0 : i32
      %dma_wait3A_485 = tpu.memref_slice %arg14[%dma_wait3A_481, %dma_wait3A_483, %dma_wait3A_484] : memref<2x40x128xf32, #tpu.memory_space<vmem>> -> memref<1x40x128xf32, #tpu.memory_space<vmem>>
      %dma_wait3A_486 = tpu.memref_squeeze %dma_wait3A_485 : memref<1x40x128xf32, #tpu.memory_space<vmem>> -> memref<40x128xf32, #tpu.memory_space<vmem>>
      %dma_wait3A_487 = arith.constant 0 : i32
      %dma_wait3A_488 = tpu.memref_slice %arg10[%dma_wait3A_480, %dma_wait3A_487] : memref<2x40xi32, #tpu.memory_space<vmem>> -> memref<1x40xi32, #tpu.memory_space<vmem>>
      %dma_wait3A_489 = tpu.memref_squeeze %dma_wait3A_488 : memref<1x40xi32, #tpu.memory_space<vmem>> -> memref<40xi32, #tpu.memory_space<vmem>>
      %dma_wait3A_490 = arith.constant 0 : i32
      %dma_wait3A_491 = arith.constant 0 : i32
      %dma_wait3A_492 = tpu.memref_slice %arg6[%dma_wait3A_490, %dma_wait3A_491] : memref<50000x128xf32, #tpu.memory_space<hbm>> -> memref<50000x128xf32, #tpu.memory_space<hbm>>
      %dma_wait3A_493 = tpu.memref_slice %arg18[%dma_wait3A_482] : memref<2x!tpu.dma_semaphore, #tpu.memory_space<semaphore_mem>> -> memref<1x!tpu.dma_semaphore, #tpu.memory_space<semaphore_mem>>
      %dma_wait3A_494 = tpu.memref_squeeze %dma_wait3A_493 : memref<1x!tpu.dma_semaphore, #tpu.memory_space<semaphore_mem>> -> memref<!tpu.dma_semaphore, #tpu.memory_space<semaphore_mem>>
      tpu.wait_indirect_dma semaphore(%dma_wait3A_494 : memref<!tpu.dma_semaphore, #tpu.memory_space<semaphore_mem>>) src(%dma_wait3A_492 : memref<50000x128xf32, #tpu.memory_space<hbm>>) dst(%dma_wait3A_486 : memref<40x128xf32, #tpu.memory_space<vmem>>)
      %get3A_495 = arith.constant 1 : i32
      %get3A_496 = arith.index_cast %get3A_495 : i32 to index
      %get3A_497 = arith.constant 0 : index
      %get3A_498 = tpu.vector_load %arg11[%get3A_496, %get3A_497] {strides = array<i32>} : memref<2x40xi32, #tpu.memory_space<vmem>>, vector<16xi32>,
      %swap3A_499 = arith.constant 1 : i32
      %swap3A_500 = arith.index_cast %swap3A_499 : i32 to index
      %swap3A_501 = arith.constant 0 : index
      %swap3A_502 = tpu.vector_load %arg12[%swap3A_500, %swap3A_501] {strides = array<i32>} : memref<2x40xi32, #tpu.memory_space<vmem>>, vector<16xi32>,
      tpu.vector_store %arg12[%swap3A_500, %swap3A_501], %get3A_498 {strides = array<i32>} : memref<2x40xi32, #tpu.memory_space<vmem>>, vector<16xi32>,
      %get3A_503 = arith.constant 1 : i32
      %get3A_504 = arith.index_cast %get3A_503 : i32 to index
      %get3A_505 = arith.constant 16 : index
      %get3A_506 = tpu.vector_load %arg11[%get3A_504, %get3A_505] {strides = array<i32>} : memref<2x40xi32, #tpu.memory_space<vmem>>, vector<16xi32>,
      %swap3A_507 = arith.constant 1 : i32
      %swap3A_508 = arith.index_cast %swap3A_507 : i32 to index
      %swap3A_509 = arith.constant 16 : index
      %swap3A_510 = tpu.vector_load %arg12[%swap3A_508, %swap3A_509] {strides = array<i32>} : memref<2x40xi32, #tpu.memory_space<vmem>>, vector<16xi32>,
      tpu.vector_store %arg12[%swap3A_508, %swap3A_509], %get3A_506 {strides = array<i32>} : memref<2x40xi32, #tpu.memory_space<vmem>>, vector<16xi32>,
      %get3A_511 = arith.constant 1 : i32
      %get3A_512 = arith.index_cast %get3A_511 : i32 to index
      %get3A_513 = arith.constant 24 : index
      %get3A_514 = tpu.vector_load %arg11[%get3A_512, %get3A_513] {strides = array<i32>} : memref<2x40xi32, #tpu.memory_space<vmem>>, vector<16xi32>,
      %swap3A_515 = arith.constant 1 : i32
      %swap3A_516 = arith.index_cast %swap3A_515 : i32 to index
      %swap3A_517 = arith.constant 24 : index
      %swap3A_518 = tpu.vector_load %arg12[%swap3A_516, %swap3A_517] {strides = array<i32>} : memref<2x40xi32, #tpu.memory_space<vmem>>, vector<16xi32>,
      tpu.vector_store %arg12[%swap3A_516, %swap3A_517], %get3A_514 {strides = array<i32>} : memref<2x40xi32, #tpu.memory_space<vmem>>, vector<16xi32>,
      %scan3A_519 = arith.constant 0 : i32
      %scan3A_520 = arith.constant 40 : i32
      %scan3A_521 = arith.addi %scan3A_519, %scan3A_520 : i32
      %scan3A_522 = arith.constant 1 : i32
      scf.for %scan3A_565 = %scan3A_519 to %scan3A_521 step %scan3A_522  : i32 {
        %mul3A_566 = arith.constant 1 : i32
        %mul3A_567 = arith.muli %scan3A_565, %mul3A_566 : i32
        %add3A_568 = arith.constant 0 : i32
        %add3A_569 = arith.addi %add3A_568, %mul3A_567 : i32
        %get3A_570 = arith.constant 1 : i32
        %get3A_571 = arith.index_cast %get3A_570 : i32 to index
        %get3A_572 = arith.index_cast %add3A_569 : i32 to index
        %get3A_573 = arith.constant 0 : index
        %get3A_574 = tpu.vector_load %arg14[%get3A_571, %get3A_572, %get3A_573] {strides = array<i32>} : memref<2x40x128xf32, #tpu.memory_space<vmem>>, vector<16xf32>,
        %swap3A_575 = arith.constant 1 : i32
        %swap3A_576 = arith.index_cast %swap3A_575 : i32 to index
        %swap3A_577 = arith.index_cast %add3A_569 : i32 to index
        %swap3A_578 = arith.constant 0 : index
        %swap3A_579 = tpu.vector_load %arg15[%swap3A_576, %swap3A_577, %swap3A_578] {strides = array<i32>} : memref<2x40x16xf32, #tpu.memory_space<vmem>>, vector<16xf32>,
        tpu.vector_store %arg15[%swap3A_576, %swap3A_577, %swap3A_578], %get3A_574 {strides = array<i32>} : memref<2x40x16xf32, #tpu.memory_space<vmem>>, vector<16xf32>,
        %slice3A = vector.extract_strided_slice %get3A_574 {offsets = [0], sizes = [1], strides = [1]} : vector<16xf32> to vector<1xf32>
        %squeeze3A = vector.extract %slice3A[0] : f32 from vector<1xf32>
        %broadcast_in_dim3A_580 = vector.broadcast %squeeze3A : f32 to vector<16xf32>
        %get3A_581 = arith.constant 1 : i32
        %get3A_582 = arith.index_cast %get3A_581 : i32 to index
        %get3A_583 = arith.index_cast %add3A_569 : i32 to index
        %get3A_584 = arith.constant 0 : index
        %get3A_585 = tpu.vector_load %arg13[%get3A_582, %get3A_583, %get3A_584] {strides = array<i32>} : memref<2x40x128xf32, #tpu.memory_space<vmem>>, vector<16xf32>,
        %mul3A_586 = arith.mulf %get3A_585, %broadcast_in_dim3A_580 : vector<16xf32>
        %swap3A_587 = arith.constant 1 : i32
        %swap3A_588 = arith.index_cast %swap3A_587 : i32 to index
        %swap3A_589 = arith.index_cast %add3A_569 : i32 to index
        %swap3A_590 = arith.constant 0 : index
        %swap3A_591 = tpu.vector_load %arg13[%swap3A_588, %swap3A_589, %swap3A_590] {strides = array<i32>} : memref<2x40x128xf32, #tpu.memory_space<vmem>>, vector<16xf32>,
        tpu.vector_store %arg13[%swap3A_588, %swap3A_589, %swap3A_590], %mul3A_586 {strides = array<i32>} : memref<2x40x128xf32, #tpu.memory_space<vmem>>, vector<16xf32>,
        %get3A_592 = arith.constant 1 : i32
        %get3A_593 = arith.index_cast %get3A_592 : i32 to index
        %get3A_594 = arith.index_cast %add3A_569 : i32 to index
        %get3A_595 = arith.constant 16 : index
        %get3A_596 = tpu.vector_load %arg13[%get3A_593, %get3A_594, %get3A_595] {strides = array<i32>} : memref<2x40x128xf32, #tpu.memory_space<vmem>>, vector<16xf32>,
        %get3A_597 = arith.constant 1 : i32
        %get3A_598 = arith.index_cast %get3A_597 : i32 to index
        %get3A_599 = arith.index_cast %add3A_569 : i32 to index
        %get3A_600 = arith.constant 16 : index
        %get3A_601 = tpu.vector_load %arg14[%get3A_598, %get3A_599, %get3A_600] {strides = array<i32>} : memref<2x40x128xf32, #tpu.memory_space<vmem>>, vector<16xf32>,
        %mul3A_602 = arith.mulf %get3A_596, %get3A_601 : vector<16xf32>
        %swap3A_603 = arith.constant 1 : i32
        %swap3A_604 = arith.index_cast %swap3A_603 : i32 to index
        %swap3A_605 = arith.index_cast %add3A_569 : i32 to index
        %swap3A_606 = arith.constant 16 : index
        %swap3A_607 = tpu.vector_load %arg13[%swap3A_604, %swap3A_605, %swap3A_606] {strides = array<i32>} : memref<2x40x128xf32, #tpu.memory_space<vmem>>, vector<16xf32>,
        tpu.vector_store %arg13[%swap3A_604, %swap3A_605, %swap3A_606], %mul3A_602 {strides = array<i32>} : memref<2x40x128xf32, #tpu.memory_space<vmem>>, vector<16xf32>,
        %get3A_608 = arith.constant 1 : i32
        %get3A_609 = arith.index_cast %get3A_608 : i32 to index
        %get3A_610 = arith.index_cast %add3A_569 : i32 to index
        %get3A_611 = arith.constant 32 : index
        %get3A_612 = tpu.vector_load %arg13[%get3A_609, %get3A_610, %get3A_611] {strides = array<i32>} : memref<2x40x128xf32, #tpu.memory_space<vmem>>, vector<16xf32>,
        %get3A_613 = arith.constant 1 : i32
        %get3A_614 = arith.index_cast %get3A_613 : i32 to index
        %get3A_615 = arith.index_cast %add3A_569 : i32 to index
        %get3A_616 = arith.constant 32 : index
        %get3A_617 = tpu.vector_load %arg14[%get3A_614, %get3A_615, %get3A_616] {strides = array<i32>} : memref<2x40x128xf32, #tpu.memory_space<vmem>>, vector<16xf32>,
        %mul3A_618 = arith.mulf %get3A_612, %get3A_617 : vector<16xf32>
        %swap3A_619 = arith.constant 1 : i32
        %swap3A_620 = arith.index_cast %swap3A_619 : i32 to index
        %swap3A_621 = arith.index_cast %add3A_569 : i32 to index
        %swap3A_622 = arith.constant 32 : index
        %swap3A_623 = tpu.vector_load %arg13[%swap3A_620, %swap3A_621, %swap3A_622] {strides = array<i32>} : memref<2x40x128xf32, #tpu.memory_space<vmem>>, vector<16xf32>,
        tpu.vector_store %arg13[%swap3A_620, %swap3A_621, %swap3A_622], %mul3A_618 {strides = array<i32>} : memref<2x40x128xf32, #tpu.memory_space<vmem>>, vector<16xf32>,
        %get3A_624 = arith.constant 1 : i32
        %get3A_625 = arith.index_cast %get3A_624 : i32 to index
        %get3A_626 = arith.index_cast %add3A_569 : i32 to index
        %get3A_627 = arith.constant 48 : index
        %get3A_628 = tpu.vector_load %arg13[%get3A_625, %get3A_626, %get3A_627] {strides = array<i32>} : memref<2x40x128xf32, #tpu.memory_space<vmem>>, vector<16xf32>,
        %get3A_629 = arith.constant 1 : i32
        %get3A_630 = arith.index_cast %get3A_629 : i32 to index
        %get3A_631 = arith.index_cast %add3A_569 : i32 to index
        %get3A_632 = arith.constant 48 : index
        %get3A_633 = tpu.vector_load %arg14[%get3A_630, %get3A_631, %get3A_632] {strides = array<i32>} : memref<2x40x128xf32, #tpu.memory_space<vmem>>, vector<16xf32>,
        %mul3A_634 = arith.mulf %get3A_628, %get3A_633 : vector<16xf32>
        %swap3A_635 = arith.constant 1 : i32
        %swap3A_636 = arith.index_cast %swap3A_635 : i32 to index
        %swap3A_637 = arith.index_cast %add3A_569 : i32 to index
        %swap3A_638 = arith.constant 48 : index
        %swap3A_639 = tpu.vector_load %arg13[%swap3A_636, %swap3A_637, %swap3A_638] {strides = array<i32>} : memref<2x40x128xf32, #tpu.memory_space<vmem>>, vector<16xf32>,
        tpu.vector_store %arg13[%swap3A_636, %swap3A_637, %swap3A_638], %mul3A_634 {strides = array<i32>} : memref<2x40x128xf32, #tpu.memory_space<vmem>>, vector<16xf32>,
        %get3A_640 = arith.constant 1 : i32
        %get3A_641 = arith.index_cast %get3A_640 : i32 to index
        %get3A_642 = arith.index_cast %add3A_569 : i32 to index
        %get3A_643 = arith.constant 64 : index
        %get3A_644 = tpu.vector_load %arg13[%get3A_641, %get3A_642, %get3A_643] {strides = array<i32>} : memref<2x40x128xf32, #tpu.memory_space<vmem>>, vector<16xf32>,
        %get3A_645 = arith.constant 1 : i32
        %get3A_646 = arith.index_cast %get3A_645 : i32 to index
        %get3A_647 = arith.index_cast %add3A_569 : i32 to index
        %get3A_648 = arith.constant 64 : index
        %get3A_649 = tpu.vector_load %arg14[%get3A_646, %get3A_647, %get3A_648] {strides = array<i32>} : memref<2x40x128xf32, #tpu.memory_space<vmem>>, vector<16xf32>,
        %mul3A_650 = arith.mulf %get3A_644, %get3A_649 : vector<16xf32>
        %swap3A_651 = arith.constant 1 : i32
        %swap3A_652 = arith.index_cast %swap3A_651 : i32 to index
        %swap3A_653 = arith.index_cast %add3A_569 : i32 to index
        %swap3A_654 = arith.constant 64 : index
        %swap3A_655 = tpu.vector_load %arg13[%swap3A_652, %swap3A_653, %swap3A_654] {strides = array<i32>} : memref<2x40x128xf32, #tpu.memory_space<vmem>>, vector<16xf32>,
        tpu.vector_store %arg13[%swap3A_652, %swap3A_653, %swap3A_654], %mul3A_650 {strides = array<i32>} : memref<2x40x128xf32, #tpu.memory_space<vmem>>, vector<16xf32>,
        %get3A_656 = arith.constant 1 : i32
        %get3A_657 = arith.index_cast %get3A_656 : i32 to index
        %get3A_658 = arith.index_cast %add3A_569 : i32 to index
        %get3A_659 = arith.constant 80 : index
        %get3A_660 = tpu.vector_load %arg13[%get3A_657, %get3A_658, %get3A_659] {strides = array<i32>} : memref<2x40x128xf32, #tpu.memory_space<vmem>>, vector<16xf32>,
        %get3A_661 = arith.constant 1 : i32
        %get3A_662 = arith.index_cast %get3A_661 : i32 to index
        %get3A_663 = arith.index_cast %add3A_569 : i32 to index
        %get3A_664 = arith.constant 80 : index
        %get3A_665 = tpu.vector_load %arg14[%get3A_662, %get3A_663, %get3A_664] {strides = array<i32>} : memref<2x40x128xf32, #tpu.memory_space<vmem>>, vector<16xf32>,
        %mul3A_666 = arith.mulf %get3A_660, %get3A_665 : vector<16xf32>
        %swap3A_667 = arith.constant 1 : i32
        %swap3A_668 = arith.index_cast %swap3A_667 : i32 to index
        %swap3A_669 = arith.index_cast %add3A_569 : i32 to index
        %swap3A_670 = arith.constant 80 : index
        %swap3A_671 = tpu.vector_load %arg13[%swap3A_668, %swap3A_669, %swap3A_670] {strides = array<i32>} : memref<2x40x128xf32, #tpu.memory_space<vmem>>, vector<16xf32>,
        tpu.vector_store %arg13[%swap3A_668, %swap3A_669, %swap3A_670], %mul3A_666 {strides = array<i32>} : memref<2x40x128xf32, #tpu.memory_space<vmem>>, vector<16xf32>,
        %get3A_672 = arith.constant 1 : i32
        %get3A_673 = arith.index_cast %get3A_672 : i32 to index
        %get3A_674 = arith.index_cast %add3A_569 : i32 to index
        %get3A_675 = arith.constant 96 : index
        %get3A_676 = tpu.vector_load %arg13[%get3A_673, %get3A_674, %get3A_675] {strides = array<i32>} : memref<2x40x128xf32, #tpu.memory_space<vmem>>, vector<16xf32>,
        %get3A_677 = arith.constant 1 : i32
        %get3A_678 = arith.index_cast %get3A_677 : i32 to index
        %get3A_679 = arith.index_cast %add3A_569 : i32 to index
        %get3A_680 = arith.constant 96 : index
        %get3A_681 = tpu.vector_load %arg14[%get3A_678, %get3A_679, %get3A_680] {strides = array<i32>} : memref<2x40x128xf32, #tpu.memory_space<vmem>>, vector<16xf32>,
        %mul3A_682 = arith.mulf %get3A_676, %get3A_681 : vector<16xf32>
        %swap3A_683 = arith.constant 1 : i32
        %swap3A_684 = arith.index_cast %swap3A_683 : i32 to index
        %swap3A_685 = arith.index_cast %add3A_569 : i32 to index
        %swap3A_686 = arith.constant 96 : index
        %swap3A_687 = tpu.vector_load %arg13[%swap3A_684, %swap3A_685, %swap3A_686] {strides = array<i32>} : memref<2x40x128xf32, #tpu.memory_space<vmem>>, vector<16xf32>,
        tpu.vector_store %arg13[%swap3A_684, %swap3A_685, %swap3A_686], %mul3A_682 {strides = array<i32>} : memref<2x40x128xf32, #tpu.memory_space<vmem>>, vector<16xf32>,
        %get3A_688 = arith.constant 1 : i32
        %get3A_689 = arith.index_cast %get3A_688 : i32 to index
        %get3A_690 = arith.index_cast %add3A_569 : i32 to index
        %get3A_691 = arith.constant 112 : index
        %get3A_692 = tpu.vector_load %arg13[%get3A_689, %get3A_690, %get3A_691] {strides = array<i32>} : memref<2x40x128xf32, #tpu.memory_space<vmem>>, vector<16xf32>,
        %get3A_693 = arith.constant 1 : i32
        %get3A_694 = arith.index_cast %get3A_693 : i32 to index
        %get3A_695 = arith.index_cast %add3A_569 : i32 to index
        %get3A_696 = arith.constant 112 : index
        %get3A_697 = tpu.vector_load %arg14[%get3A_694, %get3A_695, %get3A_696] {strides = array<i32>} : memref<2x40x128xf32, #tpu.memory_space<vmem>>, vector<16xf32>,
        %mul3A_698 = arith.mulf %get3A_692, %get3A_697 : vector<16xf32>
        %swap3A_699 = arith.constant 1 : i32
        %swap3A_700 = arith.index_cast %swap3A_699 : i32 to index
        %swap3A_701 = arith.index_cast %add3A_569 : i32 to index
        %swap3A_702 = arith.constant 112 : index
        %swap3A_703 = tpu.vector_load %arg13[%swap3A_700, %swap3A_701, %swap3A_702] {strides = array<i32>} : memref<2x40x128xf32, #tpu.memory_space<vmem>>, vector<16xf32>,
        tpu.vector_store %arg13[%swap3A_700, %swap3A_701, %swap3A_702], %mul3A_698 {strides = array<i32>} : memref<2x40x128xf32, #tpu.memory_space<vmem>>, vector<16xf32>,
      }
      %scan3A_523 = arith.constant 40 : i32
      %dma_start3A_524 = arith.constant 1 : i32
      %dma_start3A_525 = arith.constant 1 : i32
      %dma_start3A_526 = arith.constant 1 : i32
      %dma_start3A_527 = arith.constant 0 : i32
      %dma_start3A_528 = arith.constant 0 : i32
      %dma_start3A_529 = tpu.memref_slice %arg13[%dma_start3A_524, %dma_start3A_527, %dma_start3A_528] : memref<2x40x128xf32, #tpu.memory_space<vmem>> -> memref<1x40x128xf32, #tpu.memory_space<vmem>>
      %dma_start3A_530 = tpu.memref_squeeze %dma_start3A_529 : memref<1x40x128xf32, #tpu.memory_space<vmem>> -> memref<40x128xf32, #tpu.memory_space<vmem>>
      %dma_start3A_531 = arith.constant 0 : i32
      %dma_start3A_532 = tpu.memref_slice %arg12[%dma_start3A_525, %dma_start3A_531] : memref<2x40xi32, #tpu.memory_space<vmem>> -> memref<1x40xi32, #tpu.memory_space<vmem>>
      %dma_start3A_533 = tpu.memref_squeeze %dma_start3A_532 : memref<1x40xi32, #tpu.memory_space<vmem>> -> memref<40xi32, #tpu.memory_space<vmem>>
      %dma_start3A_534 = arith.constant 0 : i32
      %dma_start3A_535 = arith.constant 0 : i32
      %dma_start3A_536 = tpu.memref_slice %arg16[%dma_start3A_534, %dma_start3A_535] : memref<10000x128xf32, #tpu.memory_space<vmem_shared>> -> memref<10000x128xf32, #tpu.memory_space<vmem_shared>>
      %dma_start3A_537 = tpu.memref_slice %arg19[%dma_start3A_526] : memref<2x!tpu.dma_semaphore, #tpu.memory_space<semaphore_mem>> -> memref<1x!tpu.dma_semaphore, #tpu.memory_space<semaphore_mem>>
      %dma_start3A_538 = tpu.memref_squeeze %dma_start3A_537 : memref<1x!tpu.dma_semaphore, #tpu.memory_space<semaphore_mem>> -> memref<!tpu.dma_semaphore, #tpu.memory_space<semaphore_mem>>
      tpu.enqueue_indirect_dma source(%dma_start3A_530 : memref<40x128xf32, #tpu.memory_space<vmem>>) target(%dma_start3A_536 : memref<10000x128xf32, #tpu.memory_space<vmem_shared>>) offsets(%dma_start3A_533 : memref<40xi32, #tpu.memory_space<vmem>>) semaphore(%dma_start3A_538 : memref<!tpu.dma_semaphore, #tpu.memory_space<semaphore_mem>>) {add = true}
      %mul3A_539 = arith.constant 40 : i32
      %mul3A_540 = arith.muli %add3A_419, %mul3A_539 : i32
      %add3A_541 = arith.addi %mul3A_25, %mul3A_540 : i32
      %dma_start3A_542 = arith.constant 1 : i32
      %dma_start3A_543 = arith.constant 1 : i32
      %dma_start3A_544 = arith.constant 0 : i32
      %dma_start3A_545 = arith.constant 0 : i32
      %dma_start3A_546 = tpu.memref_slice %arg15[%dma_start3A_542, %dma_start3A_544, %dma_start3A_545] : memref<2x40x16xf32, #tpu.memory_space<vmem>> -> memref<1x40x16xf32, #tpu.memory_space<vmem>>
      %dma_start3A_547 = tpu.memref_squeeze %dma_start3A_546 : memref<1x40x16xf32, #tpu.memory_space<vmem>> -> memref<40x16xf32, #tpu.memory_space<vmem>>
      %dma_start3A_548 = arith.constant 0 : i32
      %dma_start3A_549 = tpu.memref_slice %arg8[%add3A_541, %dma_start3A_548] : memref<320000x16xf32, #tpu.memory_space<hbm>> -> memref<40x16xf32, #tpu.memory_space<hbm>>
      %dma_start3A_550 = tpu.memref_slice %arg20[%dma_start3A_543] : memref<2x!tpu.dma_semaphore, #tpu.memory_space<semaphore_mem>> -> memref<1x!tpu.dma_semaphore, #tpu.memory_space<semaphore_mem>>
      %dma_start3A_551 = tpu.memref_squeeze %dma_start3A_550 : memref<1x!tpu.dma_semaphore, #tpu.memory_space<semaphore_mem>> -> memref<!tpu.dma_semaphore, #tpu.memory_space<semaphore_mem>>
      %dma_start3A_552 = arith.constant 0 : i32
      %dma_start3A_553 = tpu.memref_slice %arg8[%add3A_541, %dma_start3A_552] : memref<320000x16xf32, #tpu.memory_space<hbm>> -> memref<40x16xf32, #tpu.memory_space<hbm>>
      %dma_start3A_554 = arith.constant 0 : i32
      %dma_start3A_555 = arith.constant 0 : i32
      %dma_start3A_556 = tpu.memref_slice %arg15[%dma_start3A_542, %dma_start3A_554, %dma_start3A_555] : memref<2x40x16xf32, #tpu.memory_space<vmem>> -> memref<1x40x16xf32, #tpu.memory_space<vmem>>
      %dma_start3A_557 = tpu.memref_squeeze %dma_start3A_556 : memref<1x40x16xf32, #tpu.memory_space<vmem>> -> memref<40x16xf32, #tpu.memory_space<vmem>>
      tpu.enqueue_dma source(%dma_start3A_557 : memref<40x16xf32, #tpu.memory_space<vmem>>) target(%dma_start3A_553 : memref<40x16xf32, #tpu.memory_space<hbm>>) target_semaphore(%dma_start3A_551 : memref<!tpu.dma_semaphore, #tpu.memory_space<semaphore_mem>>)
      %add3A_558 = arith.constant 2 : i32
      %add3A_559 = arith.addi %add3A_419, %add3A_558 : i32
      %lt3A_560 = arith.constant 250 : i32
      %lt3A_561 = arith.cmpi slt, %add3A_559, %lt3A_560 : i32
      %convert_element_type3A_562 = arith.extui %lt3A_561 : i1 to i32
      %cond3A_563 = arith.constant 0 : i32
      %cond3A_564 = arith.cmpi ne, %convert_element_type3A_562, %cond3A_563 : i32
      scf.if %cond3A_564 {
        %add3A_565 = arith.constant 2 : i32
        %add3A_566 = arith.addi %add3A_419, %add3A_565 : i32
        %mul3A_567 = arith.constant 40 : i32
        %mul3A_568 = arith.muli %add3A_566, %mul3A_567 : i32
        %add3A_569 = arith.addi %mul3A_25, %mul3A_568 : i32
        %dma_start3A_570 = arith.constant 1 : i32
        %dma_start3A_571 = arith.constant 1 : i32
        %dma_start3A_572 = arith.constant 0 : i32
        %dma_start3A_573 = tpu.memref_slice %arg9[%dma_start3A_570, %dma_start3A_572] : memref<2x40xi32, #tpu.memory_space<vmem>> -> memref<1x40xi32, #tpu.memory_space<vmem>>
        %dma_start3A_574 = tpu.memref_squeeze %dma_start3A_573 : memref<1x40xi32, #tpu.memory_space<vmem>> -> memref<40xi32, #tpu.memory_space<vmem>>
        %dma_start3A_575 = tpu.memref_slice %arg2[%add3A_569] : memref<320000xi32, #tpu.memory_space<hbm>> -> memref<40xi32, #tpu.memory_space<hbm>>
        %dma_start3A_576 = tpu.memref_slice %arg17[%dma_start3A_571] : memref<2x!tpu.dma_semaphore, #tpu.memory_space<semaphore_mem>> -> memref<1x!tpu.dma_semaphore, #tpu.memory_space<semaphore_mem>>
        %dma_start3A_577 = tpu.memref_squeeze %dma_start3A_576 : memref<1x!tpu.dma_semaphore, #tpu.memory_space<semaphore_mem>> -> memref<!tpu.dma_semaphore, #tpu.memory_space<semaphore_mem>>
        %dma_start3A_578 = arith.constant 0 : i32
        %dma_start3A_579 = tpu.memref_slice %arg9[%dma_start3A_570, %dma_start3A_578] : memref<2x40xi32, #tpu.memory_space<vmem>> -> memref<1x40xi32, #tpu.memory_space<vmem>>
        %dma_start3A_580 = tpu.memref_squeeze %dma_start3A_579 : memref<1x40xi32, #tpu.memory_space<vmem>> -> memref<40xi32, #tpu.memory_space<vmem>>
        %dma_start3A_581 = tpu.memref_slice %arg2[%add3A_569] : memref<320000xi32, #tpu.memory_space<hbm>> -> memref<40xi32, #tpu.memory_space<hbm>>
        tpu.enqueue_dma source(%dma_start3A_581 : memref<40xi32, #tpu.memory_space<hbm>>) target(%dma_start3A_580 : memref<40xi32, #tpu.memory_space<vmem>>) target_semaphore(%dma_start3A_577 : memref<!tpu.dma_semaphore, #tpu.memory_space<semaphore_mem>>)
        %dma_start3A_582 = arith.constant 1 : i32
        %dma_start3A_583 = arith.constant 1 : i32
        %dma_start3A_584 = arith.constant 0 : i32
        %dma_start3A_585 = tpu.memref_slice %arg10[%dma_start3A_582, %dma_start3A_584] : memref<2x40xi32, #tpu.memory_space<vmem>> -> memref<1x40xi32, #tpu.memory_space<vmem>>
        %dma_start3A_586 = tpu.memref_squeeze %dma_start3A_585 : memref<1x40xi32, #tpu.memory_space<vmem>> -> memref<40xi32, #tpu.memory_space<vmem>>
        %dma_start3A_587 = tpu.memref_slice %arg3[%add3A_569] : memref<320000xi32, #tpu.memory_space<hbm>> -> memref<40xi32, #tpu.memory_space<hbm>>
        %dma_start3A_588 = tpu.memref_slice %arg17[%dma_start3A_583] : memref<2x!tpu.dma_semaphore, #tpu.memory_space<semaphore_mem>> -> memref<1x!tpu.dma_semaphore, #tpu.memory_space<semaphore_mem>>
        %dma_start3A_589 = tpu.memref_squeeze %dma_start3A_588 : memref<1x!tpu.dma_semaphore, #tpu.memory_space<semaphore_mem>> -> memref<!tpu.dma_semaphore, #tpu.memory_space<semaphore_mem>>
        %dma_start3A_590 = arith.constant 0 : i32
        %dma_start3A_591 = tpu.memref_slice %arg10[%dma_start3A_582, %dma_start3A_590] : memref<2x40xi32, #tpu.memory_space<vmem>> -> memref<1x40xi32, #tpu.memory_space<vmem>>
        %dma_start3A_592 = tpu.memref_squeeze %dma_start3A_591 : memref<1x40xi32, #tpu.memory_space<vmem>> -> memref<40xi32, #tpu.memory_space<vmem>>
        %dma_start3A_593 = tpu.memref_slice %arg3[%add3A_569] : memref<320000xi32, #tpu.memory_space<hbm>> -> memref<40xi32, #tpu.memory_space<hbm>>
        tpu.enqueue_dma source(%dma_start3A_593 : memref<40xi32, #tpu.memory_space<hbm>>) target(%dma_start3A_592 : memref<40xi32, #tpu.memory_space<vmem>>) target_semaphore(%dma_start3A_589 : memref<!tpu.dma_semaphore, #tpu.memory_space<semaphore_mem>>)
        %dma_start3A_594 = arith.constant 1 : i32
        %dma_start3A_595 = arith.constant 1 : i32
        %dma_start3A_596 = arith.constant 0 : i32
        %dma_start3A_597 = tpu.memref_slice %arg11[%dma_start3A_594, %dma_start3A_596] : memref<2x40xi32, #tpu.memory_space<vmem>> -> memref<1x40xi32, #tpu.memory_space<vmem>>
        %dma_start3A_598 = tpu.memref_squeeze %dma_start3A_597 : memref<1x40xi32, #tpu.memory_space<vmem>> -> memref<40xi32, #tpu.memory_space<vmem>>
        %dma_start3A_599 = tpu.memref_slice %arg4[%add3A_569] : memref<320000xi32, #tpu.memory_space<hbm>> -> memref<40xi32, #tpu.memory_space<hbm>>
        %dma_start3A_600 = tpu.memref_slice %arg17[%dma_start3A_595] : memref<2x!tpu.dma_semaphore, #tpu.memory_space<semaphore_mem>> -> memref<1x!tpu.dma_semaphore, #tpu.memory_space<semaphore_mem>>
        %dma_start3A_601 = tpu.memref_squeeze %dma_start3A_600 : memref<1x!tpu.dma_semaphore, #tpu.memory_space<semaphore_mem>> -> memref<!tpu.dma_semaphore, #tpu.memory_space<semaphore_mem>>
        %dma_start3A_602 = arith.constant 0 : i32
        %dma_start3A_603 = tpu.memref_slice %arg11[%dma_start3A_594, %dma_start3A_602] : memref<2x40xi32, #tpu.memory_space<vmem>> -> memref<1x40xi32, #tpu.memory_space<vmem>>
        %dma_start3A_604 = tpu.memref_squeeze %dma_start3A_603 : memref<1x40xi32, #tpu.memory_space<vmem>> -> memref<40xi32, #tpu.memory_space<vmem>>
        %dma_start3A_605 = tpu.memref_slice %arg4[%add3A_569] : memref<320000xi32, #tpu.memory_space<hbm>> -> memref<40xi32, #tpu.memory_space<hbm>>
        tpu.enqueue_dma source(%dma_start3A_605 : memref<40xi32, #tpu.memory_space<hbm>>) target(%dma_start3A_604 : memref<40xi32, #tpu.memory_space<vmem>>) target_semaphore(%dma_start3A_601 : memref<!tpu.dma_semaphore, #tpu.memory_space<semaphore_mem>>)
      } else {
      }
    }
    %scan3A_170 = arith.constant 125 : i32
    %dma_wait3A_171 = arith.constant 1 : i32
    %dma_wait3A_172 = arith.constant 1 : i32
    %dma_wait3A_173 = arith.constant 1 : i32
    %dma_wait3A_174 = arith.constant 0 : i32
    %dma_wait3A_175 = arith.constant 0 : i32
    %dma_wait3A_176 = tpu.memref_slice %arg13[%dma_wait3A_171, %dma_wait3A_174, %dma_wait3A_175] : memref<2x40x128xf32, #tpu.memory_space<vmem>> -> memref<1x40x128xf32, #tpu.memory_space<vmem>>
    %dma_wait3A_177 = tpu.memref_squeeze %dma_wait3A_176 : memref<1x40x128xf32, #tpu.memory_space<vmem>> -> memref<40x128xf32, #tpu.memory_space<vmem>>
    %dma_wait3A_178 = arith.constant 0 : i32
    %dma_wait3A_179 = tpu.memref_slice %arg12[%dma_wait3A_172, %dma_wait3A_178] : memref<2x40xi32, #tpu.memory_space<vmem>> -> memref<1x40xi32, #tpu.memory_space<vmem>>
    %dma_wait3A_180 = tpu.memref_squeeze %dma_wait3A_179 : memref<1x40xi32, #tpu.memory_space<vmem>> -> memref<40xi32, #tpu.memory_space<vmem>>
    %dma_wait3A_181 = arith.constant 0 : i32
    %dma_wait3A_182 = arith.constant 0 : i32
    %dma_wait3A_183 = tpu.memref_slice %arg16[%dma_wait3A_181, %dma_wait3A_182] : memref<10000x128xf32, #tpu.memory_space<vmem_shared>> -> memref<10000x128xf32, #tpu.memory_space<vmem_shared>>
    %dma_wait3A_184 = tpu.memref_slice %arg19[%dma_wait3A_173] : memref<2x!tpu.dma_semaphore, #tpu.memory_space<semaphore_mem>> -> memref<1x!tpu.dma_semaphore, #tpu.memory_space<semaphore_mem>>
    %dma_wait3A_185 = tpu.memref_squeeze %dma_wait3A_184 : memref<1x!tpu.dma_semaphore, #tpu.memory_space<semaphore_mem>> -> memref<!tpu.dma_semaphore, #tpu.memory_space<semaphore_mem>>
    tpu.wait_indirect_dma semaphore(%dma_wait3A_185 : memref<!tpu.dma_semaphore, #tpu.memory_space<semaphore_mem>>) src(%dma_wait3A_177 : memref<40x128xf32, #tpu.memory_space<vmem>>) dst(%dma_wait3A_183 : memref<10000x128xf32, #tpu.memory_space<vmem_shared>>)
    %dma_wait3A_186 = arith.constant 1 : i32
    %dma_wait3A_187 = arith.constant 1 : i32
    %dma_wait3A_188 = arith.constant 0 : i32
    %dma_wait3A_189 = arith.constant 0 : i32
    %dma_wait3A_190 = tpu.memref_slice %arg15[%dma_wait3A_186, %dma_wait3A_188, %dma_wait3A_189] : memref<2x40x16xf32, #tpu.memory_space<vmem>> -> memref<1x40x16xf32, #tpu.memory_space<vmem>>
    %dma_wait3A_191 = tpu.memref_squeeze %dma_wait3A_190 : memref<1x40x16xf32, #tpu.memory_space<vmem>> -> memref<40x16xf32, #tpu.memory_space<vmem>>
    %dma_wait3A_192 = arith.constant 0 : i32
    %dma_wait3A_193 = tpu.memref_slice %arg8[%mul3A_25, %dma_wait3A_192] : memref<320000x16xf32, #tpu.memory_space<hbm>> -> memref<40x16xf32, #tpu.memory_space<hbm>>
    %dma_wait3A_194 = tpu.memref_slice %arg20[%dma_wait3A_187] : memref<2x!tpu.dma_semaphore, #tpu.memory_space<semaphore_mem>> -> memref<1x!tpu.dma_semaphore, #tpu.memory_space<semaphore_mem>>
    %dma_wait3A_195 = tpu.memref_squeeze %dma_wait3A_194 : memref<1x!tpu.dma_semaphore, #tpu.memory_space<semaphore_mem>> -> memref<!tpu.dma_semaphore, #tpu.memory_space<semaphore_mem>>
    %dma_wait3A_196 = arith.constant 0 : i32
    %dma_wait3A_197 = tpu.memref_slice %arg8[%mul3A_25, %dma_wait3A_196] : memref<320000x16xf32, #tpu.memory_space<hbm>> -> memref<40x16xf32, #tpu.memory_space<hbm>>
    %dma_wait3A_198 = arith.constant 0 : i32
    %dma_wait3A_199 = arith.constant 0 : i32
    %dma_wait3A_200 = tpu.memref_slice %arg15[%dma_wait3A_186, %dma_wait3A_198, %dma_wait3A_199] : memref<2x40x16xf32, #tpu.memory_space<vmem>> -> memref<1x40x16xf32, #tpu.memory_space<vmem>>
    %dma_wait3A_201 = tpu.memref_squeeze %dma_wait3A_200 : memref<1x40x16xf32, #tpu.memory_space<vmem>> -> memref<40x16xf32, #tpu.memory_space<vmem>>
    tpu.wait_dma2 semaphore(%dma_wait3A_195 : memref<!tpu.dma_semaphore, #tpu.memory_space<semaphore_mem>>) src(%dma_wait3A_201 : memref<40x16xf32, #tpu.memory_space<vmem>>) dst(%dma_wait3A_197 : memref<40x16xf32, #tpu.memory_space<hbm>>)
    %barrier3A_202 = arith.constant 0 : index
    tpu.barrier barrier_id(%barrier3A_202)
    %sub3A_203 = arith.constant 0 : i32
    %sub3A_204 = arith.subi %select_n3A, %sub3A_203 : i32
    %sub3A_205 = arith.constant 1 : i32
    %sub3A_206 = arith.constant 1 : i32
    %sub3A_207 = arith.subi %sub3A_205, %sub3A_206 : i32
    %add3A_208 = arith.addi %sub3A_204, %sub3A_207 : i32
    %div3A_209 = arith.constant 1 : i32
    %div3A_210 = arith.divsi %add3A_208, %div3A_209 : i32
    %while3A_211 = arith.constant 1 : i32
    %while3A_212 = arith.constant 0 : i32
    %while3A_213 = arith.constant 0 : i32
    %while3A_214 = arith.subi %div3A_210, %while3A_213 : i32
    %while3A_215 = arith.addi %while3A_213, %while3A_214 : i32
    %while3A_216 = arith.constant 1 : i32
    %while3A_217 = arith.divsi %while3A_214, %while3A_216 : i32
    %while3A_218 = arith.muli %while3A_217, %while3A_216 : i32
    %while3A_219 = arith.addi %while3A_213, %while3A_218 : i32
    %while3A_220 = arith.constant 1 : i32
    scf.for %while3A_241 = %while3A_213 to %while3A_219 step %while3A_220  : i32 {
      %mul3A_242 = arith.muli %while3A_241, %while3A_211 : i32
      %add3A_243 = arith.addi %while3A_212, %mul3A_242 : i32
      %mul3A_244 = arith.constant 640 : i32
      %mul3A_245 = arith.muli %arg1, %mul3A_244 : i32
      %mul3A_246 = arith.constant 40 : i32
      %mul3A_247 = arith.muli %add3A_243, %mul3A_246 : i32
      %add3A_248 = arith.addi %mul3A_245, %mul3A_247 : i32
      %dma_start3A_249 = arith.constant 0 : i32
      %dma_start3A_250 = tpu.memref_slice %arg17[%dma_start3A_249] : memref<2x!tpu.dma_semaphore, #tpu.memory_space<semaphore_mem>> -> memref<1x!tpu.dma_semaphore, #tpu.memory_space<semaphore_mem>>
      %dma_start3A_251 = tpu.memref_squeeze %dma_start3A_250 : memref<1x!tpu.dma_semaphore, #tpu.memory_space<semaphore_mem>> -> memref<!tpu.dma_semaphore, #tpu.memory_space<semaphore_mem>>
      %dma_start3A_252 = arith.constant 0 : i32
      %dma_start3A_253 = tpu.memref_slice %arg7[%arg0, %add3A_248, %dma_start3A_252] : memref<2x10000x128xf32, #tpu.memory_space<hbm>> -> memref<1x40x128xf32, #tpu.memory_space<hbm>>
      %dma_start3A_254 = tpu.memref_squeeze %dma_start3A_253 : memref<1x40x128xf32, #tpu.memory_space<hbm>> -> memref<40x128xf32, #tpu.memory_space<hbm>>
      %dma_start3A_255 = arith.constant 0 : i32
      %dma_start3A_256 = tpu.memref_slice %arg16[%add3A_248, %dma_start3A_255] : memref<10000x128xf32, #tpu.memory_space<vmem_shared>> -> memref<40x128xf32, #tpu.memory_space<vmem_shared>>
      tpu.enqueue_dma source(%dma_start3A_256 : memref<40x128xf32, #tpu.memory_space<vmem_shared>>) target(%dma_start3A_254 : memref<40x128xf32, #tpu.memory_space<hbm>>) target_semaphore(%dma_start3A_251 : memref<!tpu.dma_semaphore, #tpu.memory_space<semaphore_mem>>)
    }
    %while3A_221 = arith.constant 1 : i32
    scf.for %while3A_241 = %while3A_219 to %while3A_215 step %while3A_221  : i32 {
      %mul3A_242 = arith.muli %while3A_241, %while3A_211 : i32
      %add3A_243 = arith.addi %while3A_212, %mul3A_242 : i32
      %mul3A_244 = arith.constant 640 : i32
      %mul3A_245 = arith.muli %arg1, %mul3A_244 : i32
      %mul3A_246 = arith.constant 40 : i32
      %mul3A_247 = arith.muli %add3A_243, %mul3A_246 : i32
      %add3A_248 = arith.addi %mul3A_245, %mul3A_247 : i32
      %dma_start3A_249 = arith.constant 0 : i32
      %dma_start3A_250 = tpu.memref_slice %arg17[%dma_start3A_249] : memref<2x!tpu.dma_semaphore, #tpu.memory_space<semaphore_mem>> -> memref<1x!tpu.dma_semaphore, #tpu.memory_space<semaphore_mem>>
      %dma_start3A_251 = tpu.memref_squeeze %dma_start3A_250 : memref<1x!tpu.dma_semaphore, #tpu.memory_space<semaphore_mem>> -> memref<!tpu.dma_semaphore, #tpu.memory_space<semaphore_mem>>
      %dma_start3A_252 = arith.constant 0 : i32
      %dma_start3A_253 = tpu.memref_slice %arg7[%arg0, %add3A_248, %dma_start3A_252] : memref<2x10000x128xf32, #tpu.memory_space<hbm>> -> memref<1x40x128xf32, #tpu.memory_space<hbm>>
      %dma_start3A_254 = tpu.memref_squeeze %dma_start3A_253 : memref<1x40x128xf32, #tpu.memory_space<hbm>> -> memref<40x128xf32, #tpu.memory_space<hbm>>
      %dma_start3A_255 = arith.constant 0 : i32
      %dma_start3A_256 = tpu.memref_slice %arg16[%add3A_248, %dma_start3A_255] : memref<10000x128xf32, #tpu.memory_space<vmem_shared>> -> memref<40x128xf32, #tpu.memory_space<vmem_shared>>
      tpu.enqueue_dma source(%dma_start3A_256 : memref<40x128xf32, #tpu.memory_space<vmem_shared>>) target(%dma_start3A_254 : memref<40x128xf32, #tpu.memory_space<hbm>>) target_semaphore(%dma_start3A_251 : memref<!tpu.dma_semaphore, #tpu.memory_space<semaphore_mem>>)
    }
    %sub3A_222 = arith.constant 0 : i32
    %sub3A_223 = arith.subi %select_n3A, %sub3A_222 : i32
    %sub3A_224 = arith.constant 1 : i32
    %sub3A_225 = arith.constant 1 : i32
    %sub3A_226 = arith.subi %sub3A_224, %sub3A_225 : i32
    %add3A_227 = arith.addi %sub3A_223, %sub3A_226 : i32
    %div3A_228 = arith.constant 1 : i32
    %div3A_229 = arith.divsi %add3A_227, %div3A_228 : i32
    %while3A_230 = arith.constant 1 : i32
    %while3A_231 = arith.constant 0 : i32
    %while3A_232 = arith.constant 0 : i32
    %while3A_233 = arith.subi %div3A_229, %while3A_232 : i32
    %while3A_234 = arith.addi %while3A_232, %while3A_233 : i32
    %while3A_235 = arith.constant 1 : i32
    %while3A_236 = arith.divsi %while3A_233, %while3A_235 : i32
    %while3A_237 = arith.muli %while3A_236, %while3A_235 : i32
    %while3A_238 = arith.addi %while3A_232, %while3A_237 : i32
    %while3A_239 = arith.constant 1 : i32
    scf.for %while3A_241 = %while3A_232 to %while3A_238 step %while3A_239  : i32 {
      %mul3A_242 = arith.muli %while3A_241, %while3A_230 : i32
      %add3A_243 = arith.addi %while3A_231, %mul3A_242 : i32
      %dma_wait3A_244 = arith.constant 0 : i32
      %dma_wait3A_245 = tpu.memref_slice %arg17[%dma_wait3A_244] : memref<2x!tpu.dma_semaphore, #tpu.memory_space<semaphore_mem>> -> memref<1x!tpu.dma_semaphore, #tpu.memory_space<semaphore_mem>>
      %dma_wait3A_246 = tpu.memref_squeeze %dma_wait3A_245 : memref<1x!tpu.dma_semaphore, #tpu.memory_space<semaphore_mem>> -> memref<!tpu.dma_semaphore, #tpu.memory_space<semaphore_mem>>
      %dma_wait3A_247 = arith.constant 0 : i32
      %dma_wait3A_248 = arith.constant 0 : i32
      %dma_wait3A_249 = tpu.memref_slice %arg7[%arg0, %dma_wait3A_247, %dma_wait3A_248] : memref<2x10000x128xf32, #tpu.memory_space<hbm>> -> memref<1x40x128xf32, #tpu.memory_space<hbm>>
      %dma_wait3A_250 = tpu.memref_squeeze %dma_wait3A_249 : memref<1x40x128xf32, #tpu.memory_space<hbm>> -> memref<40x128xf32, #tpu.memory_space<hbm>>
      %dma_wait3A_251 = arith.constant 0 : i32
      %dma_wait3A_252 = arith.constant 0 : i32
      %dma_wait3A_253 = tpu.memref_slice %arg16[%dma_wait3A_251, %dma_wait3A_252] : memref<10000x128xf32, #tpu.memory_space<vmem_shared>> -> memref<40x128xf32, #tpu.memory_space<vmem_shared>>
      tpu.wait_dma2 semaphore(%dma_wait3A_246 : memref<!tpu.dma_semaphore, #tpu.memory_space<semaphore_mem>>) src(%dma_wait3A_253 : memref<40x128xf32, #tpu.memory_space<vmem_shared>>) dst(%dma_wait3A_250 : memref<40x128xf32, #tpu.memory_space<hbm>>)
    }
    %while3A_240 = arith.constant 1 : i32
    scf.for %while3A_241 = %while3A_238 to %while3A_234 step %while3A_240  : i32 {
      %mul3A_242 = arith.muli %while3A_241, %while3A_230 : i32
      %add3A_243 = arith.addi %while3A_231, %mul3A_242 : i32
      %dma_wait3A_244 = arith.constant 0 : i32
      %dma_wait3A_245 = tpu.memref_slice %arg17[%dma_wait3A_244] : memref<2x!tpu.dma_semaphore, #tpu.memory_space<semaphore_mem>> -> memref<1x!tpu.dma_semaphore, #tpu.memory_space<semaphore_mem>>
      %dma_wait3A_246 = tpu.memref_squeeze %dma_wait3A_245 : memref<1x!tpu.dma_semaphore, #tpu.memory_space<semaphore_mem>> -> memref<!tpu.dma_semaphore, #tpu.memory_space<semaphore_mem>>
      %dma_wait3A_247 = arith.constant 0 : i32
      %dma_wait3A_248 = arith.constant 0 : i32
      %dma_wait3A_249 = tpu.memref_slice %arg7[%arg0, %dma_wait3A_247, %dma_wait3A_248] : memref<2x10000x128xf32, #tpu.memory_space<hbm>> -> memref<1x40x128xf32, #tpu.memory_space<hbm>>
      %dma_wait3A_250 = tpu.memref_squeeze %dma_wait3A_249 : memref<1x40x128xf32, #tpu.memory_space<hbm>> -> memref<40x128xf32, #tpu.memory_space<hbm>>
      %dma_wait3A_251 = arith.constant 0 : i32
      %dma_wait3A_252 = arith.constant 0 : i32
      %dma_wait3A_253 = tpu.memref_slice %arg16[%dma_wait3A_251, %dma_wait3A_252] : memref<10000x128xf32, #tpu.memory_space<vmem_shared>> -> memref<40x128xf32, #tpu.memory_space<vmem_shared>>
      tpu.wait_dma2 semaphore(%dma_wait3A_246 : memref<!tpu.dma_semaphore, #tpu.memory_space<semaphore_mem>>) src(%dma_wait3A_253 : memref<40x128xf32, #tpu.memory_space<vmem_shared>>) dst(%dma_wait3A_250 : memref<40x128xf32, #tpu.memory_space<hbm>>)
    }
    return
  }
}

#map = affine_map<(d0, d1) -> (0)>
#map1 = affine_map<(d0, d1) -> (0, 0)>
#map2 = affine_map<(d0, d1) -> (0, 0, 0)>
module attributes {stable_mosaic.version = 14 : i64} {
  func.func @_sc_denom(%arg0: i32, %arg1: i32, %arg2: memref<320000xi32, #tpu.memory_space<hbm>>, %arg3: memref<320000xi32, #tpu.memory_space<hbm>>, %arg4: memref<8x128xf32, #tpu.memory_space<hbm>>, %arg5: memref<2x10000x128xf32, #tpu.memory_space<hbm>>, %arg6: memref<2x40xi32, #tpu.memory_space<vmem>>, %arg7: memref<2x40xi32, #tpu.memory_space<vmem>>, %arg8: memref<2x40xi32, #tpu.memory_space<vmem>>, %arg9: memref<2x40x128xf32, #tpu.memory_space<vmem>>, %arg10: memref<8x128xf32, #tpu.memory_space<vmem>>, %arg11: memref<5x16xf32, #tpu.memory_space<vmem>>, %arg12: memref<10000x128xf32, #tpu.memory_space<vmem_shared>>, %arg13: memref<2x!tpu.dma_semaphore, #tpu.memory_space<semaphore_mem>>, %arg14: memref<2x!tpu.dma_semaphore, #tpu.memory_space<semaphore_mem>>) attributes {dimension_semantics = [#tpu.dimension_semantics<core_parallel>, #tpu.dimension_semantics<subcore_parallel>], iteration_bounds = array<i64: 2, 16>, scalar_prefetch = 0 : i64, scratch_operands = 9 : i64, tpu.core_type = #tpu.core_type<sc_vector_subcore>, window_params = [{transform_indices = #map}, {transform_indices = #map}, {transform_indices = #map1}, {transform_indices = #map2}]} {
    %lt3A = arith.constant 15 : i32
    %lt3A_0 = arith.cmpi slt, %arg1, %lt3A : i32
    %jit3A = arith.constant 16 : i32
    %jit3A_1 = arith.constant 10 : i32
    %select_n3A = arith.select %lt3A_0, %jit3A, %jit3A_1 : i32
    %broadcast_in_dim3A = arith.constant 0.000000e+00 : f32
    %broadcast_in_dim3A_2 = vector.broadcast %broadcast_in_dim3A : f32 to vector<16xf32>
    "tpu.region"() ({
      %run_scoped3A = tpu.sem_alloc : memref<!tpu.dma_semaphore, #tpu.memory_space<semaphore_mem>>
      tpu.enqueue_dma source(%arg4 : memref<8x128xf32, #tpu.memory_space<hbm>>) target(%arg10 : memref<8x128xf32, #tpu.memory_space<vmem>>) target_semaphore(%run_scoped3A : memref<!tpu.dma_semaphore, #tpu.memory_space<semaphore_mem>>)
      tpu.wait_dma2 semaphore(%run_scoped3A : memref<!tpu.dma_semaphore, #tpu.memory_space<semaphore_mem>>) src(%arg4 : memref<8x128xf32, #tpu.memory_space<hbm>>) dst(%arg10 : memref<8x128xf32, #tpu.memory_space<vmem>>)
      tpu.yield
    }) : () -> ()
    %scan3A = arith.constant 0 : i32
    %scan3A_3 = arith.constant 5 : i32
    %scan3A_4 = arith.addi %scan3A, %scan3A_3 : i32
    %scan3A_5 = arith.constant 1 : i32
    scf.for %scan3A_160 = %scan3A to %scan3A_4 step %scan3A_5  : i32 {
      %mul3A_161 = arith.constant 1 : i32
      %mul3A_162 = arith.muli %scan3A_160, %mul3A_161 : i32
      %add3A_163 = arith.constant 0 : i32
      %add3A_164 = arith.addi %add3A_163, %mul3A_162 : i32
      %get3A = arith.index_cast %add3A_164 : i32 to index
      %get3A_165 = arith.constant 0 : index
      %get3A_166 = tpu.vector_load %arg10[%get3A, %get3A_165] {strides = array<i32>} : memref<8x128xf32, #tpu.memory_space<vmem>>, vector<16xf32>,
      %exp3A = math.exp %get3A_166 : vector<16xf32>
      %swap3A = arith.index_cast %add3A_164 : i32 to index
      %swap3A_167 = arith.constant 0 : index
      %swap3A_168 = tpu.vector_load %arg11[%swap3A, %swap3A_167] {strides = array<i32>} : memref<5x16xf32, #tpu.memory_space<vmem>>, vector<16xf32>,
      tpu.vector_store %arg11[%swap3A, %swap3A_167], %exp3A {strides = array<i32>} : memref<5x16xf32, #tpu.memory_space<vmem>>, vector<16xf32>,
    }
    %scan3A_6 = arith.constant 5 : i32
    %scan3A_7 = arith.constant 0 : i32
    %scan3A_8 = arith.constant 40 : i32
    %scan3A_9 = arith.addi %scan3A_7, %scan3A_8 : i32
    %scan3A_10 = arith.constant 1 : i32
    scf.for %scan3A_160 = %scan3A_7 to %scan3A_9 step %scan3A_10  : i32 {
      %mul3A_161 = arith.constant 1 : i32
      %mul3A_162 = arith.muli %scan3A_160, %mul3A_161 : i32
      %add3A_163 = arith.constant 0 : i32
      %add3A_164 = arith.addi %add3A_163, %mul3A_162 : i32
      %swap3A = arith.constant 0 : i32
      %swap3A_165 = arith.index_cast %swap3A : i32 to index
      %swap3A_166 = arith.index_cast %add3A_164 : i32 to index
      %swap3A_167 = arith.constant 0 : index
      %swap3A_168 = tpu.vector_load %arg9[%swap3A_165, %swap3A_166, %swap3A_167] {strides = array<i32>} : memref<2x40x128xf32, #tpu.memory_space<vmem>>, vector<16xf32>,
      tpu.vector_store %arg9[%swap3A_165, %swap3A_166, %swap3A_167], %broadcast_in_dim3A_2 {strides = array<i32>} : memref<2x40x128xf32, #tpu.memory_space<vmem>>, vector<16xf32>,
      %swap3A_169 = arith.constant 0 : i32
      %swap3A_170 = arith.index_cast %swap3A_169 : i32 to index
      %swap3A_171 = arith.index_cast %add3A_164 : i32 to index
      %swap3A_172 = arith.constant 16 : index
      %swap3A_173 = tpu.vector_load %arg9[%swap3A_170, %swap3A_171, %swap3A_172] {strides = array<i32>} : memref<2x40x128xf32, #tpu.memory_space<vmem>>, vector<16xf32>,
      tpu.vector_store %arg9[%swap3A_170, %swap3A_171, %swap3A_172], %broadcast_in_dim3A_2 {strides = array<i32>} : memref<2x40x128xf32, #tpu.memory_space<vmem>>, vector<16xf32>,
      %swap3A_174 = arith.constant 0 : i32
      %swap3A_175 = arith.index_cast %swap3A_174 : i32 to index
      %swap3A_176 = arith.index_cast %add3A_164 : i32 to index
      %swap3A_177 = arith.constant 32 : index
      %swap3A_178 = tpu.vector_load %arg9[%swap3A_175, %swap3A_176, %swap3A_177] {strides = array<i32>} : memref<2x40x128xf32, #tpu.memory_space<vmem>>, vector<16xf32>,
      tpu.vector_store %arg9[%swap3A_175, %swap3A_176, %swap3A_177], %broadcast_in_dim3A_2 {strides = array<i32>} : memref<2x40x128xf32, #tpu.memory_space<vmem>>, vector<16xf32>,
      %swap3A_179 = arith.constant 0 : i32
      %swap3A_180 = arith.index_cast %swap3A_179 : i32 to index
      %swap3A_181 = arith.index_cast %add3A_164 : i32 to index
      %swap3A_182 = arith.constant 48 : index
      %swap3A_183 = tpu.vector_load %arg9[%swap3A_180, %swap3A_181, %swap3A_182] {strides = array<i32>} : memref<2x40x128xf32, #tpu.memory_space<vmem>>, vector<16xf32>,
      tpu.vector_store %arg9[%swap3A_180, %swap3A_181, %swap3A_182], %broadcast_in_dim3A_2 {strides = array<i32>} : memref<2x40x128xf32, #tpu.memory_space<vmem>>, vector<16xf32>,
      %swap3A_184 = arith.constant 0 : i32
      %swap3A_185 = arith.index_cast %swap3A_184 : i32 to index
      %swap3A_186 = arith.index_cast %add3A_164 : i32 to index
      %swap3A_187 = arith.constant 64 : index
      %swap3A_188 = tpu.vector_load %arg9[%swap3A_185, %swap3A_186, %swap3A_187] {strides = array<i32>} : memref<2x40x128xf32, #tpu.memory_space<vmem>>, vector<16xf32>,
      tpu.vector_store %arg9[%swap3A_185, %swap3A_186, %swap3A_187], %broadcast_in_dim3A_2 {strides = array<i32>} : memref<2x40x128xf32, #tpu.memory_space<vmem>>, vector<16xf32>,
      %swap3A_189 = arith.constant 0 : i32
      %swap3A_190 = arith.index_cast %swap3A_189 : i32 to index
      %swap3A_191 = arith.index_cast %add3A_164 : i32 to index
      %swap3A_192 = arith.constant 80 : index
      %swap3A_193 = tpu.vector_load %arg9[%swap3A_190, %swap3A_191, %swap3A_192] {strides = array<i32>} : memref<2x40x128xf32, #tpu.memory_space<vmem>>, vector<16xf32>,
      tpu.vector_store %arg9[%swap3A_190, %swap3A_191, %swap3A_192], %broadcast_in_dim3A_2 {strides = array<i32>} : memref<2x40x128xf32, #tpu.memory_space<vmem>>, vector<16xf32>,
      %swap3A_194 = arith.constant 0 : i32
      %swap3A_195 = arith.index_cast %swap3A_194 : i32 to index
      %swap3A_196 = arith.index_cast %add3A_164 : i32 to index
      %swap3A_197 = arith.constant 96 : index
      %swap3A_198 = tpu.vector_load %arg9[%swap3A_195, %swap3A_196, %swap3A_197] {strides = array<i32>} : memref<2x40x128xf32, #tpu.memory_space<vmem>>, vector<16xf32>,
      tpu.vector_store %arg9[%swap3A_195, %swap3A_196, %swap3A_197], %broadcast_in_dim3A_2 {strides = array<i32>} : memref<2x40x128xf32, #tpu.memory_space<vmem>>, vector<16xf32>,
      %swap3A_199 = arith.constant 0 : i32
      %swap3A_200 = arith.index_cast %swap3A_199 : i32 to index
      %swap3A_201 = arith.index_cast %add3A_164 : i32 to index
      %swap3A_202 = arith.constant 112 : index
      %swap3A_203 = tpu.vector_load %arg9[%swap3A_200, %swap3A_201, %swap3A_202] {strides = array<i32>} : memref<2x40x128xf32, #tpu.memory_space<vmem>>, vector<16xf32>,
      tpu.vector_store %arg9[%swap3A_200, %swap3A_201, %swap3A_202], %broadcast_in_dim3A_2 {strides = array<i32>} : memref<2x40x128xf32, #tpu.memory_space<vmem>>, vector<16xf32>,
    }
    %scan3A_11 = arith.constant 40 : i32
    %scan3A_12 = arith.constant 0 : i32
    %scan3A_13 = arith.constant 40 : i32
    %scan3A_14 = arith.addi %scan3A_12, %scan3A_13 : i32
    %scan3A_15 = arith.constant 1 : i32
    scf.for %scan3A_160 = %scan3A_12 to %scan3A_14 step %scan3A_15  : i32 {
      %mul3A_161 = arith.constant 1 : i32
      %mul3A_162 = arith.muli %scan3A_160, %mul3A_161 : i32
      %add3A_163 = arith.constant 0 : i32
      %add3A_164 = arith.addi %add3A_163, %mul3A_162 : i32
      %swap3A = arith.constant 1 : i32
      %swap3A_165 = arith.index_cast %swap3A : i32 to index
      %swap3A_166 = arith.index_cast %add3A_164 : i32 to index
      %swap3A_167 = arith.constant 0 : index
      %swap3A_168 = tpu.vector_load %arg9[%swap3A_165, %swap3A_166, %swap3A_167] {strides = array<i32>} : memref<2x40x128xf32, #tpu.memory_space<vmem>>, vector<16xf32>,
      tpu.vector_store %arg9[%swap3A_165, %swap3A_166, %swap3A_167], %broadcast_in_dim3A_2 {strides = array<i32>} : memref<2x40x128xf32, #tpu.memory_space<vmem>>, vector<16xf32>,
      %swap3A_169 = arith.constant 1 : i32
      %swap3A_170 = arith.index_cast %swap3A_169 : i32 to index
      %swap3A_171 = arith.index_cast %add3A_164 : i32 to index
      %swap3A_172 = arith.constant 16 : index
      %swap3A_173 = tpu.vector_load %arg9[%swap3A_170, %swap3A_171, %swap3A_172] {strides = array<i32>} : memref<2x40x128xf32, #tpu.memory_space<vmem>>, vector<16xf32>,
      tpu.vector_store %arg9[%swap3A_170, %swap3A_171, %swap3A_172], %broadcast_in_dim3A_2 {strides = array<i32>} : memref<2x40x128xf32, #tpu.memory_space<vmem>>, vector<16xf32>,
      %swap3A_174 = arith.constant 1 : i32
      %swap3A_175 = arith.index_cast %swap3A_174 : i32 to index
      %swap3A_176 = arith.index_cast %add3A_164 : i32 to index
      %swap3A_177 = arith.constant 32 : index
      %swap3A_178 = tpu.vector_load %arg9[%swap3A_175, %swap3A_176, %swap3A_177] {strides = array<i32>} : memref<2x40x128xf32, #tpu.memory_space<vmem>>, vector<16xf32>,
      tpu.vector_store %arg9[%swap3A_175, %swap3A_176, %swap3A_177], %broadcast_in_dim3A_2 {strides = array<i32>} : memref<2x40x128xf32, #tpu.memory_space<vmem>>, vector<16xf32>,
      %swap3A_179 = arith.constant 1 : i32
      %swap3A_180 = arith.index_cast %swap3A_179 : i32 to index
      %swap3A_181 = arith.index_cast %add3A_164 : i32 to index
      %swap3A_182 = arith.constant 48 : index
      %swap3A_183 = tpu.vector_load %arg9[%swap3A_180, %swap3A_181, %swap3A_182] {strides = array<i32>} : memref<2x40x128xf32, #tpu.memory_space<vmem>>, vector<16xf32>,
      tpu.vector_store %arg9[%swap3A_180, %swap3A_181, %swap3A_182], %broadcast_in_dim3A_2 {strides = array<i32>} : memref<2x40x128xf32, #tpu.memory_space<vmem>>, vector<16xf32>,
      %swap3A_184 = arith.constant 1 : i32
      %swap3A_185 = arith.index_cast %swap3A_184 : i32 to index
      %swap3A_186 = arith.index_cast %add3A_164 : i32 to index
      %swap3A_187 = arith.constant 64 : index
      %swap3A_188 = tpu.vector_load %arg9[%swap3A_185, %swap3A_186, %swap3A_187] {strides = array<i32>} : memref<2x40x128xf32, #tpu.memory_space<vmem>>, vector<16xf32>,
      tpu.vector_store %arg9[%swap3A_185, %swap3A_186, %swap3A_187], %broadcast_in_dim3A_2 {strides = array<i32>} : memref<2x40x128xf32, #tpu.memory_space<vmem>>, vector<16xf32>,
      %swap3A_189 = arith.constant 1 : i32
      %swap3A_190 = arith.index_cast %swap3A_189 : i32 to index
      %swap3A_191 = arith.index_cast %add3A_164 : i32 to index
      %swap3A_192 = arith.constant 80 : index
      %swap3A_193 = tpu.vector_load %arg9[%swap3A_190, %swap3A_191, %swap3A_192] {strides = array<i32>} : memref<2x40x128xf32, #tpu.memory_space<vmem>>, vector<16xf32>,
      tpu.vector_store %arg9[%swap3A_190, %swap3A_191, %swap3A_192], %broadcast_in_dim3A_2 {strides = array<i32>} : memref<2x40x128xf32, #tpu.memory_space<vmem>>, vector<16xf32>,
      %swap3A_194 = arith.constant 1 : i32
      %swap3A_195 = arith.index_cast %swap3A_194 : i32 to index
      %swap3A_196 = arith.index_cast %add3A_164 : i32 to index
      %swap3A_197 = arith.constant 96 : index
      %swap3A_198 = tpu.vector_load %arg9[%swap3A_195, %swap3A_196, %swap3A_197] {strides = array<i32>} : memref<2x40x128xf32, #tpu.memory_space<vmem>>, vector<16xf32>,
      tpu.vector_store %arg9[%swap3A_195, %swap3A_196, %swap3A_197], %broadcast_in_dim3A_2 {strides = array<i32>} : memref<2x40x128xf32, #tpu.memory_space<vmem>>, vector<16xf32>,
      %swap3A_199 = arith.constant 1 : i32
      %swap3A_200 = arith.index_cast %swap3A_199 : i32 to index
      %swap3A_201 = arith.index_cast %add3A_164 : i32 to index
      %swap3A_202 = arith.constant 112 : index
      %swap3A_203 = tpu.vector_load %arg9[%swap3A_200, %swap3A_201, %swap3A_202] {strides = array<i32>} : memref<2x40x128xf32, #tpu.memory_space<vmem>>, vector<16xf32>,
      tpu.vector_store %arg9[%swap3A_200, %swap3A_201, %swap3A_202], %broadcast_in_dim3A_2 {strides = array<i32>} : memref<2x40x128xf32, #tpu.memory_space<vmem>>, vector<16xf32>,
    }
    %scan3A_16 = arith.constant 40 : i32
    %sub3A = arith.constant 0 : i32
    %sub3A_17 = arith.subi %select_n3A, %sub3A : i32
    %sub3A_18 = arith.constant 1 : i32
    %sub3A_19 = arith.constant 1 : i32
    %sub3A_20 = arith.subi %sub3A_18, %sub3A_19 : i32
    %add3A = arith.addi %sub3A_17, %sub3A_20 : i32
    %div3A = arith.constant 1 : i32
    %div3A_21 = arith.divsi %add3A, %div3A : i32
    %while3A = arith.constant 1 : i32
    %while3A_22 = arith.constant 0 : i32
    %while3A_23 = arith.constant 0 : i32
    %while3A_24 = arith.subi %div3A_21, %while3A_23 : i32
    %while3A_25 = arith.addi %while3A_23, %while3A_24 : i32
    %while3A_26 = arith.constant 1 : i32
    %while3A_27 = arith.divsi %while3A_24, %while3A_26 : i32
    %while3A_28 = arith.muli %while3A_27, %while3A_26 : i32
    %while3A_29 = arith.addi %while3A_23, %while3A_28 : i32
    %while3A_30 = arith.constant 1 : i32
    scf.for %while3A_160 = %while3A_23 to %while3A_29 step %while3A_30  : i32 {
      %mul3A_161 = arith.muli %while3A_160, %while3A : i32
      %add3A_162 = arith.addi %while3A_22, %mul3A_161 : i32
      %mul3A_163 = arith.constant 640 : i32
      %mul3A_164 = arith.muli %arg1, %mul3A_163 : i32
      %mul3A_165 = arith.constant 40 : i32
      %mul3A_166 = arith.muli %add3A_162, %mul3A_165 : i32
      %add3A_167 = arith.addi %mul3A_164, %mul3A_166 : i32
      %run_scoped3A = arith.constant 0 : i32
      "tpu.region"() ({
        %run_scoped3A_168 = tpu.sem_alloc : memref<!tpu.dma_semaphore, #tpu.memory_space<semaphore_mem>>
        %dma_start3A_169 = arith.constant 0 : i32
        %dma_start3A_170 = arith.constant 0 : i32
        %dma_start3A_171 = tpu.memref_slice %arg9[%run_scoped3A, %dma_start3A_169, %dma_start3A_170] : memref<2x40x128xf32, #tpu.memory_space<vmem>> -> memref<1x40x128xf32, #tpu.memory_space<vmem>>
        %dma_start3A_172 = tpu.memref_squeeze %dma_start3A_171 : memref<1x40x128xf32, #tpu.memory_space<vmem>> -> memref<40x128xf32, #tpu.memory_space<vmem>>
        %dma_start3A_173 = arith.constant 0 : i32
        %dma_start3A_174 = tpu.memref_slice %arg12[%add3A_167, %dma_start3A_173] : memref<10000x128xf32, #tpu.memory_space<vmem_shared>> -> memref<40x128xf32, #tpu.memory_space<vmem_shared>>
        %dma_start3A_175 = arith.constant 0 : i32
        %dma_start3A_176 = tpu.memref_slice %arg12[%add3A_167, %dma_start3A_175] : memref<10000x128xf32, #tpu.memory_space<vmem_shared>> -> memref<40x128xf32, #tpu.memory_space<vmem_shared>>
        %dma_start3A_177 = arith.constant 0 : i32
        %dma_start3A_178 = arith.constant 0 : i32
        %dma_start3A_179 = tpu.memref_slice %arg9[%run_scoped3A, %dma_start3A_177, %dma_start3A_178] : memref<2x40x128xf32, #tpu.memory_space<vmem>> -> memref<1x40x128xf32, #tpu.memory_space<vmem>>
        %dma_start3A_180 = tpu.memref_squeeze %dma_start3A_179 : memref<1x40x128xf32, #tpu.memory_space<vmem>> -> memref<40x128xf32, #tpu.memory_space<vmem>>
        tpu.enqueue_dma source(%dma_start3A_180 : memref<40x128xf32, #tpu.memory_space<vmem>>) target(%dma_start3A_176 : memref<40x128xf32, #tpu.memory_space<vmem_shared>>) target_semaphore(%run_scoped3A_168 : memref<!tpu.dma_semaphore, #tpu.memory_space<semaphore_mem>>)
        %dma_wait3A_181 = arith.constant 0 : i32
        %dma_wait3A_182 = arith.constant 0 : i32
        %dma_wait3A_183 = tpu.memref_slice %arg9[%run_scoped3A, %dma_wait3A_181, %dma_wait3A_182] : memref<2x40x128xf32, #tpu.memory_space<vmem>> -> memref<1x40x128xf32, #tpu.memory_space<vmem>>
        %dma_wait3A_184 = tpu.memref_squeeze %dma_wait3A_183 : memref<1x40x128xf32, #tpu.memory_space<vmem>> -> memref<40x128xf32, #tpu.memory_space<vmem>>
        %dma_wait3A_185 = arith.constant 0 : i32
        %dma_wait3A_186 = tpu.memref_slice %arg12[%add3A_167, %dma_wait3A_185] : memref<10000x128xf32, #tpu.memory_space<vmem_shared>> -> memref<40x128xf32, #tpu.memory_space<vmem_shared>>
        %dma_wait3A_187 = arith.constant 0 : i32
        %dma_wait3A_188 = tpu.memref_slice %arg12[%add3A_167, %dma_wait3A_187] : memref<10000x128xf32, #tpu.memory_space<vmem_shared>> -> memref<40x128xf32, #tpu.memory_space<vmem_shared>>
        %dma_wait3A_189 = arith.constant 0 : i32
        %dma_wait3A_190 = arith.constant 0 : i32
        %dma_wait3A_191 = tpu.memref_slice %arg9[%run_scoped3A, %dma_wait3A_189, %dma_wait3A_190] : memref<2x40x128xf32, #tpu.memory_space<vmem>> -> memref<1x40x128xf32, #tpu.memory_space<vmem>>
        %dma_wait3A_192 = tpu.memref_squeeze %dma_wait3A_191 : memref<1x40x128xf32, #tpu.memory_space<vmem>> -> memref<40x128xf32, #tpu.memory_space<vmem>>
        tpu.wait_dma2 semaphore(%run_scoped3A_168 : memref<!tpu.dma_semaphore, #tpu.memory_space<semaphore_mem>>) src(%dma_wait3A_192 : memref<40x128xf32, #tpu.memory_space<vmem>>) dst(%dma_wait3A_188 : memref<40x128xf32, #tpu.memory_space<vmem_shared>>)
        tpu.yield
      }) : () -> ()
    }
    %while3A_31 = arith.constant 1 : i32
    scf.for %while3A_160 = %while3A_29 to %while3A_25 step %while3A_31  : i32 {
      %mul3A_161 = arith.muli %while3A_160, %while3A : i32
      %add3A_162 = arith.addi %while3A_22, %mul3A_161 : i32
      %mul3A_163 = arith.constant 640 : i32
      %mul3A_164 = arith.muli %arg1, %mul3A_163 : i32
      %mul3A_165 = arith.constant 40 : i32
      %mul3A_166 = arith.muli %add3A_162, %mul3A_165 : i32
      %add3A_167 = arith.addi %mul3A_164, %mul3A_166 : i32
      %run_scoped3A = arith.constant 0 : i32
      "tpu.region"() ({
        %run_scoped3A_168 = tpu.sem_alloc : memref<!tpu.dma_semaphore, #tpu.memory_space<semaphore_mem>>
        %dma_start3A_169 = arith.constant 0 : i32
        %dma_start3A_170 = arith.constant 0 : i32
        %dma_start3A_171 = tpu.memref_slice %arg9[%run_scoped3A, %dma_start3A_169, %dma_start3A_170] : memref<2x40x128xf32, #tpu.memory_space<vmem>> -> memref<1x40x128xf32, #tpu.memory_space<vmem>>
        %dma_start3A_172 = tpu.memref_squeeze %dma_start3A_171 : memref<1x40x128xf32, #tpu.memory_space<vmem>> -> memref<40x128xf32, #tpu.memory_space<vmem>>
        %dma_start3A_173 = arith.constant 0 : i32
        %dma_start3A_174 = tpu.memref_slice %arg12[%add3A_167, %dma_start3A_173] : memref<10000x128xf32, #tpu.memory_space<vmem_shared>> -> memref<40x128xf32, #tpu.memory_space<vmem_shared>>
        %dma_start3A_175 = arith.constant 0 : i32
        %dma_start3A_176 = tpu.memref_slice %arg12[%add3A_167, %dma_start3A_175] : memref<10000x128xf32, #tpu.memory_space<vmem_shared>> -> memref<40x128xf32, #tpu.memory_space<vmem_shared>>
        %dma_start3A_177 = arith.constant 0 : i32
        %dma_start3A_178 = arith.constant 0 : i32
        %dma_start3A_179 = tpu.memref_slice %arg9[%run_scoped3A, %dma_start3A_177, %dma_start3A_178] : memref<2x40x128xf32, #tpu.memory_space<vmem>> -> memref<1x40x128xf32, #tpu.memory_space<vmem>>
        %dma_start3A_180 = tpu.memref_squeeze %dma_start3A_179 : memref<1x40x128xf32, #tpu.memory_space<vmem>> -> memref<40x128xf32, #tpu.memory_space<vmem>>
        tpu.enqueue_dma source(%dma_start3A_180 : memref<40x128xf32, #tpu.memory_space<vmem>>) target(%dma_start3A_176 : memref<40x128xf32, #tpu.memory_space<vmem_shared>>) target_semaphore(%run_scoped3A_168 : memref<!tpu.dma_semaphore, #tpu.memory_space<semaphore_mem>>)
        %dma_wait3A_181 = arith.constant 0 : i32
        %dma_wait3A_182 = arith.constant 0 : i32
        %dma_wait3A_183 = tpu.memref_slice %arg9[%run_scoped3A, %dma_wait3A_181, %dma_wait3A_182] : memref<2x40x128xf32, #tpu.memory_space<vmem>> -> memref<1x40x128xf32, #tpu.memory_space<vmem>>
        %dma_wait3A_184 = tpu.memref_squeeze %dma_wait3A_183 : memref<1x40x128xf32, #tpu.memory_space<vmem>> -> memref<40x128xf32, #tpu.memory_space<vmem>>
        %dma_wait3A_185 = arith.constant 0 : i32
        %dma_wait3A_186 = tpu.memref_slice %arg12[%add3A_167, %dma_wait3A_185] : memref<10000x128xf32, #tpu.memory_space<vmem_shared>> -> memref<40x128xf32, #tpu.memory_space<vmem_shared>>
        %dma_wait3A_187 = arith.constant 0 : i32
        %dma_wait3A_188 = tpu.memref_slice %arg12[%add3A_167, %dma_wait3A_187] : memref<10000x128xf32, #tpu.memory_space<vmem_shared>> -> memref<40x128xf32, #tpu.memory_space<vmem_shared>>
        %dma_wait3A_189 = arith.constant 0 : i32
        %dma_wait3A_190 = arith.constant 0 : i32
        %dma_wait3A_191 = tpu.memref_slice %arg9[%run_scoped3A, %dma_wait3A_189, %dma_wait3A_190] : memref<2x40x128xf32, #tpu.memory_space<vmem>> -> memref<1x40x128xf32, #tpu.memory_space<vmem>>
        %dma_wait3A_192 = tpu.memref_squeeze %dma_wait3A_191 : memref<1x40x128xf32, #tpu.memory_space<vmem>> -> memref<40x128xf32, #tpu.memory_space<vmem>>
        tpu.wait_dma2 semaphore(%run_scoped3A_168 : memref<!tpu.dma_semaphore, #tpu.memory_space<semaphore_mem>>) src(%dma_wait3A_192 : memref<40x128xf32, #tpu.memory_space<vmem>>) dst(%dma_wait3A_188 : memref<40x128xf32, #tpu.memory_space<vmem_shared>>)
        tpu.yield
      }) : () -> ()
    }
    %barrier3A = arith.constant 0 : index
    tpu.barrier barrier_id(%barrier3A)
    %mul3A = arith.constant 16 : i32
    %mul3A_32 = arith.muli %arg0, %mul3A : i32
    %add3A_33 = arith.addi %mul3A_32, %arg1 : i32
    %mul3A_34 = arith.constant 10000 : i32
    %mul3A_35 = arith.muli %add3A_33, %mul3A_34 : i32
    %add3A_36 = arith.constant 0 : i32
    %add3A_37 = arith.addi %mul3A_35, %add3A_36 : i32
    %dma_start3A = arith.constant 0 : i32
    %dma_start3A_38 = arith.constant 0 : i32
    %dma_start3A_39 = arith.constant 0 : i32
    %dma_start3A_40 = tpu.memref_slice %arg6[%dma_start3A, %dma_start3A_39] : memref<2x40xi32, #tpu.memory_space<vmem>> -> memref<1x40xi32, #tpu.memory_space<vmem>>
    %dma_start3A_41 = tpu.memref_squeeze %dma_start3A_40 : memref<1x40xi32, #tpu.memory_space<vmem>> -> memref<40xi32, #tpu.memory_space<vmem>>
    %dma_start3A_42 = tpu.memref_slice %arg3[%add3A_37] : memref<320000xi32, #tpu.memory_space<hbm>> -> memref<40xi32, #tpu.memory_space<hbm>>
    %dma_start3A_43 = tpu.memref_slice %arg13[%dma_start3A_38] : memref<2x!tpu.dma_semaphore, #tpu.memory_space<semaphore_mem>> -> memref<1x!tpu.dma_semaphore, #tpu.memory_space<semaphore_mem>>
    %dma_start3A_44 = tpu.memref_squeeze %dma_start3A_43 : memref<1x!tpu.dma_semaphore, #tpu.memory_space<semaphore_mem>> -> memref<!tpu.dma_semaphore, #tpu.memory_space<semaphore_mem>>
    %dma_start3A_45 = arith.constant 0 : i32
    %dma_start3A_46 = tpu.memref_slice %arg6[%dma_start3A, %dma_start3A_45] : memref<2x40xi32, #tpu.memory_space<vmem>> -> memref<1x40xi32, #tpu.memory_space<vmem>>
    %dma_start3A_47 = tpu.memref_squeeze %dma_start3A_46 : memref<1x40xi32, #tpu.memory_space<vmem>> -> memref<40xi32, #tpu.memory_space<vmem>>
    %dma_start3A_48 = tpu.memref_slice %arg3[%add3A_37] : memref<320000xi32, #tpu.memory_space<hbm>> -> memref<40xi32, #tpu.memory_space<hbm>>
    tpu.enqueue_dma source(%dma_start3A_48 : memref<40xi32, #tpu.memory_space<hbm>>) target(%dma_start3A_47 : memref<40xi32, #tpu.memory_space<vmem>>) target_semaphore(%dma_start3A_44 : memref<!tpu.dma_semaphore, #tpu.memory_space<semaphore_mem>>)
    %dma_start3A_49 = arith.constant 0 : i32
    %dma_start3A_50 = arith.constant 0 : i32
    %dma_start3A_51 = arith.constant 0 : i32
    %dma_start3A_52 = tpu.memref_slice %arg7[%dma_start3A_49, %dma_start3A_51] : memref<2x40xi32, #tpu.memory_space<vmem>> -> memref<1x40xi32, #tpu.memory_space<vmem>>
    %dma_start3A_53 = tpu.memref_squeeze %dma_start3A_52 : memref<1x40xi32, #tpu.memory_space<vmem>> -> memref<40xi32, #tpu.memory_space<vmem>>
    %dma_start3A_54 = tpu.memref_slice %arg2[%add3A_37] : memref<320000xi32, #tpu.memory_space<hbm>> -> memref<40xi32, #tpu.memory_space<hbm>>
    %dma_start3A_55 = tpu.memref_slice %arg13[%dma_start3A_50] : memref<2x!tpu.dma_semaphore, #tpu.memory_space<semaphore_mem>> -> memref<1x!tpu.dma_semaphore, #tpu.memory_space<semaphore_mem>>
    %dma_start3A_56 = tpu.memref_squeeze %dma_start3A_55 : memref<1x!tpu.dma_semaphore, #tpu.memory_space<semaphore_mem>> -> memref<!tpu.dma_semaphore, #tpu.memory_space<semaphore_mem>>
    %dma_start3A_57 = arith.constant 0 : i32
    %dma_start3A_58 = tpu.memref_slice %arg7[%dma_start3A_49, %dma_start3A_57] : memref<2x40xi32, #tpu.memory_space<vmem>> -> memref<1x40xi32, #tpu.memory_space<vmem>>
    %dma_start3A_59 = tpu.memref_squeeze %dma_start3A_58 : memref<1x40xi32, #tpu.memory_space<vmem>> -> memref<40xi32, #tpu.memory_space<vmem>>
    %dma_start3A_60 = tpu.memref_slice %arg2[%add3A_37] : memref<320000xi32, #tpu.memory_space<hbm>> -> memref<40xi32, #tpu.memory_space<hbm>>
    tpu.enqueue_dma source(%dma_start3A_60 : memref<40xi32, #tpu.memory_space<hbm>>) target(%dma_start3A_59 : memref<40xi32, #tpu.memory_space<vmem>>) target_semaphore(%dma_start3A_56 : memref<!tpu.dma_semaphore, #tpu.memory_space<semaphore_mem>>)
    %add3A_61 = arith.constant 40 : i32
    %add3A_62 = arith.addi %mul3A_35, %add3A_61 : i32
    %dma_start3A_63 = arith.constant 1 : i32
    %dma_start3A_64 = arith.constant 1 : i32
    %dma_start3A_65 = arith.constant 0 : i32
    %dma_start3A_66 = tpu.memref_slice %arg6[%dma_start3A_63, %dma_start3A_65] : memref<2x40xi32, #tpu.memory_space<vmem>> -> memref<1x40xi32, #tpu.memory_space<vmem>>
    %dma_start3A_67 = tpu.memref_squeeze %dma_start3A_66 : memref<1x40xi32, #tpu.memory_space<vmem>> -> memref<40xi32, #tpu.memory_space<vmem>>
    %dma_start3A_68 = tpu.memref_slice %arg3[%add3A_62] : memref<320000xi32, #tpu.memory_space<hbm>> -> memref<40xi32, #tpu.memory_space<hbm>>
    %dma_start3A_69 = tpu.memref_slice %arg13[%dma_start3A_64] : memref<2x!tpu.dma_semaphore, #tpu.memory_space<semaphore_mem>> -> memref<1x!tpu.dma_semaphore, #tpu.memory_space<semaphore_mem>>
    %dma_start3A_70 = tpu.memref_squeeze %dma_start3A_69 : memref<1x!tpu.dma_semaphore, #tpu.memory_space<semaphore_mem>> -> memref<!tpu.dma_semaphore, #tpu.memory_space<semaphore_mem>>
    %dma_start3A_71 = arith.constant 0 : i32
    %dma_start3A_72 = tpu.memref_slice %arg6[%dma_start3A_63, %dma_start3A_71] : memref<2x40xi32, #tpu.memory_space<vmem>> -> memref<1x40xi32, #tpu.memory_space<vmem>>
    %dma_start3A_73 = tpu.memref_squeeze %dma_start3A_72 : memref<1x40xi32, #tpu.memory_space<vmem>> -> memref<40xi32, #tpu.memory_space<vmem>>
    %dma_start3A_74 = tpu.memref_slice %arg3[%add3A_62] : memref<320000xi32, #tpu.memory_space<hbm>> -> memref<40xi32, #tpu.memory_space<hbm>>
    tpu.enqueue_dma source(%dma_start3A_74 : memref<40xi32, #tpu.memory_space<hbm>>) target(%dma_start3A_73 : memref<40xi32, #tpu.memory_space<vmem>>) target_semaphore(%dma_start3A_70 : memref<!tpu.dma_semaphore, #tpu.memory_space<semaphore_mem>>)
    %dma_start3A_75 = arith.constant 1 : i32
    %dma_start3A_76 = arith.constant 1 : i32
    %dma_start3A_77 = arith.constant 0 : i32
    %dma_start3A_78 = tpu.memref_slice %arg7[%dma_start3A_75, %dma_start3A_77] : memref<2x40xi32, #tpu.memory_space<vmem>> -> memref<1x40xi32, #tpu.memory_space<vmem>>
    %dma_start3A_79 = tpu.memref_squeeze %dma_start3A_78 : memref<1x40xi32, #tpu.memory_space<vmem>> -> memref<40xi32, #tpu.memory_space<vmem>>
    %dma_start3A_80 = tpu.memref_slice %arg2[%add3A_62] : memref<320000xi32, #tpu.memory_space<hbm>> -> memref<40xi32, #tpu.memory_space<hbm>>
    %dma_start3A_81 = tpu.memref_slice %arg13[%dma_start3A_76] : memref<2x!tpu.dma_semaphore, #tpu.memory_space<semaphore_mem>> -> memref<1x!tpu.dma_semaphore, #tpu.memory_space<semaphore_mem>>
    %dma_start3A_82 = tpu.memref_squeeze %dma_start3A_81 : memref<1x!tpu.dma_semaphore, #tpu.memory_space<semaphore_mem>> -> memref<!tpu.dma_semaphore, #tpu.memory_space<semaphore_mem>>
    %dma_start3A_83 = arith.constant 0 : i32
    %dma_start3A_84 = tpu.memref_slice %arg7[%dma_start3A_75, %dma_start3A_83] : memref<2x40xi32, #tpu.memory_space<vmem>> -> memref<1x40xi32, #tpu.memory_space<vmem>>
    %dma_start3A_85 = tpu.memref_squeeze %dma_start3A_84 : memref<1x40xi32, #tpu.memory_space<vmem>> -> memref<40xi32, #tpu.memory_space<vmem>>
    %dma_start3A_86 = tpu.memref_slice %arg2[%add3A_62] : memref<320000xi32, #tpu.memory_space<hbm>> -> memref<40xi32, #tpu.memory_space<hbm>>
    tpu.enqueue_dma source(%dma_start3A_86 : memref<40xi32, #tpu.memory_space<hbm>>) target(%dma_start3A_85 : memref<40xi32, #tpu.memory_space<vmem>>) target_semaphore(%dma_start3A_82 : memref<!tpu.dma_semaphore, #tpu.memory_space<semaphore_mem>>)
    %scan3A_87 = arith.constant 0 : i32
    %scan3A_88 = arith.constant 125 : i32
    %scan3A_89 = arith.addi %scan3A_87, %scan3A_88 : i32
    %scan3A_90 = arith.constant 1 : i32
    scf.for %scan3A_160 = %scan3A_87 to %scan3A_89 step %scan3A_90  : i32 {
      %mul3A_161 = arith.constant 1 : i32
      %mul3A_162 = arith.muli %scan3A_160, %mul3A_161 : i32
      %add3A_163 = arith.constant 0 : i32
      %add3A_164 = arith.addi %add3A_163, %mul3A_162 : i32
      %mul3A_165 = arith.constant 2 : i32
      %mul3A_166 = arith.muli %mul3A_165, %add3A_164 : i32
      %add3A_167 = arith.constant 0 : i32
      %add3A_168 = arith.addi %mul3A_166, %add3A_167 : i32
      %dma_wait3A_169 = arith.constant 0 : i32
      %dma_wait3A_170 = arith.constant 0 : i32
      %dma_wait3A_171 = arith.constant 0 : i32
      %dma_wait3A_172 = tpu.memref_slice %arg6[%dma_wait3A_169, %dma_wait3A_171] : memref<2x40xi32, #tpu.memory_space<vmem>> -> memref<1x40xi32, #tpu.memory_space<vmem>>
      %dma_wait3A_173 = tpu.memref_squeeze %dma_wait3A_172 : memref<1x40xi32, #tpu.memory_space<vmem>> -> memref<40xi32, #tpu.memory_space<vmem>>
      %dma_wait3A_174 = tpu.memref_slice %arg3[%mul3A_35] : memref<320000xi32, #tpu.memory_space<hbm>> -> memref<40xi32, #tpu.memory_space<hbm>>
      %dma_wait3A_175 = tpu.memref_slice %arg13[%dma_wait3A_170] : memref<2x!tpu.dma_semaphore, #tpu.memory_space<semaphore_mem>> -> memref<1x!tpu.dma_semaphore, #tpu.memory_space<semaphore_mem>>
      %dma_wait3A_176 = tpu.memref_squeeze %dma_wait3A_175 : memref<1x!tpu.dma_semaphore, #tpu.memory_space<semaphore_mem>> -> memref<!tpu.dma_semaphore, #tpu.memory_space<semaphore_mem>>
      %dma_wait3A_177 = arith.constant 0 : i32
      %dma_wait3A_178 = tpu.memref_slice %arg6[%dma_wait3A_169, %dma_wait3A_177] : memref<2x40xi32, #tpu.memory_space<vmem>> -> memref<1x40xi32, #tpu.memory_space<vmem>>
      %dma_wait3A_179 = tpu.memref_squeeze %dma_wait3A_178 : memref<1x40xi32, #tpu.memory_space<vmem>> -> memref<40xi32, #tpu.memory_space<vmem>>
      %dma_wait3A_180 = tpu.memref_slice %arg3[%mul3A_35] : memref<320000xi32, #tpu.memory_space<hbm>> -> memref<40xi32, #tpu.memory_space<hbm>>
      tpu.wait_dma2 semaphore(%dma_wait3A_176 : memref<!tpu.dma_semaphore, #tpu.memory_space<semaphore_mem>>) src(%dma_wait3A_180 : memref<40xi32, #tpu.memory_space<hbm>>) dst(%dma_wait3A_179 : memref<40xi32, #tpu.memory_space<vmem>>)
      %dma_wait3A_181 = arith.constant 0 : i32
      %dma_wait3A_182 = arith.constant 0 : i32
      %dma_wait3A_183 = arith.constant 0 : i32
      %dma_wait3A_184 = tpu.memref_slice %arg7[%dma_wait3A_181, %dma_wait3A_183] : memref<2x40xi32, #tpu.memory_space<vmem>> -> memref<1x40xi32, #tpu.memory_space<vmem>>
      %dma_wait3A_185 = tpu.memref_squeeze %dma_wait3A_184 : memref<1x40xi32, #tpu.memory_space<vmem>> -> memref<40xi32, #tpu.memory_space<vmem>>
      %dma_wait3A_186 = tpu.memref_slice %arg2[%mul3A_35] : memref<320000xi32, #tpu.memory_space<hbm>> -> memref<40xi32, #tpu.memory_space<hbm>>
      %dma_wait3A_187 = tpu.memref_slice %arg13[%dma_wait3A_182] : memref<2x!tpu.dma_semaphore, #tpu.memory_space<semaphore_mem>> -> memref<1x!tpu.dma_semaphore, #tpu.memory_space<semaphore_mem>>
      %dma_wait3A_188 = tpu.memref_squeeze %dma_wait3A_187 : memref<1x!tpu.dma_semaphore, #tpu.memory_space<semaphore_mem>> -> memref<!tpu.dma_semaphore, #tpu.memory_space<semaphore_mem>>
      %dma_wait3A_189 = arith.constant 0 : i32
      %dma_wait3A_190 = tpu.memref_slice %arg7[%dma_wait3A_181, %dma_wait3A_189] : memref<2x40xi32, #tpu.memory_space<vmem>> -> memref<1x40xi32, #tpu.memory_space<vmem>>
      %dma_wait3A_191 = tpu.memref_squeeze %dma_wait3A_190 : memref<1x40xi32, #tpu.memory_space<vmem>> -> memref<40xi32, #tpu.memory_space<vmem>>
      %dma_wait3A_192 = tpu.memref_slice %arg2[%mul3A_35] : memref<320000xi32, #tpu.memory_space<hbm>> -> memref<40xi32, #tpu.memory_space<hbm>>
      tpu.wait_dma2 semaphore(%dma_wait3A_188 : memref<!tpu.dma_semaphore, #tpu.memory_space<semaphore_mem>>) src(%dma_wait3A_192 : memref<40xi32, #tpu.memory_space<hbm>>) dst(%dma_wait3A_191 : memref<40xi32, #tpu.memory_space<vmem>>)
      %gt3A = arith.constant 0 : i32
      %gt3A_193 = arith.cmpi sgt, %add3A_164, %gt3A : i32
      %convert_element_type3A = arith.extui %gt3A_193 : i1 to i32
      %cond3A = arith.constant 0 : i32
      %cond3A_194 = arith.cmpi ne, %convert_element_type3A, %cond3A : i32
      scf.if %cond3A_194 {
        %dma_wait3A_1396 = arith.constant 0 : i32
        %dma_wait3A_1397 = arith.constant 0 : i32
        %dma_wait3A_1398 = arith.constant 0 : i32
        %dma_wait3A_1399 = arith.constant 0 : i32
        %dma_wait3A_1400 = arith.constant 0 : i32
        %dma_wait3A_1401 = tpu.memref_slice %arg9[%dma_wait3A_1396, %dma_wait3A_1399, %dma_wait3A_1400] : memref<2x40x128xf32, #tpu.memory_space<vmem>> -> memref<1x40x128xf32, #tpu.memory_space<vmem>>
        %dma_wait3A_1402 = tpu.memref_squeeze %dma_wait3A_1401 : memref<1x40x128xf32, #tpu.memory_space<vmem>> -> memref<40x128xf32, #tpu.memory_space<vmem>>
        %dma_wait3A_1403 = arith.constant 0 : i32
        %dma_wait3A_1404 = tpu.memref_slice %arg8[%dma_wait3A_1397, %dma_wait3A_1403] : memref<2x40xi32, #tpu.memory_space<vmem>> -> memref<1x40xi32, #tpu.memory_space<vmem>>
        %dma_wait3A_1405 = tpu.memref_squeeze %dma_wait3A_1404 : memref<1x40xi32, #tpu.memory_space<vmem>> -> memref<40xi32, #tpu.memory_space<vmem>>
        %dma_wait3A_1406 = arith.constant 0 : i32
        %dma_wait3A_1407 = arith.constant 0 : i32
        %dma_wait3A_1408 = tpu.memref_slice %arg12[%dma_wait3A_1406, %dma_wait3A_1407] : memref<10000x128xf32, #tpu.memory_space<vmem_shared>> -> memref<10000x128xf32, #tpu.memory_space<vmem_shared>>
        %dma_wait3A_1409 = tpu.memref_slice %arg14[%dma_wait3A_1398] : memref<2x!tpu.dma_semaphore, #tpu.memory_space<semaphore_mem>> -> memref<1x!tpu.dma_semaphore, #tpu.memory_space<semaphore_mem>>
        %dma_wait3A_1410 = tpu.memref_squeeze %dma_wait3A_1409 : memref<1x!tpu.dma_semaphore, #tpu.memory_space<semaphore_mem>> -> memref<!tpu.dma_semaphore, #tpu.memory_space<semaphore_mem>>
        tpu.wait_indirect_dma semaphore(%dma_wait3A_1410 : memref<!tpu.dma_semaphore, #tpu.memory_space<semaphore_mem>>) src(%dma_wait3A_1402 : memref<40x128xf32, #tpu.memory_space<vmem>>) dst(%dma_wait3A_1408 : memref<10000x128xf32, #tpu.memory_space<vmem_shared>>)
      } else {
      }
      %get3A = arith.constant 0 : i32
      %get3A_195 = arith.index_cast %get3A : i32 to index
      %get3A_196 = arith.constant 0 : index
      %get3A_197 = tpu.vector_load %arg7[%get3A_195, %get3A_196] {strides = array<i32>} : memref<2x40xi32, #tpu.memory_space<vmem>>, vector<16xi32>,
      %swap3A = arith.constant 0 : i32
      %swap3A_198 = arith.index_cast %swap3A : i32 to index
      %swap3A_199 = arith.constant 0 : index
      %swap3A_200 = tpu.vector_load %arg8[%swap3A_198, %swap3A_199] {strides = array<i32>} : memref<2x40xi32, #tpu.memory_space<vmem>>, vector<16xi32>,
      tpu.vector_store %arg8[%swap3A_198, %swap3A_199], %get3A_197 {strides = array<i32>} : memref<2x40xi32, #tpu.memory_space<vmem>>, vector<16xi32>,
      %get3A_201 = arith.constant 0 : i32
      %get3A_202 = arith.index_cast %get3A_201 : i32 to index
      %get3A_203 = arith.constant 16 : index
      %get3A_204 = tpu.vector_load %arg7[%get3A_202, %get3A_203] {strides = array<i32>} : memref<2x40xi32, #tpu.memory_space<vmem>>, vector<16xi32>,
      %swap3A_205 = arith.constant 0 : i32
      %swap3A_206 = arith.index_cast %swap3A_205 : i32 to index
      %swap3A_207 = arith.constant 16 : index
      %swap3A_208 = tpu.vector_load %arg8[%swap3A_206, %swap3A_207] {strides = array<i32>} : memref<2x40xi32, #tpu.memory_space<vmem>>, vector<16xi32>,
      tpu.vector_store %arg8[%swap3A_206, %swap3A_207], %get3A_204 {strides = array<i32>} : memref<2x40xi32, #tpu.memory_space<vmem>>, vector<16xi32>,
      %get3A_209 = arith.constant 0 : i32
      %get3A_210 = arith.index_cast %get3A_209 : i32 to index
      %get3A_211 = arith.constant 24 : index
      %get3A_212 = tpu.vector_load %arg7[%get3A_210, %get3A_211] {strides = array<i32>} : memref<2x40xi32, #tpu.memory_space<vmem>>, vector<16xi32>,
      %swap3A_213 = arith.constant 0 : i32
      %swap3A_214 = arith.index_cast %swap3A_213 : i32 to index
      %swap3A_215 = arith.constant 24 : index
      %swap3A_216 = tpu.vector_load %arg8[%swap3A_214, %swap3A_215] {strides = array<i32>} : memref<2x40xi32, #tpu.memory_space<vmem>>, vector<16xi32>,
      tpu.vector_store %arg8[%swap3A_214, %swap3A_215], %get3A_212 {strides = array<i32>} : memref<2x40xi32, #tpu.memory_space<vmem>>, vector<16xi32>,
      %get3A_217 = arith.constant 0 : i32
      %get3A_218 = arith.index_cast %get3A_217 : i32 to index
      %get3A_219 = arith.constant 0 : index
      %get3A_220 = tpu.vector_load %arg6[%get3A_218, %get3A_219] {strides = array<i32>} : memref<2x40xi32, #tpu.memory_space<vmem>>, vector<16xi32>,
      %slice3A = vector.extract_strided_slice %get3A_220 {offsets = [0], sizes = [1], strides = [1]} : vector<16xi32> to vector<1xi32>
      %squeeze3A = vector.extract %slice3A[0] : i32 from vector<1xi32>
      %get3A_221 = arith.index_cast %squeeze3A : i32 to index
      %get3A_222 = arith.constant 0 : index
      %get3A_223 = tpu.vector_load %arg11[%get3A_221, %get3A_222] {strides = array<i32>} : memref<5x16xf32, #tpu.memory_space<vmem>>, vector<16xf32>,
      %swap3A_224 = arith.constant 0 : i32
      %swap3A_225 = arith.constant 0 : i32
      %swap3A_226 = arith.index_cast %swap3A_224 : i32 to index
      %swap3A_227 = arith.index_cast %swap3A_225 : i32 to index
      %swap3A_228 = arith.constant 0 : index
      %swap3A_229 = tpu.vector_load %arg9[%swap3A_226, %swap3A_227, %swap3A_228] {strides = array<i32>} : memref<2x40x128xf32, #tpu.memory_space<vmem>>, vector<16xf32>,
      tpu.vector_store %arg9[%swap3A_226, %swap3A_227, %swap3A_228], %get3A_223 {strides = array<i32>} : memref<2x40x128xf32, #tpu.memory_space<vmem>>, vector<16xf32>,
      %slice3A_230 = vector.extract_strided_slice %get3A_220 {offsets = [1], sizes = [1], strides = [1]} : vector<16xi32> to vector<1xi32>
      %squeeze3A_231 = vector.extract %slice3A_230[0] : i32 from vector<1xi32>
      %get3A_232 = arith.index_cast %squeeze3A_231 : i32 to index
      %get3A_233 = arith.constant 0 : index
      %get3A_234 = tpu.vector_load %arg11[%get3A_232, %get3A_233] {strides = array<i32>} : memref<5x16xf32, #tpu.memory_space<vmem>>, vector<16xf32>,
      %swap3A_235 = arith.constant 0 : i32
      %swap3A_236 = arith.constant 1 : i32
      %swap3A_237 = arith.index_cast %swap3A_235 : i32 to index
      %swap3A_238 = arith.index_cast %swap3A_236 : i32 to index
      %swap3A_239 = arith.constant 0 : index
      %swap3A_240 = tpu.vector_load %arg9[%swap3A_237, %swap3A_238, %swap3A_239] {strides = array<i32>} : memref<2x40x128xf32, #tpu.memory_space<vmem>>, vector<16xf32>,
      tpu.vector_store %arg9[%swap3A_237, %swap3A_238, %swap3A_239], %get3A_234 {strides = array<i32>} : memref<2x40x128xf32, #tpu.memory_space<vmem>>, vector<16xf32>,
      %slice3A_241 = vector.extract_strided_slice %get3A_220 {offsets = [2], sizes = [1], strides = [1]} : vector<16xi32> to vector<1xi32>
      %squeeze3A_242 = vector.extract %slice3A_241[0] : i32 from vector<1xi32>
      %get3A_243 = arith.index_cast %squeeze3A_242 : i32 to index
      %get3A_244 = arith.constant 0 : index
      %get3A_245 = tpu.vector_load %arg11[%get3A_243, %get3A_244] {strides = array<i32>} : memref<5x16xf32, #tpu.memory_space<vmem>>, vector<16xf32>,
      %swap3A_246 = arith.constant 0 : i32
      %swap3A_247 = arith.constant 2 : i32
      %swap3A_248 = arith.index_cast %swap3A_246 : i32 to index
      %swap3A_249 = arith.index_cast %swap3A_247 : i32 to index
      %swap3A_250 = arith.constant 0 : index
      %swap3A_251 = tpu.vector_load %arg9[%swap3A_248, %swap3A_249, %swap3A_250] {strides = array<i32>} : memref<2x40x128xf32, #tpu.memory_space<vmem>>, vector<16xf32>,
      tpu.vector_store %arg9[%swap3A_248, %swap3A_249, %swap3A_250], %get3A_245 {strides = array<i32>} : memref<2x40x128xf32, #tpu.memory_space<vmem>>, vector<16xf32>,
      %slice3A_252 = vector.extract_strided_slice %get3A_220 {offsets = [3], sizes = [1], strides = [1]} : vector<16xi32> to vector<1xi32>
      %squeeze3A_253 = vector.extract %slice3A_252[0] : i32 from vector<1xi32>
      %get3A_254 = arith.index_cast %squeeze3A_253 : i32 to index
      %get3A_255 = arith.constant 0 : index
      %get3A_256 = tpu.vector_load %arg11[%get3A_254, %get3A_255] {strides = array<i32>} : memref<5x16xf32, #tpu.memory_space<vmem>>, vector<16xf32>,
      %swap3A_257 = arith.constant 0 : i32
      %swap3A_258 = arith.constant 3 : i32
      %swap3A_259 = arith.index_cast %swap3A_257 : i32 to index
      %swap3A_260 = arith.index_cast %swap3A_258 : i32 to index
      %swap3A_261 = arith.constant 0 : index
      %swap3A_262 = tpu.vector_load %arg9[%swap3A_259, %swap3A_260, %swap3A_261] {strides = array<i32>} : memref<2x40x128xf32, #tpu.memory_space<vmem>>, vector<16xf32>,
      tpu.vector_store %arg9[%swap3A_259, %swap3A_260, %swap3A_261], %get3A_256 {strides = array<i32>} : memref<2x40x128xf32, #tpu.memory_space<vmem>>, vector<16xf32>,
      %slice3A_263 = vector.extract_strided_slice %get3A_220 {offsets = [4], sizes = [1], strides = [1]} : vector<16xi32> to vector<1xi32>
      %squeeze3A_264 = vector.extract %slice3A_263[0] : i32 from vector<1xi32>
      %get3A_265 = arith.index_cast %squeeze3A_264 : i32 to index
      %get3A_266 = arith.constant 0 : index
      %get3A_267 = tpu.vector_load %arg11[%get3A_265, %get3A_266] {strides = array<i32>} : memref<5x16xf32, #tpu.memory_space<vmem>>, vector<16xf32>,
      %swap3A_268 = arith.constant 0 : i32
      %swap3A_269 = arith.constant 4 : i32
      %swap3A_270 = arith.index_cast %swap3A_268 : i32 to index
      %swap3A_271 = arith.index_cast %swap3A_269 : i32 to index
      %swap3A_272 = arith.constant 0 : index
      %swap3A_273 = tpu.vector_load %arg9[%swap3A_270, %swap3A_271, %swap3A_272] {strides = array<i32>} : memref<2x40x128xf32, #tpu.memory_space<vmem>>, vector<16xf32>,
      tpu.vector_store %arg9[%swap3A_270, %swap3A_271, %swap3A_272], %get3A_267 {strides = array<i32>} : memref<2x40x128xf32, #tpu.memory_space<vmem>>, vector<16xf32>,
      %slice3A_274 = vector.extract_strided_slice %get3A_220 {offsets = [5], sizes = [1], strides = [1]} : vector<16xi32> to vector<1xi32>
      %squeeze3A_275 = vector.extract %slice3A_274[0] : i32 from vector<1xi32>
      %get3A_276 = arith.index_cast %squeeze3A_275 : i32 to index
      %get3A_277 = arith.constant 0 : index
      %get3A_278 = tpu.vector_load %arg11[%get3A_276, %get3A_277] {strides = array<i32>} : memref<5x16xf32, #tpu.memory_space<vmem>>, vector<16xf32>,
      %swap3A_279 = arith.constant 0 : i32
      %swap3A_280 = arith.constant 5 : i32
      %swap3A_281 = arith.index_cast %swap3A_279 : i32 to index
      %swap3A_282 = arith.index_cast %swap3A_280 : i32 to index
      %swap3A_283 = arith.constant 0 : index
      %swap3A_284 = tpu.vector_load %arg9[%swap3A_281, %swap3A_282, %swap3A_283] {strides = array<i32>} : memref<2x40x128xf32, #tpu.memory_space<vmem>>, vector<16xf32>,
      tpu.vector_store %arg9[%swap3A_281, %swap3A_282, %swap3A_283], %get3A_278 {strides = array<i32>} : memref<2x40x128xf32, #tpu.memory_space<vmem>>, vector<16xf32>,
      %slice3A_285 = vector.extract_strided_slice %get3A_220 {offsets = [6], sizes = [1], strides = [1]} : vector<16xi32> to vector<1xi32>
      %squeeze3A_286 = vector.extract %slice3A_285[0] : i32 from vector<1xi32>
      %get3A_287 = arith.index_cast %squeeze3A_286 : i32 to index
      %get3A_288 = arith.constant 0 : index
      %get3A_289 = tpu.vector_load %arg11[%get3A_287, %get3A_288] {strides = array<i32>} : memref<5x16xf32, #tpu.memory_space<vmem>>, vector<16xf32>,
      %swap3A_290 = arith.constant 0 : i32
      %swap3A_291 = arith.constant 6 : i32
      %swap3A_292 = arith.index_cast %swap3A_290 : i32 to index
      %swap3A_293 = arith.index_cast %swap3A_291 : i32 to index
      %swap3A_294 = arith.constant 0 : index
      %swap3A_295 = tpu.vector_load %arg9[%swap3A_292, %swap3A_293, %swap3A_294] {strides = array<i32>} : memref<2x40x128xf32, #tpu.memory_space<vmem>>, vector<16xf32>,
      tpu.vector_store %arg9[%swap3A_292, %swap3A_293, %swap3A_294], %get3A_289 {strides = array<i32>} : memref<2x40x128xf32, #tpu.memory_space<vmem>>, vector<16xf32>,
      %slice3A_296 = vector.extract_strided_slice %get3A_220 {offsets = [7], sizes = [1], strides = [1]} : vector<16xi32> to vector<1xi32>
      %squeeze3A_297 = vector.extract %slice3A_296[0] : i32 from vector<1xi32>
      %get3A_298 = arith.index_cast %squeeze3A_297 : i32 to index
      %get3A_299 = arith.constant 0 : index
      %get3A_300 = tpu.vector_load %arg11[%get3A_298, %get3A_299] {strides = array<i32>} : memref<5x16xf32, #tpu.memory_space<vmem>>, vector<16xf32>,
      %swap3A_301 = arith.constant 0 : i32
      %swap3A_302 = arith.constant 7 : i32
      %swap3A_303 = arith.index_cast %swap3A_301 : i32 to index
      %swap3A_304 = arith.index_cast %swap3A_302 : i32 to index
      %swap3A_305 = arith.constant 0 : index
      %swap3A_306 = tpu.vector_load %arg9[%swap3A_303, %swap3A_304, %swap3A_305] {strides = array<i32>} : memref<2x40x128xf32, #tpu.memory_space<vmem>>, vector<16xf32>,
      tpu.vector_store %arg9[%swap3A_303, %swap3A_304, %swap3A_305], %get3A_300 {strides = array<i32>} : memref<2x40x128xf32, #tpu.memory_space<vmem>>, vector<16xf32>,
      %slice3A_307 = vector.extract_strided_slice %get3A_220 {offsets = [8], sizes = [1], strides = [1]} : vector<16xi32> to vector<1xi32>
      %squeeze3A_308 = vector.extract %slice3A_307[0] : i32 from vector<1xi32>
      %get3A_309 = arith.index_cast %squeeze3A_308 : i32 to index
      %get3A_310 = arith.constant 0 : index
      %get3A_311 = tpu.vector_load %arg11[%get3A_309, %get3A_310] {strides = array<i32>} : memref<5x16xf32, #tpu.memory_space<vmem>>, vector<16xf32>,
      %swap3A_312 = arith.constant 0 : i32
      %swap3A_313 = arith.constant 8 : i32
      %swap3A_314 = arith.index_cast %swap3A_312 : i32 to index
      %swap3A_315 = arith.index_cast %swap3A_313 : i32 to index
      %swap3A_316 = arith.constant 0 : index
      %swap3A_317 = tpu.vector_load %arg9[%swap3A_314, %swap3A_315, %swap3A_316] {strides = array<i32>} : memref<2x40x128xf32, #tpu.memory_space<vmem>>, vector<16xf32>,
      tpu.vector_store %arg9[%swap3A_314, %swap3A_315, %swap3A_316], %get3A_311 {strides = array<i32>} : memref<2x40x128xf32, #tpu.memory_space<vmem>>, vector<16xf32>,
      %slice3A_318 = vector.extract_strided_slice %get3A_220 {offsets = [9], sizes = [1], strides = [1]} : vector<16xi32> to vector<1xi32>
      %squeeze3A_319 = vector.extract %slice3A_318[0] : i32 from vector<1xi32>
      %get3A_320 = arith.index_cast %squeeze3A_319 : i32 to index
      %get3A_321 = arith.constant 0 : index
      %get3A_322 = tpu.vector_load %arg11[%get3A_320, %get3A_321] {strides = array<i32>} : memref<5x16xf32, #tpu.memory_space<vmem>>, vector<16xf32>,
      %swap3A_323 = arith.constant 0 : i32
      %swap3A_324 = arith.constant 9 : i32
      %swap3A_325 = arith.index_cast %swap3A_323 : i32 to index
      %swap3A_326 = arith.index_cast %swap3A_324 : i32 to index
      %swap3A_327 = arith.constant 0 : index
      %swap3A_328 = tpu.vector_load %arg9[%swap3A_325, %swap3A_326, %swap3A_327] {strides = array<i32>} : memref<2x40x128xf32, #tpu.memory_space<vmem>>, vector<16xf32>,
      tpu.vector_store %arg9[%swap3A_325, %swap3A_326, %swap3A_327], %get3A_322 {strides = array<i32>} : memref<2x40x128xf32, #tpu.memory_space<vmem>>, vector<16xf32>,
      %slice3A_329 = vector.extract_strided_slice %get3A_220 {offsets = [10], sizes = [1], strides = [1]} : vector<16xi32> to vector<1xi32>
      %squeeze3A_330 = vector.extract %slice3A_329[0] : i32 from vector<1xi32>
      %get3A_331 = arith.index_cast %squeeze3A_330 : i32 to index
      %get3A_332 = arith.constant 0 : index
      %get3A_333 = tpu.vector_load %arg11[%get3A_331, %get3A_332] {strides = array<i32>} : memref<5x16xf32, #tpu.memory_space<vmem>>, vector<16xf32>,
      %swap3A_334 = arith.constant 0 : i32
      %swap3A_335 = arith.constant 10 : i32
      %swap3A_336 = arith.index_cast %swap3A_334 : i32 to index
      %swap3A_337 = arith.index_cast %swap3A_335 : i32 to index
      %swap3A_338 = arith.constant 0 : index
      %swap3A_339 = tpu.vector_load %arg9[%swap3A_336, %swap3A_337, %swap3A_338] {strides = array<i32>} : memref<2x40x128xf32, #tpu.memory_space<vmem>>, vector<16xf32>,
      tpu.vector_store %arg9[%swap3A_336, %swap3A_337, %swap3A_338], %get3A_333 {strides = array<i32>} : memref<2x40x128xf32, #tpu.memory_space<vmem>>, vector<16xf32>,
      %slice3A_340 = vector.extract_strided_slice %get3A_220 {offsets = [11], sizes = [1], strides = [1]} : vector<16xi32> to vector<1xi32>
      %squeeze3A_341 = vector.extract %slice3A_340[0] : i32 from vector<1xi32>
      %get3A_342 = arith.index_cast %squeeze3A_341 : i32 to index
      %get3A_343 = arith.constant 0 : index
      %get3A_344 = tpu.vector_load %arg11[%get3A_342, %get3A_343] {strides = array<i32>} : memref<5x16xf32, #tpu.memory_space<vmem>>, vector<16xf32>,
      %swap3A_345 = arith.constant 0 : i32
      %swap3A_346 = arith.constant 11 : i32
      %swap3A_347 = arith.index_cast %swap3A_345 : i32 to index
      %swap3A_348 = arith.index_cast %swap3A_346 : i32 to index
      %swap3A_349 = arith.constant 0 : index
      %swap3A_350 = tpu.vector_load %arg9[%swap3A_347, %swap3A_348, %swap3A_349] {strides = array<i32>} : memref<2x40x128xf32, #tpu.memory_space<vmem>>, vector<16xf32>,
      tpu.vector_store %arg9[%swap3A_347, %swap3A_348, %swap3A_349], %get3A_344 {strides = array<i32>} : memref<2x40x128xf32, #tpu.memory_space<vmem>>, vector<16xf32>,
      %slice3A_351 = vector.extract_strided_slice %get3A_220 {offsets = [12], sizes = [1], strides = [1]} : vector<16xi32> to vector<1xi32>
      %squeeze3A_352 = vector.extract %slice3A_351[0] : i32 from vector<1xi32>
      %get3A_353 = arith.index_cast %squeeze3A_352 : i32 to index
      %get3A_354 = arith.constant 0 : index
      %get3A_355 = tpu.vector_load %arg11[%get3A_353, %get3A_354] {strides = array<i32>} : memref<5x16xf32, #tpu.memory_space<vmem>>, vector<16xf32>,
      %swap3A_356 = arith.constant 0 : i32
      %swap3A_357 = arith.constant 12 : i32
      %swap3A_358 = arith.index_cast %swap3A_356 : i32 to index
      %swap3A_359 = arith.index_cast %swap3A_357 : i32 to index
      %swap3A_360 = arith.constant 0 : index
      %swap3A_361 = tpu.vector_load %arg9[%swap3A_358, %swap3A_359, %swap3A_360] {strides = array<i32>} : memref<2x40x128xf32, #tpu.memory_space<vmem>>, vector<16xf32>,
      tpu.vector_store %arg9[%swap3A_358, %swap3A_359, %swap3A_360], %get3A_355 {strides = array<i32>} : memref<2x40x128xf32, #tpu.memory_space<vmem>>, vector<16xf32>,
      %slice3A_362 = vector.extract_strided_slice %get3A_220 {offsets = [13], sizes = [1], strides = [1]} : vector<16xi32> to vector<1xi32>
      %squeeze3A_363 = vector.extract %slice3A_362[0] : i32 from vector<1xi32>
      %get3A_364 = arith.index_cast %squeeze3A_363 : i32 to index
      %get3A_365 = arith.constant 0 : index
      %get3A_366 = tpu.vector_load %arg11[%get3A_364, %get3A_365] {strides = array<i32>} : memref<5x16xf32, #tpu.memory_space<vmem>>, vector<16xf32>,
      %swap3A_367 = arith.constant 0 : i32
      %swap3A_368 = arith.constant 13 : i32
      %swap3A_369 = arith.index_cast %swap3A_367 : i32 to index
      %swap3A_370 = arith.index_cast %swap3A_368 : i32 to index
      %swap3A_371 = arith.constant 0 : index
      %swap3A_372 = tpu.vector_load %arg9[%swap3A_369, %swap3A_370, %swap3A_371] {strides = array<i32>} : memref<2x40x128xf32, #tpu.memory_space<vmem>>, vector<16xf32>,
      tpu.vector_store %arg9[%swap3A_369, %swap3A_370, %swap3A_371], %get3A_366 {strides = array<i32>} : memref<2x40x128xf32, #tpu.memory_space<vmem>>, vector<16xf32>,
      %slice3A_373 = vector.extract_strided_slice %get3A_220 {offsets = [14], sizes = [1], strides = [1]} : vector<16xi32> to vector<1xi32>
      %squeeze3A_374 = vector.extract %slice3A_373[0] : i32 from vector<1xi32>
      %get3A_375 = arith.index_cast %squeeze3A_374 : i32 to index
      %get3A_376 = arith.constant 0 : index
      %get3A_377 = tpu.vector_load %arg11[%get3A_375, %get3A_376] {strides = array<i32>} : memref<5x16xf32, #tpu.memory_space<vmem>>, vector<16xf32>,
      %swap3A_378 = arith.constant 0 : i32
      %swap3A_379 = arith.constant 14 : i32
      %swap3A_380 = arith.index_cast %swap3A_378 : i32 to index
      %swap3A_381 = arith.index_cast %swap3A_379 : i32 to index
      %swap3A_382 = arith.constant 0 : index
      %swap3A_383 = tpu.vector_load %arg9[%swap3A_380, %swap3A_381, %swap3A_382] {strides = array<i32>} : memref<2x40x128xf32, #tpu.memory_space<vmem>>, vector<16xf32>,
      tpu.vector_store %arg9[%swap3A_380, %swap3A_381, %swap3A_382], %get3A_377 {strides = array<i32>} : memref<2x40x128xf32, #tpu.memory_space<vmem>>, vector<16xf32>,
      %slice3A_384 = vector.extract_strided_slice %get3A_220 {offsets = [15], sizes = [1], strides = [1]} : vector<16xi32> to vector<1xi32>
      %squeeze3A_385 = vector.extract %slice3A_384[0] : i32 from vector<1xi32>
      %get3A_386 = arith.index_cast %squeeze3A_385 : i32 to index
      %get3A_387 = arith.constant 0 : index
      %get3A_388 = tpu.vector_load %arg11[%get3A_386, %get3A_387] {strides = array<i32>} : memref<5x16xf32, #tpu.memory_space<vmem>>, vector<16xf32>,
      %swap3A_389 = arith.constant 0 : i32
      %swap3A_390 = arith.constant 15 : i32
      %swap3A_391 = arith.index_cast %swap3A_389 : i32 to index
      %swap3A_392 = arith.index_cast %swap3A_390 : i32 to index
      %swap3A_393 = arith.constant 0 : index
      %swap3A_394 = tpu.vector_load %arg9[%swap3A_391, %swap3A_392, %swap3A_393] {strides = array<i32>} : memref<2x40x128xf32, #tpu.memory_space<vmem>>, vector<16xf32>,
      tpu.vector_store %arg9[%swap3A_391, %swap3A_392, %swap3A_393], %get3A_388 {strides = array<i32>} : memref<2x40x128xf32, #tpu.memory_space<vmem>>, vector<16xf32>,
      %get3A_395 = arith.constant 0 : i32
      %get3A_396 = arith.index_cast %get3A_395 : i32 to index
      %get3A_397 = arith.constant 16 : index
      %get3A_398 = tpu.vector_load %arg6[%get3A_396, %get3A_397] {strides = array<i32>} : memref<2x40xi32, #tpu.memory_space<vmem>>, vector<16xi32>,
      %slice3A_399 = vector.extract_strided_slice %get3A_398 {offsets = [0], sizes = [1], strides = [1]} : vector<16xi32> to vector<1xi32>
      %squeeze3A_400 = vector.extract %slice3A_399[0] : i32 from vector<1xi32>
      %get3A_401 = arith.index_cast %squeeze3A_400 : i32 to index
      %get3A_402 = arith.constant 0 : index
      %get3A_403 = tpu.vector_load %arg11[%get3A_401, %get3A_402] {strides = array<i32>} : memref<5x16xf32, #tpu.memory_space<vmem>>, vector<16xf32>,
      %swap3A_404 = arith.constant 0 : i32
      %swap3A_405 = arith.constant 16 : i32
      %swap3A_406 = arith.index_cast %swap3A_404 : i32 to index
      %swap3A_407 = arith.index_cast %swap3A_405 : i32 to index
      %swap3A_408 = arith.constant 0 : index
      %swap3A_409 = tpu.vector_load %arg9[%swap3A_406, %swap3A_407, %swap3A_408] {strides = array<i32>} : memref<2x40x128xf32, #tpu.memory_space<vmem>>, vector<16xf32>,
      tpu.vector_store %arg9[%swap3A_406, %swap3A_407, %swap3A_408], %get3A_403 {strides = array<i32>} : memref<2x40x128xf32, #tpu.memory_space<vmem>>, vector<16xf32>,
      %slice3A_410 = vector.extract_strided_slice %get3A_398 {offsets = [1], sizes = [1], strides = [1]} : vector<16xi32> to vector<1xi32>
      %squeeze3A_411 = vector.extract %slice3A_410[0] : i32 from vector<1xi32>
      %get3A_412 = arith.index_cast %squeeze3A_411 : i32 to index
      %get3A_413 = arith.constant 0 : index
      %get3A_414 = tpu.vector_load %arg11[%get3A_412, %get3A_413] {strides = array<i32>} : memref<5x16xf32, #tpu.memory_space<vmem>>, vector<16xf32>,
      %swap3A_415 = arith.constant 0 : i32
      %swap3A_416 = arith.constant 17 : i32
      %swap3A_417 = arith.index_cast %swap3A_415 : i32 to index
      %swap3A_418 = arith.index_cast %swap3A_416 : i32 to index
      %swap3A_419 = arith.constant 0 : index
      %swap3A_420 = tpu.vector_load %arg9[%swap3A_417, %swap3A_418, %swap3A_419] {strides = array<i32>} : memref<2x40x128xf32, #tpu.memory_space<vmem>>, vector<16xf32>,
      tpu.vector_store %arg9[%swap3A_417, %swap3A_418, %swap3A_419], %get3A_414 {strides = array<i32>} : memref<2x40x128xf32, #tpu.memory_space<vmem>>, vector<16xf32>,
      %slice3A_421 = vector.extract_strided_slice %get3A_398 {offsets = [2], sizes = [1], strides = [1]} : vector<16xi32> to vector<1xi32>
      %squeeze3A_422 = vector.extract %slice3A_421[0] : i32 from vector<1xi32>
      %get3A_423 = arith.index_cast %squeeze3A_422 : i32 to index
      %get3A_424 = arith.constant 0 : index
      %get3A_425 = tpu.vector_load %arg11[%get3A_423, %get3A_424] {strides = array<i32>} : memref<5x16xf32, #tpu.memory_space<vmem>>, vector<16xf32>,
      %swap3A_426 = arith.constant 0 : i32
      %swap3A_427 = arith.constant 18 : i32
      %swap3A_428 = arith.index_cast %swap3A_426 : i32 to index
      %swap3A_429 = arith.index_cast %swap3A_427 : i32 to index
      %swap3A_430 = arith.constant 0 : index
      %swap3A_431 = tpu.vector_load %arg9[%swap3A_428, %swap3A_429, %swap3A_430] {strides = array<i32>} : memref<2x40x128xf32, #tpu.memory_space<vmem>>, vector<16xf32>,
      tpu.vector_store %arg9[%swap3A_428, %swap3A_429, %swap3A_430], %get3A_425 {strides = array<i32>} : memref<2x40x128xf32, #tpu.memory_space<vmem>>, vector<16xf32>,
      %slice3A_432 = vector.extract_strided_slice %get3A_398 {offsets = [3], sizes = [1], strides = [1]} : vector<16xi32> to vector<1xi32>
      %squeeze3A_433 = vector.extract %slice3A_432[0] : i32 from vector<1xi32>
      %get3A_434 = arith.index_cast %squeeze3A_433 : i32 to index
      %get3A_435 = arith.constant 0 : index
      %get3A_436 = tpu.vector_load %arg11[%get3A_434, %get3A_435] {strides = array<i32>} : memref<5x16xf32, #tpu.memory_space<vmem>>, vector<16xf32>,
      %swap3A_437 = arith.constant 0 : i32
      %swap3A_438 = arith.constant 19 : i32
      %swap3A_439 = arith.index_cast %swap3A_437 : i32 to index
      %swap3A_440 = arith.index_cast %swap3A_438 : i32 to index
      %swap3A_441 = arith.constant 0 : index
      %swap3A_442 = tpu.vector_load %arg9[%swap3A_439, %swap3A_440, %swap3A_441] {strides = array<i32>} : memref<2x40x128xf32, #tpu.memory_space<vmem>>, vector<16xf32>,
      tpu.vector_store %arg9[%swap3A_439, %swap3A_440, %swap3A_441], %get3A_436 {strides = array<i32>} : memref<2x40x128xf32, #tpu.memory_space<vmem>>, vector<16xf32>,
      %slice3A_443 = vector.extract_strided_slice %get3A_398 {offsets = [4], sizes = [1], strides = [1]} : vector<16xi32> to vector<1xi32>
      %squeeze3A_444 = vector.extract %slice3A_443[0] : i32 from vector<1xi32>
      %get3A_445 = arith.index_cast %squeeze3A_444 : i32 to index
      %get3A_446 = arith.constant 0 : index
      %get3A_447 = tpu.vector_load %arg11[%get3A_445, %get3A_446] {strides = array<i32>} : memref<5x16xf32, #tpu.memory_space<vmem>>, vector<16xf32>,
      %swap3A_448 = arith.constant 0 : i32
      %swap3A_449 = arith.constant 20 : i32
      %swap3A_450 = arith.index_cast %swap3A_448 : i32 to index
      %swap3A_451 = arith.index_cast %swap3A_449 : i32 to index
      %swap3A_452 = arith.constant 0 : index
      %swap3A_453 = tpu.vector_load %arg9[%swap3A_450, %swap3A_451, %swap3A_452] {strides = array<i32>} : memref<2x40x128xf32, #tpu.memory_space<vmem>>, vector<16xf32>,
      tpu.vector_store %arg9[%swap3A_450, %swap3A_451, %swap3A_452], %get3A_447 {strides = array<i32>} : memref<2x40x128xf32, #tpu.memory_space<vmem>>, vector<16xf32>,
      %slice3A_454 = vector.extract_strided_slice %get3A_398 {offsets = [5], sizes = [1], strides = [1]} : vector<16xi32> to vector<1xi32>
      %squeeze3A_455 = vector.extract %slice3A_454[0] : i32 from vector<1xi32>
      %get3A_456 = arith.index_cast %squeeze3A_455 : i32 to index
      %get3A_457 = arith.constant 0 : index
      %get3A_458 = tpu.vector_load %arg11[%get3A_456, %get3A_457] {strides = array<i32>} : memref<5x16xf32, #tpu.memory_space<vmem>>, vector<16xf32>,
      %swap3A_459 = arith.constant 0 : i32
      %swap3A_460 = arith.constant 21 : i32
      %swap3A_461 = arith.index_cast %swap3A_459 : i32 to index
      %swap3A_462 = arith.index_cast %swap3A_460 : i32 to index
      %swap3A_463 = arith.constant 0 : index
      %swap3A_464 = tpu.vector_load %arg9[%swap3A_461, %swap3A_462, %swap3A_463] {strides = array<i32>} : memref<2x40x128xf32, #tpu.memory_space<vmem>>, vector<16xf32>,
      tpu.vector_store %arg9[%swap3A_461, %swap3A_462, %swap3A_463], %get3A_458 {strides = array<i32>} : memref<2x40x128xf32, #tpu.memory_space<vmem>>, vector<16xf32>,
      %slice3A_465 = vector.extract_strided_slice %get3A_398 {offsets = [6], sizes = [1], strides = [1]} : vector<16xi32> to vector<1xi32>
      %squeeze3A_466 = vector.extract %slice3A_465[0] : i32 from vector<1xi32>
      %get3A_467 = arith.index_cast %squeeze3A_466 : i32 to index
      %get3A_468 = arith.constant 0 : index
      %get3A_469 = tpu.vector_load %arg11[%get3A_467, %get3A_468] {strides = array<i32>} : memref<5x16xf32, #tpu.memory_space<vmem>>, vector<16xf32>,
      %swap3A_470 = arith.constant 0 : i32
      %swap3A_471 = arith.constant 22 : i32
      %swap3A_472 = arith.index_cast %swap3A_470 : i32 to index
      %swap3A_473 = arith.index_cast %swap3A_471 : i32 to index
      %swap3A_474 = arith.constant 0 : index
      %swap3A_475 = tpu.vector_load %arg9[%swap3A_472, %swap3A_473, %swap3A_474] {strides = array<i32>} : memref<2x40x128xf32, #tpu.memory_space<vmem>>, vector<16xf32>,
      tpu.vector_store %arg9[%swap3A_472, %swap3A_473, %swap3A_474], %get3A_469 {strides = array<i32>} : memref<2x40x128xf32, #tpu.memory_space<vmem>>, vector<16xf32>,
      %slice3A_476 = vector.extract_strided_slice %get3A_398 {offsets = [7], sizes = [1], strides = [1]} : vector<16xi32> to vector<1xi32>
      %squeeze3A_477 = vector.extract %slice3A_476[0] : i32 from vector<1xi32>
      %get3A_478 = arith.index_cast %squeeze3A_477 : i32 to index
      %get3A_479 = arith.constant 0 : index
      %get3A_480 = tpu.vector_load %arg11[%get3A_478, %get3A_479] {strides = array<i32>} : memref<5x16xf32, #tpu.memory_space<vmem>>, vector<16xf32>,
      %swap3A_481 = arith.constant 0 : i32
      %swap3A_482 = arith.constant 23 : i32
      %swap3A_483 = arith.index_cast %swap3A_481 : i32 to index
      %swap3A_484 = arith.index_cast %swap3A_482 : i32 to index
      %swap3A_485 = arith.constant 0 : index
      %swap3A_486 = tpu.vector_load %arg9[%swap3A_483, %swap3A_484, %swap3A_485] {strides = array<i32>} : memref<2x40x128xf32, #tpu.memory_space<vmem>>, vector<16xf32>,
      tpu.vector_store %arg9[%swap3A_483, %swap3A_484, %swap3A_485], %get3A_480 {strides = array<i32>} : memref<2x40x128xf32, #tpu.memory_space<vmem>>, vector<16xf32>,
      %slice3A_487 = vector.extract_strided_slice %get3A_398 {offsets = [8], sizes = [1], strides = [1]} : vector<16xi32> to vector<1xi32>
      %squeeze3A_488 = vector.extract %slice3A_487[0] : i32 from vector<1xi32>
      %get3A_489 = arith.index_cast %squeeze3A_488 : i32 to index
      %get3A_490 = arith.constant 0 : index
      %get3A_491 = tpu.vector_load %arg11[%get3A_489, %get3A_490] {strides = array<i32>} : memref<5x16xf32, #tpu.memory_space<vmem>>, vector<16xf32>,
      %swap3A_492 = arith.constant 0 : i32
      %swap3A_493 = arith.constant 24 : i32
      %swap3A_494 = arith.index_cast %swap3A_492 : i32 to index
      %swap3A_495 = arith.index_cast %swap3A_493 : i32 to index
      %swap3A_496 = arith.constant 0 : index
      %swap3A_497 = tpu.vector_load %arg9[%swap3A_494, %swap3A_495, %swap3A_496] {strides = array<i32>} : memref<2x40x128xf32, #tpu.memory_space<vmem>>, vector<16xf32>,
      tpu.vector_store %arg9[%swap3A_494, %swap3A_495, %swap3A_496], %get3A_491 {strides = array<i32>} : memref<2x40x128xf32, #tpu.memory_space<vmem>>, vector<16xf32>,
      %slice3A_498 = vector.extract_strided_slice %get3A_398 {offsets = [9], sizes = [1], strides = [1]} : vector<16xi32> to vector<1xi32>
      %squeeze3A_499 = vector.extract %slice3A_498[0] : i32 from vector<1xi32>
      %get3A_500 = arith.index_cast %squeeze3A_499 : i32 to index
      %get3A_501 = arith.constant 0 : index
      %get3A_502 = tpu.vector_load %arg11[%get3A_500, %get3A_501] {strides = array<i32>} : memref<5x16xf32, #tpu.memory_space<vmem>>, vector<16xf32>,
      %swap3A_503 = arith.constant 0 : i32
      %swap3A_504 = arith.constant 25 : i32
      %swap3A_505 = arith.index_cast %swap3A_503 : i32 to index
      %swap3A_506 = arith.index_cast %swap3A_504 : i32 to index
      %swap3A_507 = arith.constant 0 : index
      %swap3A_508 = tpu.vector_load %arg9[%swap3A_505, %swap3A_506, %swap3A_507] {strides = array<i32>} : memref<2x40x128xf32, #tpu.memory_space<vmem>>, vector<16xf32>,
      tpu.vector_store %arg9[%swap3A_505, %swap3A_506, %swap3A_507], %get3A_502 {strides = array<i32>} : memref<2x40x128xf32, #tpu.memory_space<vmem>>, vector<16xf32>,
      %slice3A_509 = vector.extract_strided_slice %get3A_398 {offsets = [10], sizes = [1], strides = [1]} : vector<16xi32> to vector<1xi32>
      %squeeze3A_510 = vector.extract %slice3A_509[0] : i32 from vector<1xi32>
      %get3A_511 = arith.index_cast %squeeze3A_510 : i32 to index
      %get3A_512 = arith.constant 0 : index
      %get3A_513 = tpu.vector_load %arg11[%get3A_511, %get3A_512] {strides = array<i32>} : memref<5x16xf32, #tpu.memory_space<vmem>>, vector<16xf32>,
      %swap3A_514 = arith.constant 0 : i32
      %swap3A_515 = arith.constant 26 : i32
      %swap3A_516 = arith.index_cast %swap3A_514 : i32 to index
      %swap3A_517 = arith.index_cast %swap3A_515 : i32 to index
      %swap3A_518 = arith.constant 0 : index
      %swap3A_519 = tpu.vector_load %arg9[%swap3A_516, %swap3A_517, %swap3A_518] {strides = array<i32>} : memref<2x40x128xf32, #tpu.memory_space<vmem>>, vector<16xf32>,
      tpu.vector_store %arg9[%swap3A_516, %swap3A_517, %swap3A_518], %get3A_513 {strides = array<i32>} : memref<2x40x128xf32, #tpu.memory_space<vmem>>, vector<16xf32>,
      %slice3A_520 = vector.extract_strided_slice %get3A_398 {offsets = [11], sizes = [1], strides = [1]} : vector<16xi32> to vector<1xi32>
      %squeeze3A_521 = vector.extract %slice3A_520[0] : i32 from vector<1xi32>
      %get3A_522 = arith.index_cast %squeeze3A_521 : i32 to index
      %get3A_523 = arith.constant 0 : index
      %get3A_524 = tpu.vector_load %arg11[%get3A_522, %get3A_523] {strides = array<i32>} : memref<5x16xf32, #tpu.memory_space<vmem>>, vector<16xf32>,
      %swap3A_525 = arith.constant 0 : i32
      %swap3A_526 = arith.constant 27 : i32
      %swap3A_527 = arith.index_cast %swap3A_525 : i32 to index
      %swap3A_528 = arith.index_cast %swap3A_526 : i32 to index
      %swap3A_529 = arith.constant 0 : index
      %swap3A_530 = tpu.vector_load %arg9[%swap3A_527, %swap3A_528, %swap3A_529] {strides = array<i32>} : memref<2x40x128xf32, #tpu.memory_space<vmem>>, vector<16xf32>,
      tpu.vector_store %arg9[%swap3A_527, %swap3A_528, %swap3A_529], %get3A_524 {strides = array<i32>} : memref<2x40x128xf32, #tpu.memory_space<vmem>>, vector<16xf32>,
      %slice3A_531 = vector.extract_strided_slice %get3A_398 {offsets = [12], sizes = [1], strides = [1]} : vector<16xi32> to vector<1xi32>
      %squeeze3A_532 = vector.extract %slice3A_531[0] : i32 from vector<1xi32>
      %get3A_533 = arith.index_cast %squeeze3A_532 : i32 to index
      %get3A_534 = arith.constant 0 : index
      %get3A_535 = tpu.vector_load %arg11[%get3A_533, %get3A_534] {strides = array<i32>} : memref<5x16xf32, #tpu.memory_space<vmem>>, vector<16xf32>,
      %swap3A_536 = arith.constant 0 : i32
      %swap3A_537 = arith.constant 28 : i32
      %swap3A_538 = arith.index_cast %swap3A_536 : i32 to index
      %swap3A_539 = arith.index_cast %swap3A_537 : i32 to index
      %swap3A_540 = arith.constant 0 : index
      %swap3A_541 = tpu.vector_load %arg9[%swap3A_538, %swap3A_539, %swap3A_540] {strides = array<i32>} : memref<2x40x128xf32, #tpu.memory_space<vmem>>, vector<16xf32>,
      tpu.vector_store %arg9[%swap3A_538, %swap3A_539, %swap3A_540], %get3A_535 {strides = array<i32>} : memref<2x40x128xf32, #tpu.memory_space<vmem>>, vector<16xf32>,
      %slice3A_542 = vector.extract_strided_slice %get3A_398 {offsets = [13], sizes = [1], strides = [1]} : vector<16xi32> to vector<1xi32>
      %squeeze3A_543 = vector.extract %slice3A_542[0] : i32 from vector<1xi32>
      %get3A_544 = arith.index_cast %squeeze3A_543 : i32 to index
      %get3A_545 = arith.constant 0 : index
      %get3A_546 = tpu.vector_load %arg11[%get3A_544, %get3A_545] {strides = array<i32>} : memref<5x16xf32, #tpu.memory_space<vmem>>, vector<16xf32>,
      %swap3A_547 = arith.constant 0 : i32
      %swap3A_548 = arith.constant 29 : i32
      %swap3A_549 = arith.index_cast %swap3A_547 : i32 to index
      %swap3A_550 = arith.index_cast %swap3A_548 : i32 to index
      %swap3A_551 = arith.constant 0 : index
      %swap3A_552 = tpu.vector_load %arg9[%swap3A_549, %swap3A_550, %swap3A_551] {strides = array<i32>} : memref<2x40x128xf32, #tpu.memory_space<vmem>>, vector<16xf32>,
      tpu.vector_store %arg9[%swap3A_549, %swap3A_550, %swap3A_551], %get3A_546 {strides = array<i32>} : memref<2x40x128xf32, #tpu.memory_space<vmem>>, vector<16xf32>,
      %slice3A_553 = vector.extract_strided_slice %get3A_398 {offsets = [14], sizes = [1], strides = [1]} : vector<16xi32> to vector<1xi32>
      %squeeze3A_554 = vector.extract %slice3A_553[0] : i32 from vector<1xi32>
      %get3A_555 = arith.index_cast %squeeze3A_554 : i32 to index
      %get3A_556 = arith.constant 0 : index
      %get3A_557 = tpu.vector_load %arg11[%get3A_555, %get3A_556] {strides = array<i32>} : memref<5x16xf32, #tpu.memory_space<vmem>>, vector<16xf32>,
      %swap3A_558 = arith.constant 0 : i32
      %swap3A_559 = arith.constant 30 : i32
      %swap3A_560 = arith.index_cast %swap3A_558 : i32 to index
      %swap3A_561 = arith.index_cast %swap3A_559 : i32 to index
      %swap3A_562 = arith.constant 0 : index
      %swap3A_563 = tpu.vector_load %arg9[%swap3A_560, %swap3A_561, %swap3A_562] {strides = array<i32>} : memref<2x40x128xf32, #tpu.memory_space<vmem>>, vector<16xf32>,
      tpu.vector_store %arg9[%swap3A_560, %swap3A_561, %swap3A_562], %get3A_557 {strides = array<i32>} : memref<2x40x128xf32, #tpu.memory_space<vmem>>, vector<16xf32>,
      %slice3A_564 = vector.extract_strided_slice %get3A_398 {offsets = [15], sizes = [1], strides = [1]} : vector<16xi32> to vector<1xi32>
      %squeeze3A_565 = vector.extract %slice3A_564[0] : i32 from vector<1xi32>
      %get3A_566 = arith.index_cast %squeeze3A_565 : i32 to index
      %get3A_567 = arith.constant 0 : index
      %get3A_568 = tpu.vector_load %arg11[%get3A_566, %get3A_567] {strides = array<i32>} : memref<5x16xf32, #tpu.memory_space<vmem>>, vector<16xf32>,
      %swap3A_569 = arith.constant 0 : i32
      %swap3A_570 = arith.constant 31 : i32
      %swap3A_571 = arith.index_cast %swap3A_569 : i32 to index
      %swap3A_572 = arith.index_cast %swap3A_570 : i32 to index
      %swap3A_573 = arith.constant 0 : index
      %swap3A_574 = tpu.vector_load %arg9[%swap3A_571, %swap3A_572, %swap3A_573] {strides = array<i32>} : memref<2x40x128xf32, #tpu.memory_space<vmem>>, vector<16xf32>,
      tpu.vector_store %arg9[%swap3A_571, %swap3A_572, %swap3A_573], %get3A_568 {strides = array<i32>} : memref<2x40x128xf32, #tpu.memory_space<vmem>>, vector<16xf32>,
      %get3A_575 = arith.constant 0 : i32
      %get3A_576 = arith.index_cast %get3A_575 : i32 to index
      %get3A_577 = arith.constant 24 : index
      %get3A_578 = tpu.vector_load %arg6[%get3A_576, %get3A_577] {strides = array<i32>} : memref<2x40xi32, #tpu.memory_space<vmem>>, vector<16xi32>,
      %slice3A_579 = vector.extract_strided_slice %get3A_578 {offsets = [0], sizes = [1], strides = [1]} : vector<16xi32> to vector<1xi32>
      %squeeze3A_580 = vector.extract %slice3A_579[0] : i32 from vector<1xi32>
      %get3A_581 = arith.index_cast %squeeze3A_580 : i32 to index
      %get3A_582 = arith.constant 0 : index
      %get3A_583 = tpu.vector_load %arg11[%get3A_581, %get3A_582] {strides = array<i32>} : memref<5x16xf32, #tpu.memory_space<vmem>>, vector<16xf32>,
      %swap3A_584 = arith.constant 0 : i32
      %swap3A_585 = arith.constant 24 : i32
      %swap3A_586 = arith.index_cast %swap3A_584 : i32 to index
      %swap3A_587 = arith.index_cast %swap3A_585 : i32 to index
      %swap3A_588 = arith.constant 0 : index
      %swap3A_589 = tpu.vector_load %arg9[%swap3A_586, %swap3A_587, %swap3A_588] {strides = array<i32>} : memref<2x40x128xf32, #tpu.memory_space<vmem>>, vector<16xf32>,
      tpu.vector_store %arg9[%swap3A_586, %swap3A_587, %swap3A_588], %get3A_583 {strides = array<i32>} : memref<2x40x128xf32, #tpu.memory_space<vmem>>, vector<16xf32>,
      %slice3A_590 = vector.extract_strided_slice %get3A_578 {offsets = [1], sizes = [1], strides = [1]} : vector<16xi32> to vector<1xi32>
      %squeeze3A_591 = vector.extract %slice3A_590[0] : i32 from vector<1xi32>
      %get3A_592 = arith.index_cast %squeeze3A_591 : i32 to index
      %get3A_593 = arith.constant 0 : index
      %get3A_594 = tpu.vector_load %arg11[%get3A_592, %get3A_593] {strides = array<i32>} : memref<5x16xf32, #tpu.memory_space<vmem>>, vector<16xf32>,
      %swap3A_595 = arith.constant 0 : i32
      %swap3A_596 = arith.constant 25 : i32
      %swap3A_597 = arith.index_cast %swap3A_595 : i32 to index
      %swap3A_598 = arith.index_cast %swap3A_596 : i32 to index
      %swap3A_599 = arith.constant 0 : index
      %swap3A_600 = tpu.vector_load %arg9[%swap3A_597, %swap3A_598, %swap3A_599] {strides = array<i32>} : memref<2x40x128xf32, #tpu.memory_space<vmem>>, vector<16xf32>,
      tpu.vector_store %arg9[%swap3A_597, %swap3A_598, %swap3A_599], %get3A_594 {strides = array<i32>} : memref<2x40x128xf32, #tpu.memory_space<vmem>>, vector<16xf32>,
      %slice3A_601 = vector.extract_strided_slice %get3A_578 {offsets = [2], sizes = [1], strides = [1]} : vector<16xi32> to vector<1xi32>
      %squeeze3A_602 = vector.extract %slice3A_601[0] : i32 from vector<1xi32>
      %get3A_603 = arith.index_cast %squeeze3A_602 : i32 to index
      %get3A_604 = arith.constant 0 : index
      %get3A_605 = tpu.vector_load %arg11[%get3A_603, %get3A_604] {strides = array<i32>} : memref<5x16xf32, #tpu.memory_space<vmem>>, vector<16xf32>,
      %swap3A_606 = arith.constant 0 : i32
      %swap3A_607 = arith.constant 26 : i32
      %swap3A_608 = arith.index_cast %swap3A_606 : i32 to index
      %swap3A_609 = arith.index_cast %swap3A_607 : i32 to index
      %swap3A_610 = arith.constant 0 : index
      %swap3A_611 = tpu.vector_load %arg9[%swap3A_608, %swap3A_609, %swap3A_610] {strides = array<i32>} : memref<2x40x128xf32, #tpu.memory_space<vmem>>, vector<16xf32>,
      tpu.vector_store %arg9[%swap3A_608, %swap3A_609, %swap3A_610], %get3A_605 {strides = array<i32>} : memref<2x40x128xf32, #tpu.memory_space<vmem>>, vector<16xf32>,
      %slice3A_612 = vector.extract_strided_slice %get3A_578 {offsets = [3], sizes = [1], strides = [1]} : vector<16xi32> to vector<1xi32>
      %squeeze3A_613 = vector.extract %slice3A_612[0] : i32 from vector<1xi32>
      %get3A_614 = arith.index_cast %squeeze3A_613 : i32 to index
      %get3A_615 = arith.constant 0 : index
      %get3A_616 = tpu.vector_load %arg11[%get3A_614, %get3A_615] {strides = array<i32>} : memref<5x16xf32, #tpu.memory_space<vmem>>, vector<16xf32>,
      %swap3A_617 = arith.constant 0 : i32
      %swap3A_618 = arith.constant 27 : i32
      %swap3A_619 = arith.index_cast %swap3A_617 : i32 to index
      %swap3A_620 = arith.index_cast %swap3A_618 : i32 to index
      %swap3A_621 = arith.constant 0 : index
      %swap3A_622 = tpu.vector_load %arg9[%swap3A_619, %swap3A_620, %swap3A_621] {strides = array<i32>} : memref<2x40x128xf32, #tpu.memory_space<vmem>>, vector<16xf32>,
      tpu.vector_store %arg9[%swap3A_619, %swap3A_620, %swap3A_621], %get3A_616 {strides = array<i32>} : memref<2x40x128xf32, #tpu.memory_space<vmem>>, vector<16xf32>,
      %slice3A_623 = vector.extract_strided_slice %get3A_578 {offsets = [4], sizes = [1], strides = [1]} : vector<16xi32> to vector<1xi32>
      %squeeze3A_624 = vector.extract %slice3A_623[0] : i32 from vector<1xi32>
      %get3A_625 = arith.index_cast %squeeze3A_624 : i32 to index
      %get3A_626 = arith.constant 0 : index
      %get3A_627 = tpu.vector_load %arg11[%get3A_625, %get3A_626] {strides = array<i32>} : memref<5x16xf32, #tpu.memory_space<vmem>>, vector<16xf32>,
      %swap3A_628 = arith.constant 0 : i32
      %swap3A_629 = arith.constant 28 : i32
      %swap3A_630 = arith.index_cast %swap3A_628 : i32 to index
      %swap3A_631 = arith.index_cast %swap3A_629 : i32 to index
      %swap3A_632 = arith.constant 0 : index
      %swap3A_633 = tpu.vector_load %arg9[%swap3A_630, %swap3A_631, %swap3A_632] {strides = array<i32>} : memref<2x40x128xf32, #tpu.memory_space<vmem>>, vector<16xf32>,
      tpu.vector_store %arg9[%swap3A_630, %swap3A_631, %swap3A_632], %get3A_627 {strides = array<i32>} : memref<2x40x128xf32, #tpu.memory_space<vmem>>, vector<16xf32>,
      %slice3A_634 = vector.extract_strided_slice %get3A_578 {offsets = [5], sizes = [1], strides = [1]} : vector<16xi32> to vector<1xi32>
      %squeeze3A_635 = vector.extract %slice3A_634[0] : i32 from vector<1xi32>
      %get3A_636 = arith.index_cast %squeeze3A_635 : i32 to index
      %get3A_637 = arith.constant 0 : index
      %get3A_638 = tpu.vector_load %arg11[%get3A_636, %get3A_637] {strides = array<i32>} : memref<5x16xf32, #tpu.memory_space<vmem>>, vector<16xf32>,
      %swap3A_639 = arith.constant 0 : i32
      %swap3A_640 = arith.constant 29 : i32
      %swap3A_641 = arith.index_cast %swap3A_639 : i32 to index
      %swap3A_642 = arith.index_cast %swap3A_640 : i32 to index
      %swap3A_643 = arith.constant 0 : index
      %swap3A_644 = tpu.vector_load %arg9[%swap3A_641, %swap3A_642, %swap3A_643] {strides = array<i32>} : memref<2x40x128xf32, #tpu.memory_space<vmem>>, vector<16xf32>,
      tpu.vector_store %arg9[%swap3A_641, %swap3A_642, %swap3A_643], %get3A_638 {strides = array<i32>} : memref<2x40x128xf32, #tpu.memory_space<vmem>>, vector<16xf32>,
      %slice3A_645 = vector.extract_strided_slice %get3A_578 {offsets = [6], sizes = [1], strides = [1]} : vector<16xi32> to vector<1xi32>
      %squeeze3A_646 = vector.extract %slice3A_645[0] : i32 from vector<1xi32>
      %get3A_647 = arith.index_cast %squeeze3A_646 : i32 to index
      %get3A_648 = arith.constant 0 : index
      %get3A_649 = tpu.vector_load %arg11[%get3A_647, %get3A_648] {strides = array<i32>} : memref<5x16xf32, #tpu.memory_space<vmem>>, vector<16xf32>,
      %swap3A_650 = arith.constant 0 : i32
      %swap3A_651 = arith.constant 30 : i32
      %swap3A_652 = arith.index_cast %swap3A_650 : i32 to index
      %swap3A_653 = arith.index_cast %swap3A_651 : i32 to index
      %swap3A_654 = arith.constant 0 : index
      %swap3A_655 = tpu.vector_load %arg9[%swap3A_652, %swap3A_653, %swap3A_654] {strides = array<i32>} : memref<2x40x128xf32, #tpu.memory_space<vmem>>, vector<16xf32>,
      tpu.vector_store %arg9[%swap3A_652, %swap3A_653, %swap3A_654], %get3A_649 {strides = array<i32>} : memref<2x40x128xf32, #tpu.memory_space<vmem>>, vector<16xf32>,
      %slice3A_656 = vector.extract_strided_slice %get3A_578 {offsets = [7], sizes = [1], strides = [1]} : vector<16xi32> to vector<1xi32>
      %squeeze3A_657 = vector.extract %slice3A_656[0] : i32 from vector<1xi32>
      %get3A_658 = arith.index_cast %squeeze3A_657 : i32 to index
      %get3A_659 = arith.constant 0 : index
      %get3A_660 = tpu.vector_load %arg11[%get3A_658, %get3A_659] {strides = array<i32>} : memref<5x16xf32, #tpu.memory_space<vmem>>, vector<16xf32>,
      %swap3A_661 = arith.constant 0 : i32
      %swap3A_662 = arith.constant 31 : i32
      %swap3A_663 = arith.index_cast %swap3A_661 : i32 to index
      %swap3A_664 = arith.index_cast %swap3A_662 : i32 to index
      %swap3A_665 = arith.constant 0 : index
      %swap3A_666 = tpu.vector_load %arg9[%swap3A_663, %swap3A_664, %swap3A_665] {strides = array<i32>} : memref<2x40x128xf32, #tpu.memory_space<vmem>>, vector<16xf32>,
      tpu.vector_store %arg9[%swap3A_663, %swap3A_664, %swap3A_665], %get3A_660 {strides = array<i32>} : memref<2x40x128xf32, #tpu.memory_space<vmem>>, vector<16xf32>,
      %slice3A_667 = vector.extract_strided_slice %get3A_578 {offsets = [8], sizes = [1], strides = [1]} : vector<16xi32> to vector<1xi32>
      %squeeze3A_668 = vector.extract %slice3A_667[0] : i32 from vector<1xi32>
      %get3A_669 = arith.index_cast %squeeze3A_668 : i32 to index
      %get3A_670 = arith.constant 0 : index
      %get3A_671 = tpu.vector_load %arg11[%get3A_669, %get3A_670] {strides = array<i32>} : memref<5x16xf32, #tpu.memory_space<vmem>>, vector<16xf32>,
      %swap3A_672 = arith.constant 0 : i32
      %swap3A_673 = arith.constant 32 : i32
      %swap3A_674 = arith.index_cast %swap3A_672 : i32 to index
      %swap3A_675 = arith.index_cast %swap3A_673 : i32 to index
      %swap3A_676 = arith.constant 0 : index
      %swap3A_677 = tpu.vector_load %arg9[%swap3A_674, %swap3A_675, %swap3A_676] {strides = array<i32>} : memref<2x40x128xf32, #tpu.memory_space<vmem>>, vector<16xf32>,
      tpu.vector_store %arg9[%swap3A_674, %swap3A_675, %swap3A_676], %get3A_671 {strides = array<i32>} : memref<2x40x128xf32, #tpu.memory_space<vmem>>, vector<16xf32>,
      %slice3A_678 = vector.extract_strided_slice %get3A_578 {offsets = [9], sizes = [1], strides = [1]} : vector<16xi32> to vector<1xi32>
      %squeeze3A_679 = vector.extract %slice3A_678[0] : i32 from vector<1xi32>
      %get3A_680 = arith.index_cast %squeeze3A_679 : i32 to index
      %get3A_681 = arith.constant 0 : index
      %get3A_682 = tpu.vector_load %arg11[%get3A_680, %get3A_681] {strides = array<i32>} : memref<5x16xf32, #tpu.memory_space<vmem>>, vector<16xf32>,
      %swap3A_683 = arith.constant 0 : i32
      %swap3A_684 = arith.constant 33 : i32
      %swap3A_685 = arith.index_cast %swap3A_683 : i32 to index
      %swap3A_686 = arith.index_cast %swap3A_684 : i32 to index
      %swap3A_687 = arith.constant 0 : index
      %swap3A_688 = tpu.vector_load %arg9[%swap3A_685, %swap3A_686, %swap3A_687] {strides = array<i32>} : memref<2x40x128xf32, #tpu.memory_space<vmem>>, vector<16xf32>,
      tpu.vector_store %arg9[%swap3A_685, %swap3A_686, %swap3A_687], %get3A_682 {strides = array<i32>} : memref<2x40x128xf32, #tpu.memory_space<vmem>>, vector<16xf32>,
      %slice3A_689 = vector.extract_strided_slice %get3A_578 {offsets = [10], sizes = [1], strides = [1]} : vector<16xi32> to vector<1xi32>
      %squeeze3A_690 = vector.extract %slice3A_689[0] : i32 from vector<1xi32>
      %get3A_691 = arith.index_cast %squeeze3A_690 : i32 to index
      %get3A_692 = arith.constant 0 : index
      %get3A_693 = tpu.vector_load %arg11[%get3A_691, %get3A_692] {strides = array<i32>} : memref<5x16xf32, #tpu.memory_space<vmem>>, vector<16xf32>,
      %swap3A_694 = arith.constant 0 : i32
      %swap3A_695 = arith.constant 34 : i32
      %swap3A_696 = arith.index_cast %swap3A_694 : i32 to index
      %swap3A_697 = arith.index_cast %swap3A_695 : i32 to index
      %swap3A_698 = arith.constant 0 : index
      %swap3A_699 = tpu.vector_load %arg9[%swap3A_696, %swap3A_697, %swap3A_698] {strides = array<i32>} : memref<2x40x128xf32, #tpu.memory_space<vmem>>, vector<16xf32>,
      tpu.vector_store %arg9[%swap3A_696, %swap3A_697, %swap3A_698], %get3A_693 {strides = array<i32>} : memref<2x40x128xf32, #tpu.memory_space<vmem>>, vector<16xf32>,
      %slice3A_700 = vector.extract_strided_slice %get3A_578 {offsets = [11], sizes = [1], strides = [1]} : vector<16xi32> to vector<1xi32>
      %squeeze3A_701 = vector.extract %slice3A_700[0] : i32 from vector<1xi32>
      %get3A_702 = arith.index_cast %squeeze3A_701 : i32 to index
      %get3A_703 = arith.constant 0 : index
      %get3A_704 = tpu.vector_load %arg11[%get3A_702, %get3A_703] {strides = array<i32>} : memref<5x16xf32, #tpu.memory_space<vmem>>, vector<16xf32>,
      %swap3A_705 = arith.constant 0 : i32
      %swap3A_706 = arith.constant 35 : i32
      %swap3A_707 = arith.index_cast %swap3A_705 : i32 to index
      %swap3A_708 = arith.index_cast %swap3A_706 : i32 to index
      %swap3A_709 = arith.constant 0 : index
      %swap3A_710 = tpu.vector_load %arg9[%swap3A_707, %swap3A_708, %swap3A_709] {strides = array<i32>} : memref<2x40x128xf32, #tpu.memory_space<vmem>>, vector<16xf32>,
      tpu.vector_store %arg9[%swap3A_707, %swap3A_708, %swap3A_709], %get3A_704 {strides = array<i32>} : memref<2x40x128xf32, #tpu.memory_space<vmem>>, vector<16xf32>,
      %slice3A_711 = vector.extract_strided_slice %get3A_578 {offsets = [12], sizes = [1], strides = [1]} : vector<16xi32> to vector<1xi32>
      %squeeze3A_712 = vector.extract %slice3A_711[0] : i32 from vector<1xi32>
      %get3A_713 = arith.index_cast %squeeze3A_712 : i32 to index
      %get3A_714 = arith.constant 0 : index
      %get3A_715 = tpu.vector_load %arg11[%get3A_713, %get3A_714] {strides = array<i32>} : memref<5x16xf32, #tpu.memory_space<vmem>>, vector<16xf32>,
      %swap3A_716 = arith.constant 0 : i32
      %swap3A_717 = arith.constant 36 : i32
      %swap3A_718 = arith.index_cast %swap3A_716 : i32 to index
      %swap3A_719 = arith.index_cast %swap3A_717 : i32 to index
      %swap3A_720 = arith.constant 0 : index
      %swap3A_721 = tpu.vector_load %arg9[%swap3A_718, %swap3A_719, %swap3A_720] {strides = array<i32>} : memref<2x40x128xf32, #tpu.memory_space<vmem>>, vector<16xf32>,
      tpu.vector_store %arg9[%swap3A_718, %swap3A_719, %swap3A_720], %get3A_715 {strides = array<i32>} : memref<2x40x128xf32, #tpu.memory_space<vmem>>, vector<16xf32>,
      %slice3A_722 = vector.extract_strided_slice %get3A_578 {offsets = [13], sizes = [1], strides = [1]} : vector<16xi32> to vector<1xi32>
      %squeeze3A_723 = vector.extract %slice3A_722[0] : i32 from vector<1xi32>
      %get3A_724 = arith.index_cast %squeeze3A_723 : i32 to index
      %get3A_725 = arith.constant 0 : index
      %get3A_726 = tpu.vector_load %arg11[%get3A_724, %get3A_725] {strides = array<i32>} : memref<5x16xf32, #tpu.memory_space<vmem>>, vector<16xf32>,
      %swap3A_727 = arith.constant 0 : i32
      %swap3A_728 = arith.constant 37 : i32
      %swap3A_729 = arith.index_cast %swap3A_727 : i32 to index
      %swap3A_730 = arith.index_cast %swap3A_728 : i32 to index
      %swap3A_731 = arith.constant 0 : index
      %swap3A_732 = tpu.vector_load %arg9[%swap3A_729, %swap3A_730, %swap3A_731] {strides = array<i32>} : memref<2x40x128xf32, #tpu.memory_space<vmem>>, vector<16xf32>,
      tpu.vector_store %arg9[%swap3A_729, %swap3A_730, %swap3A_731], %get3A_726 {strides = array<i32>} : memref<2x40x128xf32, #tpu.memory_space<vmem>>, vector<16xf32>,
      %slice3A_733 = vector.extract_strided_slice %get3A_578 {offsets = [14], sizes = [1], strides = [1]} : vector<16xi32> to vector<1xi32>
      %squeeze3A_734 = vector.extract %slice3A_733[0] : i32 from vector<1xi32>
      %get3A_735 = arith.index_cast %squeeze3A_734 : i32 to index
      %get3A_736 = arith.constant 0 : index
      %get3A_737 = tpu.vector_load %arg11[%get3A_735, %get3A_736] {strides = array<i32>} : memref<5x16xf32, #tpu.memory_space<vmem>>, vector<16xf32>,
      %swap3A_738 = arith.constant 0 : i32
      %swap3A_739 = arith.constant 38 : i32
      %swap3A_740 = arith.index_cast %swap3A_738 : i32 to index
      %swap3A_741 = arith.index_cast %swap3A_739 : i32 to index
      %swap3A_742 = arith.constant 0 : index
      %swap3A_743 = tpu.vector_load %arg9[%swap3A_740, %swap3A_741, %swap3A_742] {strides = array<i32>} : memref<2x40x128xf32, #tpu.memory_space<vmem>>, vector<16xf32>,
      tpu.vector_store %arg9[%swap3A_740, %swap3A_741, %swap3A_742], %get3A_737 {strides = array<i32>} : memref<2x40x128xf32, #tpu.memory_space<vmem>>, vector<16xf32>,
      %slice3A_744 = vector.extract_strided_slice %get3A_578 {offsets = [15], sizes = [1], strides = [1]} : vector<16xi32> to vector<1xi32>
      %squeeze3A_745 = vector.extract %slice3A_744[0] : i32 from vector<1xi32>
      %get3A_746 = arith.index_cast %squeeze3A_745 : i32 to index
      %get3A_747 = arith.constant 0 : index
      %get3A_748 = tpu.vector_load %arg11[%get3A_746, %get3A_747] {strides = array<i32>} : memref<5x16xf32, #tpu.memory_space<vmem>>, vector<16xf32>,
      %swap3A_749 = arith.constant 0 : i32
      %swap3A_750 = arith.constant 39 : i32
      %swap3A_751 = arith.index_cast %swap3A_749 : i32 to index
      %swap3A_752 = arith.index_cast %swap3A_750 : i32 to index
      %swap3A_753 = arith.constant 0 : index
      %swap3A_754 = tpu.vector_load %arg9[%swap3A_751, %swap3A_752, %swap3A_753] {strides = array<i32>} : memref<2x40x128xf32, #tpu.memory_space<vmem>>, vector<16xf32>,
      tpu.vector_store %arg9[%swap3A_751, %swap3A_752, %swap3A_753], %get3A_748 {strides = array<i32>} : memref<2x40x128xf32, #tpu.memory_space<vmem>>, vector<16xf32>,
      %dma_start3A_755 = arith.constant 0 : i32
      %dma_start3A_756 = arith.constant 0 : i32
      %dma_start3A_757 = arith.constant 0 : i32
      %dma_start3A_758 = arith.constant 0 : i32
      %dma_start3A_759 = arith.constant 0 : i32
      %dma_start3A_760 = tpu.memref_slice %arg9[%dma_start3A_755, %dma_start3A_758, %dma_start3A_759] : memref<2x40x128xf32, #tpu.memory_space<vmem>> -> memref<1x40x128xf32, #tpu.memory_space<vmem>>
      %dma_start3A_761 = tpu.memref_squeeze %dma_start3A_760 : memref<1x40x128xf32, #tpu.memory_space<vmem>> -> memref<40x128xf32, #tpu.memory_space<vmem>>
      %dma_start3A_762 = arith.constant 0 : i32
      %dma_start3A_763 = tpu.memref_slice %arg8[%dma_start3A_756, %dma_start3A_762] : memref<2x40xi32, #tpu.memory_space<vmem>> -> memref<1x40xi32, #tpu.memory_space<vmem>>
      %dma_start3A_764 = tpu.memref_squeeze %dma_start3A_763 : memref<1x40xi32, #tpu.memory_space<vmem>> -> memref<40xi32, #tpu.memory_space<vmem>>
      %dma_start3A_765 = arith.constant 0 : i32
      %dma_start3A_766 = arith.constant 0 : i32
      %dma_start3A_767 = tpu.memref_slice %arg12[%dma_start3A_765, %dma_start3A_766] : memref<10000x128xf32, #tpu.memory_space<vmem_shared>> -> memref<10000x128xf32, #tpu.memory_space<vmem_shared>>
      %dma_start3A_768 = tpu.memref_slice %arg14[%dma_start3A_757] : memref<2x!tpu.dma_semaphore, #tpu.memory_space<semaphore_mem>> -> memref<1x!tpu.dma_semaphore, #tpu.memory_space<semaphore_mem>>
      %dma_start3A_769 = tpu.memref_squeeze %dma_start3A_768 : memref<1x!tpu.dma_semaphore, #tpu.memory_space<semaphore_mem>> -> memref<!tpu.dma_semaphore, #tpu.memory_space<semaphore_mem>>
      tpu.enqueue_indirect_dma source(%dma_start3A_761 : memref<40x128xf32, #tpu.memory_space<vmem>>) target(%dma_start3A_767 : memref<10000x128xf32, #tpu.memory_space<vmem_shared>>) offsets(%dma_start3A_764 : memref<40xi32, #tpu.memory_space<vmem>>) semaphore(%dma_start3A_769 : memref<!tpu.dma_semaphore, #tpu.memory_space<semaphore_mem>>) {add = true}
      %add3A_770 = arith.constant 2 : i32
      %add3A_771 = arith.addi %add3A_168, %add3A_770 : i32
      %lt3A_772 = arith.constant 250 : i32
      %lt3A_773 = arith.cmpi slt, %add3A_771, %lt3A_772 : i32
      %convert_element_type3A_774 = arith.extui %lt3A_773 : i1 to i32
      %cond3A_775 = arith.constant 0 : i32
      %cond3A_776 = arith.cmpi ne, %convert_element_type3A_774, %cond3A_775 : i32
      scf.if %cond3A_776 {
        %add3A_1396 = arith.constant 2 : i32
        %add3A_1397 = arith.addi %add3A_168, %add3A_1396 : i32
        %mul3A_1398 = arith.constant 40 : i32
        %mul3A_1399 = arith.muli %add3A_1397, %mul3A_1398 : i32
        %add3A_1400 = arith.addi %mul3A_35, %mul3A_1399 : i32
        %dma_start3A_1401 = arith.constant 0 : i32
        %dma_start3A_1402 = arith.constant 0 : i32
        %dma_start3A_1403 = arith.constant 0 : i32
        %dma_start3A_1404 = tpu.memref_slice %arg6[%dma_start3A_1401, %dma_start3A_1403] : memref<2x40xi32, #tpu.memory_space<vmem>> -> memref<1x40xi32, #tpu.memory_space<vmem>>
        %dma_start3A_1405 = tpu.memref_squeeze %dma_start3A_1404 : memref<1x40xi32, #tpu.memory_space<vmem>> -> memref<40xi32, #tpu.memory_space<vmem>>
        %dma_start3A_1406 = tpu.memref_slice %arg3[%add3A_1400] : memref<320000xi32, #tpu.memory_space<hbm>> -> memref<40xi32, #tpu.memory_space<hbm>>
        %dma_start3A_1407 = tpu.memref_slice %arg13[%dma_start3A_1402] : memref<2x!tpu.dma_semaphore, #tpu.memory_space<semaphore_mem>> -> memref<1x!tpu.dma_semaphore, #tpu.memory_space<semaphore_mem>>
        %dma_start3A_1408 = tpu.memref_squeeze %dma_start3A_1407 : memref<1x!tpu.dma_semaphore, #tpu.memory_space<semaphore_mem>> -> memref<!tpu.dma_semaphore, #tpu.memory_space<semaphore_mem>>
        %dma_start3A_1409 = arith.constant 0 : i32
        %dma_start3A_1410 = tpu.memref_slice %arg6[%dma_start3A_1401, %dma_start3A_1409] : memref<2x40xi32, #tpu.memory_space<vmem>> -> memref<1x40xi32, #tpu.memory_space<vmem>>
        %dma_start3A_1411 = tpu.memref_squeeze %dma_start3A_1410 : memref<1x40xi32, #tpu.memory_space<vmem>> -> memref<40xi32, #tpu.memory_space<vmem>>
        %dma_start3A_1412 = tpu.memref_slice %arg3[%add3A_1400] : memref<320000xi32, #tpu.memory_space<hbm>> -> memref<40xi32, #tpu.memory_space<hbm>>
        tpu.enqueue_dma source(%dma_start3A_1412 : memref<40xi32, #tpu.memory_space<hbm>>) target(%dma_start3A_1411 : memref<40xi32, #tpu.memory_space<vmem>>) target_semaphore(%dma_start3A_1408 : memref<!tpu.dma_semaphore, #tpu.memory_space<semaphore_mem>>)
        %dma_start3A_1413 = arith.constant 0 : i32
        %dma_start3A_1414 = arith.constant 0 : i32
        %dma_start3A_1415 = arith.constant 0 : i32
        %dma_start3A_1416 = tpu.memref_slice %arg7[%dma_start3A_1413, %dma_start3A_1415] : memref<2x40xi32, #tpu.memory_space<vmem>> -> memref<1x40xi32, #tpu.memory_space<vmem>>
        %dma_start3A_1417 = tpu.memref_squeeze %dma_start3A_1416 : memref<1x40xi32, #tpu.memory_space<vmem>> -> memref<40xi32, #tpu.memory_space<vmem>>
        %dma_start3A_1418 = tpu.memref_slice %arg2[%add3A_1400] : memref<320000xi32, #tpu.memory_space<hbm>> -> memref<40xi32, #tpu.memory_space<hbm>>
        %dma_start3A_1419 = tpu.memref_slice %arg13[%dma_start3A_1414] : memref<2x!tpu.dma_semaphore, #tpu.memory_space<semaphore_mem>> -> memref<1x!tpu.dma_semaphore, #tpu.memory_space<semaphore_mem>>
        %dma_start3A_1420 = tpu.memref_squeeze %dma_start3A_1419 : memref<1x!tpu.dma_semaphore, #tpu.memory_space<semaphore_mem>> -> memref<!tpu.dma_semaphore, #tpu.memory_space<semaphore_mem>>
        %dma_start3A_1421 = arith.constant 0 : i32
        %dma_start3A_1422 = tpu.memref_slice %arg7[%dma_start3A_1413, %dma_start3A_1421] : memref<2x40xi32, #tpu.memory_space<vmem>> -> memref<1x40xi32, #tpu.memory_space<vmem>>
        %dma_start3A_1423 = tpu.memref_squeeze %dma_start3A_1422 : memref<1x40xi32, #tpu.memory_space<vmem>> -> memref<40xi32, #tpu.memory_space<vmem>>
        %dma_start3A_1424 = tpu.memref_slice %arg2[%add3A_1400] : memref<320000xi32, #tpu.memory_space<hbm>> -> memref<40xi32, #tpu.memory_space<hbm>>
        tpu.enqueue_dma source(%dma_start3A_1424 : memref<40xi32, #tpu.memory_space<hbm>>) target(%dma_start3A_1423 : memref<40xi32, #tpu.memory_space<vmem>>) target_semaphore(%dma_start3A_1420 : memref<!tpu.dma_semaphore, #tpu.memory_space<semaphore_mem>>)
      } else {
      }
      %mul3A_777 = arith.constant 2 : i32
      %mul3A_778 = arith.muli %mul3A_777, %add3A_164 : i32
      %add3A_779 = arith.constant 1 : i32
      %add3A_780 = arith.addi %mul3A_778, %add3A_779 : i32
      %dma_wait3A_781 = arith.constant 1 : i32
      %dma_wait3A_782 = arith.constant 1 : i32
      %dma_wait3A_783 = arith.constant 0 : i32
      %dma_wait3A_784 = tpu.memref_slice %arg6[%dma_wait3A_781, %dma_wait3A_783] : memref<2x40xi32, #tpu.memory_space<vmem>> -> memref<1x40xi32, #tpu.memory_space<vmem>>
      %dma_wait3A_785 = tpu.memref_squeeze %dma_wait3A_784 : memref<1x40xi32, #tpu.memory_space<vmem>> -> memref<40xi32, #tpu.memory_space<vmem>>
      %dma_wait3A_786 = tpu.memref_slice %arg3[%mul3A_35] : memref<320000xi32, #tpu.memory_space<hbm>> -> memref<40xi32, #tpu.memory_space<hbm>>
      %dma_wait3A_787 = tpu.memref_slice %arg13[%dma_wait3A_782] : memref<2x!tpu.dma_semaphore, #tpu.memory_space<semaphore_mem>> -> memref<1x!tpu.dma_semaphore, #tpu.memory_space<semaphore_mem>>
      %dma_wait3A_788 = tpu.memref_squeeze %dma_wait3A_787 : memref<1x!tpu.dma_semaphore, #tpu.memory_space<semaphore_mem>> -> memref<!tpu.dma_semaphore, #tpu.memory_space<semaphore_mem>>
      %dma_wait3A_789 = arith.constant 0 : i32
      %dma_wait3A_790 = tpu.memref_slice %arg6[%dma_wait3A_781, %dma_wait3A_789] : memref<2x40xi32, #tpu.memory_space<vmem>> -> memref<1x40xi32, #tpu.memory_space<vmem>>
      %dma_wait3A_791 = tpu.memref_squeeze %dma_wait3A_790 : memref<1x40xi32, #tpu.memory_space<vmem>> -> memref<40xi32, #tpu.memory_space<vmem>>
      %dma_wait3A_792 = tpu.memref_slice %arg3[%mul3A_35] : memref<320000xi32, #tpu.memory_space<hbm>> -> memref<40xi32, #tpu.memory_space<hbm>>
      tpu.wait_dma2 semaphore(%dma_wait3A_788 : memref<!tpu.dma_semaphore, #tpu.memory_space<semaphore_mem>>) src(%dma_wait3A_792 : memref<40xi32, #tpu.memory_space<hbm>>) dst(%dma_wait3A_791 : memref<40xi32, #tpu.memory_space<vmem>>)
      %dma_wait3A_793 = arith.constant 1 : i32
      %dma_wait3A_794 = arith.constant 1 : i32
      %dma_wait3A_795 = arith.constant 0 : i32
      %dma_wait3A_796 = tpu.memref_slice %arg7[%dma_wait3A_793, %dma_wait3A_795] : memref<2x40xi32, #tpu.memory_space<vmem>> -> memref<1x40xi32, #tpu.memory_space<vmem>>
      %dma_wait3A_797 = tpu.memref_squeeze %dma_wait3A_796 : memref<1x40xi32, #tpu.memory_space<vmem>> -> memref<40xi32, #tpu.memory_space<vmem>>
      %dma_wait3A_798 = tpu.memref_slice %arg2[%mul3A_35] : memref<320000xi32, #tpu.memory_space<hbm>> -> memref<40xi32, #tpu.memory_space<hbm>>
      %dma_wait3A_799 = tpu.memref_slice %arg13[%dma_wait3A_794] : memref<2x!tpu.dma_semaphore, #tpu.memory_space<semaphore_mem>> -> memref<1x!tpu.dma_semaphore, #tpu.memory_space<semaphore_mem>>
      %dma_wait3A_800 = tpu.memref_squeeze %dma_wait3A_799 : memref<1x!tpu.dma_semaphore, #tpu.memory_space<semaphore_mem>> -> memref<!tpu.dma_semaphore, #tpu.memory_space<semaphore_mem>>
      %dma_wait3A_801 = arith.constant 0 : i32
      %dma_wait3A_802 = tpu.memref_slice %arg7[%dma_wait3A_793, %dma_wait3A_801] : memref<2x40xi32, #tpu.memory_space<vmem>> -> memref<1x40xi32, #tpu.memory_space<vmem>>
      %dma_wait3A_803 = tpu.memref_squeeze %dma_wait3A_802 : memref<1x40xi32, #tpu.memory_space<vmem>> -> memref<40xi32, #tpu.memory_space<vmem>>
      %dma_wait3A_804 = tpu.memref_slice %arg2[%mul3A_35] : memref<320000xi32, #tpu.memory_space<hbm>> -> memref<40xi32, #tpu.memory_space<hbm>>
      tpu.wait_dma2 semaphore(%dma_wait3A_800 : memref<!tpu.dma_semaphore, #tpu.memory_space<semaphore_mem>>) src(%dma_wait3A_804 : memref<40xi32, #tpu.memory_space<hbm>>) dst(%dma_wait3A_803 : memref<40xi32, #tpu.memory_space<vmem>>)
      %gt3A_805 = arith.constant 0 : i32
      %gt3A_806 = arith.cmpi sgt, %add3A_164, %gt3A_805 : i32
      %convert_element_type3A_807 = arith.extui %gt3A_806 : i1 to i32
      %cond3A_808 = arith.constant 0 : i32
      %cond3A_809 = arith.cmpi ne, %convert_element_type3A_807, %cond3A_808 : i32
      scf.if %cond3A_809 {
        %dma_wait3A_1396 = arith.constant 1 : i32
        %dma_wait3A_1397 = arith.constant 1 : i32
        %dma_wait3A_1398 = arith.constant 1 : i32
        %dma_wait3A_1399 = arith.constant 0 : i32
        %dma_wait3A_1400 = arith.constant 0 : i32
        %dma_wait3A_1401 = tpu.memref_slice %arg9[%dma_wait3A_1396, %dma_wait3A_1399, %dma_wait3A_1400] : memref<2x40x128xf32, #tpu.memory_space<vmem>> -> memref<1x40x128xf32, #tpu.memory_space<vmem>>
        %dma_wait3A_1402 = tpu.memref_squeeze %dma_wait3A_1401 : memref<1x40x128xf32, #tpu.memory_space<vmem>> -> memref<40x128xf32, #tpu.memory_space<vmem>>
        %dma_wait3A_1403 = arith.constant 0 : i32
        %dma_wait3A_1404 = tpu.memref_slice %arg8[%dma_wait3A_1397, %dma_wait3A_1403] : memref<2x40xi32, #tpu.memory_space<vmem>> -> memref<1x40xi32, #tpu.memory_space<vmem>>
        %dma_wait3A_1405 = tpu.memref_squeeze %dma_wait3A_1404 : memref<1x40xi32, #tpu.memory_space<vmem>> -> memref<40xi32, #tpu.memory_space<vmem>>
        %dma_wait3A_1406 = arith.constant 0 : i32
        %dma_wait3A_1407 = arith.constant 0 : i32
        %dma_wait3A_1408 = tpu.memref_slice %arg12[%dma_wait3A_1406, %dma_wait3A_1407] : memref<10000x128xf32, #tpu.memory_space<vmem_shared>> -> memref<10000x128xf32, #tpu.memory_space<vmem_shared>>
        %dma_wait3A_1409 = tpu.memref_slice %arg14[%dma_wait3A_1398] : memref<2x!tpu.dma_semaphore, #tpu.memory_space<semaphore_mem>> -> memref<1x!tpu.dma_semaphore, #tpu.memory_space<semaphore_mem>>
        %dma_wait3A_1410 = tpu.memref_squeeze %dma_wait3A_1409 : memref<1x!tpu.dma_semaphore, #tpu.memory_space<semaphore_mem>> -> memref<!tpu.dma_semaphore, #tpu.memory_space<semaphore_mem>>
        tpu.wait_indirect_dma semaphore(%dma_wait3A_1410 : memref<!tpu.dma_semaphore, #tpu.memory_space<semaphore_mem>>) src(%dma_wait3A_1402 : memref<40x128xf32, #tpu.memory_space<vmem>>) dst(%dma_wait3A_1408 : memref<10000x128xf32, #tpu.memory_space<vmem_shared>>)
      } else {
      }
      %get3A_810 = arith.constant 1 : i32
      %get3A_811 = arith.index_cast %get3A_810 : i32 to index
      %get3A_812 = arith.constant 0 : index
      %get3A_813 = tpu.vector_load %arg7[%get3A_811, %get3A_812] {strides = array<i32>} : memref<2x40xi32, #tpu.memory_space<vmem>>, vector<16xi32>,
      %swap3A_814 = arith.constant 1 : i32
      %swap3A_815 = arith.index_cast %swap3A_814 : i32 to index
      %swap3A_816 = arith.constant 0 : index
      %swap3A_817 = tpu.vector_load %arg8[%swap3A_815, %swap3A_816] {strides = array<i32>} : memref<2x40xi32, #tpu.memory_space<vmem>>, vector<16xi32>,
      tpu.vector_store %arg8[%swap3A_815, %swap3A_816], %get3A_813 {strides = array<i32>} : memref<2x40xi32, #tpu.memory_space<vmem>>, vector<16xi32>,
      %get3A_818 = arith.constant 1 : i32
      %get3A_819 = arith.index_cast %get3A_818 : i32 to index
      %get3A_820 = arith.constant 16 : index
      %get3A_821 = tpu.vector_load %arg7[%get3A_819, %get3A_820] {strides = array<i32>} : memref<2x40xi32, #tpu.memory_space<vmem>>, vector<16xi32>,
      %swap3A_822 = arith.constant 1 : i32
      %swap3A_823 = arith.index_cast %swap3A_822 : i32 to index
      %swap3A_824 = arith.constant 16 : index
      %swap3A_825 = tpu.vector_load %arg8[%swap3A_823, %swap3A_824] {strides = array<i32>} : memref<2x40xi32, #tpu.memory_space<vmem>>, vector<16xi32>,
      tpu.vector_store %arg8[%swap3A_823, %swap3A_824], %get3A_821 {strides = array<i32>} : memref<2x40xi32, #tpu.memory_space<vmem>>, vector<16xi32>,
      %get3A_826 = arith.constant 1 : i32
      %get3A_827 = arith.index_cast %get3A_826 : i32 to index
      %get3A_828 = arith.constant 24 : index
      %get3A_829 = tpu.vector_load %arg7[%get3A_827, %get3A_828] {strides = array<i32>} : memref<2x40xi32, #tpu.memory_space<vmem>>, vector<16xi32>,
      %swap3A_830 = arith.constant 1 : i32
      %swap3A_831 = arith.index_cast %swap3A_830 : i32 to index
      %swap3A_832 = arith.constant 24 : index
      %swap3A_833 = tpu.vector_load %arg8[%swap3A_831, %swap3A_832] {strides = array<i32>} : memref<2x40xi32, #tpu.memory_space<vmem>>, vector<16xi32>,
      tpu.vector_store %arg8[%swap3A_831, %swap3A_832], %get3A_829 {strides = array<i32>} : memref<2x40xi32, #tpu.memory_space<vmem>>, vector<16xi32>,
      %get3A_834 = arith.constant 1 : i32
      %get3A_835 = arith.index_cast %get3A_834 : i32 to index
      %get3A_836 = arith.constant 0 : index
      %get3A_837 = tpu.vector_load %arg6[%get3A_835, %get3A_836] {strides = array<i32>} : memref<2x40xi32, #tpu.memory_space<vmem>>, vector<16xi32>,
      %slice3A_838 = vector.extract_strided_slice %get3A_837 {offsets = [0], sizes = [1], strides = [1]} : vector<16xi32> to vector<1xi32>
      %squeeze3A_839 = vector.extract %slice3A_838[0] : i32 from vector<1xi32>
      %get3A_840 = arith.index_cast %squeeze3A_839 : i32 to index
      %get3A_841 = arith.constant 0 : index
      %get3A_842 = tpu.vector_load %arg11[%get3A_840, %get3A_841] {strides = array<i32>} : memref<5x16xf32, #tpu.memory_space<vmem>>, vector<16xf32>,
      %swap3A_843 = arith.constant 1 : i32
      %swap3A_844 = arith.constant 0 : i32
      %swap3A_845 = arith.index_cast %swap3A_843 : i32 to index
      %swap3A_846 = arith.index_cast %swap3A_844 : i32 to index
      %swap3A_847 = arith.constant 0 : index
      %swap3A_848 = tpu.vector_load %arg9[%swap3A_845, %swap3A_846, %swap3A_847] {strides = array<i32>} : memref<2x40x128xf32, #tpu.memory_space<vmem>>, vector<16xf32>,
      tpu.vector_store %arg9[%swap3A_845, %swap3A_846, %swap3A_847], %get3A_842 {strides = array<i32>} : memref<2x40x128xf32, #tpu.memory_space<vmem>>, vector<16xf32>,
      %slice3A_849 = vector.extract_strided_slice %get3A_837 {offsets = [1], sizes = [1], strides = [1]} : vector<16xi32> to vector<1xi32>
      %squeeze3A_850 = vector.extract %slice3A_849[0] : i32 from vector<1xi32>
      %get3A_851 = arith.index_cast %squeeze3A_850 : i32 to index
      %get3A_852 = arith.constant 0 : index
      %get3A_853 = tpu.vector_load %arg11[%get3A_851, %get3A_852] {strides = array<i32>} : memref<5x16xf32, #tpu.memory_space<vmem>>, vector<16xf32>,
      %swap3A_854 = arith.constant 1 : i32
      %swap3A_855 = arith.constant 1 : i32
      %swap3A_856 = arith.index_cast %swap3A_854 : i32 to index
      %swap3A_857 = arith.index_cast %swap3A_855 : i32 to index
      %swap3A_858 = arith.constant 0 : index
      %swap3A_859 = tpu.vector_load %arg9[%swap3A_856, %swap3A_857, %swap3A_858] {strides = array<i32>} : memref<2x40x128xf32, #tpu.memory_space<vmem>>, vector<16xf32>,
      tpu.vector_store %arg9[%swap3A_856, %swap3A_857, %swap3A_858], %get3A_853 {strides = array<i32>} : memref<2x40x128xf32, #tpu.memory_space<vmem>>, vector<16xf32>,
      %slice3A_860 = vector.extract_strided_slice %get3A_837 {offsets = [2], sizes = [1], strides = [1]} : vector<16xi32> to vector<1xi32>
      %squeeze3A_861 = vector.extract %slice3A_860[0] : i32 from vector<1xi32>
      %get3A_862 = arith.index_cast %squeeze3A_861 : i32 to index
      %get3A_863 = arith.constant 0 : index
      %get3A_864 = tpu.vector_load %arg11[%get3A_862, %get3A_863] {strides = array<i32>} : memref<5x16xf32, #tpu.memory_space<vmem>>, vector<16xf32>,
      %swap3A_865 = arith.constant 1 : i32
      %swap3A_866 = arith.constant 2 : i32
      %swap3A_867 = arith.index_cast %swap3A_865 : i32 to index
      %swap3A_868 = arith.index_cast %swap3A_866 : i32 to index
      %swap3A_869 = arith.constant 0 : index
      %swap3A_870 = tpu.vector_load %arg9[%swap3A_867, %swap3A_868, %swap3A_869] {strides = array<i32>} : memref<2x40x128xf32, #tpu.memory_space<vmem>>, vector<16xf32>,
      tpu.vector_store %arg9[%swap3A_867, %swap3A_868, %swap3A_869], %get3A_864 {strides = array<i32>} : memref<2x40x128xf32, #tpu.memory_space<vmem>>, vector<16xf32>,
      %slice3A_871 = vector.extract_strided_slice %get3A_837 {offsets = [3], sizes = [1], strides = [1]} : vector<16xi32> to vector<1xi32>
      %squeeze3A_872 = vector.extract %slice3A_871[0] : i32 from vector<1xi32>
      %get3A_873 = arith.index_cast %squeeze3A_872 : i32 to index
      %get3A_874 = arith.constant 0 : index
      %get3A_875 = tpu.vector_load %arg11[%get3A_873, %get3A_874] {strides = array<i32>} : memref<5x16xf32, #tpu.memory_space<vmem>>, vector<16xf32>,
      %swap3A_876 = arith.constant 1 : i32
      %swap3A_877 = arith.constant 3 : i32
      %swap3A_878 = arith.index_cast %swap3A_876 : i32 to index
      %swap3A_879 = arith.index_cast %swap3A_877 : i32 to index
      %swap3A_880 = arith.constant 0 : index
      %swap3A_881 = tpu.vector_load %arg9[%swap3A_878, %swap3A_879, %swap3A_880] {strides = array<i32>} : memref<2x40x128xf32, #tpu.memory_space<vmem>>, vector<16xf32>,
      tpu.vector_store %arg9[%swap3A_878, %swap3A_879, %swap3A_880], %get3A_875 {strides = array<i32>} : memref<2x40x128xf32, #tpu.memory_space<vmem>>, vector<16xf32>,
      %slice3A_882 = vector.extract_strided_slice %get3A_837 {offsets = [4], sizes = [1], strides = [1]} : vector<16xi32> to vector<1xi32>
      %squeeze3A_883 = vector.extract %slice3A_882[0] : i32 from vector<1xi32>
      %get3A_884 = arith.index_cast %squeeze3A_883 : i32 to index
      %get3A_885 = arith.constant 0 : index
      %get3A_886 = tpu.vector_load %arg11[%get3A_884, %get3A_885] {strides = array<i32>} : memref<5x16xf32, #tpu.memory_space<vmem>>, vector<16xf32>,
      %swap3A_887 = arith.constant 1 : i32
      %swap3A_888 = arith.constant 4 : i32
      %swap3A_889 = arith.index_cast %swap3A_887 : i32 to index
      %swap3A_890 = arith.index_cast %swap3A_888 : i32 to index
      %swap3A_891 = arith.constant 0 : index
      %swap3A_892 = tpu.vector_load %arg9[%swap3A_889, %swap3A_890, %swap3A_891] {strides = array<i32>} : memref<2x40x128xf32, #tpu.memory_space<vmem>>, vector<16xf32>,
      tpu.vector_store %arg9[%swap3A_889, %swap3A_890, %swap3A_891], %get3A_886 {strides = array<i32>} : memref<2x40x128xf32, #tpu.memory_space<vmem>>, vector<16xf32>,
      %slice3A_893 = vector.extract_strided_slice %get3A_837 {offsets = [5], sizes = [1], strides = [1]} : vector<16xi32> to vector<1xi32>
      %squeeze3A_894 = vector.extract %slice3A_893[0] : i32 from vector<1xi32>
      %get3A_895 = arith.index_cast %squeeze3A_894 : i32 to index
      %get3A_896 = arith.constant 0 : index
      %get3A_897 = tpu.vector_load %arg11[%get3A_895, %get3A_896] {strides = array<i32>} : memref<5x16xf32, #tpu.memory_space<vmem>>, vector<16xf32>,
      %swap3A_898 = arith.constant 1 : i32
      %swap3A_899 = arith.constant 5 : i32
      %swap3A_900 = arith.index_cast %swap3A_898 : i32 to index
      %swap3A_901 = arith.index_cast %swap3A_899 : i32 to index
      %swap3A_902 = arith.constant 0 : index
      %swap3A_903 = tpu.vector_load %arg9[%swap3A_900, %swap3A_901, %swap3A_902] {strides = array<i32>} : memref<2x40x128xf32, #tpu.memory_space<vmem>>, vector<16xf32>,
      tpu.vector_store %arg9[%swap3A_900, %swap3A_901, %swap3A_902], %get3A_897 {strides = array<i32>} : memref<2x40x128xf32, #tpu.memory_space<vmem>>, vector<16xf32>,
      %slice3A_904 = vector.extract_strided_slice %get3A_837 {offsets = [6], sizes = [1], strides = [1]} : vector<16xi32> to vector<1xi32>
      %squeeze3A_905 = vector.extract %slice3A_904[0] : i32 from vector<1xi32>
      %get3A_906 = arith.index_cast %squeeze3A_905 : i32 to index
      %get3A_907 = arith.constant 0 : index
      %get3A_908 = tpu.vector_load %arg11[%get3A_906, %get3A_907] {strides = array<i32>} : memref<5x16xf32, #tpu.memory_space<vmem>>, vector<16xf32>,
      %swap3A_909 = arith.constant 1 : i32
      %swap3A_910 = arith.constant 6 : i32
      %swap3A_911 = arith.index_cast %swap3A_909 : i32 to index
      %swap3A_912 = arith.index_cast %swap3A_910 : i32 to index
      %swap3A_913 = arith.constant 0 : index
      %swap3A_914 = tpu.vector_load %arg9[%swap3A_911, %swap3A_912, %swap3A_913] {strides = array<i32>} : memref<2x40x128xf32, #tpu.memory_space<vmem>>, vector<16xf32>,
      tpu.vector_store %arg9[%swap3A_911, %swap3A_912, %swap3A_913], %get3A_908 {strides = array<i32>} : memref<2x40x128xf32, #tpu.memory_space<vmem>>, vector<16xf32>,
      %slice3A_915 = vector.extract_strided_slice %get3A_837 {offsets = [7], sizes = [1], strides = [1]} : vector<16xi32> to vector<1xi32>
      %squeeze3A_916 = vector.extract %slice3A_915[0] : i32 from vector<1xi32>
      %get3A_917 = arith.index_cast %squeeze3A_916 : i32 to index
      %get3A_918 = arith.constant 0 : index
      %get3A_919 = tpu.vector_load %arg11[%get3A_917, %get3A_918] {strides = array<i32>} : memref<5x16xf32, #tpu.memory_space<vmem>>, vector<16xf32>,
      %swap3A_920 = arith.constant 1 : i32
      %swap3A_921 = arith.constant 7 : i32
      %swap3A_922 = arith.index_cast %swap3A_920 : i32 to index
      %swap3A_923 = arith.index_cast %swap3A_921 : i32 to index
      %swap3A_924 = arith.constant 0 : index
      %swap3A_925 = tpu.vector_load %arg9[%swap3A_922, %swap3A_923, %swap3A_924] {strides = array<i32>} : memref<2x40x128xf32, #tpu.memory_space<vmem>>, vector<16xf32>,
      tpu.vector_store %arg9[%swap3A_922, %swap3A_923, %swap3A_924], %get3A_919 {strides = array<i32>} : memref<2x40x128xf32, #tpu.memory_space<vmem>>, vector<16xf32>,
      %slice3A_926 = vector.extract_strided_slice %get3A_837 {offsets = [8], sizes = [1], strides = [1]} : vector<16xi32> to vector<1xi32>
      %squeeze3A_927 = vector.extract %slice3A_926[0] : i32 from vector<1xi32>
      %get3A_928 = arith.index_cast %squeeze3A_927 : i32 to index
      %get3A_929 = arith.constant 0 : index
      %get3A_930 = tpu.vector_load %arg11[%get3A_928, %get3A_929] {strides = array<i32>} : memref<5x16xf32, #tpu.memory_space<vmem>>, vector<16xf32>,
      %swap3A_931 = arith.constant 1 : i32
      %swap3A_932 = arith.constant 8 : i32
      %swap3A_933 = arith.index_cast %swap3A_931 : i32 to index
      %swap3A_934 = arith.index_cast %swap3A_932 : i32 to index
      %swap3A_935 = arith.constant 0 : index
      %swap3A_936 = tpu.vector_load %arg9[%swap3A_933, %swap3A_934, %swap3A_935] {strides = array<i32>} : memref<2x40x128xf32, #tpu.memory_space<vmem>>, vector<16xf32>,
      tpu.vector_store %arg9[%swap3A_933, %swap3A_934, %swap3A_935], %get3A_930 {strides = array<i32>} : memref<2x40x128xf32, #tpu.memory_space<vmem>>, vector<16xf32>,
      %slice3A_937 = vector.extract_strided_slice %get3A_837 {offsets = [9], sizes = [1], strides = [1]} : vector<16xi32> to vector<1xi32>
      %squeeze3A_938 = vector.extract %slice3A_937[0] : i32 from vector<1xi32>
      %get3A_939 = arith.index_cast %squeeze3A_938 : i32 to index
      %get3A_940 = arith.constant 0 : index
      %get3A_941 = tpu.vector_load %arg11[%get3A_939, %get3A_940] {strides = array<i32>} : memref<5x16xf32, #tpu.memory_space<vmem>>, vector<16xf32>,
      %swap3A_942 = arith.constant 1 : i32
      %swap3A_943 = arith.constant 9 : i32
      %swap3A_944 = arith.index_cast %swap3A_942 : i32 to index
      %swap3A_945 = arith.index_cast %swap3A_943 : i32 to index
      %swap3A_946 = arith.constant 0 : index
      %swap3A_947 = tpu.vector_load %arg9[%swap3A_944, %swap3A_945, %swap3A_946] {strides = array<i32>} : memref<2x40x128xf32, #tpu.memory_space<vmem>>, vector<16xf32>,
      tpu.vector_store %arg9[%swap3A_944, %swap3A_945, %swap3A_946], %get3A_941 {strides = array<i32>} : memref<2x40x128xf32, #tpu.memory_space<vmem>>, vector<16xf32>,
      %slice3A_948 = vector.extract_strided_slice %get3A_837 {offsets = [10], sizes = [1], strides = [1]} : vector<16xi32> to vector<1xi32>
      %squeeze3A_949 = vector.extract %slice3A_948[0] : i32 from vector<1xi32>
      %get3A_950 = arith.index_cast %squeeze3A_949 : i32 to index
      %get3A_951 = arith.constant 0 : index
      %get3A_952 = tpu.vector_load %arg11[%get3A_950, %get3A_951] {strides = array<i32>} : memref<5x16xf32, #tpu.memory_space<vmem>>, vector<16xf32>,
      %swap3A_953 = arith.constant 1 : i32
      %swap3A_954 = arith.constant 10 : i32
      %swap3A_955 = arith.index_cast %swap3A_953 : i32 to index
      %swap3A_956 = arith.index_cast %swap3A_954 : i32 to index
      %swap3A_957 = arith.constant 0 : index
      %swap3A_958 = tpu.vector_load %arg9[%swap3A_955, %swap3A_956, %swap3A_957] {strides = array<i32>} : memref<2x40x128xf32, #tpu.memory_space<vmem>>, vector<16xf32>,
      tpu.vector_store %arg9[%swap3A_955, %swap3A_956, %swap3A_957], %get3A_952 {strides = array<i32>} : memref<2x40x128xf32, #tpu.memory_space<vmem>>, vector<16xf32>,
      %slice3A_959 = vector.extract_strided_slice %get3A_837 {offsets = [11], sizes = [1], strides = [1]} : vector<16xi32> to vector<1xi32>
      %squeeze3A_960 = vector.extract %slice3A_959[0] : i32 from vector<1xi32>
      %get3A_961 = arith.index_cast %squeeze3A_960 : i32 to index
      %get3A_962 = arith.constant 0 : index
      %get3A_963 = tpu.vector_load %arg11[%get3A_961, %get3A_962] {strides = array<i32>} : memref<5x16xf32, #tpu.memory_space<vmem>>, vector<16xf32>,
      %swap3A_964 = arith.constant 1 : i32
      %swap3A_965 = arith.constant 11 : i32
      %swap3A_966 = arith.index_cast %swap3A_964 : i32 to index
      %swap3A_967 = arith.index_cast %swap3A_965 : i32 to index
      %swap3A_968 = arith.constant 0 : index
      %swap3A_969 = tpu.vector_load %arg9[%swap3A_966, %swap3A_967, %swap3A_968] {strides = array<i32>} : memref<2x40x128xf32, #tpu.memory_space<vmem>>, vector<16xf32>,
      tpu.vector_store %arg9[%swap3A_966, %swap3A_967, %swap3A_968], %get3A_963 {strides = array<i32>} : memref<2x40x128xf32, #tpu.memory_space<vmem>>, vector<16xf32>,
      %slice3A_970 = vector.extract_strided_slice %get3A_837 {offsets = [12], sizes = [1], strides = [1]} : vector<16xi32> to vector<1xi32>
      %squeeze3A_971 = vector.extract %slice3A_970[0] : i32 from vector<1xi32>
      %get3A_972 = arith.index_cast %squeeze3A_971 : i32 to index
      %get3A_973 = arith.constant 0 : index
      %get3A_974 = tpu.vector_load %arg11[%get3A_972, %get3A_973] {strides = array<i32>} : memref<5x16xf32, #tpu.memory_space<vmem>>, vector<16xf32>,
      %swap3A_975 = arith.constant 1 : i32
      %swap3A_976 = arith.constant 12 : i32
      %swap3A_977 = arith.index_cast %swap3A_975 : i32 to index
      %swap3A_978 = arith.index_cast %swap3A_976 : i32 to index
      %swap3A_979 = arith.constant 0 : index
      %swap3A_980 = tpu.vector_load %arg9[%swap3A_977, %swap3A_978, %swap3A_979] {strides = array<i32>} : memref<2x40x128xf32, #tpu.memory_space<vmem>>, vector<16xf32>,
      tpu.vector_store %arg9[%swap3A_977, %swap3A_978, %swap3A_979], %get3A_974 {strides = array<i32>} : memref<2x40x128xf32, #tpu.memory_space<vmem>>, vector<16xf32>,
      %slice3A_981 = vector.extract_strided_slice %get3A_837 {offsets = [13], sizes = [1], strides = [1]} : vector<16xi32> to vector<1xi32>
      %squeeze3A_982 = vector.extract %slice3A_981[0] : i32 from vector<1xi32>
      %get3A_983 = arith.index_cast %squeeze3A_982 : i32 to index
      %get3A_984 = arith.constant 0 : index
      %get3A_985 = tpu.vector_load %arg11[%get3A_983, %get3A_984] {strides = array<i32>} : memref<5x16xf32, #tpu.memory_space<vmem>>, vector<16xf32>,
      %swap3A_986 = arith.constant 1 : i32
      %swap3A_987 = arith.constant 13 : i32
      %swap3A_988 = arith.index_cast %swap3A_986 : i32 to index
      %swap3A_989 = arith.index_cast %swap3A_987 : i32 to index
      %swap3A_990 = arith.constant 0 : index
      %swap3A_991 = tpu.vector_load %arg9[%swap3A_988, %swap3A_989, %swap3A_990] {strides = array<i32>} : memref<2x40x128xf32, #tpu.memory_space<vmem>>, vector<16xf32>,
      tpu.vector_store %arg9[%swap3A_988, %swap3A_989, %swap3A_990], %get3A_985 {strides = array<i32>} : memref<2x40x128xf32, #tpu.memory_space<vmem>>, vector<16xf32>,
      %slice3A_992 = vector.extract_strided_slice %get3A_837 {offsets = [14], sizes = [1], strides = [1]} : vector<16xi32> to vector<1xi32>
      %squeeze3A_993 = vector.extract %slice3A_992[0] : i32 from vector<1xi32>
      %get3A_994 = arith.index_cast %squeeze3A_993 : i32 to index
      %get3A_995 = arith.constant 0 : index
      %get3A_996 = tpu.vector_load %arg11[%get3A_994, %get3A_995] {strides = array<i32>} : memref<5x16xf32, #tpu.memory_space<vmem>>, vector<16xf32>,
      %swap3A_997 = arith.constant 1 : i32
      %swap3A_998 = arith.constant 14 : i32
      %swap3A_999 = arith.index_cast %swap3A_997 : i32 to index
      %swap3A_1000 = arith.index_cast %swap3A_998 : i32 to index
      %swap3A_1001 = arith.constant 0 : index
      %swap3A_1002 = tpu.vector_load %arg9[%swap3A_999, %swap3A_1000, %swap3A_1001] {strides = array<i32>} : memref<2x40x128xf32, #tpu.memory_space<vmem>>, vector<16xf32>,
      tpu.vector_store %arg9[%swap3A_999, %swap3A_1000, %swap3A_1001], %get3A_996 {strides = array<i32>} : memref<2x40x128xf32, #tpu.memory_space<vmem>>, vector<16xf32>,
      %slice3A_1003 = vector.extract_strided_slice %get3A_837 {offsets = [15], sizes = [1], strides = [1]} : vector<16xi32> to vector<1xi32>
      %squeeze3A_1004 = vector.extract %slice3A_1003[0] : i32 from vector<1xi32>
      %get3A_1005 = arith.index_cast %squeeze3A_1004 : i32 to index
      %get3A_1006 = arith.constant 0 : index
      %get3A_1007 = tpu.vector_load %arg11[%get3A_1005, %get3A_1006] {strides = array<i32>} : memref<5x16xf32, #tpu.memory_space<vmem>>, vector<16xf32>,
      %swap3A_1008 = arith.constant 1 : i32
      %swap3A_1009 = arith.constant 15 : i32
      %swap3A_1010 = arith.index_cast %swap3A_1008 : i32 to index
      %swap3A_1011 = arith.index_cast %swap3A_1009 : i32 to index
      %swap3A_1012 = arith.constant 0 : index
      %swap3A_1013 = tpu.vector_load %arg9[%swap3A_1010, %swap3A_1011, %swap3A_1012] {strides = array<i32>} : memref<2x40x128xf32, #tpu.memory_space<vmem>>, vector<16xf32>,
      tpu.vector_store %arg9[%swap3A_1010, %swap3A_1011, %swap3A_1012], %get3A_1007 {strides = array<i32>} : memref<2x40x128xf32, #tpu.memory_space<vmem>>, vector<16xf32>,
      %get3A_1014 = arith.constant 1 : i32
      %get3A_1015 = arith.index_cast %get3A_1014 : i32 to index
      %get3A_1016 = arith.constant 16 : index
      %get3A_1017 = tpu.vector_load %arg6[%get3A_1015, %get3A_1016] {strides = array<i32>} : memref<2x40xi32, #tpu.memory_space<vmem>>, vector<16xi32>,
      %slice3A_1018 = vector.extract_strided_slice %get3A_1017 {offsets = [0], sizes = [1], strides = [1]} : vector<16xi32> to vector<1xi32>
      %squeeze3A_1019 = vector.extract %slice3A_1018[0] : i32 from vector<1xi32>
      %get3A_1020 = arith.index_cast %squeeze3A_1019 : i32 to index
      %get3A_1021 = arith.constant 0 : index
      %get3A_1022 = tpu.vector_load %arg11[%get3A_1020, %get3A_1021] {strides = array<i32>} : memref<5x16xf32, #tpu.memory_space<vmem>>, vector<16xf32>,
      %swap3A_1023 = arith.constant 1 : i32
      %swap3A_1024 = arith.constant 16 : i32
      %swap3A_1025 = arith.index_cast %swap3A_1023 : i32 to index
      %swap3A_1026 = arith.index_cast %swap3A_1024 : i32 to index
      %swap3A_1027 = arith.constant 0 : index
      %swap3A_1028 = tpu.vector_load %arg9[%swap3A_1025, %swap3A_1026, %swap3A_1027] {strides = array<i32>} : memref<2x40x128xf32, #tpu.memory_space<vmem>>, vector<16xf32>,
      tpu.vector_store %arg9[%swap3A_1025, %swap3A_1026, %swap3A_1027], %get3A_1022 {strides = array<i32>} : memref<2x40x128xf32, #tpu.memory_space<vmem>>, vector<16xf32>,
      %slice3A_1029 = vector.extract_strided_slice %get3A_1017 {offsets = [1], sizes = [1], strides = [1]} : vector<16xi32> to vector<1xi32>
      %squeeze3A_1030 = vector.extract %slice3A_1029[0] : i32 from vector<1xi32>
      %get3A_1031 = arith.index_cast %squeeze3A_1030 : i32 to index
      %get3A_1032 = arith.constant 0 : index
      %get3A_1033 = tpu.vector_load %arg11[%get3A_1031, %get3A_1032] {strides = array<i32>} : memref<5x16xf32, #tpu.memory_space<vmem>>, vector<16xf32>,
      %swap3A_1034 = arith.constant 1 : i32
      %swap3A_1035 = arith.constant 17 : i32
      %swap3A_1036 = arith.index_cast %swap3A_1034 : i32 to index
      %swap3A_1037 = arith.index_cast %swap3A_1035 : i32 to index
      %swap3A_1038 = arith.constant 0 : index
      %swap3A_1039 = tpu.vector_load %arg9[%swap3A_1036, %swap3A_1037, %swap3A_1038] {strides = array<i32>} : memref<2x40x128xf32, #tpu.memory_space<vmem>>, vector<16xf32>,
      tpu.vector_store %arg9[%swap3A_1036, %swap3A_1037, %swap3A_1038], %get3A_1033 {strides = array<i32>} : memref<2x40x128xf32, #tpu.memory_space<vmem>>, vector<16xf32>,
      %slice3A_1040 = vector.extract_strided_slice %get3A_1017 {offsets = [2], sizes = [1], strides = [1]} : vector<16xi32> to vector<1xi32>
      %squeeze3A_1041 = vector.extract %slice3A_1040[0] : i32 from vector<1xi32>
      %get3A_1042 = arith.index_cast %squeeze3A_1041 : i32 to index
      %get3A_1043 = arith.constant 0 : index
      %get3A_1044 = tpu.vector_load %arg11[%get3A_1042, %get3A_1043] {strides = array<i32>} : memref<5x16xf32, #tpu.memory_space<vmem>>, vector<16xf32>,
      %swap3A_1045 = arith.constant 1 : i32
      %swap3A_1046 = arith.constant 18 : i32
      %swap3A_1047 = arith.index_cast %swap3A_1045 : i32 to index
      %swap3A_1048 = arith.index_cast %swap3A_1046 : i32 to index
      %swap3A_1049 = arith.constant 0 : index
      %swap3A_1050 = tpu.vector_load %arg9[%swap3A_1047, %swap3A_1048, %swap3A_1049] {strides = array<i32>} : memref<2x40x128xf32, #tpu.memory_space<vmem>>, vector<16xf32>,
      tpu.vector_store %arg9[%swap3A_1047, %swap3A_1048, %swap3A_1049], %get3A_1044 {strides = array<i32>} : memref<2x40x128xf32, #tpu.memory_space<vmem>>, vector<16xf32>,
      %slice3A_1051 = vector.extract_strided_slice %get3A_1017 {offsets = [3], sizes = [1], strides = [1]} : vector<16xi32> to vector<1xi32>
      %squeeze3A_1052 = vector.extract %slice3A_1051[0] : i32 from vector<1xi32>
      %get3A_1053 = arith.index_cast %squeeze3A_1052 : i32 to index
      %get3A_1054 = arith.constant 0 : index
      %get3A_1055 = tpu.vector_load %arg11[%get3A_1053, %get3A_1054] {strides = array<i32>} : memref<5x16xf32, #tpu.memory_space<vmem>>, vector<16xf32>,
      %swap3A_1056 = arith.constant 1 : i32
      %swap3A_1057 = arith.constant 19 : i32
      %swap3A_1058 = arith.index_cast %swap3A_1056 : i32 to index
      %swap3A_1059 = arith.index_cast %swap3A_1057 : i32 to index
      %swap3A_1060 = arith.constant 0 : index
      %swap3A_1061 = tpu.vector_load %arg9[%swap3A_1058, %swap3A_1059, %swap3A_1060] {strides = array<i32>} : memref<2x40x128xf32, #tpu.memory_space<vmem>>, vector<16xf32>,
      tpu.vector_store %arg9[%swap3A_1058, %swap3A_1059, %swap3A_1060], %get3A_1055 {strides = array<i32>} : memref<2x40x128xf32, #tpu.memory_space<vmem>>, vector<16xf32>,
      %slice3A_1062 = vector.extract_strided_slice %get3A_1017 {offsets = [4], sizes = [1], strides = [1]} : vector<16xi32> to vector<1xi32>
      %squeeze3A_1063 = vector.extract %slice3A_1062[0] : i32 from vector<1xi32>
      %get3A_1064 = arith.index_cast %squeeze3A_1063 : i32 to index
      %get3A_1065 = arith.constant 0 : index
      %get3A_1066 = tpu.vector_load %arg11[%get3A_1064, %get3A_1065] {strides = array<i32>} : memref<5x16xf32, #tpu.memory_space<vmem>>, vector<16xf32>,
      %swap3A_1067 = arith.constant 1 : i32
      %swap3A_1068 = arith.constant 20 : i32
      %swap3A_1069 = arith.index_cast %swap3A_1067 : i32 to index
      %swap3A_1070 = arith.index_cast %swap3A_1068 : i32 to index
      %swap3A_1071 = arith.constant 0 : index
      %swap3A_1072 = tpu.vector_load %arg9[%swap3A_1069, %swap3A_1070, %swap3A_1071] {strides = array<i32>} : memref<2x40x128xf32, #tpu.memory_space<vmem>>, vector<16xf32>,
      tpu.vector_store %arg9[%swap3A_1069, %swap3A_1070, %swap3A_1071], %get3A_1066 {strides = array<i32>} : memref<2x40x128xf32, #tpu.memory_space<vmem>>, vector<16xf32>,
      %slice3A_1073 = vector.extract_strided_slice %get3A_1017 {offsets = [5], sizes = [1], strides = [1]} : vector<16xi32> to vector<1xi32>
      %squeeze3A_1074 = vector.extract %slice3A_1073[0] : i32 from vector<1xi32>
      %get3A_1075 = arith.index_cast %squeeze3A_1074 : i32 to index
      %get3A_1076 = arith.constant 0 : index
      %get3A_1077 = tpu.vector_load %arg11[%get3A_1075, %get3A_1076] {strides = array<i32>} : memref<5x16xf32, #tpu.memory_space<vmem>>, vector<16xf32>,
      %swap3A_1078 = arith.constant 1 : i32
      %swap3A_1079 = arith.constant 21 : i32
      %swap3A_1080 = arith.index_cast %swap3A_1078 : i32 to index
      %swap3A_1081 = arith.index_cast %swap3A_1079 : i32 to index
      %swap3A_1082 = arith.constant 0 : index
      %swap3A_1083 = tpu.vector_load %arg9[%swap3A_1080, %swap3A_1081, %swap3A_1082] {strides = array<i32>} : memref<2x40x128xf32, #tpu.memory_space<vmem>>, vector<16xf32>,
      tpu.vector_store %arg9[%swap3A_1080, %swap3A_1081, %swap3A_1082], %get3A_1077 {strides = array<i32>} : memref<2x40x128xf32, #tpu.memory_space<vmem>>, vector<16xf32>,
      %slice3A_1084 = vector.extract_strided_slice %get3A_1017 {offsets = [6], sizes = [1], strides = [1]} : vector<16xi32> to vector<1xi32>
      %squeeze3A_1085 = vector.extract %slice3A_1084[0] : i32 from vector<1xi32>
      %get3A_1086 = arith.index_cast %squeeze3A_1085 : i32 to index
      %get3A_1087 = arith.constant 0 : index
      %get3A_1088 = tpu.vector_load %arg11[%get3A_1086, %get3A_1087] {strides = array<i32>} : memref<5x16xf32, #tpu.memory_space<vmem>>, vector<16xf32>,
      %swap3A_1089 = arith.constant 1 : i32
      %swap3A_1090 = arith.constant 22 : i32
      %swap3A_1091 = arith.index_cast %swap3A_1089 : i32 to index
      %swap3A_1092 = arith.index_cast %swap3A_1090 : i32 to index
      %swap3A_1093 = arith.constant 0 : index
      %swap3A_1094 = tpu.vector_load %arg9[%swap3A_1091, %swap3A_1092, %swap3A_1093] {strides = array<i32>} : memref<2x40x128xf32, #tpu.memory_space<vmem>>, vector<16xf32>,
      tpu.vector_store %arg9[%swap3A_1091, %swap3A_1092, %swap3A_1093], %get3A_1088 {strides = array<i32>} : memref<2x40x128xf32, #tpu.memory_space<vmem>>, vector<16xf32>,
      %slice3A_1095 = vector.extract_strided_slice %get3A_1017 {offsets = [7], sizes = [1], strides = [1]} : vector<16xi32> to vector<1xi32>
      %squeeze3A_1096 = vector.extract %slice3A_1095[0] : i32 from vector<1xi32>
      %get3A_1097 = arith.index_cast %squeeze3A_1096 : i32 to index
      %get3A_1098 = arith.constant 0 : index
      %get3A_1099 = tpu.vector_load %arg11[%get3A_1097, %get3A_1098] {strides = array<i32>} : memref<5x16xf32, #tpu.memory_space<vmem>>, vector<16xf32>,
      %swap3A_1100 = arith.constant 1 : i32
      %swap3A_1101 = arith.constant 23 : i32
      %swap3A_1102 = arith.index_cast %swap3A_1100 : i32 to index
      %swap3A_1103 = arith.index_cast %swap3A_1101 : i32 to index
      %swap3A_1104 = arith.constant 0 : index
      %swap3A_1105 = tpu.vector_load %arg9[%swap3A_1102, %swap3A_1103, %swap3A_1104] {strides = array<i32>} : memref<2x40x128xf32, #tpu.memory_space<vmem>>, vector<16xf32>,
      tpu.vector_store %arg9[%swap3A_1102, %swap3A_1103, %swap3A_1104], %get3A_1099 {strides = array<i32>} : memref<2x40x128xf32, #tpu.memory_space<vmem>>, vector<16xf32>,
      %slice3A_1106 = vector.extract_strided_slice %get3A_1017 {offsets = [8], sizes = [1], strides = [1]} : vector<16xi32> to vector<1xi32>
      %squeeze3A_1107 = vector.extract %slice3A_1106[0] : i32 from vector<1xi32>
      %get3A_1108 = arith.index_cast %squeeze3A_1107 : i32 to index
      %get3A_1109 = arith.constant 0 : index
      %get3A_1110 = tpu.vector_load %arg11[%get3A_1108, %get3A_1109] {strides = array<i32>} : memref<5x16xf32, #tpu.memory_space<vmem>>, vector<16xf32>,
      %swap3A_1111 = arith.constant 1 : i32
      %swap3A_1112 = arith.constant 24 : i32
      %swap3A_1113 = arith.index_cast %swap3A_1111 : i32 to index
      %swap3A_1114 = arith.index_cast %swap3A_1112 : i32 to index
      %swap3A_1115 = arith.constant 0 : index
      %swap3A_1116 = tpu.vector_load %arg9[%swap3A_1113, %swap3A_1114, %swap3A_1115] {strides = array<i32>} : memref<2x40x128xf32, #tpu.memory_space<vmem>>, vector<16xf32>,
      tpu.vector_store %arg9[%swap3A_1113, %swap3A_1114, %swap3A_1115], %get3A_1110 {strides = array<i32>} : memref<2x40x128xf32, #tpu.memory_space<vmem>>, vector<16xf32>,
      %slice3A_1117 = vector.extract_strided_slice %get3A_1017 {offsets = [9], sizes = [1], strides = [1]} : vector<16xi32> to vector<1xi32>
      %squeeze3A_1118 = vector.extract %slice3A_1117[0] : i32 from vector<1xi32>
      %get3A_1119 = arith.index_cast %squeeze3A_1118 : i32 to index
      %get3A_1120 = arith.constant 0 : index
      %get3A_1121 = tpu.vector_load %arg11[%get3A_1119, %get3A_1120] {strides = array<i32>} : memref<5x16xf32, #tpu.memory_space<vmem>>, vector<16xf32>,
      %swap3A_1122 = arith.constant 1 : i32
      %swap3A_1123 = arith.constant 25 : i32
      %swap3A_1124 = arith.index_cast %swap3A_1122 : i32 to index
      %swap3A_1125 = arith.index_cast %swap3A_1123 : i32 to index
      %swap3A_1126 = arith.constant 0 : index
      %swap3A_1127 = tpu.vector_load %arg9[%swap3A_1124, %swap3A_1125, %swap3A_1126] {strides = array<i32>} : memref<2x40x128xf32, #tpu.memory_space<vmem>>, vector<16xf32>,
      tpu.vector_store %arg9[%swap3A_1124, %swap3A_1125, %swap3A_1126], %get3A_1121 {strides = array<i32>} : memref<2x40x128xf32, #tpu.memory_space<vmem>>, vector<16xf32>,
      %slice3A_1128 = vector.extract_strided_slice %get3A_1017 {offsets = [10], sizes = [1], strides = [1]} : vector<16xi32> to vector<1xi32>
      %squeeze3A_1129 = vector.extract %slice3A_1128[0] : i32 from vector<1xi32>
      %get3A_1130 = arith.index_cast %squeeze3A_1129 : i32 to index
      %get3A_1131 = arith.constant 0 : index
      %get3A_1132 = tpu.vector_load %arg11[%get3A_1130, %get3A_1131] {strides = array<i32>} : memref<5x16xf32, #tpu.memory_space<vmem>>, vector<16xf32>,
      %swap3A_1133 = arith.constant 1 : i32
      %swap3A_1134 = arith.constant 26 : i32
      %swap3A_1135 = arith.index_cast %swap3A_1133 : i32 to index
      %swap3A_1136 = arith.index_cast %swap3A_1134 : i32 to index
      %swap3A_1137 = arith.constant 0 : index
      %swap3A_1138 = tpu.vector_load %arg9[%swap3A_1135, %swap3A_1136, %swap3A_1137] {strides = array<i32>} : memref<2x40x128xf32, #tpu.memory_space<vmem>>, vector<16xf32>,
      tpu.vector_store %arg9[%swap3A_1135, %swap3A_1136, %swap3A_1137], %get3A_1132 {strides = array<i32>} : memref<2x40x128xf32, #tpu.memory_space<vmem>>, vector<16xf32>,
      %slice3A_1139 = vector.extract_strided_slice %get3A_1017 {offsets = [11], sizes = [1], strides = [1]} : vector<16xi32> to vector<1xi32>
      %squeeze3A_1140 = vector.extract %slice3A_1139[0] : i32 from vector<1xi32>
      %get3A_1141 = arith.index_cast %squeeze3A_1140 : i32 to index
      %get3A_1142 = arith.constant 0 : index
      %get3A_1143 = tpu.vector_load %arg11[%get3A_1141, %get3A_1142] {strides = array<i32>} : memref<5x16xf32, #tpu.memory_space<vmem>>, vector<16xf32>,
      %swap3A_1144 = arith.constant 1 : i32
      %swap3A_1145 = arith.constant 27 : i32
      %swap3A_1146 = arith.index_cast %swap3A_1144 : i32 to index
      %swap3A_1147 = arith.index_cast %swap3A_1145 : i32 to index
      %swap3A_1148 = arith.constant 0 : index
      %swap3A_1149 = tpu.vector_load %arg9[%swap3A_1146, %swap3A_1147, %swap3A_1148] {strides = array<i32>} : memref<2x40x128xf32, #tpu.memory_space<vmem>>, vector<16xf32>,
      tpu.vector_store %arg9[%swap3A_1146, %swap3A_1147, %swap3A_1148], %get3A_1143 {strides = array<i32>} : memref<2x40x128xf32, #tpu.memory_space<vmem>>, vector<16xf32>,
      %slice3A_1150 = vector.extract_strided_slice %get3A_1017 {offsets = [12], sizes = [1], strides = [1]} : vector<16xi32> to vector<1xi32>
      %squeeze3A_1151 = vector.extract %slice3A_1150[0] : i32 from vector<1xi32>
      %get3A_1152 = arith.index_cast %squeeze3A_1151 : i32 to index
      %get3A_1153 = arith.constant 0 : index
      %get3A_1154 = tpu.vector_load %arg11[%get3A_1152, %get3A_1153] {strides = array<i32>} : memref<5x16xf32, #tpu.memory_space<vmem>>, vector<16xf32>,
      %swap3A_1155 = arith.constant 1 : i32
      %swap3A_1156 = arith.constant 28 : i32
      %swap3A_1157 = arith.index_cast %swap3A_1155 : i32 to index
      %swap3A_1158 = arith.index_cast %swap3A_1156 : i32 to index
      %swap3A_1159 = arith.constant 0 : index
      %swap3A_1160 = tpu.vector_load %arg9[%swap3A_1157, %swap3A_1158, %swap3A_1159] {strides = array<i32>} : memref<2x40x128xf32, #tpu.memory_space<vmem>>, vector<16xf32>,
      tpu.vector_store %arg9[%swap3A_1157, %swap3A_1158, %swap3A_1159], %get3A_1154 {strides = array<i32>} : memref<2x40x128xf32, #tpu.memory_space<vmem>>, vector<16xf32>,
      %slice3A_1161 = vector.extract_strided_slice %get3A_1017 {offsets = [13], sizes = [1], strides = [1]} : vector<16xi32> to vector<1xi32>
      %squeeze3A_1162 = vector.extract %slice3A_1161[0] : i32 from vector<1xi32>
      %get3A_1163 = arith.index_cast %squeeze3A_1162 : i32 to index
      %get3A_1164 = arith.constant 0 : index
      %get3A_1165 = tpu.vector_load %arg11[%get3A_1163, %get3A_1164] {strides = array<i32>} : memref<5x16xf32, #tpu.memory_space<vmem>>, vector<16xf32>,
      %swap3A_1166 = arith.constant 1 : i32
      %swap3A_1167 = arith.constant 29 : i32
      %swap3A_1168 = arith.index_cast %swap3A_1166 : i32 to index
      %swap3A_1169 = arith.index_cast %swap3A_1167 : i32 to index
      %swap3A_1170 = arith.constant 0 : index
      %swap3A_1171 = tpu.vector_load %arg9[%swap3A_1168, %swap3A_1169, %swap3A_1170] {strides = array<i32>} : memref<2x40x128xf32, #tpu.memory_space<vmem>>, vector<16xf32>,
      tpu.vector_store %arg9[%swap3A_1168, %swap3A_1169, %swap3A_1170], %get3A_1165 {strides = array<i32>} : memref<2x40x128xf32, #tpu.memory_space<vmem>>, vector<16xf32>,
      %slice3A_1172 = vector.extract_strided_slice %get3A_1017 {offsets = [14], sizes = [1], strides = [1]} : vector<16xi32> to vector<1xi32>
      %squeeze3A_1173 = vector.extract %slice3A_1172[0] : i32 from vector<1xi32>
      %get3A_1174 = arith.index_cast %squeeze3A_1173 : i32 to index
      %get3A_1175 = arith.constant 0 : index
      %get3A_1176 = tpu.vector_load %arg11[%get3A_1174, %get3A_1175] {strides = array<i32>} : memref<5x16xf32, #tpu.memory_space<vmem>>, vector<16xf32>,
      %swap3A_1177 = arith.constant 1 : i32
      %swap3A_1178 = arith.constant 30 : i32
      %swap3A_1179 = arith.index_cast %swap3A_1177 : i32 to index
      %swap3A_1180 = arith.index_cast %swap3A_1178 : i32 to index
      %swap3A_1181 = arith.constant 0 : index
      %swap3A_1182 = tpu.vector_load %arg9[%swap3A_1179, %swap3A_1180, %swap3A_1181] {strides = array<i32>} : memref<2x40x128xf32, #tpu.memory_space<vmem>>, vector<16xf32>,
      tpu.vector_store %arg9[%swap3A_1179, %swap3A_1180, %swap3A_1181], %get3A_1176 {strides = array<i32>} : memref<2x40x128xf32, #tpu.memory_space<vmem>>, vector<16xf32>,
      %slice3A_1183 = vector.extract_strided_slice %get3A_1017 {offsets = [15], sizes = [1], strides = [1]} : vector<16xi32> to vector<1xi32>
      %squeeze3A_1184 = vector.extract %slice3A_1183[0] : i32 from vector<1xi32>
      %get3A_1185 = arith.index_cast %squeeze3A_1184 : i32 to index
      %get3A_1186 = arith.constant 0 : index
      %get3A_1187 = tpu.vector_load %arg11[%get3A_1185, %get3A_1186] {strides = array<i32>} : memref<5x16xf32, #tpu.memory_space<vmem>>, vector<16xf32>,
      %swap3A_1188 = arith.constant 1 : i32
      %swap3A_1189 = arith.constant 31 : i32
      %swap3A_1190 = arith.index_cast %swap3A_1188 : i32 to index
      %swap3A_1191 = arith.index_cast %swap3A_1189 : i32 to index
      %swap3A_1192 = arith.constant 0 : index
      %swap3A_1193 = tpu.vector_load %arg9[%swap3A_1190, %swap3A_1191, %swap3A_1192] {strides = array<i32>} : memref<2x40x128xf32, #tpu.memory_space<vmem>>, vector<16xf32>,
      tpu.vector_store %arg9[%swap3A_1190, %swap3A_1191, %swap3A_1192], %get3A_1187 {strides = array<i32>} : memref<2x40x128xf32, #tpu.memory_space<vmem>>, vector<16xf32>,
      %get3A_1194 = arith.constant 1 : i32
      %get3A_1195 = arith.index_cast %get3A_1194 : i32 to index
      %get3A_1196 = arith.constant 24 : index
      %get3A_1197 = tpu.vector_load %arg6[%get3A_1195, %get3A_1196] {strides = array<i32>} : memref<2x40xi32, #tpu.memory_space<vmem>>, vector<16xi32>,
      %slice3A_1198 = vector.extract_strided_slice %get3A_1197 {offsets = [0], sizes = [1], strides = [1]} : vector<16xi32> to vector<1xi32>
      %squeeze3A_1199 = vector.extract %slice3A_1198[0] : i32 from vector<1xi32>
      %get3A_1200 = arith.index_cast %squeeze3A_1199 : i32 to index
      %get3A_1201 = arith.constant 0 : index
      %get3A_1202 = tpu.vector_load %arg11[%get3A_1200, %get3A_1201] {strides = array<i32>} : memref<5x16xf32, #tpu.memory_space<vmem>>, vector<16xf32>,
      %swap3A_1203 = arith.constant 1 : i32
      %swap3A_1204 = arith.constant 24 : i32
      %swap3A_1205 = arith.index_cast %swap3A_1203 : i32 to index
      %swap3A_1206 = arith.index_cast %swap3A_1204 : i32 to index
      %swap3A_1207 = arith.constant 0 : index
      %swap3A_1208 = tpu.vector_load %arg9[%swap3A_1205, %swap3A_1206, %swap3A_1207] {strides = array<i32>} : memref<2x40x128xf32, #tpu.memory_space<vmem>>, vector<16xf32>,
      tpu.vector_store %arg9[%swap3A_1205, %swap3A_1206, %swap3A_1207], %get3A_1202 {strides = array<i32>} : memref<2x40x128xf32, #tpu.memory_space<vmem>>, vector<16xf32>,
      %slice3A_1209 = vector.extract_strided_slice %get3A_1197 {offsets = [1], sizes = [1], strides = [1]} : vector<16xi32> to vector<1xi32>
      %squeeze3A_1210 = vector.extract %slice3A_1209[0] : i32 from vector<1xi32>
      %get3A_1211 = arith.index_cast %squeeze3A_1210 : i32 to index
      %get3A_1212 = arith.constant 0 : index
      %get3A_1213 = tpu.vector_load %arg11[%get3A_1211, %get3A_1212] {strides = array<i32>} : memref<5x16xf32, #tpu.memory_space<vmem>>, vector<16xf32>,
      %swap3A_1214 = arith.constant 1 : i32
      %swap3A_1215 = arith.constant 25 : i32
      %swap3A_1216 = arith.index_cast %swap3A_1214 : i32 to index
      %swap3A_1217 = arith.index_cast %swap3A_1215 : i32 to index
      %swap3A_1218 = arith.constant 0 : index
      %swap3A_1219 = tpu.vector_load %arg9[%swap3A_1216, %swap3A_1217, %swap3A_1218] {strides = array<i32>} : memref<2x40x128xf32, #tpu.memory_space<vmem>>, vector<16xf32>,
      tpu.vector_store %arg9[%swap3A_1216, %swap3A_1217, %swap3A_1218], %get3A_1213 {strides = array<i32>} : memref<2x40x128xf32, #tpu.memory_space<vmem>>, vector<16xf32>,
      %slice3A_1220 = vector.extract_strided_slice %get3A_1197 {offsets = [2], sizes = [1], strides = [1]} : vector<16xi32> to vector<1xi32>
      %squeeze3A_1221 = vector.extract %slice3A_1220[0] : i32 from vector<1xi32>
      %get3A_1222 = arith.index_cast %squeeze3A_1221 : i32 to index
      %get3A_1223 = arith.constant 0 : index
      %get3A_1224 = tpu.vector_load %arg11[%get3A_1222, %get3A_1223] {strides = array<i32>} : memref<5x16xf32, #tpu.memory_space<vmem>>, vector<16xf32>,
      %swap3A_1225 = arith.constant 1 : i32
      %swap3A_1226 = arith.constant 26 : i32
      %swap3A_1227 = arith.index_cast %swap3A_1225 : i32 to index
      %swap3A_1228 = arith.index_cast %swap3A_1226 : i32 to index
      %swap3A_1229 = arith.constant 0 : index
      %swap3A_1230 = tpu.vector_load %arg9[%swap3A_1227, %swap3A_1228, %swap3A_1229] {strides = array<i32>} : memref<2x40x128xf32, #tpu.memory_space<vmem>>, vector<16xf32>,
      tpu.vector_store %arg9[%swap3A_1227, %swap3A_1228, %swap3A_1229], %get3A_1224 {strides = array<i32>} : memref<2x40x128xf32, #tpu.memory_space<vmem>>, vector<16xf32>,
      %slice3A_1231 = vector.extract_strided_slice %get3A_1197 {offsets = [3], sizes = [1], strides = [1]} : vector<16xi32> to vector<1xi32>
      %squeeze3A_1232 = vector.extract %slice3A_1231[0] : i32 from vector<1xi32>
      %get3A_1233 = arith.index_cast %squeeze3A_1232 : i32 to index
      %get3A_1234 = arith.constant 0 : index
      %get3A_1235 = tpu.vector_load %arg11[%get3A_1233, %get3A_1234] {strides = array<i32>} : memref<5x16xf32, #tpu.memory_space<vmem>>, vector<16xf32>,
      %swap3A_1236 = arith.constant 1 : i32
      %swap3A_1237 = arith.constant 27 : i32
      %swap3A_1238 = arith.index_cast %swap3A_1236 : i32 to index
      %swap3A_1239 = arith.index_cast %swap3A_1237 : i32 to index
      %swap3A_1240 = arith.constant 0 : index
      %swap3A_1241 = tpu.vector_load %arg9[%swap3A_1238, %swap3A_1239, %swap3A_1240] {strides = array<i32>} : memref<2x40x128xf32, #tpu.memory_space<vmem>>, vector<16xf32>,
      tpu.vector_store %arg9[%swap3A_1238, %swap3A_1239, %swap3A_1240], %get3A_1235 {strides = array<i32>} : memref<2x40x128xf32, #tpu.memory_space<vmem>>, vector<16xf32>,
      %slice3A_1242 = vector.extract_strided_slice %get3A_1197 {offsets = [4], sizes = [1], strides = [1]} : vector<16xi32> to vector<1xi32>
      %squeeze3A_1243 = vector.extract %slice3A_1242[0] : i32 from vector<1xi32>
      %get3A_1244 = arith.index_cast %squeeze3A_1243 : i32 to index
      %get3A_1245 = arith.constant 0 : index
      %get3A_1246 = tpu.vector_load %arg11[%get3A_1244, %get3A_1245] {strides = array<i32>} : memref<5x16xf32, #tpu.memory_space<vmem>>, vector<16xf32>,
      %swap3A_1247 = arith.constant 1 : i32
      %swap3A_1248 = arith.constant 28 : i32
      %swap3A_1249 = arith.index_cast %swap3A_1247 : i32 to index
      %swap3A_1250 = arith.index_cast %swap3A_1248 : i32 to index
      %swap3A_1251 = arith.constant 0 : index
      %swap3A_1252 = tpu.vector_load %arg9[%swap3A_1249, %swap3A_1250, %swap3A_1251] {strides = array<i32>} : memref<2x40x128xf32, #tpu.memory_space<vmem>>, vector<16xf32>,
      tpu.vector_store %arg9[%swap3A_1249, %swap3A_1250, %swap3A_1251], %get3A_1246 {strides = array<i32>} : memref<2x40x128xf32, #tpu.memory_space<vmem>>, vector<16xf32>,
      %slice3A_1253 = vector.extract_strided_slice %get3A_1197 {offsets = [5], sizes = [1], strides = [1]} : vector<16xi32> to vector<1xi32>
      %squeeze3A_1254 = vector.extract %slice3A_1253[0] : i32 from vector<1xi32>
      %get3A_1255 = arith.index_cast %squeeze3A_1254 : i32 to index
      %get3A_1256 = arith.constant 0 : index
      %get3A_1257 = tpu.vector_load %arg11[%get3A_1255, %get3A_1256] {strides = array<i32>} : memref<5x16xf32, #tpu.memory_space<vmem>>, vector<16xf32>,
      %swap3A_1258 = arith.constant 1 : i32
      %swap3A_1259 = arith.constant 29 : i32
      %swap3A_1260 = arith.index_cast %swap3A_1258 : i32 to index
      %swap3A_1261 = arith.index_cast %swap3A_1259 : i32 to index
      %swap3A_1262 = arith.constant 0 : index
      %swap3A_1263 = tpu.vector_load %arg9[%swap3A_1260, %swap3A_1261, %swap3A_1262] {strides = array<i32>} : memref<2x40x128xf32, #tpu.memory_space<vmem>>, vector<16xf32>,
      tpu.vector_store %arg9[%swap3A_1260, %swap3A_1261, %swap3A_1262], %get3A_1257 {strides = array<i32>} : memref<2x40x128xf32, #tpu.memory_space<vmem>>, vector<16xf32>,
      %slice3A_1264 = vector.extract_strided_slice %get3A_1197 {offsets = [6], sizes = [1], strides = [1]} : vector<16xi32> to vector<1xi32>
      %squeeze3A_1265 = vector.extract %slice3A_1264[0] : i32 from vector<1xi32>
      %get3A_1266 = arith.index_cast %squeeze3A_1265 : i32 to index
      %get3A_1267 = arith.constant 0 : index
      %get3A_1268 = tpu.vector_load %arg11[%get3A_1266, %get3A_1267] {strides = array<i32>} : memref<5x16xf32, #tpu.memory_space<vmem>>, vector<16xf32>,
      %swap3A_1269 = arith.constant 1 : i32
      %swap3A_1270 = arith.constant 30 : i32
      %swap3A_1271 = arith.index_cast %swap3A_1269 : i32 to index
      %swap3A_1272 = arith.index_cast %swap3A_1270 : i32 to index
      %swap3A_1273 = arith.constant 0 : index
      %swap3A_1274 = tpu.vector_load %arg9[%swap3A_1271, %swap3A_1272, %swap3A_1273] {strides = array<i32>} : memref<2x40x128xf32, #tpu.memory_space<vmem>>, vector<16xf32>,
      tpu.vector_store %arg9[%swap3A_1271, %swap3A_1272, %swap3A_1273], %get3A_1268 {strides = array<i32>} : memref<2x40x128xf32, #tpu.memory_space<vmem>>, vector<16xf32>,
      %slice3A_1275 = vector.extract_strided_slice %get3A_1197 {offsets = [7], sizes = [1], strides = [1]} : vector<16xi32> to vector<1xi32>
      %squeeze3A_1276 = vector.extract %slice3A_1275[0] : i32 from vector<1xi32>
      %get3A_1277 = arith.index_cast %squeeze3A_1276 : i32 to index
      %get3A_1278 = arith.constant 0 : index
      %get3A_1279 = tpu.vector_load %arg11[%get3A_1277, %get3A_1278] {strides = array<i32>} : memref<5x16xf32, #tpu.memory_space<vmem>>, vector<16xf32>,
      %swap3A_1280 = arith.constant 1 : i32
      %swap3A_1281 = arith.constant 31 : i32
      %swap3A_1282 = arith.index_cast %swap3A_1280 : i32 to index
      %swap3A_1283 = arith.index_cast %swap3A_1281 : i32 to index
      %swap3A_1284 = arith.constant 0 : index
      %swap3A_1285 = tpu.vector_load %arg9[%swap3A_1282, %swap3A_1283, %swap3A_1284] {strides = array<i32>} : memref<2x40x128xf32, #tpu.memory_space<vmem>>, vector<16xf32>,
      tpu.vector_store %arg9[%swap3A_1282, %swap3A_1283, %swap3A_1284], %get3A_1279 {strides = array<i32>} : memref<2x40x128xf32, #tpu.memory_space<vmem>>, vector<16xf32>,
      %slice3A_1286 = vector.extract_strided_slice %get3A_1197 {offsets = [8], sizes = [1], strides = [1]} : vector<16xi32> to vector<1xi32>
      %squeeze3A_1287 = vector.extract %slice3A_1286[0] : i32 from vector<1xi32>
      %get3A_1288 = arith.index_cast %squeeze3A_1287 : i32 to index
      %get3A_1289 = arith.constant 0 : index
      %get3A_1290 = tpu.vector_load %arg11[%get3A_1288, %get3A_1289] {strides = array<i32>} : memref<5x16xf32, #tpu.memory_space<vmem>>, vector<16xf32>,
      %swap3A_1291 = arith.constant 1 : i32
      %swap3A_1292 = arith.constant 32 : i32
      %swap3A_1293 = arith.index_cast %swap3A_1291 : i32 to index
      %swap3A_1294 = arith.index_cast %swap3A_1292 : i32 to index
      %swap3A_1295 = arith.constant 0 : index
      %swap3A_1296 = tpu.vector_load %arg9[%swap3A_1293, %swap3A_1294, %swap3A_1295] {strides = array<i32>} : memref<2x40x128xf32, #tpu.memory_space<vmem>>, vector<16xf32>,
      tpu.vector_store %arg9[%swap3A_1293, %swap3A_1294, %swap3A_1295], %get3A_1290 {strides = array<i32>} : memref<2x40x128xf32, #tpu.memory_space<vmem>>, vector<16xf32>,
      %slice3A_1297 = vector.extract_strided_slice %get3A_1197 {offsets = [9], sizes = [1], strides = [1]} : vector<16xi32> to vector<1xi32>
      %squeeze3A_1298 = vector.extract %slice3A_1297[0] : i32 from vector<1xi32>
      %get3A_1299 = arith.index_cast %squeeze3A_1298 : i32 to index
      %get3A_1300 = arith.constant 0 : index
      %get3A_1301 = tpu.vector_load %arg11[%get3A_1299, %get3A_1300] {strides = array<i32>} : memref<5x16xf32, #tpu.memory_space<vmem>>, vector<16xf32>,
      %swap3A_1302 = arith.constant 1 : i32
      %swap3A_1303 = arith.constant 33 : i32
      %swap3A_1304 = arith.index_cast %swap3A_1302 : i32 to index
      %swap3A_1305 = arith.index_cast %swap3A_1303 : i32 to index
      %swap3A_1306 = arith.constant 0 : index
      %swap3A_1307 = tpu.vector_load %arg9[%swap3A_1304, %swap3A_1305, %swap3A_1306] {strides = array<i32>} : memref<2x40x128xf32, #tpu.memory_space<vmem>>, vector<16xf32>,
      tpu.vector_store %arg9[%swap3A_1304, %swap3A_1305, %swap3A_1306], %get3A_1301 {strides = array<i32>} : memref<2x40x128xf32, #tpu.memory_space<vmem>>, vector<16xf32>,
      %slice3A_1308 = vector.extract_strided_slice %get3A_1197 {offsets = [10], sizes = [1], strides = [1]} : vector<16xi32> to vector<1xi32>
      %squeeze3A_1309 = vector.extract %slice3A_1308[0] : i32 from vector<1xi32>
      %get3A_1310 = arith.index_cast %squeeze3A_1309 : i32 to index
      %get3A_1311 = arith.constant 0 : index
      %get3A_1312 = tpu.vector_load %arg11[%get3A_1310, %get3A_1311] {strides = array<i32>} : memref<5x16xf32, #tpu.memory_space<vmem>>, vector<16xf32>,
      %swap3A_1313 = arith.constant 1 : i32
      %swap3A_1314 = arith.constant 34 : i32
      %swap3A_1315 = arith.index_cast %swap3A_1313 : i32 to index
      %swap3A_1316 = arith.index_cast %swap3A_1314 : i32 to index
      %swap3A_1317 = arith.constant 0 : index
      %swap3A_1318 = tpu.vector_load %arg9[%swap3A_1315, %swap3A_1316, %swap3A_1317] {strides = array<i32>} : memref<2x40x128xf32, #tpu.memory_space<vmem>>, vector<16xf32>,
      tpu.vector_store %arg9[%swap3A_1315, %swap3A_1316, %swap3A_1317], %get3A_1312 {strides = array<i32>} : memref<2x40x128xf32, #tpu.memory_space<vmem>>, vector<16xf32>,
      %slice3A_1319 = vector.extract_strided_slice %get3A_1197 {offsets = [11], sizes = [1], strides = [1]} : vector<16xi32> to vector<1xi32>
      %squeeze3A_1320 = vector.extract %slice3A_1319[0] : i32 from vector<1xi32>
      %get3A_1321 = arith.index_cast %squeeze3A_1320 : i32 to index
      %get3A_1322 = arith.constant 0 : index
      %get3A_1323 = tpu.vector_load %arg11[%get3A_1321, %get3A_1322] {strides = array<i32>} : memref<5x16xf32, #tpu.memory_space<vmem>>, vector<16xf32>,
      %swap3A_1324 = arith.constant 1 : i32
      %swap3A_1325 = arith.constant 35 : i32
      %swap3A_1326 = arith.index_cast %swap3A_1324 : i32 to index
      %swap3A_1327 = arith.index_cast %swap3A_1325 : i32 to index
      %swap3A_1328 = arith.constant 0 : index
      %swap3A_1329 = tpu.vector_load %arg9[%swap3A_1326, %swap3A_1327, %swap3A_1328] {strides = array<i32>} : memref<2x40x128xf32, #tpu.memory_space<vmem>>, vector<16xf32>,
      tpu.vector_store %arg9[%swap3A_1326, %swap3A_1327, %swap3A_1328], %get3A_1323 {strides = array<i32>} : memref<2x40x128xf32, #tpu.memory_space<vmem>>, vector<16xf32>,
      %slice3A_1330 = vector.extract_strided_slice %get3A_1197 {offsets = [12], sizes = [1], strides = [1]} : vector<16xi32> to vector<1xi32>
      %squeeze3A_1331 = vector.extract %slice3A_1330[0] : i32 from vector<1xi32>
      %get3A_1332 = arith.index_cast %squeeze3A_1331 : i32 to index
      %get3A_1333 = arith.constant 0 : index
      %get3A_1334 = tpu.vector_load %arg11[%get3A_1332, %get3A_1333] {strides = array<i32>} : memref<5x16xf32, #tpu.memory_space<vmem>>, vector<16xf32>,
      %swap3A_1335 = arith.constant 1 : i32
      %swap3A_1336 = arith.constant 36 : i32
      %swap3A_1337 = arith.index_cast %swap3A_1335 : i32 to index
      %swap3A_1338 = arith.index_cast %swap3A_1336 : i32 to index
      %swap3A_1339 = arith.constant 0 : index
      %swap3A_1340 = tpu.vector_load %arg9[%swap3A_1337, %swap3A_1338, %swap3A_1339] {strides = array<i32>} : memref<2x40x128xf32, #tpu.memory_space<vmem>>, vector<16xf32>,
      tpu.vector_store %arg9[%swap3A_1337, %swap3A_1338, %swap3A_1339], %get3A_1334 {strides = array<i32>} : memref<2x40x128xf32, #tpu.memory_space<vmem>>, vector<16xf32>,
      %slice3A_1341 = vector.extract_strided_slice %get3A_1197 {offsets = [13], sizes = [1], strides = [1]} : vector<16xi32> to vector<1xi32>
      %squeeze3A_1342 = vector.extract %slice3A_1341[0] : i32 from vector<1xi32>
      %get3A_1343 = arith.index_cast %squeeze3A_1342 : i32 to index
      %get3A_1344 = arith.constant 0 : index
      %get3A_1345 = tpu.vector_load %arg11[%get3A_1343, %get3A_1344] {strides = array<i32>} : memref<5x16xf32, #tpu.memory_space<vmem>>, vector<16xf32>,
      %swap3A_1346 = arith.constant 1 : i32
      %swap3A_1347 = arith.constant 37 : i32
      %swap3A_1348 = arith.index_cast %swap3A_1346 : i32 to index
      %swap3A_1349 = arith.index_cast %swap3A_1347 : i32 to index
      %swap3A_1350 = arith.constant 0 : index
      %swap3A_1351 = tpu.vector_load %arg9[%swap3A_1348, %swap3A_1349, %swap3A_1350] {strides = array<i32>} : memref<2x40x128xf32, #tpu.memory_space<vmem>>, vector<16xf32>,
      tpu.vector_store %arg9[%swap3A_1348, %swap3A_1349, %swap3A_1350], %get3A_1345 {strides = array<i32>} : memref<2x40x128xf32, #tpu.memory_space<vmem>>, vector<16xf32>,
      %slice3A_1352 = vector.extract_strided_slice %get3A_1197 {offsets = [14], sizes = [1], strides = [1]} : vector<16xi32> to vector<1xi32>
      %squeeze3A_1353 = vector.extract %slice3A_1352[0] : i32 from vector<1xi32>
      %get3A_1354 = arith.index_cast %squeeze3A_1353 : i32 to index
      %get3A_1355 = arith.constant 0 : index
      %get3A_1356 = tpu.vector_load %arg11[%get3A_1354, %get3A_1355] {strides = array<i32>} : memref<5x16xf32, #tpu.memory_space<vmem>>, vector<16xf32>,
      %swap3A_1357 = arith.constant 1 : i32
      %swap3A_1358 = arith.constant 38 : i32
      %swap3A_1359 = arith.index_cast %swap3A_1357 : i32 to index
      %swap3A_1360 = arith.index_cast %swap3A_1358 : i32 to index
      %swap3A_1361 = arith.constant 0 : index
      %swap3A_1362 = tpu.vector_load %arg9[%swap3A_1359, %swap3A_1360, %swap3A_1361] {strides = array<i32>} : memref<2x40x128xf32, #tpu.memory_space<vmem>>, vector<16xf32>,
      tpu.vector_store %arg9[%swap3A_1359, %swap3A_1360, %swap3A_1361], %get3A_1356 {strides = array<i32>} : memref<2x40x128xf32, #tpu.memory_space<vmem>>, vector<16xf32>,
      %slice3A_1363 = vector.extract_strided_slice %get3A_1197 {offsets = [15], sizes = [1], strides = [1]} : vector<16xi32> to vector<1xi32>
      %squeeze3A_1364 = vector.extract %slice3A_1363[0] : i32 from vector<1xi32>
      %get3A_1365 = arith.index_cast %squeeze3A_1364 : i32 to index
      %get3A_1366 = arith.constant 0 : index
      %get3A_1367 = tpu.vector_load %arg11[%get3A_1365, %get3A_1366] {strides = array<i32>} : memref<5x16xf32, #tpu.memory_space<vmem>>, vector<16xf32>,
      %swap3A_1368 = arith.constant 1 : i32
      %swap3A_1369 = arith.constant 39 : i32
      %swap3A_1370 = arith.index_cast %swap3A_1368 : i32 to index
      %swap3A_1371 = arith.index_cast %swap3A_1369 : i32 to index
      %swap3A_1372 = arith.constant 0 : index
      %swap3A_1373 = tpu.vector_load %arg9[%swap3A_1370, %swap3A_1371, %swap3A_1372] {strides = array<i32>} : memref<2x40x128xf32, #tpu.memory_space<vmem>>, vector<16xf32>,
      tpu.vector_store %arg9[%swap3A_1370, %swap3A_1371, %swap3A_1372], %get3A_1367 {strides = array<i32>} : memref<2x40x128xf32, #tpu.memory_space<vmem>>, vector<16xf32>,
      %dma_start3A_1374 = arith.constant 1 : i32
      %dma_start3A_1375 = arith.constant 1 : i32
      %dma_start3A_1376 = arith.constant 1 : i32
      %dma_start3A_1377 = arith.constant 0 : i32
      %dma_start3A_1378 = arith.constant 0 : i32
      %dma_start3A_1379 = tpu.memref_slice %arg9[%dma_start3A_1374, %dma_start3A_1377, %dma_start3A_1378] : memref<2x40x128xf32, #tpu.memory_space<vmem>> -> memref<1x40x128xf32, #tpu.memory_space<vmem>>
      %dma_start3A_1380 = tpu.memref_squeeze %dma_start3A_1379 : memref<1x40x128xf32, #tpu.memory_space<vmem>> -> memref<40x128xf32, #tpu.memory_space<vmem>>
      %dma_start3A_1381 = arith.constant 0 : i32
      %dma_start3A_1382 = tpu.memref_slice %arg8[%dma_start3A_1375, %dma_start3A_1381] : memref<2x40xi32, #tpu.memory_space<vmem>> -> memref<1x40xi32, #tpu.memory_space<vmem>>
      %dma_start3A_1383 = tpu.memref_squeeze %dma_start3A_1382 : memref<1x40xi32, #tpu.memory_space<vmem>> -> memref<40xi32, #tpu.memory_space<vmem>>
      %dma_start3A_1384 = arith.constant 0 : i32
      %dma_start3A_1385 = arith.constant 0 : i32
      %dma_start3A_1386 = tpu.memref_slice %arg12[%dma_start3A_1384, %dma_start3A_1385] : memref<10000x128xf32, #tpu.memory_space<vmem_shared>> -> memref<10000x128xf32, #tpu.memory_space<vmem_shared>>
      %dma_start3A_1387 = tpu.memref_slice %arg14[%dma_start3A_1376] : memref<2x!tpu.dma_semaphore, #tpu.memory_space<semaphore_mem>> -> memref<1x!tpu.dma_semaphore, #tpu.memory_space<semaphore_mem>>
      %dma_start3A_1388 = tpu.memref_squeeze %dma_start3A_1387 : memref<1x!tpu.dma_semaphore, #tpu.memory_space<semaphore_mem>> -> memref<!tpu.dma_semaphore, #tpu.memory_space<semaphore_mem>>
      tpu.enqueue_indirect_dma source(%dma_start3A_1380 : memref<40x128xf32, #tpu.memory_space<vmem>>) target(%dma_start3A_1386 : memref<10000x128xf32, #tpu.memory_space<vmem_shared>>) offsets(%dma_start3A_1383 : memref<40xi32, #tpu.memory_space<vmem>>) semaphore(%dma_start3A_1388 : memref<!tpu.dma_semaphore, #tpu.memory_space<semaphore_mem>>) {add = true}
      %add3A_1389 = arith.constant 2 : i32
      %add3A_1390 = arith.addi %add3A_780, %add3A_1389 : i32
      %lt3A_1391 = arith.constant 250 : i32
      %lt3A_1392 = arith.cmpi slt, %add3A_1390, %lt3A_1391 : i32
      %convert_element_type3A_1393 = arith.extui %lt3A_1392 : i1 to i32
      %cond3A_1394 = arith.constant 0 : i32
      %cond3A_1395 = arith.cmpi ne, %convert_element_type3A_1393, %cond3A_1394 : i32
      scf.if %cond3A_1395 {
        %add3A_1396 = arith.constant 2 : i32
        %add3A_1397 = arith.addi %add3A_780, %add3A_1396 : i32
        %mul3A_1398 = arith.constant 40 : i32
        %mul3A_1399 = arith.muli %add3A_1397, %mul3A_1398 : i32
        %add3A_1400 = arith.addi %mul3A_35, %mul3A_1399 : i32
        %dma_start3A_1401 = arith.constant 1 : i32
        %dma_start3A_1402 = arith.constant 1 : i32
        %dma_start3A_1403 = arith.constant 0 : i32
        %dma_start3A_1404 = tpu.memref_slice %arg6[%dma_start3A_1401, %dma_start3A_1403] : memref<2x40xi32, #tpu.memory_space<vmem>> -> memref<1x40xi32, #tpu.memory_space<vmem>>
        %dma_start3A_1405 = tpu.memref_squeeze %dma_start3A_1404 : memref<1x40xi32, #tpu.memory_space<vmem>> -> memref<40xi32, #tpu.memory_space<vmem>>
        %dma_start3A_1406 = tpu.memref_slice %arg3[%add3A_1400] : memref<320000xi32, #tpu.memory_space<hbm>> -> memref<40xi32, #tpu.memory_space<hbm>>
        %dma_start3A_1407 = tpu.memref_slice %arg13[%dma_start3A_1402] : memref<2x!tpu.dma_semaphore, #tpu.memory_space<semaphore_mem>> -> memref<1x!tpu.dma_semaphore, #tpu.memory_space<semaphore_mem>>
        %dma_start3A_1408 = tpu.memref_squeeze %dma_start3A_1407 : memref<1x!tpu.dma_semaphore, #tpu.memory_space<semaphore_mem>> -> memref<!tpu.dma_semaphore, #tpu.memory_space<semaphore_mem>>
        %dma_start3A_1409 = arith.constant 0 : i32
        %dma_start3A_1410 = tpu.memref_slice %arg6[%dma_start3A_1401, %dma_start3A_1409] : memref<2x40xi32, #tpu.memory_space<vmem>> -> memref<1x40xi32, #tpu.memory_space<vmem>>
        %dma_start3A_1411 = tpu.memref_squeeze %dma_start3A_1410 : memref<1x40xi32, #tpu.memory_space<vmem>> -> memref<40xi32, #tpu.memory_space<vmem>>
        %dma_start3A_1412 = tpu.memref_slice %arg3[%add3A_1400] : memref<320000xi32, #tpu.memory_space<hbm>> -> memref<40xi32, #tpu.memory_space<hbm>>
        tpu.enqueue_dma source(%dma_start3A_1412 : memref<40xi32, #tpu.memory_space<hbm>>) target(%dma_start3A_1411 : memref<40xi32, #tpu.memory_space<vmem>>) target_semaphore(%dma_start3A_1408 : memref<!tpu.dma_semaphore, #tpu.memory_space<semaphore_mem>>)
        %dma_start3A_1413 = arith.constant 1 : i32
        %dma_start3A_1414 = arith.constant 1 : i32
        %dma_start3A_1415 = arith.constant 0 : i32
        %dma_start3A_1416 = tpu.memref_slice %arg7[%dma_start3A_1413, %dma_start3A_1415] : memref<2x40xi32, #tpu.memory_space<vmem>> -> memref<1x40xi32, #tpu.memory_space<vmem>>
        %dma_start3A_1417 = tpu.memref_squeeze %dma_start3A_1416 : memref<1x40xi32, #tpu.memory_space<vmem>> -> memref<40xi32, #tpu.memory_space<vmem>>
        %dma_start3A_1418 = tpu.memref_slice %arg2[%add3A_1400] : memref<320000xi32, #tpu.memory_space<hbm>> -> memref<40xi32, #tpu.memory_space<hbm>>
        %dma_start3A_1419 = tpu.memref_slice %arg13[%dma_start3A_1414] : memref<2x!tpu.dma_semaphore, #tpu.memory_space<semaphore_mem>> -> memref<1x!tpu.dma_semaphore, #tpu.memory_space<semaphore_mem>>
        %dma_start3A_1420 = tpu.memref_squeeze %dma_start3A_1419 : memref<1x!tpu.dma_semaphore, #tpu.memory_space<semaphore_mem>> -> memref<!tpu.dma_semaphore, #tpu.memory_space<semaphore_mem>>
        %dma_start3A_1421 = arith.constant 0 : i32
        %dma_start3A_1422 = tpu.memref_slice %arg7[%dma_start3A_1413, %dma_start3A_1421] : memref<2x40xi32, #tpu.memory_space<vmem>> -> memref<1x40xi32, #tpu.memory_space<vmem>>
        %dma_start3A_1423 = tpu.memref_squeeze %dma_start3A_1422 : memref<1x40xi32, #tpu.memory_space<vmem>> -> memref<40xi32, #tpu.memory_space<vmem>>
        %dma_start3A_1424 = tpu.memref_slice %arg2[%add3A_1400] : memref<320000xi32, #tpu.memory_space<hbm>> -> memref<40xi32, #tpu.memory_space<hbm>>
        tpu.enqueue_dma source(%dma_start3A_1424 : memref<40xi32, #tpu.memory_space<hbm>>) target(%dma_start3A_1423 : memref<40xi32, #tpu.memory_space<vmem>>) target_semaphore(%dma_start3A_1420 : memref<!tpu.dma_semaphore, #tpu.memory_space<semaphore_mem>>)
      } else {
      }
    }
    %scan3A_91 = arith.constant 125 : i32
    %dma_wait3A = arith.constant 0 : i32
    %dma_wait3A_92 = arith.constant 0 : i32
    %dma_wait3A_93 = arith.constant 0 : i32
    %dma_wait3A_94 = arith.constant 0 : i32
    %dma_wait3A_95 = arith.constant 0 : i32
    %dma_wait3A_96 = tpu.memref_slice %arg9[%dma_wait3A, %dma_wait3A_94, %dma_wait3A_95] : memref<2x40x128xf32, #tpu.memory_space<vmem>> -> memref<1x40x128xf32, #tpu.memory_space<vmem>>
    %dma_wait3A_97 = tpu.memref_squeeze %dma_wait3A_96 : memref<1x40x128xf32, #tpu.memory_space<vmem>> -> memref<40x128xf32, #tpu.memory_space<vmem>>
    %dma_wait3A_98 = arith.constant 0 : i32
    %dma_wait3A_99 = tpu.memref_slice %arg8[%dma_wait3A_92, %dma_wait3A_98] : memref<2x40xi32, #tpu.memory_space<vmem>> -> memref<1x40xi32, #tpu.memory_space<vmem>>
    %dma_wait3A_100 = tpu.memref_squeeze %dma_wait3A_99 : memref<1x40xi32, #tpu.memory_space<vmem>> -> memref<40xi32, #tpu.memory_space<vmem>>
    %dma_wait3A_101 = arith.constant 0 : i32
    %dma_wait3A_102 = arith.constant 0 : i32
    %dma_wait3A_103 = tpu.memref_slice %arg12[%dma_wait3A_101, %dma_wait3A_102] : memref<10000x128xf32, #tpu.memory_space<vmem_shared>> -> memref<10000x128xf32, #tpu.memory_space<vmem_shared>>
    %dma_wait3A_104 = tpu.memref_slice %arg14[%dma_wait3A_93] : memref<2x!tpu.dma_semaphore, #tpu.memory_space<semaphore_mem>> -> memref<1x!tpu.dma_semaphore, #tpu.memory_space<semaphore_mem>>
    %dma_wait3A_105 = tpu.memref_squeeze %dma_wait3A_104 : memref<1x!tpu.dma_semaphore, #tpu.memory_space<semaphore_mem>> -> memref<!tpu.dma_semaphore, #tpu.memory_space<semaphore_mem>>
    tpu.wait_indirect_dma semaphore(%dma_wait3A_105 : memref<!tpu.dma_semaphore, #tpu.memory_space<semaphore_mem>>) src(%dma_wait3A_97 : memref<40x128xf32, #tpu.memory_space<vmem>>) dst(%dma_wait3A_103 : memref<10000x128xf32, #tpu.memory_space<vmem_shared>>)
    %dma_wait3A_106 = arith.constant 1 : i32
    %dma_wait3A_107 = arith.constant 1 : i32
    %dma_wait3A_108 = arith.constant 1 : i32
    %dma_wait3A_109 = arith.constant 0 : i32
    %dma_wait3A_110 = arith.constant 0 : i32
    %dma_wait3A_111 = tpu.memref_slice %arg9[%dma_wait3A_106, %dma_wait3A_109, %dma_wait3A_110] : memref<2x40x128xf32, #tpu.memory_space<vmem>> -> memref<1x40x128xf32, #tpu.memory_space<vmem>>
    %dma_wait3A_112 = tpu.memref_squeeze %dma_wait3A_111 : memref<1x40x128xf32, #tpu.memory_space<vmem>> -> memref<40x128xf32, #tpu.memory_space<vmem>>
    %dma_wait3A_113 = arith.constant 0 : i32
    %dma_wait3A_114 = tpu.memref_slice %arg8[%dma_wait3A_107, %dma_wait3A_113] : memref<2x40xi32, #tpu.memory_space<vmem>> -> memref<1x40xi32, #tpu.memory_space<vmem>>
    %dma_wait3A_115 = tpu.memref_squeeze %dma_wait3A_114 : memref<1x40xi32, #tpu.memory_space<vmem>> -> memref<40xi32, #tpu.memory_space<vmem>>
    %dma_wait3A_116 = arith.constant 0 : i32
    %dma_wait3A_117 = arith.constant 0 : i32
    %dma_wait3A_118 = tpu.memref_slice %arg12[%dma_wait3A_116, %dma_wait3A_117] : memref<10000x128xf32, #tpu.memory_space<vmem_shared>> -> memref<10000x128xf32, #tpu.memory_space<vmem_shared>>
    %dma_wait3A_119 = tpu.memref_slice %arg14[%dma_wait3A_108] : memref<2x!tpu.dma_semaphore, #tpu.memory_space<semaphore_mem>> -> memref<1x!tpu.dma_semaphore, #tpu.memory_space<semaphore_mem>>
    %dma_wait3A_120 = tpu.memref_squeeze %dma_wait3A_119 : memref<1x!tpu.dma_semaphore, #tpu.memory_space<semaphore_mem>> -> memref<!tpu.dma_semaphore, #tpu.memory_space<semaphore_mem>>
    tpu.wait_indirect_dma semaphore(%dma_wait3A_120 : memref<!tpu.dma_semaphore, #tpu.memory_space<semaphore_mem>>) src(%dma_wait3A_112 : memref<40x128xf32, #tpu.memory_space<vmem>>) dst(%dma_wait3A_118 : memref<10000x128xf32, #tpu.memory_space<vmem_shared>>)
    %barrier3A_121 = arith.constant 0 : index
    tpu.barrier barrier_id(%barrier3A_121)
    %sub3A_122 = arith.constant 0 : i32
    %sub3A_123 = arith.subi %select_n3A, %sub3A_122 : i32
    %sub3A_124 = arith.constant 1 : i32
    %sub3A_125 = arith.constant 1 : i32
    %sub3A_126 = arith.subi %sub3A_124, %sub3A_125 : i32
    %add3A_127 = arith.addi %sub3A_123, %sub3A_126 : i32
    %div3A_128 = arith.constant 1 : i32
    %div3A_129 = arith.divsi %add3A_127, %div3A_128 : i32
    %while3A_130 = arith.constant 1 : i32
    %while3A_131 = arith.constant 0 : i32
    %while3A_132 = arith.constant 0 : i32
    %while3A_133 = arith.subi %div3A_129, %while3A_132 : i32
    %while3A_134 = arith.addi %while3A_132, %while3A_133 : i32
    %while3A_135 = arith.constant 1 : i32
    %while3A_136 = arith.divsi %while3A_133, %while3A_135 : i32
    %while3A_137 = arith.muli %while3A_136, %while3A_135 : i32
    %while3A_138 = arith.addi %while3A_132, %while3A_137 : i32
    %while3A_139 = arith.constant 1 : i32
    scf.for %while3A_160 = %while3A_132 to %while3A_138 step %while3A_139  : i32 {
      %mul3A_161 = arith.muli %while3A_160, %while3A_130 : i32
      %add3A_162 = arith.addi %while3A_131, %mul3A_161 : i32
      %mul3A_163 = arith.constant 640 : i32
      %mul3A_164 = arith.muli %arg1, %mul3A_163 : i32
      %mul3A_165 = arith.constant 40 : i32
      %mul3A_166 = arith.muli %add3A_162, %mul3A_165 : i32
      %add3A_167 = arith.addi %mul3A_164, %mul3A_166 : i32
      %dma_start3A_168 = arith.constant 0 : i32
      %dma_start3A_169 = tpu.memref_slice %arg13[%dma_start3A_168] : memref<2x!tpu.dma_semaphore, #tpu.memory_space<semaphore_mem>> -> memref<1x!tpu.dma_semaphore, #tpu.memory_space<semaphore_mem>>
      %dma_start3A_170 = tpu.memref_squeeze %dma_start3A_169 : memref<1x!tpu.dma_semaphore, #tpu.memory_space<semaphore_mem>> -> memref<!tpu.dma_semaphore, #tpu.memory_space<semaphore_mem>>
      %dma_start3A_171 = arith.constant 0 : i32
      %dma_start3A_172 = tpu.memref_slice %arg5[%arg0, %add3A_167, %dma_start3A_171] : memref<2x10000x128xf32, #tpu.memory_space<hbm>> -> memref<1x40x128xf32, #tpu.memory_space<hbm>>
      %dma_start3A_173 = tpu.memref_squeeze %dma_start3A_172 : memref<1x40x128xf32, #tpu.memory_space<hbm>> -> memref<40x128xf32, #tpu.memory_space<hbm>>
      %dma_start3A_174 = arith.constant 0 : i32
      %dma_start3A_175 = tpu.memref_slice %arg12[%add3A_167, %dma_start3A_174] : memref<10000x128xf32, #tpu.memory_space<vmem_shared>> -> memref<40x128xf32, #tpu.memory_space<vmem_shared>>
      tpu.enqueue_dma source(%dma_start3A_175 : memref<40x128xf32, #tpu.memory_space<vmem_shared>>) target(%dma_start3A_173 : memref<40x128xf32, #tpu.memory_space<hbm>>) target_semaphore(%dma_start3A_170 : memref<!tpu.dma_semaphore, #tpu.memory_space<semaphore_mem>>)
    }
    %while3A_140 = arith.constant 1 : i32
    scf.for %while3A_160 = %while3A_138 to %while3A_134 step %while3A_140  : i32 {
      %mul3A_161 = arith.muli %while3A_160, %while3A_130 : i32
      %add3A_162 = arith.addi %while3A_131, %mul3A_161 : i32
      %mul3A_163 = arith.constant 640 : i32
      %mul3A_164 = arith.muli %arg1, %mul3A_163 : i32
      %mul3A_165 = arith.constant 40 : i32
      %mul3A_166 = arith.muli %add3A_162, %mul3A_165 : i32
      %add3A_167 = arith.addi %mul3A_164, %mul3A_166 : i32
      %dma_start3A_168 = arith.constant 0 : i32
      %dma_start3A_169 = tpu.memref_slice %arg13[%dma_start3A_168] : memref<2x!tpu.dma_semaphore, #tpu.memory_space<semaphore_mem>> -> memref<1x!tpu.dma_semaphore, #tpu.memory_space<semaphore_mem>>
      %dma_start3A_170 = tpu.memref_squeeze %dma_start3A_169 : memref<1x!tpu.dma_semaphore, #tpu.memory_space<semaphore_mem>> -> memref<!tpu.dma_semaphore, #tpu.memory_space<semaphore_mem>>
      %dma_start3A_171 = arith.constant 0 : i32
      %dma_start3A_172 = tpu.memref_slice %arg5[%arg0, %add3A_167, %dma_start3A_171] : memref<2x10000x128xf32, #tpu.memory_space<hbm>> -> memref<1x40x128xf32, #tpu.memory_space<hbm>>
      %dma_start3A_173 = tpu.memref_squeeze %dma_start3A_172 : memref<1x40x128xf32, #tpu.memory_space<hbm>> -> memref<40x128xf32, #tpu.memory_space<hbm>>
      %dma_start3A_174 = arith.constant 0 : i32
      %dma_start3A_175 = tpu.memref_slice %arg12[%add3A_167, %dma_start3A_174] : memref<10000x128xf32, #tpu.memory_space<vmem_shared>> -> memref<40x128xf32, #tpu.memory_space<vmem_shared>>
      tpu.enqueue_dma source(%dma_start3A_175 : memref<40x128xf32, #tpu.memory_space<vmem_shared>>) target(%dma_start3A_173 : memref<40x128xf32, #tpu.memory_space<hbm>>) target_semaphore(%dma_start3A_170 : memref<!tpu.dma_semaphore, #tpu.memory_space<semaphore_mem>>)
    }
    %sub3A_141 = arith.constant 0 : i32
    %sub3A_142 = arith.subi %select_n3A, %sub3A_141 : i32
    %sub3A_143 = arith.constant 1 : i32
    %sub3A_144 = arith.constant 1 : i32
    %sub3A_145 = arith.subi %sub3A_143, %sub3A_144 : i32
    %add3A_146 = arith.addi %sub3A_142, %sub3A_145 : i32
    %div3A_147 = arith.constant 1 : i32
    %div3A_148 = arith.divsi %add3A_146, %div3A_147 : i32
    %while3A_149 = arith.constant 1 : i32
    %while3A_150 = arith.constant 0 : i32
    %while3A_151 = arith.constant 0 : i32
    %while3A_152 = arith.subi %div3A_148, %while3A_151 : i32
    %while3A_153 = arith.addi %while3A_151, %while3A_152 : i32
    %while3A_154 = arith.constant 1 : i32
    %while3A_155 = arith.divsi %while3A_152, %while3A_154 : i32
    %while3A_156 = arith.muli %while3A_155, %while3A_154 : i32
    %while3A_157 = arith.addi %while3A_151, %while3A_156 : i32
    %while3A_158 = arith.constant 1 : i32
    scf.for %while3A_160 = %while3A_151 to %while3A_157 step %while3A_158  : i32 {
      %mul3A_161 = arith.muli %while3A_160, %while3A_149 : i32
      %add3A_162 = arith.addi %while3A_150, %mul3A_161 : i32
      %dma_wait3A_163 = arith.constant 0 : i32
      %dma_wait3A_164 = tpu.memref_slice %arg13[%dma_wait3A_163] : memref<2x!tpu.dma_semaphore, #tpu.memory_space<semaphore_mem>> -> memref<1x!tpu.dma_semaphore, #tpu.memory_space<semaphore_mem>>
      %dma_wait3A_165 = tpu.memref_squeeze %dma_wait3A_164 : memref<1x!tpu.dma_semaphore, #tpu.memory_space<semaphore_mem>> -> memref<!tpu.dma_semaphore, #tpu.memory_space<semaphore_mem>>
      %dma_wait3A_166 = arith.constant 0 : i32
      %dma_wait3A_167 = arith.constant 0 : i32
      %dma_wait3A_168 = tpu.memref_slice %arg5[%arg0, %dma_wait3A_166, %dma_wait3A_167] : memref<2x10000x128xf32, #tpu.memory_space<hbm>> -> memref<1x40x128xf32, #tpu.memory_space<hbm>>
      %dma_wait3A_169 = tpu.memref_squeeze %dma_wait3A_168 : memref<1x40x128xf32, #tpu.memory_space<hbm>> -> memref<40x128xf32, #tpu.memory_space<hbm>>
      %dma_wait3A_170 = arith.constant 0 : i32
      %dma_wait3A_171 = arith.constant 0 : i32
      %dma_wait3A_172 = tpu.memref_slice %arg12[%dma_wait3A_170, %dma_wait3A_171] : memref<10000x128xf32, #tpu.memory_space<vmem_shared>> -> memref<40x128xf32, #tpu.memory_space<vmem_shared>>
      tpu.wait_dma2 semaphore(%dma_wait3A_165 : memref<!tpu.dma_semaphore, #tpu.memory_space<semaphore_mem>>) src(%dma_wait3A_172 : memref<40x128xf32, #tpu.memory_space<vmem_shared>>) dst(%dma_wait3A_169 : memref<40x128xf32, #tpu.memory_space<hbm>>)
    }
    %while3A_159 = arith.constant 1 : i32
    scf.for %while3A_160 = %while3A_157 to %while3A_153 step %while3A_159  : i32 {
      %mul3A_161 = arith.muli %while3A_160, %while3A_149 : i32
      %add3A_162 = arith.addi %while3A_150, %mul3A_161 : i32
      %dma_wait3A_163 = arith.constant 0 : i32
      %dma_wait3A_164 = tpu.memref_slice %arg13[%dma_wait3A_163] : memref<2x!tpu.dma_semaphore, #tpu.memory_space<semaphore_mem>> -> memref<1x!tpu.dma_semaphore, #tpu.memory_space<semaphore_mem>>
      %dma_wait3A_165 = tpu.memref_squeeze %dma_wait3A_164 : memref<1x!tpu.dma_semaphore, #tpu.memory_space<semaphore_mem>> -> memref<!tpu.dma_semaphore, #tpu.memory_space<semaphore_mem>>
      %dma_wait3A_166 = arith.constant 0 : i32
      %dma_wait3A_167 = arith.constant 0 : i32
      %dma_wait3A_168 = tpu.memref_slice %arg5[%arg0, %dma_wait3A_166, %dma_wait3A_167] : memref<2x10000x128xf32, #tpu.memory_space<hbm>> -> memref<1x40x128xf32, #tpu.memory_space<hbm>>
      %dma_wait3A_169 = tpu.memref_squeeze %dma_wait3A_168 : memref<1x40x128xf32, #tpu.memory_space<hbm>> -> memref<40x128xf32, #tpu.memory_space<hbm>>
      %dma_wait3A_170 = arith.constant 0 : i32
      %dma_wait3A_171 = arith.constant 0 : i32
      %dma_wait3A_172 = tpu.memref_slice %arg12[%dma_wait3A_170, %dma_wait3A_171] : memref<10000x128xf32, #tpu.memory_space<vmem_shared>> -> memref<40x128xf32, #tpu.memory_space<vmem_shared>>
      tpu.wait_dma2 semaphore(%dma_wait3A_165 : memref<!tpu.dma_semaphore, #tpu.memory_space<semaphore_mem>>) src(%dma_wait3A_172 : memref<40x128xf32, #tpu.memory_space<vmem_shared>>) dst(%dma_wait3A_169 : memref<40x128xf32, #tpu.memory_space<hbm>>)
    }
    return
  }
}

module attributes {stable_mosaic.version = 14 : i64} {
  func.func @_mm_body(%arg0: i32, %arg1: memref<1000x128xf32, #tpu.memory_space<vmem>>, %arg2: memref<128x128xf32, #tpu.memory_space<vmem>>, %arg3: memref<1000x128xf32, #tpu.memory_space<vmem>>) attributes {dimension_semantics = [#tpu.dimension_semantics<arbitrary>], iteration_bounds = array<i64: 10>, scalar_prefetch = 0 : i64, scratch_operands = 0 : i64, tpu.core_type = #tpu.core_type<tc>, window_params = [{transform_indices = @transform_0, window_bounds = array<i64: 1000, 128>}, {pipeline_mode = #tpu.pipeline_mode<synchronous>, transform_indices = @transform_1, window_bounds = array<i64: 128, 128>}, {transform_indices = @transform_2, window_bounds = array<i64: 1000, 128>}]} {
    %get3A = arith.constant 0 : index
    %get3A_0 = arith.constant 0 : index
    %get3A_1 = vector.load %arg1[%get3A, %get3A_0] : memref<1000x128xf32, #tpu.memory_space<vmem>>, vector<1000x128xf32>
    %get3A_2 = arith.constant 0 : index
    %get3A_3 = arith.constant 0 : index
    %get3A_4 = vector.load %arg2[%get3A_2, %get3A_3] : memref<128x128xf32, #tpu.memory_space<vmem>>, vector<128x128xf32>
    %dot_general3A = arith.constant dense<0.000000e+00> : vector<1000x128xf32>
    %dot_general3A_5 = tpu.matmul %get3A_1, %get3A_4, %dot_general3A {dimension_numbers = #tpu.dot_dimension_numbers<[1], [0], [0], [1], [0, 0, 1, 1], [], []>, transpose_lhs_hint = false} : vector<1000x128xf32>, vector<128x128xf32>, vector<1000x128xf32> -> vector<1000x128xf32>
    %swap3A = arith.constant 0 : index
    %swap3A_6 = arith.constant 0 : index
    %swap3A_7 = vector.load %arg3[%swap3A, %swap3A_6] : memref<1000x128xf32, #tpu.memory_space<vmem>>, vector<1000x128xf32>
    tpu.vector_store %arg3[%swap3A, %swap3A_6], %dot_general3A_5 {strides = array<i32>} : memref<1000x128xf32, #tpu.memory_space<vmem>>, vector<1000x128xf32>,
    return
  }
  func.func @transform_0(%arg0: i32) -> (i32, i32) {
    %c0_i32 = arith.constant 0 : i32
    %c0_i32_0 = arith.constant 0 : i32
    return %arg0, %c0_i32 : i32, i32
  }
  func.func @transform_1(%arg0: i32) -> (i32, i32) {
    %c0_i32 = arith.constant 0 : i32
    %c0_i32_0 = arith.constant 0 : i32
    %c0_i32_1 = arith.constant 0 : i32
    return %c0_i32, %c0_i32_0 : i32, i32
  }
  func.func @transform_2(%arg0: i32) -> (i32, i32) {
    %c0_i32 = arith.constant 0 : i32
    %c0_i32_0 = arith.constant 0 : i32
    return %arg0, %c0_i32 : i32, i32
  }
}

module attributes {stable_mosaic.version = 14 : i64} {
  func.func @_wt_body(%arg0: i32, %arg1: memref<2x1000x128xf32, #tpu.memory_space<vmem>>, %arg2: memref<5x8xf32, #tpu.memory_space<vmem>>, %arg3: memref<5000x128xf32, #tpu.memory_space<vmem>>) attributes {dimension_semantics = [#tpu.dimension_semantics<arbitrary>], iteration_bounds = array<i64: 10>, scalar_prefetch = 0 : i64, scratch_operands = 0 : i64, tpu.core_type = #tpu.core_type<tc>, window_params = [{transform_indices = @transform_0, window_bounds = array<i64: 2, 1000, 128>}, {pipeline_mode = #tpu.pipeline_mode<synchronous>, transform_indices = @transform_1, window_bounds = array<i64: 5, 8>}, {transform_indices = @transform_2, window_bounds = array<i64: 5000, 128>}]} {
    %get3A = arith.constant 0 : index
    %get3A_0 = arith.constant 0 : index
    %get3A_1 = arith.constant 0 : index
    %get3A_2 = vector.load %arg1[%get3A, %get3A_0, %get3A_1] : memref<2x1000x128xf32, #tpu.memory_space<vmem>>, vector<1x1000x128xf32>
    %get3A_3 = vector.shape_cast %get3A_2 : vector<1x1000x128xf32> to vector<1000x128xf32>
    %slice3A = vector.extract_strided_slice %get3A_3 {offsets = [0, 0], sizes = [1000, 8], strides = [1, 1]} : vector<1000x128xf32> to vector<1000x8xf32>
    %get3A_4 = arith.constant 1 : index
    %get3A_5 = arith.constant 0 : index
    %get3A_6 = arith.constant 0 : index
    %get3A_7 = vector.load %arg1[%get3A_4, %get3A_5, %get3A_6] : memref<2x1000x128xf32, #tpu.memory_space<vmem>>, vector<1x1000x128xf32>
    %get3A_8 = vector.shape_cast %get3A_7 : vector<1x1000x128xf32> to vector<1000x128xf32>
    %slice3A_9 = vector.extract_strided_slice %get3A_8 {offsets = [0, 0], sizes = [1000, 8], strides = [1, 1]} : vector<1000x128xf32> to vector<1000x8xf32>
    %add3A = arith.addf %slice3A, %slice3A_9 : vector<1000x8xf32>
    %gt3A = arith.constant 0.000000e+00 : f32
    %gt3A_10 = vector.broadcast %gt3A : f32 to vector<1000x8xf32>
    %gt3A_11 = arith.cmpf ogt, %add3A, %gt3A_10 : vector<1000x8xf32>
    %jit3A = arith.constant 1.000000e+00 : f32
    %broadcast_in_dim3A = vector.broadcast %jit3A : f32 to vector<1000x8xf32>
    %select_n3A = arith.select %gt3A_11, %add3A, %broadcast_in_dim3A : vector<1000x8xi1>, vector<1000x8xf32>
    %div3A = arith.constant 1.000000e+00 : f32
    %div3A_12 = vector.broadcast %div3A : f32 to vector<1000x8xf32>
    %div3A_13 = arith.divf %div3A_12, %select_n3A : vector<1000x8xf32>
    %get3A_14 = arith.constant 0 : index
    %get3A_15 = arith.constant 0 : index
    %get3A_16 = vector.load %arg2[%get3A_14, %get3A_15] : memref<5x8xf32, #tpu.memory_space<vmem>>, vector<5x8xf32>
    %exp3A = math.exp %get3A_16 : vector<5x8xf32>
    %slice3A_17 = vector.extract_strided_slice %exp3A {offsets = [0, 0], sizes = [1, 8], strides = [1, 1]} : vector<5x8xf32> to vector<1x8xf32>
    %squeeze3A = vector.shape_cast %slice3A_17 : vector<1x8xf32> to vector<8xf32>
    %broadcast_in_dim3A_18 = vector.shape_cast %squeeze3A : vector<8xf32> to vector<1x8xf32>
    %mul3A = vector.broadcast %broadcast_in_dim3A_18 : vector<1x8xf32> to vector<1000x8xf32>
    %mul3A_19 = arith.mulf %mul3A, %div3A_13 : vector<1000x8xf32>
    %broadcast_in_dim3A_20 = arith.constant 0.000000e+00 : f32
    %broadcast_in_dim3A_21 = vector.broadcast %broadcast_in_dim3A_20 : f32 to vector<1000x8xf32>
    %concatenate3A = tpu.concatenate %mul3A_19, %broadcast_in_dim3A_21 in 1 : vector<1000x8xf32>, vector<1000x8xf32> -> vector<1000x16xf32>
    %slice3A_22 = vector.extract_strided_slice %mul3A_19 {offsets = [0, 1], sizes = [1000, 7], strides = [1, 1]} : vector<1000x8xf32> to vector<1000x7xf32>
    %broadcast_in_dim3A_23 = vector.shape_cast %slice3A_22 : vector<1000x7xf32> to vector<1000x7x1xf32>
    %broadcast_in_dim3A_24 = vector.broadcast %broadcast_in_dim3A_23 : vector<1000x7x1xf32> to vector<1000x7x16xf32>
    %reshape3A = vector.shape_cast %broadcast_in_dim3A_24 : vector<1000x7x16xf32> to vector<1000x112xf32>
    %concatenate3A_25 = tpu.concatenate %concatenate3A, %reshape3A in 1 : vector<1000x16xf32>, vector<1000x112xf32> -> vector<1000x128xf32>
    %slice3A_26 = vector.extract_strided_slice %exp3A {offsets = [1, 0], sizes = [1, 8], strides = [1, 1]} : vector<5x8xf32> to vector<1x8xf32>
    %squeeze3A_27 = vector.shape_cast %slice3A_26 : vector<1x8xf32> to vector<8xf32>
    %broadcast_in_dim3A_28 = vector.shape_cast %squeeze3A_27 : vector<8xf32> to vector<1x8xf32>
    %mul3A_29 = vector.broadcast %broadcast_in_dim3A_28 : vector<1x8xf32> to vector<1000x8xf32>
    %mul3A_30 = arith.mulf %mul3A_29, %div3A_13 : vector<1000x8xf32>
    %broadcast_in_dim3A_31 = arith.constant 0.000000e+00 : f32
    %broadcast_in_dim3A_32 = vector.broadcast %broadcast_in_dim3A_31 : f32 to vector<1000x8xf32>
    %concatenate3A_33 = tpu.concatenate %mul3A_30, %broadcast_in_dim3A_32 in 1 : vector<1000x8xf32>, vector<1000x8xf32> -> vector<1000x16xf32>
    %slice3A_34 = vector.extract_strided_slice %mul3A_30 {offsets = [0, 1], sizes = [1000, 7], strides = [1, 1]} : vector<1000x8xf32> to vector<1000x7xf32>
    %broadcast_in_dim3A_35 = vector.shape_cast %slice3A_34 : vector<1000x7xf32> to vector<1000x7x1xf32>
    %broadcast_in_dim3A_36 = vector.broadcast %broadcast_in_dim3A_35 : vector<1000x7x1xf32> to vector<1000x7x16xf32>
    %reshape3A_37 = vector.shape_cast %broadcast_in_dim3A_36 : vector<1000x7x16xf32> to vector<1000x112xf32>
    %concatenate3A_38 = tpu.concatenate %concatenate3A_33, %reshape3A_37 in 1 : vector<1000x16xf32>, vector<1000x112xf32> -> vector<1000x128xf32>
    %slice3A_39 = vector.extract_strided_slice %exp3A {offsets = [2, 0], sizes = [1, 8], strides = [1, 1]} : vector<5x8xf32> to vector<1x8xf32>
    %squeeze3A_40 = vector.shape_cast %slice3A_39 : vector<1x8xf32> to vector<8xf32>
    %broadcast_in_dim3A_41 = vector.shape_cast %squeeze3A_40 : vector<8xf32> to vector<1x8xf32>
    %mul3A_42 = vector.broadcast %broadcast_in_dim3A_41 : vector<1x8xf32> to vector<1000x8xf32>
    %mul3A_43 = arith.mulf %mul3A_42, %div3A_13 : vector<1000x8xf32>
    %broadcast_in_dim3A_44 = arith.constant 0.000000e+00 : f32
    %broadcast_in_dim3A_45 = vector.broadcast %broadcast_in_dim3A_44 : f32 to vector<1000x8xf32>
    %concatenate3A_46 = tpu.concatenate %mul3A_43, %broadcast_in_dim3A_45 in 1 : vector<1000x8xf32>, vector<1000x8xf32> -> vector<1000x16xf32>
    %slice3A_47 = vector.extract_strided_slice %mul3A_43 {offsets = [0, 1], sizes = [1000, 7], strides = [1, 1]} : vector<1000x8xf32> to vector<1000x7xf32>
    %broadcast_in_dim3A_48 = vector.shape_cast %slice3A_47 : vector<1000x7xf32> to vector<1000x7x1xf32>
    %broadcast_in_dim3A_49 = vector.broadcast %broadcast_in_dim3A_48 : vector<1000x7x1xf32> to vector<1000x7x16xf32>
    %reshape3A_50 = vector.shape_cast %broadcast_in_dim3A_49 : vector<1000x7x16xf32> to vector<1000x112xf32>
    %concatenate3A_51 = tpu.concatenate %concatenate3A_46, %reshape3A_50 in 1 : vector<1000x16xf32>, vector<1000x112xf32> -> vector<1000x128xf32>
    %slice3A_52 = vector.extract_strided_slice %exp3A {offsets = [3, 0], sizes = [1, 8], strides = [1, 1]} : vector<5x8xf32> to vector<1x8xf32>
    %squeeze3A_53 = vector.shape_cast %slice3A_52 : vector<1x8xf32> to vector<8xf32>
    %broadcast_in_dim3A_54 = vector.shape_cast %squeeze3A_53 : vector<8xf32> to vector<1x8xf32>
    %mul3A_55 = vector.broadcast %broadcast_in_dim3A_54 : vector<1x8xf32> to vector<1000x8xf32>
    %mul3A_56 = arith.mulf %mul3A_55, %div3A_13 : vector<1000x8xf32>
    %broadcast_in_dim3A_57 = arith.constant 0.000000e+00 : f32
    %broadcast_in_dim3A_58 = vector.broadcast %broadcast_in_dim3A_57 : f32 to vector<1000x8xf32>
    %concatenate3A_59 = tpu.concatenate %mul3A_56, %broadcast_in_dim3A_58 in 1 : vector<1000x8xf32>, vector<1000x8xf32> -> vector<1000x16xf32>
    %slice3A_60 = vector.extract_strided_slice %mul3A_56 {offsets = [0, 1], sizes = [1000, 7], strides = [1, 1]} : vector<1000x8xf32> to vector<1000x7xf32>
    %broadcast_in_dim3A_61 = vector.shape_cast %slice3A_60 : vector<1000x7xf32> to vector<1000x7x1xf32>
    %broadcast_in_dim3A_62 = vector.broadcast %broadcast_in_dim3A_61 : vector<1000x7x1xf32> to vector<1000x7x16xf32>
    %reshape3A_63 = vector.shape_cast %broadcast_in_dim3A_62 : vector<1000x7x16xf32> to vector<1000x112xf32>
    %concatenate3A_64 = tpu.concatenate %concatenate3A_59, %reshape3A_63 in 1 : vector<1000x16xf32>, vector<1000x112xf32> -> vector<1000x128xf32>
    %slice3A_65 = vector.extract_strided_slice %exp3A {offsets = [4, 0], sizes = [1, 8], strides = [1, 1]} : vector<5x8xf32> to vector<1x8xf32>
    %squeeze3A_66 = vector.shape_cast %slice3A_65 : vector<1x8xf32> to vector<8xf32>
    %broadcast_in_dim3A_67 = vector.shape_cast %squeeze3A_66 : vector<8xf32> to vector<1x8xf32>
    %mul3A_68 = vector.broadcast %broadcast_in_dim3A_67 : vector<1x8xf32> to vector<1000x8xf32>
    %mul3A_69 = arith.mulf %mul3A_68, %div3A_13 : vector<1000x8xf32>
    %broadcast_in_dim3A_70 = arith.constant 0.000000e+00 : f32
    %broadcast_in_dim3A_71 = vector.broadcast %broadcast_in_dim3A_70 : f32 to vector<1000x8xf32>
    %concatenate3A_72 = tpu.concatenate %mul3A_69, %broadcast_in_dim3A_71 in 1 : vector<1000x8xf32>, vector<1000x8xf32> -> vector<1000x16xf32>
    %slice3A_73 = vector.extract_strided_slice %mul3A_69 {offsets = [0, 1], sizes = [1000, 7], strides = [1, 1]} : vector<1000x8xf32> to vector<1000x7xf32>
    %broadcast_in_dim3A_74 = vector.shape_cast %slice3A_73 : vector<1000x7xf32> to vector<1000x7x1xf32>
    %broadcast_in_dim3A_75 = vector.broadcast %broadcast_in_dim3A_74 : vector<1000x7x1xf32> to vector<1000x7x16xf32>
    %reshape3A_76 = vector.shape_cast %broadcast_in_dim3A_75 : vector<1000x7x16xf32> to vector<1000x112xf32>
    %concatenate3A_77 = tpu.concatenate %concatenate3A_72, %reshape3A_76 in 1 : vector<1000x16xf32>, vector<1000x112xf32> -> vector<1000x128xf32>
    %stack3A = vector.shape_cast %concatenate3A_25 : vector<1000x128xf32> to vector<1000x1x128xf32>
    %stack3A_78 = vector.shape_cast %concatenate3A_38 : vector<1000x128xf32> to vector<1000x1x128xf32>
    %stack3A_79 = vector.shape_cast %concatenate3A_51 : vector<1000x128xf32> to vector<1000x1x128xf32>
    %stack3A_80 = vector.shape_cast %concatenate3A_64 : vector<1000x128xf32> to vector<1000x1x128xf32>
    %stack3A_81 = vector.shape_cast %concatenate3A_77 : vector<1000x128xf32> to vector<1000x1x128xf32>
    %stack3A_82 = tpu.concatenate %stack3A, %stack3A_78, %stack3A_79, %stack3A_80, %stack3A_81 in 1 : vector<1000x1x128xf32>, vector<1000x1x128xf32>, vector<1000x1x128xf32>, vector<1000x1x128xf32>, vector<1000x1x128xf32> -> vector<1000x5x128xf32>
    %reshape3A_83 = vector.shape_cast %stack3A_82 : vector<1000x5x128xf32> to vector<5000x128xf32>
    %swap3A = arith.constant 0 : index
    %swap3A_84 = arith.constant 0 : index
    %swap3A_85 = vector.load %arg3[%swap3A, %swap3A_84] : memref<5000x128xf32, #tpu.memory_space<vmem>>, vector<5000x128xf32>
    tpu.vector_store %arg3[%swap3A, %swap3A_84], %reshape3A_83 {strides = array<i32>} : memref<5000x128xf32, #tpu.memory_space<vmem>>, vector<5000x128xf32>,
    return
  }
  func.func @transform_0(%arg0: i32) -> (i32, i32, i32) {
    %c0_i32 = arith.constant 0 : i32
    %c0_i32_0 = arith.constant 0 : i32
    %c0_i32_1 = arith.constant 0 : i32
    return %c0_i32, %arg0, %c0_i32_0 : i32, i32, i32
  }
  func.func @transform_1(%arg0: i32) -> (i32, i32) {
    %c0_i32 = arith.constant 0 : i32
    %c0_i32_0 = arith.constant 0 : i32
    %c0_i32_1 = arith.constant 0 : i32
    return %c0_i32, %c0_i32_0 : i32, i32
  }
  func.func @transform_2(%arg0: i32) -> (i32, i32) {
    %c0_i32 = arith.constant 0 : i32
    %c0_i32_0 = arith.constant 0 : i32
    return %arg0, %c0_i32 : i32, i32
  }
}

module attributes {stable_mosaic.version = 14 : i64} {
  func.func @_add_body(%arg0: i32, %arg1: memref<2x1000x128xf32, #tpu.memory_space<vmem>>, %arg2: memref<1000x128xf32, #tpu.memory_space<vmem>>) attributes {dimension_semantics = [#tpu.dimension_semantics<arbitrary>], iteration_bounds = array<i64: 10>, scalar_prefetch = 0 : i64, scratch_operands = 0 : i64, tpu.core_type = #tpu.core_type<tc>, window_params = [{transform_indices = @transform_0, window_bounds = array<i64: 2, 1000, 128>}, {transform_indices = @transform_1, window_bounds = array<i64: 1000, 128>}]} {
    %get3A = arith.constant 0 : index
    %get3A_0 = arith.constant 0 : index
    %get3A_1 = arith.constant 0 : index
    %get3A_2 = vector.load %arg1[%get3A, %get3A_0, %get3A_1] : memref<2x1000x128xf32, #tpu.memory_space<vmem>>, vector<1x1000x128xf32>
    %get3A_3 = vector.shape_cast %get3A_2 : vector<1x1000x128xf32> to vector<1000x128xf32>
    %get3A_4 = arith.constant 1 : index
    %get3A_5 = arith.constant 0 : index
    %get3A_6 = arith.constant 0 : index
    %get3A_7 = vector.load %arg1[%get3A_4, %get3A_5, %get3A_6] : memref<2x1000x128xf32, #tpu.memory_space<vmem>>, vector<1x1000x128xf32>
    %get3A_8 = vector.shape_cast %get3A_7 : vector<1x1000x128xf32> to vector<1000x128xf32>
    %add3A = arith.addf %get3A_3, %get3A_8 : vector<1000x128xf32>
    %swap3A = arith.constant 0 : index
    %swap3A_9 = arith.constant 0 : index
    %swap3A_10 = vector.load %arg2[%swap3A, %swap3A_9] : memref<1000x128xf32, #tpu.memory_space<vmem>>, vector<1000x128xf32>
    tpu.vector_store %arg2[%swap3A, %swap3A_9], %add3A {strides = array<i32>} : memref<1000x128xf32, #tpu.memory_space<vmem>>, vector<1000x128xf32>,
    return
  }
  func.func @transform_0(%arg0: i32) -> (i32, i32, i32) {
    %c0_i32 = arith.constant 0 : i32
    %c0_i32_0 = arith.constant 0 : i32
    %c0_i32_1 = arith.constant 0 : i32
    return %c0_i32, %arg0, %c0_i32_0 : i32, i32, i32
  }
  func.func @transform_1(%arg0: i32) -> (i32, i32) {
    %c0_i32 = arith.constant 0 : i32
    %c0_i32_0 = arith.constant 0 : i32
    return %arg0, %c0_i32 : i32, i32
  }
}

</mosaic_0001>

<sc_bundles>
// kernel: kernel.10.cloned.1.call-start
scs
__scs_entry_jumppad:
0x0: {  	(pc) =	sbr.rel $0x88, $3  }
0x1: {  	(tag) =	ssettag $0x0;
	lr =	simm.s32 $0x1  }
0x2: {  	[smem:$0x3F9C] =	sst lr;
	_ =	strace $0xD0000000  }
0x3: {  	_ = 	snop  }
0x4: {  	_ = 	snop  }
0x5: {  	_ = 	snop  }
0x6: {  	_ = 	snop  }
0x7: {  	_ = 	snop  }
__scs_overlays_trampoline_lowered:
0x8: {  	[smem:$0x3FAB] =	sst s0  }
0x9: {  	[smem:$0x3FAC] =	sst s1  }
0xa: {  	[smem:$0x3FAD] =	sst s2  }
0xb: {  	[smem:$0x3FAE] =	sst s3  }
0xc: {  	[smem:$0x3FAF] =	sst s4  }
0xd: {  	[smem:$0x3FB0] =	sst s5  }
0xe: {  	[smem:$0x3FB1] =	sst s6  }
0xf: {  	[smem:$0x3FB2] =	sst s7  }
0x10: {  	[smem:$0x3FB3] =	sst s8  }
0x11: {  	[smem:$0x3FB4] =	sst s9;
	s0 =	simm.s32 @!p0 $0x0  }
0x12: {  	s1 =	sld [smem:$0x3F9A];
	s0 =	simm.s32 @p0 $0x1  }
0x13: {  	[smem:$0x3FB5] =	sst s0;
	s0 =	simm.s32 @!p1 $0x0  }
0x14: {  	s2 =	sld [smem:$0x3F99];
	s0 =	simm.s32 @p1 $0x1  }
0x15: {  	[smem:$0x3FB6] =	sst s0;
	s0 =	simm.s32 @!p2 $0x0  }
0x16: {  	s3 =	sld [smem:$0x3FDB];
	s0 =	simm.s32 @p2 $0x1  }
0x17: {  	s4 =	simm.s32 $0x1BF5;
	[smem:$0x3FB8] =	sst s0  }
0x18: {  	s0 =	sld [smem:$0x3F9B];
	_ =	swait.ge [sflag:s4], $0x0  }
0x19: {  	s7 =	sld [smem:$0x3F9C]  }
0x1a: {  	s8 =	sadd.s32 $0xFFFFE003, lr  }
0x1b: {  	s9 =	sadd.s32 $0xFFFFFEF7, lr;
	s5 =	simm.s32 $0xFFFFFFFF;
	p2 =	slt.u32 s8, $0xFFFFF086  }
0x1c: {  	p1 =	slt.u32 s9, $0xF7A;
	s5 =	simm.s32 @!p2 $0x0  }
0x1d: {  	s5 =	simm.s32 @p1 $0x1;
	p0 =	seq.s32 s7, s2  }
0x1e: {  	s7 =	smul.u32 @!p0 $0xF7A, s2;
	p2 =	seq.s32 @!p0 s5, $0x0  }
0x1f: {  	s9 =	smul.u32 $0xF7A, s1;
	s8 =	simm.s32 @!p0 $0x1BF5;
	p2 =	por !p2, p0  }
0x20: {  	[sflag:s8] =	ssyncset.s32 @!p0 $0xFFFFF086;
	s6 =	sadd.s32 @!p0 s3, s7;
	s7 =	simm.s32 @!p0 $0x108  }
0x21: {  	s3 =	sadd.s32 s3, s9;
	s6 =	sadd.s32 @!p0 $0x88, s6;
	s7 =	simm.s32 @p2 $0x1082  }
0x22: {  	[simem:s7], [sflag:s8] =	dma.local @!p0 [hbm:s6], $0xF7A  }
0x23: {  	s9 =	sor.u32 $0xD0000000, s2;
	s6 =	simm.s32 $0x108;
	_ =	swait.ge @!p0 [sflag:s8], $0x0  }
0x24: {  	s3 =	sadd.s32 $0x88, s3;
	s6 =	simm.s32 @!p1 $0x1082;
	[sflag:s4] =	ssyncset.s32 $0xFFFFF086  }
0x25: {  	[simem:s6], [sflag:s4] =	dma.local [hbm:s3], $0xF7A  }
0x26: {  	[smem:$0x3F9C] =	sst s1;
	(tag) =	ssettag s2;
	_ =	strace s9  }
0x27: {  	s1 =	sld [smem:$0x3FAC]  }
0x28: {  	s2 =	sld [smem:$0x3FAD]  }
0x29: {  	s4 =	sld [smem:$0x3FAF]  }
0x2a: {  	p0 =	seq.s32 s5, $0x0;
	s5 =	sld [smem:$0x3FB0]  }
0x2b: {  	s6 =	sld [smem:$0x3FB1]  }
0x2c: {  	s7 =	sld [smem:$0x3FB2]  }
0x2d: {  	s3 =	simm.s32 $0x108;
	s8 =	sld [smem:$0x3FB3]  }
0x2e: {  	s3 =	simm.s32 @!p0 $0x1082;
	s9 =	sld [smem:$0x3FB4]  }
0x2f: {  	lr =	sadd.s32 s0, s3;
	s0 =	sld [smem:$0x3FAB]  }
0x30: {  	s3 =	sld [smem:$0x3FAE]  }
0x31: {  	[smem:$0x3FB7] =	sst s10  }
0x32: {  	s10 =	sld [smem:$0x3FB5];
	_ =	sdelay $0x3  }
0x33: {  	p0 =	seq.s32 s10, $0x1;
	s10 =	sld [smem:$0x3FB7];
	_ =	sdelay $0x3  }
0x34: {  	[smem:$0x3FB7] =	sst s10  }
0x35: {  	s10 =	sld [smem:$0x3FB6];
	_ =	sdelay $0x3  }
0x36: {  	p1 =	seq.s32 s10, $0x1;
	s10 =	sld [smem:$0x3FB7];
	_ =	sdelay $0x3  }
0x37: {  	[smem:$0x3FB7] =	sst s10  }
0x38: {  	s10 =	sld [smem:$0x3FB8]  }
0x39: {  	_ = 	snop;
	(pc) =	sbr.ind lr, $3  }
0x3a: {  	_ = 	snop  }
0x3b: {  	_ = 	snop  }
0x3c: {  	p2 =	seq.s32 s10, $0x1;
	s10 =	sld [smem:$0x3FB7]  }
0x3d: {  	_ =	shalt  }
0x3e: {  	_ =	shalt  }
0x3f: {  	_ =	shalt  }
0x40: {  	_ =	shalt  }
0x41: {  	_ =	shalt  }
0x42: {  	_ =	shalt  }
0x43: {  	_ =	shalt  }
0x44: {  	_ =	shalt  }
0x45: {  	_ =	shalt  }
0x46: {  	_ =	shalt  }
0x47: {  	_ =	shalt  }
0x48: {  	_ =	shalt  }
0x49: {  	_ =	shalt  }
0x4a: {  	_ =	shalt  }
0x4b: {  	_ =	shalt  }
0x4c: {  	_ =	shalt  }
0x4d: {  	_ =	shalt  }
0x4e: {  	_ =	shalt  }
0x4f: {  	_ =	shalt  }
0x50: {  	_ =	shalt  }
0x51: {  	_ =	shalt  }
0x52: {  	_ =	shalt  }
0x53: {  	_ =	shalt  }
0x54: {  	_ =	shalt  }
0x55: {  	_ =	shalt  }
0x56: {  	_ =	shalt  }
0x57: {  	_ =	shalt  }
0x58: {  	_ =	shalt  }
0x59: {  	_ =	shalt  }
0x5a: {  	_ =	shalt  }
0x5b: {  	_ =	shalt  }
0x5c: {  	_ =	shalt  }
0x5d: {  	_ =	shalt  }
0x5e: {  	_ =	shalt  }
0x5f: {  	_ =	shalt  }
0x60: {  	_ =	shalt  }
0x61: {  	_ =	shalt  }
0x62: {  	_ =	shalt  }
0x63: {  	_ =	shalt  }
0x64: {  	_ =	shalt  }
0x65: {  	_ =	shalt  }
0x66: {  	_ =	shalt  }
0x67: {  	_ =	shalt  }
0x68: {  	_ =	shalt  }
0x69: {  	_ =	shalt  }
0x6a: {  	_ =	shalt  }
0x6b: {  	_ =	shalt  }
0x6c: {  	_ =	shalt  }
0x6d: {  	_ =	shalt  }
0x6e: {  	_ =	shalt  }
0x6f: {  	_ =	shalt  }
0x70: {  	_ =	shalt  }
0x71: {  	_ =	shalt  }
0x72: {  	_ =	shalt  }
0x73: {  	_ =	shalt  }
0x74: {  	_ =	shalt  }
0x75: {  	_ =	shalt  }
0x76: {  	_ =	shalt  }
0x77: {  	_ =	shalt  }
0x78: {  	_ =	shalt  }
0x79: {  	_ =	shalt  }
0x7a: {  	_ =	shalt  }
0x7b: {  	_ =	shalt  }
0x7c: {  	_ =	shalt  }
0x7d: {  	_ =	shalt  }
0x7e: {  	_ =	shalt  }
0x7f: {  	_ =	shalt  }
0x80: {  	_ =	shalt  }
0x81: {  	_ =	shalt  }
0x82: {  	_ =	shalt  }
0x83: {  	_ =	shalt  }
0x84: {  	_ =	shalt  }
0x85: {  	_ =	shalt  }
0x86: {  	_ =	shalt  }
0x87: {  	_ =	shalt  }
.Lfunc_end0:
.L_simem_size_0:
called_computation.1_lowered:
.L_overlay_start_0:
0x88: {  	s2 =	sld [smem:$0x3FD9]  }
0x89: {  	s3 =	sld [smem:$0x3FFE];
	_ =	sdelay $0x1  }
0x8a: {  	s1 =	srdreg.scid  }
0x8b: {  	s0 =	sand.u32 $0x1, s1  }
0x8c: {  	s14 =	sshll.u32 s0, $0xA;
	s2 =	sadd.s32 s3, s2  }
0x8d: {  	s2 =	sadd.s32 s2, s14  }
0x8e: {  	[smem:$0x3FC3] =	sst s2  }
0x8f: {  	_ = 	snop  }
0x90: {  	s2 =	sld [smem:$0x3FD0];
	_ =	sdelay $0x2  }
0x91: {  	s15 =	simm.s32 $0xA;
	s4 =	simm.s32 $0x10  }
0x92: {  	[smem:s4], [sflag:s15] =	dma.local [hbm:s2], $0x1  }
0x93: {  	_ =	swait.eq [sflag:s15], $0x1  }
0x94: {  	[sflag:s15] =	ssyncset.done $0x0  }
0x95: {  	s16 =	sld [smem:$0x10];
	[sflag:s15] =	ssyncadd.s32 $0xFFFFFFFF  }
0x96: {  	s17 =	sld [smem:$0x11];
	(tm) =	ssettm $0x1  }
0x97: {  	s18 =	sld [smem:$0x3FFB];
	_ =	sdelay $0x3  }
0x98: {  	_ =	strace s18  }
0x99: {  	s4 =	sld [smem:$0x3FFC];
	_ =	sdelay $0x3  }
0x9a: {  	_ =	strace s4  }
0x9b: {  	s4 =	sld [smem:$0x3FFD];
	_ =	sdelay $0x3  }
0x9c: {  	_ =	strace s4  }
0x9d: {  	_ =	strace $0x8FFFFFFF  }
0x9e: {  	s19 =	sld [smem:$0x3FDB];
	_ =	sdelay $0x1  }
0x9f: {  	s5 =	simm.s32 $_scs_section_size  }
0xa0: {  	s6 =	simm.s32 $_size__tile_overlayer_lowered;
	s7 =	simm.s32 $_tile_overlayer_lowered  }
0xa1: {  	s22 =	simm.s32 $0x1BFF;
	s21 =	sshll.u32 s7, $0x1;
	s4 =	sadd.s32 s5, s19  }
0xa2: {  	s8 =	simm.s32 $0x0;
	s20 =	sshll.u32 s6, $0x1;
	s6 =	sadd.s32 s21, s4  }
0xa3: {  	[timem:s8], [sflag:s22] =	dma.local [hbm:s6], s20  }
0xa4: {  	_ =	swait.ge [sflag:s22], s20  }
0xa5: {  	s5 =	ssub.s32 $0x0, s20;
	[sflag:s22] =	ssyncset.done $0x0  }
0xa6: {  	[sflag:s22] =	ssyncadd.s32 s5;
	_ =	sdelay $0x1  }
0xa7: {  	s23 =	simm.s32 $0x1B8B  }
0xa8: {  	_ =	swait.ge [sflag:s23], $0x1  }
0xa9: {  	[sflag:s23] =	ssyncset.done $0x0  }
0xaa: {  	s25 =	simm.s32 $0x1B8E;
	s24 =	sld [smem:$0x3FFE];
	[sflag:s23] =	ssyncadd.s32 $0xFFFFFFFF  }
0xab: {  	s26 =	simm.s32 $execute0_lowered;
	[smem:$0x3FD2] =	sst s25  }
0xac: {  	s6 =	sshll.u32 s26, $0x1;
	_ =	strace $0x80000049;
	[dreg:$0x1] =	wrdreg $0xFFFFFFFF  }
0xad: {  	s28 =	simm.s32 $_size_execute0_lowered;
	s4 =	sadd.s32 s4, s6;
	[dreg:$0x0] =	wrdreg $0x0  }
0xae: {  	s6 =	sshll.u32 s28, $0x1;
	[dreg:$0x2] =	wrdreg s4  }
0xaf: {  	[dreg:$0x3] =	wrdreg s6  }
0xb0: {  	[dreg:$0x4] =	wrdreg $0xC0  }
0xb1: {  	_ =	task [dreg:s8], $0x5FFFF  }
0xb2: {  	[dreg:$0x1] =	wrdreg $0xFFFFFFFF  }
0xb3: {  	[dreg:$0x0] =	wrdreg $0x60  }
0xb4: {  	[dreg:$0x2] =	wrdreg s24  }
0xb5: {  	[dreg:$0x3] =	wrdreg s16  }
0xb6: {  	[dreg:$0x4] =	wrdreg s17  }
0xb7: {  	[dreg:$0x5] =	wrdreg $0x7C000  }
0xb8: {  	[dreg:$0x6] =	wrdreg $0x9  }
0xb9: {  	_ =	task.clear_ibuf [dreg:s8], $0x7FFFF;
	_ =	strace $0x90000049  }
0xba: {  	s29 =	simm.s32 $0x9;
	_ =	strace $0x8000004B  }
0xbb: {  	_ =	swait.ge [sflag:s29], $0x1  }
0xbc: {  	[sflag:s29] =	ssyncadd.s32 $0xFFFFFFFF  }
0xbd: {  	_ =	strace $0x9000004B  }
0xbe: {  	_ =	sfence  }
0xbf: {  	s30 =	sld [smem:$0x0];
	_ =	sdelay $0x2  }
0xc0: {  	s31 =	sshll.u32 s1, $0xD;
	s1 =	sshrl.u32 s1, $0x2  }
0xc1: {  	s3 =	sand.u32 $0x4000, s31;
	s1 =	sadd.s32 s1, s30  }
0xc2: {  	s0 =	sor.u32 s3, s0;
	s1 =	sshll.u32 s1, $0x11  }
0xc3: {  	s0 =	sor.u32 s1, s0  }
0xc4: {  	s0 =	sadd.s32 $0x8F2B, s0  }
0xc5: {  	[sflag:s0] =	ssyncadd.remote.s32 $0x1  }
0xc6: {  	_ =	sfence.sel $0xFFFF  }
0xc7: {  	[dreg:$0x0] =	wrdreg $0xFFFFFFFF;
	(pc) =	sbr.abs _section_cstart, $3  }
0xc8: {  	[dreg:$0x1] =	wrdreg $0xFFFFFFFF  }
0xc9: {  	_ =	task.clear_ibuf [dreg:s8], $0x2FFFF;
	_ =	strace $0x9FFFFFFF  }
0xca: {  	(tm) =	ssettm $0x7FFFFFFF  }
0xcb: {  	_ =	shalt  }
tec
execute0_lowered:
.L_overlay_start_1:
0x0: {  	(tag) =	ssettag $0x1  }
0x1: {  	s0 =	rddreg [dreg:$0x0]  }
0x2: {  	s1 =	rddreg [dreg:$0x1]  }
0x3: {  	s2 =	rddreg [dreg:$0x2]  }
0x4: {  	s3 =	rddreg [dreg:$0x3];
	s4 =	simm.s32 $0x0  }
0x5: {  	s5 =	srdreg.scid;
	s14 =	stileid.u32;
	s13 =	simm.s32 $0xA  }
0x6: {  	s30 =	simm.s32 $0x80;
	s31 =	simm.s32 $0x180;
	s29 =	simm.s32 $0x1  }
0x7: {  	s28 =	simm.s32 $0x380;
	[smem:$0x7FF] =	sst s4;
	s6 =	sadd.s32 $0xB800, s0  }
0x8: {  	s5 =	sand.u32 $0x1, s5;
	s7 =	sadd.s32 $0x15800, s0;
	s8 =	sadd.s32 $0x1A00, s0  }
0x9: {  	s9 =	sadd.s32 $0x1F600, s0;
	p0 =	seq.s32 s14, $0xF;
	s23 =	smul.u32 $0x50000, s14  }
0xa: {  	s24 =	smul.u32 $0x14000, s14;
	_ =	strace $0x8000004A;
	s10 =	sshll.u32 s5, $0x4  }
0xb: {  	s16 =	ssub.s32 $0x2, s5;
	s13 =	simm.s32 @!p0 $0x10;
	s5 =	smul.u32 $0x138800, s5  }
0xc: {  	s11 =	sor.u32 s14, s10;
	s10 =	sadd.s32 $0xE2C00, s0;
	s12 =	sshrl.u32 s16, $0x1  }
0xd: {  	[dreg:$0x5] =	wrdreg s13;
	s25 =	sshrl.u32 s23, $0x2;
	s13 =	simm.s32 $0x1800  }
0xe: {  	s14 =	simm.s32 $0x0;
	s11 =	smul.u32 $0x2710, s11;
	s0 =	ssub.s32 s16, s12  }
0xf: {  	s26 =	sadd.s32 s24, s5;
	s5 =	simm.s32 $0x2;
	s16 =	simm.s32 $0x3  }
0x10: {  	s0 =	smax.u32 s0, $0x1;
	[dreg:$0xe] =	wrdreg s26;
	s26 =	simm.s32 $0x9  }
0x11: {  	s17 =	sshrl.u32 s11, $0x3;
	[dreg:$0xc] =	wrdreg s0;
	s0 =	sadd.s32 s25, s3  }
0x12: {  	s15 =	sadd.s32 $0x28, s11;
	s18 =	sadd.s32 s6, s17;
	[dreg:$0xd] =	wrdreg s0  }
0x13: {  	s25 =	simm.s32 $0x400;
	s19 =	sadd.s32 s7, s17;
	[dreg:$0x6] =	wrdreg s18  }
0x14: {  	s12 =	sadd.s32 s8, s17;
	s20 =	sshrl.u32 s15, $0x3;
	[dreg:$0x7] =	wrdreg s19  }
0x15: {  	s0 =	simm.s32 $0x28;
	[dreg:$0x8] =	wrdreg s12;
	s21 =	sadd.s32 s6, s20  }
0x16: {  	s22 =	sadd.s32 s7, s20;
	s12 =	sadd.s32 s8, s20;
	[dreg:$0x9] =	wrdreg s21  }
0x17: {  	s20 =	sadd.s32 $0x50, s11;
	s19 =	simm.s32 $0x4;
	[dreg:$0xa] =	wrdreg s22  }
0x18: {  	v0 =	vimm.f32 $0.0e+00;
	[dreg:$0xb] =	wrdreg s12;
	s21 =	sadd.s32 $0x78, s11;
	s22 =	simm.s32 $0x6800  }
.LBB2_1:
0x19: {  	[dreg:$0xf] =	wrdreg s14;
	s12 =	simm.s32 $0x0;
	s14 =	simm.s32 $0x200  }
.LBB2_2:
0x1a: {  	p0 =	sne.s32 s14, $0x4E00;
	[tilespmem:s12+$0x470] =	vst v0  }
0x1b: {  	[tilespmem:s12+$0x400] =	vst v0  }
0x1c: {  	[tilespmem:s12+$0x410] =	vst v0  }
.Ltmp0:
0x1d: {  	[tilespmem:s12+$0x420] =	vst v0;
	(pc) =	sbr.rel @p0 .LBB2_2-.Ltmp0, $4  }
0x1e: {  	[tilespmem:s12+$0x430] =	vst v0  }
0x1f: {  	[tilespmem:s12+$0x440] =	vst v0  }
0x20: {  	[tilespmem:s12+$0x450] =	vst v0  }
0x21: {  	[tilespmem:s12+$0x460] =	vst v0;
	s12 =	sshra.s32 s14, $0x2;
	s14 =	sadd.s32 $0x200, s14  }
0x22: {  	[tilespmem:s12+$0x470] =	vst v0  }
0x23: {  	[tilespmem:s12+$0x400] =	vst v0  }
0x24: {  	[tilespmem:s12+$0x410] =	vst v0  }
0x25: {  	[tilespmem:s12+$0x420] =	vst v0  }
0x26: {  	[tilespmem:s12+$0x430] =	vst v0;
	s24 =	rddreg [dreg:$0x5]  }
0x27: {  	[tilespmem:s12+$0x440] =	vst v0;
	p0 =	sne.s32 s24, $0x1  }
.Ltmp1:
0x28: {  	[tilespmem:s12+$0x450] =	vst v0;
	(pc) =	sbr.rel @!p0 .LBB2_5-.Ltmp1, $4  }
0x29: {  	[tilespmem:s12+$0x460] =	vst v0;
	s14 =	rddreg [dreg:$0xd]  }
0x2a: {  	[spmem:s14] =	stream.linear.scatter [tilespmem:s25], [sflag:$0x9], $0x1400, $0x38;
	[tilespmem:$0x1B480] =	vst v63  }
0x2b: {  	_ =	swait.ge [sflag:s26], $0x1400  }
0x2c: {  	s12 =	sadd.s32 $0xFFFFFFFF, s24;
	[sflag:s26] =	ssyncset.done $0x0  }
.LBB2_4:
0x2d: {  	p1 =	sne.s32 s12, $0x1;
	[sflag:s26] =	ssyncadd.s32 $0xFFFFEC00;
	s14 =	sadd.s32 $0x1400, s14  }
.Ltmp2:
0x2e: {  	s12 =	sadd.s32 $0xFFFFFFFF, s12;
	(pc) =	sbr.rel @p1 .LBB2_4-.Ltmp2, $4  }
0x2f: {  	_ = 	snop  }
0x30: {  	[spmem:s14] =	stream.linear.scatter [tilespmem:s25], [sflag:$0x9], $0x1400, $0x38;
	[tilespmem:$0x1B480] =	vst v63  }
0x31: {  	_ =	swait.ge [sflag:s26], $0x1400  }
0x32: {  	[sflag:s26] =	ssyncset.done $0x0  }
.LBB2_5:
0x33: {  	[sflag:s26] =	ssyncadd.s32 $0xFFFFEC00  }
0x34: {  	[bflag:$0x0] =	sbarrier.arrive $0xFFFF  }
0x35: {  	s12 =	simm.s32 $0x0;
	s14 =	rddreg [dreg:$0x6]  }
0x36: {  	[tilespmem:s12], [sflag:$0x1] =	stream.linear.gather [hbm4b:s14+s12], $0x28, $0x38;
	[tilespmem:$0x1B480] =	vst v63  }
0x37: {  	s17 =	simm.s32 $0x100;
	s23 =	rddreg [dreg:$0x7]  }
0x38: {  	[tilespmem:s17], [sflag:$0x1] =	stream.linear.gather [hbm4b:s23+s12], $0x28, $0x38;
	[tilespmem:$0x1B480] =	vst v63  }
0x39: {  	s18 =	simm.s32 $0x200;
	s24 =	rddreg [dreg:$0x8]  }
0x3a: {  	[tilespmem:s18], [sflag:$0x1] =	stream.linear.gather [hbm4b:s24+s12], $0x28, $0x38;
	[tilespmem:$0x1B480] =	vst v63  }
0x3b: {  	s23 =	rddreg [dreg:$0x9]  }
0x3c: {  	[tilespmem:s30], [sflag:$0x2] =	stream.linear.gather [hbm4b:s23+s12], $0x28, $0x38;
	[tilespmem:$0x1B480] =	vst v63  }
0x3d: {  	s24 =	rddreg [dreg:$0xa]  }
0x3e: {  	[tilespmem:s31], [sflag:$0x2] =	stream.linear.gather [hbm4b:s24+s12], $0x28, $0x38;
	[tilespmem:$0x1B480] =	vst v63  }
0x3f: {  	s18 =	rddreg [dreg:$0xb];
	s23 =	simm.s32 $0x280  }
0x40: {  	[tilespmem:s23], [sflag:$0x2] =	stream.linear.gather [hbm4b:s18+s12], $0x28, $0x38;
	[tilespmem:$0x1B480] =	vst v63  }
0x41: {  	_ =	swait.ge [sflag:s29], $0x28  }
0x42: {  	[sflag:s29] =	ssyncset.done $0x0  }
0x43: {  	[sflag:s29] =	ssyncadd.s32 $0xFFFFFFD8  }
0x44: {  	_ =	swait.ge [sflag:s29], $0x28  }
0x45: {  	[sflag:s29] =	ssyncset.done $0x0  }
0x46: {  	[sflag:s29] =	ssyncadd.s32 $0xFFFFFFD8  }
0x47: {  	_ =	swait.ge [sflag:s29], $0x28  }
0x48: {  	[sflag:s29] =	ssyncset.done $0x0  }
0x49: {  	[sflag:s29] =	ssyncadd.s32 $0xFFFFFFD8  }
0x4a: {  	[tilespmem:s25], [sflag:$0x3] =	stream.indirect.gather [hbm4b:s1+s0], $0x80, s12, s0, $0xb8;
	[tilespmem:$0x1B480] =	vst v63  }
0x4b: {  	s24 =	simm.s32 $0x2C00  }
0x4c: {  	[tilespmem:s24], [sflag:$0x3] =	stream.indirect.gather [hbm4b:s9+s0], $0x80, s17, s0, $0xb8;
	[tilespmem:$0x1B480] =	vst v63  }
.LBB2_6:
0x4d: {  	_ =	swait.ge [sflag:s5], $0x28  }
0x4e: {  	[sflag:s5] =	ssyncset.done $0x0  }
0x4f: {  	[sflag:s5] =	ssyncadd.s32 $0xFFFFFFD8  }
0x50: {  	_ =	swait.ge [sflag:s5], $0x28  }
0x51: {  	[sflag:s5] =	ssyncset.done $0x0  }
0x52: {  	[sflag:s5] =	ssyncadd.s32 $0xFFFFFFD8  }
0x53: {  	_ =	swait.ge [sflag:s5], $0x28  }
0x54: {  	p1 =	seq.s32 s12, $0x0;
	[sflag:s5] =	ssyncset.done $0x0  }
0x55: {  	s14 =	simm.s32 @!p1 $0x6;
	[sflag:s5] =	ssyncadd.s32 $0xFFFFFFD8  }
0x56: {  	_ =	swait.ge @!p1 [sflag:s14], $0x1400  }
0x57: {  	[sflag:s14] =	ssyncset.done @!p1 $0x0  }
0x58: {  	[sflag:s14] =	ssyncadd.s32 @!p1 $0xFFFFEC00;
	s14 =	simm.s32 @!p1 $0x8  }
0x59: {  	_ =	swait.ge @!p1 [sflag:s14], $0x1400  }
0x5a: {  	[sflag:s14] =	ssyncset.done @!p1 $0x0  }
0x5b: {  	[sflag:s14] =	ssyncadd.s32 @!p1 $0xFFFFEC00  }
0x5c: {  	[tilespmem:s13], [sflag:$0x4] =	stream.indirect.gather [hbm4b:s1+s0], $0x80, s30, s0, $0xb8;
	[tilespmem:$0x1B480] =	vst v63  }
0x5d: {  	s24 =	simm.s32 $0x4000  }
0x5e: {  	[tilespmem:s24], [sflag:$0x4] =	stream.indirect.gather [hbm4b:s9+s0], $0x80, s31, s0, $0xb8;
	[tilespmem:$0x1B480] =	vst v63  }
0x5f: {  	_ =	swait.ge [sflag:s16], $0x1400  }
0x60: {  	[sflag:s16] =	ssyncset.done $0x0  }
0x61: {  	[sflag:s16] =	ssyncadd.s32 $0xFFFFEC00  }
0x62: {  	_ =	swait.ge [sflag:s16], $0x1400  }
0x63: {  	[sflag:s16] =	ssyncset.done $0x0  }
0x64: {  	[sflag:s16] =	ssyncadd.s32 $0xFFFFEC00  }
0x65: {  	v1 =	vld [tilespmem:$0x200]  }
0x66: {  	v2 =	vld [tilespmem:$0x210]  }
0x67: {  	v3 =	vld [tilespmem:$0x218];
	_ =	sdelay $0x2  }
0x68: {  	[tilespmem:$0x300] =	vst v1  }
0x69: {  	[tilespmem:$0x310] =	vst v2  }
0x6a: {  	s23 =	simm.s32 $0x0;
	[tilespmem:$0x318] =	vst v3  }
0x6b: {  	v7 =	vld [tilespmem:s23+$0x2C10]  }
0x6c: {  	v6 =	vld [tilespmem:s23+$0x2C20]  }
0x6d: {  	v4 =	vld [tilespmem:s23+$0x2C30]  }
0x6e: {  	v3 =	vld [tilespmem:s23+$0x2C40]  }
0x6f: {  	v2 =	vld [tilespmem:s23+$0x2C50]  }
0x70: {  	v1 =	vld [tilespmem:s23+$0x2C60]  }
0x71: {  	v8 =	vld [tilespmem:s23+$0x2C00]  }
0x72: {  	v5 =	vld [tilespmem:s23+$0x2C70]  }
0x73: {  	v12 =	vld [tilespmem:s23+$0x400]  }
0x74: {  	v11 =	vld [tilespmem:s23+$0x410]  }
0x75: {  	v10 =	vld [tilespmem:s23+$0x420]  }
0x76: {  	v9 =	vld [tilespmem:s23+$0x430];
	v13 =	vbroadcast v8, $0x0  }
0x77: {  	s24 =	simm.s32 $0x200;
	[tilespmem:s23+$0x5400] =	vst v8;
	v8 =	vld [tilespmem:s23+$0x440]  }
.LBB2_7:
0x78: {  	p1 =	sne.s32 s24, $0x4E00;
	v12 =	vmul.f32 v12, v13;
	v13 =	vld [tilespmem:s23+$0x450]  }
0x79: {  	v11 =	vmul.f32 v7, v11;
	v14 =	vld [tilespmem:s23+$0x460]  }
0x7a: {  	s14 =	sshra.s32 s24, $0x2;
	[tilespmem:s23+$0x400] =	vst v12;
	v10 =	vmul.f32 v6, v10;
	v12 =	vld [tilespmem:s23+$0x470]  }
0x7b: {  	v7 =	vld [tilespmem:s14+$0x2C10];
	[tilespmem:s23+$0x410] =	vst v11;
	v9 =	vmul.f32 v4, v9  }
0x7c: {  	v6 =	vld [tilespmem:s14+$0x2C20];
	[tilespmem:s23+$0x420] =	vst v10;
	v8 =	vmul.f32 v3, v8  }
0x7d: {  	v4 =	vld [tilespmem:s14+$0x2C30];
	[tilespmem:s23+$0x430] =	vst v9;
	v9 =	vmul.f32 v2, v13  }
0x7e: {  	v3 =	vld [tilespmem:s14+$0x2C40];
	[tilespmem:s23+$0x440] =	vst v8;
	v8 =	vmul.f32 v1, v14  }
0x7f: {  	v2 =	vld [tilespmem:s14+$0x2C50];
	[tilespmem:s23+$0x450] =	vst v9;
	v5 =	vmul.f32 v5, v12  }
0x80: {  	v1 =	vld [tilespmem:s14+$0x2C60];
	[tilespmem:s23+$0x460] =	vst v8  }
0x81: {  	v8 =	vld [tilespmem:s14+$0x2C00];
	[tilespmem:s23+$0x470] =	vst v5;
	s23 =	smov.u32 s14  }
0x82: {  	v5 =	vld [tilespmem:s23+$0x2C70]  }
.Ltmp3:
0x83: {  	v12 =	vld [tilespmem:s23+$0x400];
	(pc) =	sbr.rel @p1 .LBB2_7-.Ltmp3, $4  }
0x84: {  	v11 =	vld [tilespmem:s23+$0x410]  }
0x85: {  	v10 =	vld [tilespmem:s23+$0x420]  }
0x86: {  	[tilespmem:s23+$0x5400] =	vst v8;
	v13 =	vbroadcast v8, $0x0;
	v9 =	vld [tilespmem:s23+$0x430]  }
0x87: {  	s24 =	sadd.s32 $0x200, s24;
	v8 =	vld [tilespmem:s23+$0x440]  }
0x88: {  	v12 =	vmul.f32 v12, v13;
	v13 =	vld [tilespmem:s23+$0x450]  }
0x89: {  	v14 =	vld [tilespmem:s23+$0x460];
	v7 =	vmul.f32 v7, v11  }
0x8a: {  	[tilespmem:s23+$0x400] =	vst v12;
	v6 =	vmul.f32 v6, v10;
	v10 =	vld [tilespmem:s23+$0x470]  }
0x8b: {  	[tilespmem:s23+$0x410] =	vst v7;
	v4 =	vmul.f32 v4, v9  }
0x8c: {  	[tilespmem:s23+$0x420] =	vst v6;
	v3 =	vmul.f32 v3, v8  }
0x8d: {  	[tilespmem:s23+$0x430] =	vst v4;
	v2 =	vmul.f32 v2, v13  }
0x8e: {  	v1 =	vmul.f32 v1, v14;
	[tilespmem:s23+$0x440] =	vst v3  }
0x8f: {  	[tilespmem:s23+$0x450] =	vst v2;
	v2 =	vmul.f32 v5, v10  }
0x90: {  	[tilespmem:s23+$0x460] =	vst v1  }
0x91: {  	s14 =	simm.s32 $0x300;
	[tilespmem:s23+$0x470] =	vst v2;
	s23 =	smul.u32 $0x50, s12  }
0x92: {  	[spmem:s3] =	stream.indirect.scatter.add.f32 [tilespmem:s25], [sflag:$0x5], $0x80, s14, s0, $0xb8;
	[tilespmem:$0x1B480] =	vst v63  }
0x93: {  	s24 =	sadd.s32 s11, s23  }
0x94: {  	s14 =	sshll.u32 s24, $0x4  }
0x95: {  	s17 =	simm.s32 $0x5400;
	p1 =	seq.s32 s12, $0x7C;
	s14 =	sadd.s32 s10, s14  }
0x96: {  	[hbm4b:s14+s4] =	stream.linear.scatter [tilespmem:s17], [sflag:$0x7], $0x1400, $0x38;
	[tilespmem:$0x1B480] =	vst v63  }
0x97: {  	s14 =	simm.s32 @p1 $0x5  }
0x98: {  	_ =	swait.ge @p1 [sflag:s14], $0x1400  }
0x99: {  	[sflag:s14] =	ssyncset.done @p1 $0x0  }
0x9a: {  	[sflag:s14] =	ssyncadd.s32 @p1 $0xFFFFEC00;
	s14 =	simm.s32 @p1 $0x7  }
0x9b: {  	s24 =	sadd.s32 @!p1 s23, s20;
	_ =	swait.ge @p1 [sflag:s14], $0x1400  }
0x9c: {  	s24 =	sshrl.u32 @!p1 s24, $0x3;
	[sflag:s14] =	ssyncset.done @p1 $0x0  }
0x9d: {  	s17 =	simm.s32 @!p1 $0x0;
	[sflag:s14] =	ssyncadd.s32 @p1 $0xFFFFEC00;
	s14 =	sadd.s32 @!p1 s6, s24  }
0x9e: {  	[tilespmem:s17], [sflag:$0x1] =	stream.linear.gather @!p1 [hbm4b:s14+s17], $0x28, $0x38;
	[tilespmem:$0x1B480] =	vst v63  }
0x9f: {  	s18 =	simm.s32 @!p1 $0x100;
	s14 =	sadd.s32 @!p1 s7, s24  }
0xa0: {  	[tilespmem:s18], [sflag:$0x1] =	stream.linear.gather @!p1 [hbm4b:s14+s17], $0x28, $0x38;
	[tilespmem:$0x1B480] =	vst v63  }
0xa1: {  	s14 =	sadd.s32 @!p1 s8, s24;
	s24 =	simm.s32 @!p1 $0x200  }
0xa2: {  	[tilespmem:s24], [sflag:$0x1] =	stream.linear.gather @!p1 [hbm4b:s14+s17], $0x28, $0x38;
	[tilespmem:$0x1B480] =	vst v63  }
0xa3: {  	s14 =	simm.s32 @!p1 $0x1  }
0xa4: {  	_ =	swait.ge @!p1 [sflag:s14], $0x28  }
0xa5: {  	[sflag:s14] =	ssyncset.done @!p1 $0x0  }
0xa6: {  	[sflag:s14] =	ssyncadd.s32 @!p1 $0xFFFFFFD8  }
0xa7: {  	_ =	swait.ge @!p1 [sflag:s14], $0x28  }
0xa8: {  	[sflag:s14] =	ssyncset.done @!p1 $0x0  }
0xa9: {  	[sflag:s14] =	ssyncadd.s32 @!p1 $0xFFFFFFD8  }
0xaa: {  	_ =	swait.ge @!p1 [sflag:s14], $0x28  }
0xab: {  	[sflag:s14] =	ssyncset.done @!p1 $0x0  }
0xac: {  	[sflag:s14] =	ssyncadd.s32 @!p1 $0xFFFFFFD8;
	s14 =	simm.s32 @!p1 $0x5  }
0xad: {  	_ =	swait.ge @!p1 [sflag:s14], $0x1400  }
0xae: {  	[sflag:s14] =	ssyncset.done @!p1 $0x0  }
0xaf: {  	[sflag:s14] =	ssyncadd.s32 @!p1 $0xFFFFEC00;
	s14 =	simm.s32 @!p1 $0x7  }
0xb0: {  	_ =	swait.ge @!p1 [sflag:s14], $0x1400  }
0xb1: {  	[sflag:s14] =	ssyncset.done @!p1 $0x0  }
0xb2: {  	s24 =	simm.s32 @!p1 $0x400;
	[sflag:s14] =	ssyncadd.s32 @!p1 $0xFFFFEC00;
	s14 =	simm.s32 @!p1 $0x28  }
0xb3: {  	[tilespmem:s24], [sflag:$0x3] =	stream.indirect.gather @!p1 [hbm4b:s1+s14], $0x80, s17, s14, $0xb8;
	[tilespmem:$0x1B480] =	vst v63  }
0xb4: {  	s17 =	simm.s32 @!p1 $0x2C00  }
0xb5: {  	[tilespmem:s17], [sflag:$0x3] =	stream.indirect.gather @!p1 [hbm4b:s9+s14], $0x80, s18, s14, $0xb8;
	[tilespmem:$0x1B480] =	vst v63  }
0xb6: {  	_ =	swait.ge [sflag:s19], $0x1400  }
0xb7: {  	[sflag:s19] =	ssyncset.done $0x0  }
0xb8: {  	[sflag:s19] =	ssyncadd.s32 $0xFFFFEC00  }
0xb9: {  	_ =	swait.ge [sflag:s19], $0x1400  }
0xba: {  	[sflag:s19] =	ssyncset.done $0x0  }
0xbb: {  	[sflag:s19] =	ssyncadd.s32 $0xFFFFEC00  }
0xbc: {  	v1 =	vld [tilespmem:$0x280]  }
0xbd: {  	v2 =	vld [tilespmem:$0x290]  }
0xbe: {  	v3 =	vld [tilespmem:$0x298];
	_ =	sdelay $0x2  }
0xbf: {  	[tilespmem:$0x380] =	vst v1  }
0xc0: {  	[tilespmem:$0x390] =	vst v2  }
0xc1: {  	s24 =	simm.s32 $0x0;
	[tilespmem:$0x398] =	vst v3  }
0xc2: {  	v7 =	vld [tilespmem:s24+$0x4010]  }
0xc3: {  	v6 =	vld [tilespmem:s24+$0x4020]  }
0xc4: {  	v4 =	vld [tilespmem:s24+$0x4030]  }
0xc5: {  	v3 =	vld [tilespmem:s24+$0x4040]  }
0xc6: {  	v2 =	vld [tilespmem:s24+$0x4050]  }
0xc7: {  	v1 =	vld [tilespmem:s24+$0x4060]  }
0xc8: {  	v8 =	vld [tilespmem:s24+$0x4000]  }
0xc9: {  	v5 =	vld [tilespmem:s24+$0x4070]  }
0xca: {  	v12 =	vld [tilespmem:s24+$0x1800]  }
0xcb: {  	v11 =	vld [tilespmem:s24+$0x1810]  }
0xcc: {  	v10 =	vld [tilespmem:s24+$0x1820]  }
0xcd: {  	s12 =	sadd.s32 @!p1 $0x1, s12;
	v9 =	vld [tilespmem:s24+$0x1830];
	v13 =	vbroadcast v8, $0x0  }
0xce: {  	s12 =	simm.s32 @p1 $0x7D;
	s14 =	simm.s32 $0x200;
	[tilespmem:s24+$0x6800] =	vst v8;
	v8 =	vld [tilespmem:s24+$0x1840]  }
.LBB2_9:
0xcf: {  	p2 =	sne.s32 s14, $0x4E00;
	v12 =	vmul.f32 v12, v13;
	v13 =	vld [tilespmem:s24+$0x1850]  }
0xd0: {  	v11 =	vmul.f32 v7, v11;
	v14 =	vld [tilespmem:s24+$0x1860]  }
0xd1: {  	s17 =	sshra.s32 s14, $0x2;
	[tilespmem:s24+$0x1800] =	vst v12;
	v10 =	vmul.f32 v6, v10;
	v12 =	vld [tilespmem:s24+$0x1870]  }
0xd2: {  	v7 =	vld [tilespmem:s17+$0x4010];
	[tilespmem:s24+$0x1810] =	vst v11;
	v9 =	vmul.f32 v4, v9  }
0xd3: {  	v6 =	vld [tilespmem:s17+$0x4020];
	[tilespmem:s24+$0x1820] =	vst v10;
	v8 =	vmul.f32 v3, v8  }
0xd4: {  	v4 =	vld [tilespmem:s17+$0x4030];
	[tilespmem:s24+$0x1830] =	vst v9;
	v9 =	vmul.f32 v2, v13  }
0xd5: {  	v3 =	vld [tilespmem:s17+$0x4040];
	[tilespmem:s24+$0x1840] =	vst v8;
	v8 =	vmul.f32 v1, v14  }
0xd6: {  	v2 =	vld [tilespmem:s17+$0x4050];
	[tilespmem:s24+$0x1850] =	vst v9;
	v5 =	vmul.f32 v5, v12  }
0xd7: {  	v1 =	vld [tilespmem:s17+$0x4060];
	[tilespmem:s24+$0x1860] =	vst v8  }
0xd8: {  	v8 =	vld [tilespmem:s17+$0x4000];
	[tilespmem:s24+$0x1870] =	vst v5;
	s24 =	smov.u32 s17  }
0xd9: {  	v5 =	vld [tilespmem:s24+$0x4070]  }
.Ltmp4:
0xda: {  	v12 =	vld [tilespmem:s24+$0x1800];
	(pc) =	sbr.rel @p2 .LBB2_9-.Ltmp4, $4  }
0xdb: {  	v11 =	vld [tilespmem:s24+$0x1810]  }
0xdc: {  	v10 =	vld [tilespmem:s24+$0x1820]  }
0xdd: {  	[tilespmem:s24+$0x6800] =	vst v8;
	v13 =	vbroadcast v8, $0x0;
	v9 =	vld [tilespmem:s24+$0x1830]  }
0xde: {  	s14 =	sadd.s32 $0x200, s14;
	v8 =	vld [tilespmem:s24+$0x1840]  }
0xdf: {  	v12 =	vmul.f32 v12, v13;
	v62 =	vld [tilespmem:s24+$0x1850]  }
0xe0: {  	v14 =	vld [tilespmem:s24+$0x1860];
	v7 =	vmul.f32 v7, v11  }
0xe1: {  	v63 =	vld [tilespmem:s24+$0x1870];
	[tilespmem:s24+$0x1800] =	vst v12;
	v6 =	vmul.f32 v6, v10  }
0xe2: {  	[tilespmem:s24+$0x1810] =	vst v7;
	v4 =	vmul.f32 v4, v9  }
0xe3: {  	[tilespmem:s24+$0x1820] =	vst v6;
	v3 =	vmul.f32 v3, v8  }
0xe4: {  	[tilespmem:s24+$0x1830] =	vst v4;
	v2 =	vmul.f32 v2, v62  }
0xe5: {  	v1 =	vmul.f32 v1, v14;
	[tilespmem:s24+$0x1840] =	vst v3  }
0xe6: {  	[tilespmem:s24+$0x1850] =	vst v2;
	v2 =	vmul.f32 v5, v63  }
0xe7: {  	s14 =	sadd.s32 s23, s15;
	[tilespmem:s24+$0x1860] =	vst v1  }
0xe8: {  	s14 =	sshll.u32 s14, $0x4;
	[tilespmem:s24+$0x1870] =	vst v2  }
0xe9: {  	[spmem:s3] =	stream.indirect.scatter.add.f32 [tilespmem:s13], [sflag:$0x6], $0x80, s28, s0, $0xb8;
	[tilespmem:$0x1B480] =	vst v63  }
0xea: {  	s14 =	sadd.s32 s10, s14  }
0xeb: {  	[hbm4b:s14+s4] =	stream.linear.scatter [tilespmem:s22], [sflag:$0x8], $0x1400, $0x38;
	[tilespmem:$0x1B480] =	vst v63  }
0xec: {  	s14 =	sadd.s32 @!p1 s23, s21  }
0xed: {  	s14 =	sshrl.u32 @!p1 s14, $0x3  }
0xee: {  	s18 =	simm.s32 @!p1 $0x0;
	s23 =	simm.s32 @!p1 $0x80;
	s17 =	sadd.s32 @!p1 s6, s14  }
0xef: {  	[tilespmem:s23], [sflag:$0x2] =	stream.linear.gather @!p1 [hbm4b:s17+s18], $0x28, $0x38;
	[tilespmem:$0x1B480] =	vst v63  }
0xf0: {  	s17 =	sadd.s32 @!p1 s7, s14;
	s23 =	simm.s32 @!p1 $0x180  }
0xf1: {  	[tilespmem:s23], [sflag:$0x2] =	stream.linear.gather @!p1 [hbm4b:s17+s18], $0x28, $0x38;
	[tilespmem:$0x1B480] =	vst v63  }
0xf2: {  	s14 =	sadd.s32 @!p1 s8, s14;
	s17 =	simm.s32 @!p1 $0x280  }
0xf3: {  	[tilespmem:s17], [sflag:$0x2] =	stream.linear.gather @!p1 [hbm4b:s14+s18], $0x28, $0x38;
	[tilespmem:$0x1B480] =	vst v63  }
0xf4: {  	p1 =	slt.u32 s12, $0x7D  }
.Ltmp5:
0xf5: {  	_ = 	snop;
	(pc) =	sbr.rel @p1 .LBB2_6-.Ltmp5, $1  }
0xf6: {  	_ =	sdelay $0x3  }
0xf7: {  	s12 =	simm.s32 $0x6  }
0xf8: {  	_ =	swait.ge [sflag:s12], $0x1400  }
0xf9: {  	[sflag:s12] =	ssyncset.done $0x0  }
0xfa: {  	s23 =	simm.s32 $0x8;
	[sflag:s12] =	ssyncadd.s32 $0xFFFFEC00  }
0xfb: {  	_ =	swait.ge [sflag:s23], $0x1400  }
0xfc: {  	[sflag:s23] =	ssyncset.done $0x0  }
0xfd: {  	[sflag:s23] =	ssyncadd.s32 $0xFFFFEC00  }
0xfe: {  	s24 =	stileid.u32;
	[bflag:$0x0] =	sbarrier.arrive $0xFFFF  }
0xff: {  	s12 =	sshll.u32 s24, $0x6;
	s23 =	rddreg [dreg:$0xe]  }
.Ltmp6:
0x100: {  	s24 =	rddreg [dreg:$0xd];
	s14 =	sshrl.u32 s23, $0x3;
	(pc) =	sbr.rel @!p0 .LBB2_13-.Ltmp6, $4  }
0x101: {  	s12 =	sor.u32 $0x1C01, s12;
	s17 =	sshrl.u32 s24, $0x3;
	s14 =	sadd.s32 s2, s14  }
0x102: {  	[hbm:s14], [sflag:s12] =	dma.local [spmem:s17], $0x280  }
0x103: {  	s14 =	rddreg [dreg:$0x5]  }
0x104: {  	s14 =	sadd.s32 $0xFFFFFFFF, s14  }
.LBB2_12:
0x105: {  	p1 =	sne.s32 s14, $0x1  }
.Ltmp7:
0x106: {  	_ = 	snop;
	(pc) =	sbr.rel @p1 .LBB2_12-.Ltmp7, $4  }
0x107: {  	s23 =	sadd.s32 $0x1400, s23  }
0x108: {  	s24 =	sadd.s32 $0x1400, s24;
	s17 =	sshrl.u32 s23, $0x3  }
0x109: {  	s14 =	sadd.s32 $0xFFFFFFFF, s14;
	s18 =	sshrl.u32 s24, $0x3;
	s17 =	sadd.s32 s2, s17  }
0x10a: {  	[hbm:s17], [sflag:s12] =	dma.local [spmem:s18], $0x280  }
.LBB2_13:
.Ltmp8:
0x10b: {  	(pc) =	sbr.rel @!p0 .LBB2_15-.Ltmp8, $4  }
0x10c: {  	_ = 	snop  }
0x10d: {  	_ =	swait.ge [sflag:s29], $0x280  }
0x10e: {  	s12 =	rddreg [dreg:$0x5]  }
0x10f: {  	[sflag:s29] =	ssyncset.done $0x0;
	s12 =	sadd.s32 $0xFFFFFFFF, s12  }
.LBB2_14:
0x110: {  	p0 =	sne.s32 s12, $0x1;
	s12 =	sadd.s32 $0xFFFFFFFF, s12;
	[sflag:s29] =	ssyncadd.s32 $0xFFFFFD80  }
.Ltmp9:
0x111: {  	(pc) =	sbr.rel @p0 .LBB2_14-.Ltmp9, $3  }
0x112: {  	_ =	sdelay $0x1  }
0x113: {  	_ =	swait.ge [sflag:s29], $0x280  }
0x114: {  	[sflag:s29] =	ssyncset.done $0x0  }
.LBB2_15:
0x115: {  	s14 =	rddreg [dreg:$0xf]  }
0x116: {  	s12 =	rddreg [dreg:$0xc];
	s14 =	sadd.s32 $0x1, s14  }
0x117: {  	p0 =	sne.s32 s14, s12  }
.Ltmp10:
0x118: {  	_ = 	snop;
	(pc) =	sbr.rel @p0 .LBB2_1-.Ltmp10, $2  }
0x119: {  	_ =	sdelay $0x2  }
0x11a: {  	[sflag:s29] =	ssyncadd.s32 $0xFFFFFD80  }
0x11b: {  	_ =	sfence.sel $0x180000  }
0x11c: {  	[bflag:$0x0] =	sbarrier.arrive $0xFFFF  }
0x11d: {  	_ =	strace $0x9000004A  }
0x11e: {  	s0 =	stileid.u32;
	[bflag:$0x2] =	sbarrier.arrive $0xFFFF  }
0x11f: {  	p0 =	sne.s32 s0, $0x0;
	s0 =	rddreg [dreg:$0x4]  }
0x120: {  	s0 =	sadd.s32 @!p0 $0x100000, s0  }
0x121: {  	[sflag:s0] =	ssyncadd.tile.s32 @!p0 $0x1;
	_ =	shalt  }
.Lfunc_end2:
_tile_overlayer_lowered:
.L_overlay_start_2:
0x122: {  	(tag) =	ssettag $0x2  }
0x123: {  	s0 =	rddreg [dreg:$0x0];
	s2 =	stileid.u32  }
0x124: {  	s1 =	rddreg [dreg:$0x1];
	p0 =	sne.s32 s2, $0x0  }
0x125: {  	s3 =	rddreg [dreg:$0x2];
	[bflag:$0x3] =	sbarrier.arrive $0xFFFF;
	s2 =	simm.s32 @!p0 $0x1C09  }
0x126: {  	[timem:s3], [sflag:s2] =	dma.local @!p0 [hbm:s0], s1  }
0x127: {  	s0 =	simm.s32 @!p0 $0x9  }
0x128: {  	_ =	swait.ge @!p0 [sflag:s0], s1  }
0x129: {  	s1 =	ssub.s32 @!p0 $0x0, s1;
	[sflag:s0] =	ssyncset.done @!p0 $0x0  }
0x12a: {  	[sflag:s0] =	ssyncadd.s32 @!p0 s1  }
0x12b: {  	[bflag:$0x3] =	sbarrier.arrive $0xFFFF  }
0x12c: {  	_ =	shalt  }

// kernel: kernel.7.cloned.1.call-start
scs
__scs_entry_jumppad:
0x0: {  	(pc) =	sbr.rel $0x88, $3  }
0x1: {  	(tag) =	ssettag $0x0;
	lr =	simm.s32 $0x1  }
0x2: {  	[smem:$0x3F9C] =	sst lr;
	_ =	strace $0xD0000000  }
0x3: {  	_ = 	snop  }
0x4: {  	_ = 	snop  }
0x5: {  	_ = 	snop  }
0x6: {  	_ = 	snop  }
0x7: {  	_ = 	snop  }
__scs_overlays_trampoline_lowered:
0x8: {  	[smem:$0x3FAB] =	sst s0  }
0x9: {  	[smem:$0x3FAC] =	sst s1  }
0xa: {  	[smem:$0x3FAD] =	sst s2  }
0xb: {  	[smem:$0x3FAE] =	sst s3  }
0xc: {  	[smem:$0x3FAF] =	sst s4  }
0xd: {  	[smem:$0x3FB0] =	sst s5  }
0xe: {  	[smem:$0x3FB1] =	sst s6  }
0xf: {  	[smem:$0x3FB2] =	sst s7  }
0x10: {  	[smem:$0x3FB3] =	sst s8  }
0x11: {  	[smem:$0x3FB4] =	sst s9;
	s0 =	simm.s32 @!p0 $0x0  }
0x12: {  	s1 =	sld [smem:$0x3F9A];
	s0 =	simm.s32 @p0 $0x1  }
0x13: {  	[smem:$0x3FB5] =	sst s0;
	s0 =	simm.s32 @!p1 $0x0  }
0x14: {  	s2 =	sld [smem:$0x3F99];
	s0 =	simm.s32 @p1 $0x1  }
0x15: {  	[smem:$0x3FB6] =	sst s0;
	s0 =	simm.s32 @!p2 $0x0  }
0x16: {  	s3 =	sld [smem:$0x3FDB];
	s0 =	simm.s32 @p2 $0x1  }
0x17: {  	s4 =	simm.s32 $0x1BF5;
	[smem:$0x3FB8] =	sst s0  }
0x18: {  	s0 =	sld [smem:$0x3F9B];
	_ =	swait.ge [sflag:s4], $0x0  }
0x19: {  	s7 =	sld [smem:$0x3F9C]  }
0x1a: {  	s8 =	sadd.s32 $0xFFFFE003, lr  }
0x1b: {  	s9 =	sadd.s32 $0xFFFFFEF7, lr;
	s5 =	simm.s32 $0xFFFFFFFF;
	p2 =	slt.u32 s8, $0xFFFFF086  }
0x1c: {  	p1 =	slt.u32 s9, $0xF7A;
	s5 =	simm.s32 @!p2 $0x0  }
0x1d: {  	s5 =	simm.s32 @p1 $0x1;
	p0 =	seq.s32 s7, s2  }
0x1e: {  	s7 =	smul.u32 @!p0 $0xF7A, s2;
	p2 =	seq.s32 @!p0 s5, $0x0  }
0x1f: {  	s9 =	smul.u32 $0xF7A, s1;
	s8 =	simm.s32 @!p0 $0x1BF5;
	p2 =	por !p2, p0  }
0x20: {  	[sflag:s8] =	ssyncset.s32 @!p0 $0xFFFFF086;
	s6 =	sadd.s32 @!p0 s3, s7;
	s7 =	simm.s32 @!p0 $0x108  }
0x21: {  	s3 =	sadd.s32 s3, s9;
	s6 =	sadd.s32 @!p0 $0x88, s6;
	s7 =	simm.s32 @p2 $0x1082  }
0x22: {  	[simem:s7], [sflag:s8] =	dma.local @!p0 [hbm:s6], $0xF7A  }
0x23: {  	s9 =	sor.u32 $0xD0000000, s2;
	s6 =	simm.s32 $0x108;
	_ =	swait.ge @!p0 [sflag:s8], $0x0  }
0x24: {  	s3 =	sadd.s32 $0x88, s3;
	s6 =	simm.s32 @!p1 $0x1082;
	[sflag:s4] =	ssyncset.s32 $0xFFFFF086  }
0x25: {  	[simem:s6], [sflag:s4] =	dma.local [hbm:s3], $0xF7A  }
0x26: {  	[smem:$0x3F9C] =	sst s1;
	(tag) =	ssettag s2;
	_ =	strace s9  }
0x27: {  	s1 =	sld [smem:$0x3FAC]  }
0x28: {  	s2 =	sld [smem:$0x3FAD]  }
0x29: {  	s4 =	sld [smem:$0x3FAF]  }
0x2a: {  	p0 =	seq.s32 s5, $0x0;
	s5 =	sld [smem:$0x3FB0]  }
0x2b: {  	s6 =	sld [smem:$0x3FB1]  }
0x2c: {  	s7 =	sld [smem:$0x3FB2]  }
0x2d: {  	s3 =	simm.s32 $0x108;
	s8 =	sld [smem:$0x3FB3]  }
0x2e: {  	s3 =	simm.s32 @!p0 $0x1082;
	s9 =	sld [smem:$0x3FB4]  }
0x2f: {  	lr =	sadd.s32 s0, s3;
	s0 =	sld [smem:$0x3FAB]  }
0x30: {  	s3 =	sld [smem:$0x3FAE]  }
0x31: {  	[smem:$0x3FB7] =	sst s10  }
0x32: {  	s10 =	sld [smem:$0x3FB5];
	_ =	sdelay $0x3  }
0x33: {  	p0 =	seq.s32 s10, $0x1;
	s10 =	sld [smem:$0x3FB7];
	_ =	sdelay $0x3  }
0x34: {  	[smem:$0x3FB7] =	sst s10  }
0x35: {  	s10 =	sld [smem:$0x3FB6];
	_ =	sdelay $0x3  }
0x36: {  	p1 =	seq.s32 s10, $0x1;
	s10 =	sld [smem:$0x3FB7];
	_ =	sdelay $0x3  }
0x37: {  	[smem:$0x3FB7] =	sst s10  }
0x38: {  	s10 =	sld [smem:$0x3FB8]  }
0x39: {  	_ = 	snop;
	(pc) =	sbr.ind lr, $3  }
0x3a: {  	_ = 	snop  }
0x3b: {  	_ = 	snop  }
0x3c: {  	p2 =	seq.s32 s10, $0x1;
	s10 =	sld [smem:$0x3FB7]  }
0x3d: {  	_ =	shalt  }
0x3e: {  	_ =	shalt  }
0x3f: {  	_ =	shalt  }
0x40: {  	_ =	shalt  }
0x41: {  	_ =	shalt  }
0x42: {  	_ =	shalt  }
0x43: {  	_ =	shalt  }
0x44: {  	_ =	shalt  }
0x45: {  	_ =	shalt  }
0x46: {  	_ =	shalt  }
0x47: {  	_ =	shalt  }
0x48: {  	_ =	shalt  }
0x49: {  	_ =	shalt  }
0x4a: {  	_ =	shalt  }
0x4b: {  	_ =	shalt  }
0x4c: {  	_ =	shalt  }
0x4d: {  	_ =	shalt  }
0x4e: {  	_ =	shalt  }
0x4f: {  	_ =	shalt  }
0x50: {  	_ =	shalt  }
0x51: {  	_ =	shalt  }
0x52: {  	_ =	shalt  }
0x53: {  	_ =	shalt  }
0x54: {  	_ =	shalt  }
0x55: {  	_ =	shalt  }
0x56: {  	_ =	shalt  }
0x57: {  	_ =	shalt  }
0x58: {  	_ =	shalt  }
0x59: {  	_ =	shalt  }
0x5a: {  	_ =	shalt  }
0x5b: {  	_ =	shalt  }
0x5c: {  	_ =	shalt  }
0x5d: {  	_ =	shalt  }
0x5e: {  	_ =	shalt  }
0x5f: {  	_ =	shalt  }
0x60: {  	_ =	shalt  }
0x61: {  	_ =	shalt  }
0x62: {  	_ =	shalt  }
0x63: {  	_ =	shalt  }
0x64: {  	_ =	shalt  }
0x65: {  	_ =	shalt  }
0x66: {  	_ =	shalt  }
0x67: {  	_ =	shalt  }
0x68: {  	_ =	shalt  }
0x69: {  	_ =	shalt  }
0x6a: {  	_ =	shalt  }
0x6b: {  	_ =	shalt  }
0x6c: {  	_ =	shalt  }
0x6d: {  	_ =	shalt  }
0x6e: {  	_ =	shalt  }
0x6f: {  	_ =	shalt  }
0x70: {  	_ =	shalt  }
0x71: {  	_ =	shalt  }
0x72: {  	_ =	shalt  }
0x73: {  	_ =	shalt  }
0x74: {  	_ =	shalt  }
0x75: {  	_ =	shalt  }
0x76: {  	_ =	shalt  }
0x77: {  	_ =	shalt  }
0x78: {  	_ =	shalt  }
0x79: {  	_ =	shalt  }
0x7a: {  	_ =	shalt  }
0x7b: {  	_ =	shalt  }
0x7c: {  	_ =	shalt  }
0x7d: {  	_ =	shalt  }
0x7e: {  	_ =	shalt  }
0x7f: {  	_ =	shalt  }
0x80: {  	_ =	shalt  }
0x81: {  	_ =	shalt  }
0x82: {  	_ =	shalt  }
0x83: {  	_ =	shalt  }
0x84: {  	_ =	shalt  }
0x85: {  	_ =	shalt  }
0x86: {  	_ =	shalt  }
0x87: {  	_ =	shalt  }
.Lfunc_end0:
.L_simem_size_0:
called_computation_lowered:
.L_overlay_start_0:
0x88: {  	s2 =	sld [smem:$0x3FD9]  }
0x89: {  	s3 =	sld [smem:$0x3FFE];
	_ =	sdelay $0x1  }
0x8a: {  	s1 =	srdreg.scid  }
0x8b: {  	s0 =	sand.u32 $0x1, s1  }
0x8c: {  	s14 =	sshll.u32 s0, $0xA;
	s2 =	sadd.s32 s3, s2  }
0x8d: {  	s2 =	sadd.s32 s2, s14  }
0x8e: {  	[smem:$0x3FC3] =	sst s2  }
0x8f: {  	_ = 	snop  }
0x90: {  	s2 =	sld [smem:$0x3FD0];
	_ =	sdelay $0x2  }
0x91: {  	s4 =	simm.s32 $0xA;
	s5 =	simm.s32 $0x10;
	s15 =	sld [smem:$0x3FC7]  }
0x92: {  	[smem:s5], [sflag:s4] =	dma.local [hbm:s2], $0x1  }
0x93: {  	_ =	swait.eq [sflag:s4], $0x1  }
0x94: {  	[sflag:s4] =	ssyncset.done $0x0  }
0x95: {  	[sflag:s4] =	ssyncadd.s32 $0xFFFFFFFF  }
0x96: {  	s16 =	sld [smem:$0x11];
	(tm) =	ssettm $0x1  }
0x97: {  	s17 =	sld [smem:$0x3FFB];
	_ =	sdelay $0x3  }
0x98: {  	_ =	strace s17  }
0x99: {  	s4 =	sld [smem:$0x3FFC];
	_ =	sdelay $0x3  }
0x9a: {  	_ =	strace s4  }
0x9b: {  	s4 =	sld [smem:$0x3FFD];
	_ =	sdelay $0x3  }
0x9c: {  	_ =	strace s4  }
0x9d: {  	_ =	strace $0x8FFFFFFF  }
0x9e: {  	s18 =	sld [smem:$0x3FDB];
	_ =	sdelay $0x1  }
0x9f: {  	s19 =	simm.s32 $_scs_section_size  }
0xa0: {  	s6 =	simm.s32 $_size__tile_overlayer_lowered;
	s7 =	simm.s32 $_tile_overlayer_lowered  }
0xa1: {  	s22 =	simm.s32 $0x1BFF;
	s21 =	sshll.u32 s7, $0x1;
	s4 =	sadd.s32 s19, s18  }
0xa2: {  	s8 =	simm.s32 $0x0;
	s20 =	sshll.u32 s6, $0x1;
	s6 =	sadd.s32 s21, s4  }
0xa3: {  	[timem:s8], [sflag:s22] =	dma.local [hbm:s6], s20  }
0xa4: {  	_ =	swait.ge [sflag:s22], s20  }
0xa5: {  	s5 =	ssub.s32 $0x0, s20;
	[sflag:s22] =	ssyncset.done $0x0  }
0xa6: {  	[sflag:s22] =	ssyncadd.s32 s5;
	_ =	sdelay $0x1  }
0xa7: {  	s23 =	simm.s32 $0x1B8B  }
0xa8: {  	_ =	swait.ge [sflag:s23], $0x1  }
0xa9: {  	[sflag:s23] =	ssyncset.done $0x0  }
0xaa: {  	s25 =	simm.s32 $0x1B8E;
	s24 =	sld [smem:$0x3FFE];
	[sflag:s23] =	ssyncadd.s32 $0xFFFFFFFF  }
0xab: {  	s26 =	simm.s32 $execute0_lowered;
	[smem:$0x3FD2] =	sst s25  }
0xac: {  	s6 =	sshll.u32 s26, $0x1;
	_ =	strace $0x80000046;
	[dreg:$0x1] =	wrdreg $0xFFFFFFFF  }
0xad: {  	s28 =	simm.s32 $_size_execute0_lowered;
	s4 =	sadd.s32 s4, s6;
	[dreg:$0x0] =	wrdreg $0x0  }
0xae: {  	s6 =	sshll.u32 s28, $0x1;
	[dreg:$0x2] =	wrdreg s4  }
0xaf: {  	[dreg:$0x3] =	wrdreg s6  }
0xb0: {  	[dreg:$0x4] =	wrdreg $0xC0  }
0xb1: {  	_ =	task [dreg:s8], $0x5FFFF  }
0xb2: {  	[dreg:$0x1] =	wrdreg $0xFFFFFFFF  }
0xb3: {  	[dreg:$0x0] =	wrdreg $0x60  }
0xb4: {  	[dreg:$0x2] =	wrdreg s24  }
0xb5: {  	[dreg:$0x3] =	wrdreg s15  }
0xb6: {  	[dreg:$0x4] =	wrdreg s16  }
0xb7: {  	[dreg:$0x5] =	wrdreg $0x33000  }
0xb8: {  	[dreg:$0x6] =	wrdreg $0x9  }
0xb9: {  	_ =	task.clear_ibuf [dreg:s8], $0x7FFFF;
	_ =	strace $0x90000046  }
0xba: {  	s29 =	simm.s32 $0x9;
	_ =	strace $0x80000048  }
0xbb: {  	_ =	swait.ge [sflag:s29], $0x1  }
0xbc: {  	[sflag:s29] =	ssyncadd.s32 $0xFFFFFFFF  }
0xbd: {  	_ =	strace $0x90000048  }
0xbe: {  	_ =	sfence  }
0xbf: {  	s30 =	sld [smem:$0x0];
	_ =	sdelay $0x2  }
0xc0: {  	s31 =	sshll.u32 s1, $0xD;
	s1 =	sshrl.u32 s1, $0x2  }
0xc1: {  	s3 =	sand.u32 $0x4000, s31;
	s1 =	sadd.s32 s1, s30  }
0xc2: {  	s0 =	sor.u32 s3, s0;
	s1 =	sshll.u32 s1, $0x11  }
0xc3: {  	s0 =	sor.u32 s1, s0  }
0xc4: {  	s0 =	sadd.s32 $0x8F2B, s0  }
0xc5: {  	[sflag:s0] =	ssyncadd.remote.s32 $0x1  }
0xc6: {  	_ =	sfence.sel $0xFFFF  }
0xc7: {  	[dreg:$0x0] =	wrdreg $0xFFFFFFFF;
	(pc) =	sbr.abs _section_cstart, $3  }
0xc8: {  	[dreg:$0x1] =	wrdreg $0xFFFFFFFF  }
0xc9: {  	_ =	task.clear_ibuf [dreg:s8], $0x2FFFF;
	_ =	strace $0x9FFFFFFF  }
0xca: {  	(tm) =	ssettm $0x7FFFFFFF  }
0xcb: {  	_ =	shalt  }
tec
execute0_lowered:
.L_overlay_start_1:
0x0: {  	(tag) =	ssettag $0x1  }
0x1: {  	s0 =	rddreg [dreg:$0x0]  }
0x2: {  	s1 =	rddreg [dreg:$0x1]  }
0x3: {  	s2 =	rddreg [dreg:$0x2]  }
0x4: {  	s3 =	rddreg [dreg:$0x3]  }
0x5: {  	s4 =	simm.s32 $0x0;
	s5 =	srdreg.scid;
	s11 =	stileid.u32  }
0x6: {  	s20 =	simm.s32 $0x5;
	s21 =	simm.s32 $0x300;
	s28 =	simm.s32 $0x200  }
0x7: {  	s29 =	simm.s32 $0x2;
	s30 =	simm.s32 $0x280;
	s31 =	simm.s32 $0x1700  }
0x8: {  	s19 =	simm.s32 $0x4;
	[smem:$0x7FF] =	sst s4;
	s12 =	smul.u32 $0x2710, s11  }
0x9: {  	s6 =	sadd.s32 $0x1A00, s0;
	s5 =	sand.u32 $0x1, s5;
	s25 =	smul.u32 $0x50000, s11  }
0xa: {  	s0 =	sadd.s32 $0x15600, s0;
	p0 =	seq.s32 s11, $0xF;
	s14 =	smul.u32 $0x14000, s11  }
0xb: {  	_ =	strace $0x80000047;
	s7 =	ssub.s32 $0x2, s5;
	s8 =	sshll.u32 s5, $0x4  }
0xc: {  	[dreg:$0x5] =	wrdreg s0;
	s23 =	smul.u32 $0x27100, s5;
	s9 =	sor.u32 s11, s8  }
0xd: {  	s22 =	sshrl.u32 s7, $0x1;
	s8 =	simm.s32 $0xA;
	s9 =	smul.u32 $0x2710, s9  }
0xe: {  	s5 =	smul.u32 $0x138800, s5;
	s0 =	ssub.s32 s7, s22;
	s8 =	simm.s32 @!p0 $0x10  }
0xf: {  	s7 =	sadd.s32 s12, s23;
	s23 =	simm.s32 $0x80;
	s10 =	sshrl.u32 s9, $0x3  }
0x10: {  	s22 =	simm.s32 $0x0;
	s26 =	sadd.s32 $0x78, s7;
	s13 =	sadd.s32 s1, s10  }
0x11: {  	s9 =	sadd.s32 $0x28, s9;
	s10 =	sadd.s32 s6, s10;
	[dreg:$0x6] =	wrdreg s13  }
0x12: {  	s7 =	sadd.s32 $0x50, s7;
	s9 =	sshrl.u32 s9, $0x3;
	[dreg:$0x7] =	wrdreg s10  }
0x13: {  	s24 =	sadd.s32 s1, s9;
	s9 =	sadd.s32 s6, s9;
	s10 =	sshrl.u32 s25, $0x2  }
0x14: {  	s13 =	smax.u32 s0, $0x1;
	s25 =	simm.s32 $0x1;
	[dreg:$0x8] =	wrdreg s24  }
0x15: {  	s0 =	simm.s32 $0x3;
	[dreg:$0x9] =	wrdreg s9;
	s9 =	sshrl.u32 s26, $0x3  }
0x16: {  	s10 =	sadd.s32 s10, s3;
	s24 =	simm.s32 $0x180;
	s26 =	simm.s32 $0x28  }
0x17: {  	v0 =	vimm.f32 $0.0e+00;
	s15 =	sadd.s32 s9, s6;
	s16 =	sadd.s32 s9, s1;
	s9 =	sadd.s32 s14, s5  }
.LBB2_1:
0x18: {  	s5 =	rddreg [dreg:$0x5];
	s11 =	simm.s32 $0x2B00  }
0x19: {  	[tilespmem:s11], [sflag:$0x5] =	stream.linear.gather [hbm4b:s5+s4], $0x400, $0x38;
	[tilespmem:$0x16B80] =	vst v63  }
0x1a: {  	_ =	swait.ge [sflag:s20], $0x400  }
0x1b: {  	[sflag:s20] =	ssyncset.done $0x0  }
0x1c: {  	[sflag:s20] =	ssyncadd.s32 $0xFFFFFC00  }
0x1d: {  	v1 =	vld [tilespmem:$0x2B00]  }
0x1e: {  	v2 =	vld [tilespmem:$0x2B80]  }
0x1f: {  	v3 =	vld [tilespmem:$0x2C00]  }
0x20: {  	v4 =	vld [tilespmem:$0x2C80]  }
0x21: {  	v5 =	vld [tilespmem:$0x2D00]  }
0x22: {  	v1 =	vmul.f32 $1.442695020e+00, v1  }
0x23: {  	v2 =	vmul.f32 $1.442695020e+00, v2  }
0x24: {  	(erf) = vpow2.f32 v1;
	v1 =	vmul.f32 $1.442695020e+00, v3  }
0x25: {  	(erf) = vpow2.f32 v2;
	v2 =	vmul.f32 $1.442695020e+00, v4  }
0x26: {  	(erf) = vpow2.f32 v1;
	v1 =	vmul.f32 $1.442695020e+00, v5  }
0x27: {  	(erf) = vpow2.f32 v2  }
0x28: {  	(erf) = vpow2.f32 v1;
	_ =	sdelay $0x4  }
0x29: {  	v1 =	vpop (erf)  }
0x2a: {  	v2 =	vpop (erf);
	[tilespmem:$0x2F00] =	vst v1  }
0x2b: {  	v1 =	vpop (erf);
	[tilespmem:$0x2F80] =	vst v2  }
0x2c: {  	v2 =	vpop (erf);
	[tilespmem:$0x3000] =	vst v1  }
0x2d: {  	[tilespmem:$0x3080] =	vst v2;
	v1 =	vpop (erf)  }
0x2e: {  	s17 =	simm.s32 $0x200;
	s5 =	simm.s32 $0x0;
	[tilespmem:$0x3100] =	vst v1  }
.LBB2_2:
0x2f: {  	p0 =	sne.s32 s17, $0x4E00;
	[tilespmem:s5+$0x370] =	vst v0  }
0x30: {  	[tilespmem:s5+$0x300] =	vst v0  }
0x31: {  	[tilespmem:s5+$0x310] =	vst v0  }
.Ltmp0:
0x32: {  	[tilespmem:s5+$0x320] =	vst v0;
	(pc) =	sbr.rel @p0 .LBB2_2-.Ltmp0, $4  }
0x33: {  	[tilespmem:s5+$0x330] =	vst v0  }
0x34: {  	[tilespmem:s5+$0x340] =	vst v0  }
0x35: {  	[tilespmem:s5+$0x350] =	vst v0  }
0x36: {  	[tilespmem:s5+$0x360] =	vst v0;
	s5 =	sshra.s32 s17, $0x2;
	s17 =	sadd.s32 $0x200, s17  }
0x37: {  	[tilespmem:s5+$0x370] =	vst v0  }
0x38: {  	[tilespmem:s5+$0x300] =	vst v0  }
0x39: {  	[tilespmem:s5+$0x310] =	vst v0  }
0x3a: {  	[tilespmem:s5+$0x320] =	vst v0  }
0x3b: {  	[tilespmem:s5+$0x330] =	vst v0  }
0x3c: {  	[tilespmem:s5+$0x340] =	vst v0  }
0x3d: {  	[tilespmem:s5+$0x350] =	vst v0  }
0x3e: {  	[tilespmem:s5+$0x360] =	vst v0;
	s5 =	simm.s32 $0x0;
	s17 =	simm.s32 $0x200  }
.LBB2_4:
0x3f: {  	p0 =	sne.s32 s17, $0x4E00;
	[tilespmem:s5+$0x1770] =	vst v0  }
0x40: {  	[tilespmem:s5+$0x1700] =	vst v0  }
0x41: {  	[tilespmem:s5+$0x1710] =	vst v0  }
.Ltmp1:
0x42: {  	[tilespmem:s5+$0x1720] =	vst v0;
	(pc) =	sbr.rel @p0 .LBB2_4-.Ltmp1, $4  }
0x43: {  	[tilespmem:s5+$0x1730] =	vst v0  }
0x44: {  	[tilespmem:s5+$0x1740] =	vst v0  }
0x45: {  	[tilespmem:s5+$0x1750] =	vst v0  }
0x46: {  	[tilespmem:s5+$0x1760] =	vst v0;
	s5 =	sshra.s32 s17, $0x2;
	s17 =	sadd.s32 $0x200, s17  }
0x47: {  	[tilespmem:s5+$0x1770] =	vst v0  }
0x48: {  	[tilespmem:s5+$0x1700] =	vst v0  }
0x49: {  	[tilespmem:s5+$0x1710] =	vst v0  }
0x4a: {  	[tilespmem:s5+$0x1720] =	vst v0  }
0x4b: {  	[tilespmem:s5+$0x1730] =	vst v0  }
0x4c: {  	[tilespmem:s5+$0x1740] =	vst v0;
	p0 =	sne.s32 s8, $0x1  }
.Ltmp2:
0x4d: {  	[tilespmem:s5+$0x1750] =	vst v0;
	(pc) =	sbr.rel @!p0 .LBB2_7-.Ltmp2, $4  }
0x4e: {  	[tilespmem:s5+$0x1760] =	vst v0  }
0x4f: {  	[spmem:s10] =	stream.linear.scatter [tilespmem:s21], [sflag:$0x5], $0x1400, $0x38;
	[tilespmem:$0x16B80] =	vst v63  }
0x50: {  	_ =	swait.ge [sflag:s20], $0x1400  }
0x51: {  	s5 =	sadd.s32 $0xFFFFFFFF, s8;
	s17 =	smov.u32 s10;
	[sflag:s20] =	ssyncset.done $0x0  }
.LBB2_6:
0x52: {  	p1 =	sne.s32 s5, $0x1;
	[sflag:s20] =	ssyncadd.s32 $0xFFFFEC00;
	s17 =	sadd.s32 $0x1400, s17  }
.Ltmp3:
0x53: {  	s5 =	sadd.s32 $0xFFFFFFFF, s5;
	(pc) =	sbr.rel @p1 .LBB2_6-.Ltmp3, $4  }
0x54: {  	_ = 	snop  }
0x55: {  	[spmem:s17] =	stream.linear.scatter [tilespmem:s21], [sflag:$0x5], $0x1400, $0x38;
	[tilespmem:$0x16B80] =	vst v63  }
0x56: {  	_ =	swait.ge [sflag:s20], $0x1400  }
0x57: {  	[sflag:s20] =	ssyncset.done $0x0  }
.LBB2_7:
0x58: {  	[sflag:s20] =	ssyncadd.s32 $0xFFFFEC00  }
0x59: {  	[bflag:$0x0] =	sbarrier.arrive $0xFFFF  }
0x5a: {  	s5 =	simm.s32 $0x0;
	s11 =	rddreg [dreg:$0x6]  }
0x5b: {  	[tilespmem:s5], [sflag:$0x1] =	stream.linear.gather [hbm4b:s11+s5], $0x28, $0x38;
	[tilespmem:$0x16B80] =	vst v63  }
0x5c: {  	s12 =	simm.s32 $0x100;
	s14 =	rddreg [dreg:$0x7]  }
0x5d: {  	[tilespmem:s12], [sflag:$0x1] =	stream.linear.gather [hbm4b:s14+s5], $0x28, $0x38;
	[tilespmem:$0x16B80] =	vst v63  }
0x5e: {  	s17 =	rddreg [dreg:$0x8]  }
0x5f: {  	[tilespmem:s23], [sflag:$0x2] =	stream.linear.gather [hbm4b:s17+s5], $0x28, $0x38;
	[tilespmem:$0x16B80] =	vst v63  }
0x60: {  	s18 =	rddreg [dreg:$0x9];
	s17 =	smov.u32 s7  }
0x61: {  	[tilespmem:s24], [sflag:$0x2] =	stream.linear.gather [hbm4b:s18+s5], $0x28, $0x38;
	[tilespmem:$0x16B80] =	vst v63  }
.LBB2_8:
0x62: {  	_ =	swait.ge [sflag:s25], $0x28  }
0x63: {  	[sflag:s25] =	ssyncset.done $0x0  }
0x64: {  	[sflag:s25] =	ssyncadd.s32 $0xFFFFFFD8  }
0x65: {  	_ =	swait.ge [sflag:s25], $0x28  }
0x66: {  	p1 =	seq.s32 s5, $0x0;
	[sflag:s25] =	ssyncset.done $0x0  }
0x67: {  	s14 =	simm.s32 @!p1 $0x3;
	[sflag:s25] =	ssyncadd.s32 $0xFFFFFFD8  }
0x68: {  	_ =	swait.ge @!p1 [sflag:s14], $0x1400  }
0x69: {  	[sflag:s14] =	ssyncset.done @!p1 $0x0  }
0x6a: {  	[sflag:s14] =	ssyncadd.s32 @!p1 $0xFFFFEC00  }
0x6b: {  	v1 =	vld [tilespmem:$0x0];
	_ =	sdelay $0x4  }
0x6c: {  	v1 =	vshll.u32 v1, $0x9  }
0x6d: {  	v1 =	vshra.s32 v1, $0x2  }
0x6e: {  	v1 =	vadd.s32 $0x2F00, v1  }
0x6f: {  	(v2sf) =	vpush v1, $0x0;
	_ =	sdelay $0x5  }
0x70: {  	(v2sf) =	vpush v1, $0x1;
	_ =	sdelay $0x1  }
0x71: {  	v2 =	vld [tilespmem:$0x100]  }
0x72: {  	v3 =	vld [tilespmem:$0x110]  }
0x73: {  	v4 =	vld [tilespmem:$0x118];
	_ =	sdelay $0x1  }
0x74: {  	(v2sf) =	vpush v1, $0x2  }
0x75: {  	[tilespmem:$0x200] =	vst v2  }
0x76: {  	[tilespmem:$0x210] =	vst v3  }
0x77: {  	[tilespmem:$0x218] =	vst v4;
	s12 =	spop (v2sf)  }
0x78: {  	v2 =	vld [tilespmem:s12+$0x0];
	_ =	sdelay $0x1  }
0x79: {  	(v2sf) =	vpush v1, $0x3;
	_ =	sdelay $0x2  }
0x7a: {  	s18 =	spop (v2sf);
	[tilespmem:$0x300] =	vst v2  }
0x7b: {  	v2 =	vld [tilespmem:s18+$0x0];
	_ =	sdelay $0x1  }
0x7c: {  	(v2sf) =	vpush v1, $0x4;
	_ =	sdelay $0x2  }
0x7d: {  	s11 =	spop (v2sf);
	[tilespmem:$0x380] =	vst v2  }
0x7e: {  	v2 =	vld [tilespmem:s11+$0x0];
	_ =	sdelay $0x1  }
0x7f: {  	(v2sf) =	vpush v1, $0x5;
	_ =	sdelay $0x2  }
0x80: {  	s12 =	spop (v2sf);
	[tilespmem:$0x400] =	vst v2  }
0x81: {  	v2 =	vld [tilespmem:s12+$0x0];
	_ =	sdelay $0x1  }
0x82: {  	(v2sf) =	vpush v1, $0x6;
	_ =	sdelay $0x2  }
0x83: {  	s18 =	spop (v2sf);
	[tilespmem:$0x480] =	vst v2  }
0x84: {  	v2 =	vld [tilespmem:s18+$0x0];
	_ =	sdelay $0x1  }
0x85: {  	(v2sf) =	vpush v1, $0x7;
	_ =	sdelay $0x2  }
0x86: {  	s11 =	spop (v2sf);
	[tilespmem:$0x500] =	vst v2  }
0x87: {  	v2 =	vld [tilespmem:s11+$0x0];
	_ =	sdelay $0x1  }
0x88: {  	(v2sf) =	vpush v1, $0x8;
	_ =	sdelay $0x2  }
0x89: {  	s12 =	spop (v2sf);
	[tilespmem:$0x580] =	vst v2  }
0x8a: {  	v2 =	vld [tilespmem:s12+$0x0];
	_ =	sdelay $0x1  }
0x8b: {  	(v2sf) =	vpush v1, $0x9;
	_ =	sdelay $0x2  }
0x8c: {  	s18 =	spop (v2sf);
	[tilespmem:$0x600] =	vst v2  }
0x8d: {  	v2 =	vld [tilespmem:s18+$0x0];
	_ =	sdelay $0x1  }
0x8e: {  	(v2sf) =	vpush v1, $0xA;
	_ =	sdelay $0x2  }
0x8f: {  	s11 =	spop (v2sf);
	[tilespmem:$0x680] =	vst v2  }
0x90: {  	v2 =	vld [tilespmem:s11+$0x0];
	_ =	sdelay $0x1  }
0x91: {  	(v2sf) =	vpush v1, $0xB;
	_ =	sdelay $0x2  }
0x92: {  	s12 =	spop (v2sf);
	[tilespmem:$0x700] =	vst v2  }
0x93: {  	v2 =	vld [tilespmem:s12+$0x0];
	_ =	sdelay $0x1  }
0x94: {  	(v2sf) =	vpush v1, $0xC;
	_ =	sdelay $0x2  }
0x95: {  	s18 =	spop (v2sf);
	[tilespmem:$0x780] =	vst v2  }
0x96: {  	v2 =	vld [tilespmem:s18+$0x0];
	_ =	sdelay $0x1  }
0x97: {  	(v2sf) =	vpush v1, $0xD;
	_ =	sdelay $0x2  }
0x98: {  	s11 =	spop (v2sf);
	[tilespmem:$0x800] =	vst v2  }
0x99: {  	v2 =	vld [tilespmem:s11+$0x0];
	_ =	sdelay $0x1  }
0x9a: {  	(v2sf) =	vpush v1, $0xE;
	_ =	sdelay $0x2  }
0x9b: {  	v3 =	vld [tilespmem:$0x10];
	s12 =	spop (v2sf);
	[tilespmem:$0x880] =	vst v2  }
0x9c: {  	v2 =	vld [tilespmem:s12+$0x0];
	_ =	sdelay $0x1  }
0x9d: {  	(v2sf) =	vpush v1, $0xF;
	_ =	sdelay $0x2  }
0x9e: {  	v1 =	vshll.u32 v3, $0x9;
	s18 =	spop (v2sf);
	[tilespmem:$0x900] =	vst v2  }
0x9f: {  	v1 =	vshra.s32 v1, $0x2;
	v2 =	vld [tilespmem:s18+$0x0]  }
0xa0: {  	v1 =	vadd.s32 $0x2F00, v1  }
0xa1: {  	(v2sf) =	vpush v1, $0x0;
	_ =	sdelay $0x2  }
0xa2: {  	s11 =	spop (v2sf);
	[tilespmem:$0x980] =	vst v2  }
0xa3: {  	v2 =	vld [tilespmem:s11+$0x0];
	_ =	sdelay $0x1  }
0xa4: {  	(v2sf) =	vpush v1, $0x1;
	_ =	sdelay $0x2  }
0xa5: {  	s12 =	spop (v2sf);
	[tilespmem:$0xA00] =	vst v2  }
0xa6: {  	v2 =	vld [tilespmem:s12+$0x0];
	_ =	sdelay $0x1  }
0xa7: {  	(v2sf) =	vpush v1, $0x2;
	_ =	sdelay $0x2  }
0xa8: {  	s18 =	spop (v2sf);
	[tilespmem:$0xA80] =	vst v2  }
0xa9: {  	v2 =	vld [tilespmem:s18+$0x0];
	_ =	sdelay $0x1  }
0xaa: {  	(v2sf) =	vpush v1, $0x3;
	_ =	sdelay $0x2  }
0xab: {  	s11 =	spop (v2sf);
	[tilespmem:$0xB00] =	vst v2  }
0xac: {  	v2 =	vld [tilespmem:s11+$0x0];
	_ =	sdelay $0x1  }
0xad: {  	(v2sf) =	vpush v1, $0x4;
	_ =	sdelay $0x2  }
0xae: {  	s12 =	spop (v2sf);
	[tilespmem:$0xB80] =	vst v2  }
0xaf: {  	v2 =	vld [tilespmem:s12+$0x0];
	_ =	sdelay $0x1  }
0xb0: {  	(v2sf) =	vpush v1, $0x5;
	_ =	sdelay $0x2  }
0xb1: {  	s18 =	spop (v2sf);
	[tilespmem:$0xC00] =	vst v2  }
0xb2: {  	v2 =	vld [tilespmem:s18+$0x0];
	_ =	sdelay $0x1  }
0xb3: {  	(v2sf) =	vpush v1, $0x6;
	_ =	sdelay $0x2  }
0xb4: {  	s11 =	spop (v2sf);
	[tilespmem:$0xC80] =	vst v2  }
0xb5: {  	v2 =	vld [tilespmem:s11+$0x0];
	_ =	sdelay $0x1  }
0xb6: {  	(v2sf) =	vpush v1, $0x7;
	_ =	sdelay $0x2  }
0xb7: {  	s12 =	spop (v2sf);
	[tilespmem:$0xD00] =	vst v2  }
0xb8: {  	v2 =	vld [tilespmem:s12+$0x0];
	_ =	sdelay $0x1  }
0xb9: {  	(v2sf) =	vpush v1, $0x8;
	_ =	sdelay $0x2  }
0xba: {  	s18 =	spop (v2sf);
	[tilespmem:$0xD80] =	vst v2  }
0xbb: {  	v2 =	vld [tilespmem:s18+$0x0];
	_ =	sdelay $0x1  }
0xbc: {  	(v2sf) =	vpush v1, $0x9;
	_ =	sdelay $0x2  }
0xbd: {  	s11 =	spop (v2sf);
	[tilespmem:$0xE00] =	vst v2  }
0xbe: {  	v2 =	vld [tilespmem:s11+$0x0];
	_ =	sdelay $0x1  }
0xbf: {  	(v2sf) =	vpush v1, $0xA;
	_ =	sdelay $0x2  }
0xc0: {  	s12 =	spop (v2sf);
	[tilespmem:$0xE80] =	vst v2  }
0xc1: {  	v2 =	vld [tilespmem:s12+$0x0];
	_ =	sdelay $0x1  }
0xc2: {  	(v2sf) =	vpush v1, $0xB;
	_ =	sdelay $0x2  }
0xc3: {  	s18 =	spop (v2sf);
	[tilespmem:$0xF00] =	vst v2  }
0xc4: {  	v2 =	vld [tilespmem:s18+$0x0];
	_ =	sdelay $0x1  }
0xc5: {  	(v2sf) =	vpush v1, $0xC;
	_ =	sdelay $0x2  }
0xc6: {  	s11 =	spop (v2sf);
	[tilespmem:$0xF80] =	vst v2  }
0xc7: {  	v2 =	vld [tilespmem:s11+$0x0];
	_ =	sdelay $0x1  }
0xc8: {  	(v2sf) =	vpush v1, $0xD;
	_ =	sdelay $0x2  }
0xc9: {  	s12 =	spop (v2sf);
	[tilespmem:$0x1000] =	vst v2  }
0xca: {  	v2 =	vld [tilespmem:s12+$0x0];
	_ =	sdelay $0x1  }
0xcb: {  	(v2sf) =	vpush v1, $0xE;
	_ =	sdelay $0x2  }
0xcc: {  	v3 =	vld [tilespmem:$0x18];
	s18 =	spop (v2sf);
	[tilespmem:$0x1080] =	vst v2  }
0xcd: {  	v2 =	vld [tilespmem:s18+$0x0];
	_ =	sdelay $0x1  }
0xce: {  	(v2sf) =	vpush v1, $0xF;
	_ =	sdelay $0x2  }
0xcf: {  	v1 =	vshll.u32 v3, $0x9;
	s11 =	spop (v2sf);
	[tilespmem:$0x1100] =	vst v2  }
0xd0: {  	v1 =	vshra.s32 v1, $0x2;
	v2 =	vld [tilespmem:s11+$0x0]  }
0xd1: {  	v1 =	vadd.s32 $0x2F00, v1  }
0xd2: {  	(v2sf) =	vpush v1, $0x0;
	_ =	sdelay $0x2  }
0xd3: {  	s12 =	spop (v2sf);
	[tilespmem:$0x1180] =	vst v2  }
0xd4: {  	v2 =	vld [tilespmem:s12+$0x0];
	_ =	sdelay $0x1  }
0xd5: {  	(v2sf) =	vpush v1, $0x1;
	_ =	sdelay $0x2  }
0xd6: {  	s18 =	spop (v2sf);
	[tilespmem:$0x1200] =	vst v2  }
0xd7: {  	v2 =	vld [tilespmem:s18+$0x0];
	_ =	sdelay $0x1  }
0xd8: {  	(v2sf) =	vpush v1, $0x2;
	_ =	sdelay $0x2  }
0xd9: {  	s11 =	spop (v2sf);
	[tilespmem:$0x1280] =	vst v2  }
0xda: {  	v2 =	vld [tilespmem:s11+$0x0];
	_ =	sdelay $0x1  }
0xdb: {  	(v2sf) =	vpush v1, $0x3;
	_ =	sdelay $0x2  }
0xdc: {  	s12 =	spop (v2sf);
	[tilespmem:$0xF00] =	vst v2  }
0xdd: {  	v2 =	vld [tilespmem:s12+$0x0];
	_ =	sdelay $0x1  }
0xde: {  	(v2sf) =	vpush v1, $0x4;
	_ =	sdelay $0x2  }
0xdf: {  	s18 =	spop (v2sf);
	[tilespmem:$0xF80] =	vst v2  }
0xe0: {  	v2 =	vld [tilespmem:s18+$0x0];
	_ =	sdelay $0x1  }
0xe1: {  	(v2sf) =	vpush v1, $0x5;
	_ =	sdelay $0x2  }
0xe2: {  	s11 =	spop (v2sf);
	[tilespmem:$0x1000] =	vst v2  }
0xe3: {  	v2 =	vld [tilespmem:s11+$0x0];
	_ =	sdelay $0x1  }
0xe4: {  	(v2sf) =	vpush v1, $0x6;
	_ =	sdelay $0x2  }
0xe5: {  	s12 =	spop (v2sf);
	[tilespmem:$0x1080] =	vst v2  }
0xe6: {  	v2 =	vld [tilespmem:s12+$0x0];
	_ =	sdelay $0x1  }
0xe7: {  	(v2sf) =	vpush v1, $0x7;
	_ =	sdelay $0x2  }
0xe8: {  	s18 =	spop (v2sf);
	[tilespmem:$0x1100] =	vst v2  }
0xe9: {  	v2 =	vld [tilespmem:s18+$0x0];
	_ =	sdelay $0x1  }
0xea: {  	(v2sf) =	vpush v1, $0x8;
	_ =	sdelay $0x2  }
0xeb: {  	s11 =	spop (v2sf);
	[tilespmem:$0x1180] =	vst v2  }
0xec: {  	v2 =	vld [tilespmem:s11+$0x0];
	_ =	sdelay $0x1  }
0xed: {  	(v2sf) =	vpush v1, $0x9;
	_ =	sdelay $0x2  }
0xee: {  	s12 =	spop (v2sf);
	[tilespmem:$0x1200] =	vst v2  }
0xef: {  	v2 =	vld [tilespmem:s12+$0x0];
	_ =	sdelay $0x1  }
0xf0: {  	(v2sf) =	vpush v1, $0xA;
	_ =	sdelay $0x2  }
0xf1: {  	s18 =	spop (v2sf);
	[tilespmem:$0x1280] =	vst v2  }
0xf2: {  	v2 =	vld [tilespmem:s18+$0x0];
	_ =	sdelay $0x1  }
0xf3: {  	(v2sf) =	vpush v1, $0xB;
	_ =	sdelay $0x2  }
0xf4: {  	s11 =	spop (v2sf);
	[tilespmem:$0x1300] =	vst v2  }
0xf5: {  	v2 =	vld [tilespmem:s11+$0x0];
	_ =	sdelay $0x1  }
0xf6: {  	(v2sf) =	vpush v1, $0xC;
	_ =	sdelay $0x2  }
0xf7: {  	s12 =	spop (v2sf);
	[tilespmem:$0x1380] =	vst v2  }
0xf8: {  	v2 =	vld [tilespmem:s12+$0x0];
	_ =	sdelay $0x1  }
0xf9: {  	(v2sf) =	vpush v1, $0xD;
	_ =	sdelay $0x2  }
0xfa: {  	s18 =	spop (v2sf);
	[tilespmem:$0x1400] =	vst v2  }
0xfb: {  	v2 =	vld [tilespmem:s18+$0x0];
	_ =	sdelay $0x1  }
0xfc: {  	(v2sf) =	vpush v1, $0xE;
	_ =	sdelay $0x2  }
0xfd: {  	s11 =	spop (v2sf);
	[tilespmem:$0x1480] =	vst v2  }
0xfe: {  	v2 =	vld [tilespmem:s11+$0x0];
	_ =	sdelay $0x1  }
0xff: {  	(v2sf) =	vpush v1, $0xF;
	_ =	sdelay $0x2  }
0x100: {  	s12 =	spop (v2sf);
	[tilespmem:$0x1500] =	vst v2  }
0x101: {  	v1 =	vld [tilespmem:s12+$0x0];
	_ =	sdelay $0x4  }
0x102: {  	s18 =	spop (v2sf);
	[tilespmem:$0x1580] =	vst v1  }
0x103: {  	v1 =	vld [tilespmem:s18+$0x0];
	_ =	sdelay $0x4  }
0x104: {  	s11 =	spop (v2sf);
	[tilespmem:$0x1600] =	vst v1  }
0x105: {  	v1 =	vld [tilespmem:s11+$0x0];
	_ =	sdelay $0x3  }
0x106: {  	p2 =	seq.s32 s5, $0x4D8  }
0x107: {  	s14 =	sshrl.u32 @!p2 s17, $0x3;
	[tilespmem:$0x1680] =	vst v1  }
0x108: {  	[spmem:s3] =	stream.indirect.scatter.add.f32 [tilespmem:s21], [sflag:$0x3], $0x80, s28, s26, $0xb8;
	[tilespmem:$0x16B80] =	vst v63  }
0x109: {  	s18 =	sadd.s32 @!p2 s1, s14;
	s11 =	simm.s32 @!p2 $0x0  }
0x10a: {  	[tilespmem:s11], [sflag:$0x1] =	stream.linear.gather @!p2 [hbm4b:s18+s11], $0x28, $0x38;
	[tilespmem:$0x16B80] =	vst v63  }
0x10b: {  	s14 =	sadd.s32 @!p2 s6, s14;
	s18 =	simm.s32 @!p2 $0x100  }
0x10c: {  	[tilespmem:s18], [sflag:$0x1] =	stream.linear.gather @!p2 [hbm4b:s14+s11], $0x28, $0x38;
	[tilespmem:$0x16B80] =	vst v63  }
0x10d: {  	_ =	swait.ge [sflag:s29], $0x28  }
0x10e: {  	[sflag:s29] =	ssyncset.done $0x0  }
0x10f: {  	[sflag:s29] =	ssyncadd.s32 $0xFFFFFFD8  }
0x110: {  	_ =	swait.ge [sflag:s29], $0x28  }
0x111: {  	[sflag:s29] =	ssyncset.done $0x0  }
0x112: {  	s11 =	simm.s32 @!p1 $0x4;
	[sflag:s29] =	ssyncadd.s32 $0xFFFFFFD8  }
0x113: {  	_ =	swait.ge @!p1 [sflag:s11], $0x1400  }
0x114: {  	[sflag:s11] =	ssyncset.done @!p1 $0x0  }
0x115: {  	[sflag:s11] =	ssyncadd.s32 @!p1 $0xFFFFEC00  }
0x116: {  	v1 =	vld [tilespmem:$0x80];
	_ =	sdelay $0x4  }
0x117: {  	v1 =	vshll.u32 v1, $0x9  }
0x118: {  	v1 =	vshra.s32 v1, $0x2  }
0x119: {  	v1 =	vadd.s32 $0x2F00, v1  }
0x11a: {  	(v2sf) =	vpush v1, $0x0;
	_ =	sdelay $0x5  }
0x11b: {  	(v2sf) =	vpush v1, $0x1;
	_ =	sdelay $0x1  }
0x11c: {  	v2 =	vld [tilespmem:$0x180]  }
0x11d: {  	v3 =	vld [tilespmem:$0x190]  }
0x11e: {  	v63 =	vld [tilespmem:$0x198];
	_ =	sdelay $0x1  }
0x11f: {  	(v2sf) =	vpush v1, $0x2  }
0x120: {  	[tilespmem:$0x280] =	vst v2  }
0x121: {  	[tilespmem:$0x290] =	vst v3  }
0x122: {  	[tilespmem:$0x298] =	vst v63;
	s12 =	spop (v2sf)  }
0x123: {  	v2 =	vld [tilespmem:s12+$0x0];
	_ =	sdelay $0x1  }
0x124: {  	(v2sf) =	vpush v1, $0x3;
	_ =	sdelay $0x2  }
0x125: {  	s14 =	spop (v2sf);
	[tilespmem:$0x1700] =	vst v2  }
0x126: {  	v2 =	vld [tilespmem:s14+$0x0];
	_ =	sdelay $0x1  }
0x127: {  	(v2sf) =	vpush v1, $0x4;
	_ =	sdelay $0x2  }
0x128: {  	s18 =	spop (v2sf);
	[tilespmem:$0x1780] =	vst v2  }
0x129: {  	v2 =	vld [tilespmem:s18+$0x0];
	_ =	sdelay $0x1  }
0x12a: {  	(v2sf) =	vpush v1, $0x5;
	_ =	sdelay $0x2  }
0x12b: {  	s12 =	spop (v2sf);
	[tilespmem:$0x1800] =	vst v2  }
0x12c: {  	v2 =	vld [tilespmem:s12+$0x0];
	_ =	sdelay $0x1  }
0x12d: {  	(v2sf) =	vpush v1, $0x6;
	_ =	sdelay $0x2  }
0x12e: {  	s14 =	spop (v2sf);
	[tilespmem:$0x1880] =	vst v2  }
0x12f: {  	v2 =	vld [tilespmem:s14+$0x0];
	_ =	sdelay $0x1  }
0x130: {  	(v2sf) =	vpush v1, $0x7;
	_ =	sdelay $0x2  }
0x131: {  	s18 =	spop (v2sf);
	[tilespmem:$0x1900] =	vst v2  }
0x132: {  	v2 =	vld [tilespmem:s18+$0x0];
	_ =	sdelay $0x1  }
0x133: {  	(v2sf) =	vpush v1, $0x8;
	_ =	sdelay $0x2  }
0x134: {  	s12 =	spop (v2sf);
	[tilespmem:$0x1980] =	vst v2  }
0x135: {  	v2 =	vld [tilespmem:s12+$0x0];
	_ =	sdelay $0x1  }
0x136: {  	(v2sf) =	vpush v1, $0x9;
	_ =	sdelay $0x2  }
0x137: {  	s14 =	spop (v2sf);
	[tilespmem:$0x1A00] =	vst v2  }
0x138: {  	v2 =	vld [tilespmem:s14+$0x0];
	_ =	sdelay $0x1  }
0x139: {  	(v2sf) =	vpush v1, $0xA;
	_ =	sdelay $0x2  }
0x13a: {  	s18 =	spop (v2sf);
	[tilespmem:$0x1A80] =	vst v2  }
0x13b: {  	v2 =	vld [tilespmem:s18+$0x0];
	_ =	sdelay $0x1  }
0x13c: {  	(v2sf) =	vpush v1, $0xB;
	_ =	sdelay $0x2  }
0x13d: {  	s12 =	spop (v2sf);
	[tilespmem:$0x1B00] =	vst v2  }
0x13e: {  	v2 =	vld [tilespmem:s12+$0x0];
	_ =	sdelay $0x1  }
0x13f: {  	(v2sf) =	vpush v1, $0xC;
	_ =	sdelay $0x2  }
0x140: {  	s14 =	spop (v2sf);
	[tilespmem:$0x1B80] =	vst v2  }
0x141: {  	v2 =	vld [tilespmem:s14+$0x0];
	_ =	sdelay $0x1  }
0x142: {  	(v2sf) =	vpush v1, $0xD;
	_ =	sdelay $0x2  }
0x143: {  	s18 =	spop (v2sf);
	[tilespmem:$0x1C00] =	vst v2  }
0x144: {  	v2 =	vld [tilespmem:s18+$0x0];
	_ =	sdelay $0x1  }
0x145: {  	(v2sf) =	vpush v1, $0xE;
	_ =	sdelay $0x2  }
0x146: {  	v3 =	vld [tilespmem:$0x90];
	s12 =	spop (v2sf);
	[tilespmem:$0x1C80] =	vst v2  }
0x147: {  	v2 =	vld [tilespmem:s12+$0x0];
	_ =	sdelay $0x1  }
0x148: {  	(v2sf) =	vpush v1, $0xF;
	_ =	sdelay $0x2  }
0x149: {  	v1 =	vshll.u32 v3, $0x9;
	s14 =	spop (v2sf);
	[tilespmem:$0x1D00] =	vst v2  }
0x14a: {  	v1 =	vshra.s32 v1, $0x2;
	v2 =	vld [tilespmem:s14+$0x0]  }
0x14b: {  	v1 =	vadd.s32 $0x2F00, v1  }
0x14c: {  	(v2sf) =	vpush v1, $0x0;
	_ =	sdelay $0x2  }
0x14d: {  	s18 =	spop (v2sf);
	[tilespmem:$0x1D80] =	vst v2  }
0x14e: {  	v2 =	vld [tilespmem:s18+$0x0];
	_ =	sdelay $0x1  }
0x14f: {  	(v2sf) =	vpush v1, $0x1;
	_ =	sdelay $0x2  }
0x150: {  	s12 =	spop (v2sf);
	[tilespmem:$0x1E00] =	vst v2  }
0x151: {  	v2 =	vld [tilespmem:s12+$0x0];
	_ =	sdelay $0x1  }
0x152: {  	(v2sf) =	vpush v1, $0x2;
	_ =	sdelay $0x2  }
0x153: {  	s14 =	spop (v2sf);
	[tilespmem:$0x1E80] =	vst v2  }
0x154: {  	v2 =	vld [tilespmem:s14+$0x0];
	_ =	sdelay $0x1  }
0x155: {  	(v2sf) =	vpush v1, $0x3;
	_ =	sdelay $0x2  }
0x156: {  	s18 =	spop (v2sf);
	[tilespmem:$0x1F00] =	vst v2  }
0x157: {  	v2 =	vld [tilespmem:s18+$0x0];
	_ =	sdelay $0x1  }
0x158: {  	(v2sf) =	vpush v1, $0x4;
	_ =	sdelay $0x2  }
0x159: {  	s12 =	spop (v2sf);
	[tilespmem:$0x1F80] =	vst v2  }
0x15a: {  	v2 =	vld [tilespmem:s12+$0x0];
	_ =	sdelay $0x1  }
0x15b: {  	(v2sf) =	vpush v1, $0x5;
	_ =	sdelay $0x2  }
0x15c: {  	s14 =	spop (v2sf);
	[tilespmem:$0x2000] =	vst v2  }
0x15d: {  	v2 =	vld [tilespmem:s14+$0x0];
	_ =	sdelay $0x1  }
0x15e: {  	(v2sf) =	vpush v1, $0x6;
	_ =	sdelay $0x2  }
0x15f: {  	s18 =	spop (v2sf);
	[tilespmem:$0x2080] =	vst v2  }
0x160: {  	v2 =	vld [tilespmem:s18+$0x0];
	_ =	sdelay $0x1  }
0x161: {  	(v2sf) =	vpush v1, $0x7;
	_ =	sdelay $0x2  }
0x162: {  	s12 =	spop (v2sf);
	[tilespmem:$0x2100] =	vst v2  }
0x163: {  	v2 =	vld [tilespmem:s12+$0x0];
	_ =	sdelay $0x1  }
0x164: {  	(v2sf) =	vpush v1, $0x8;
	_ =	sdelay $0x2  }
0x165: {  	s14 =	spop (v2sf);
	[tilespmem:$0x2180] =	vst v2  }
0x166: {  	v2 =	vld [tilespmem:s14+$0x0];
	_ =	sdelay $0x1  }
0x167: {  	(v2sf) =	vpush v1, $0x9;
	_ =	sdelay $0x2  }
0x168: {  	s18 =	spop (v2sf);
	[tilespmem:$0x2200] =	vst v2  }
0x169: {  	v2 =	vld [tilespmem:s18+$0x0];
	_ =	sdelay $0x1  }
0x16a: {  	(v2sf) =	vpush v1, $0xA;
	_ =	sdelay $0x2  }
0x16b: {  	s12 =	spop (v2sf);
	[tilespmem:$0x2280] =	vst v2  }
0x16c: {  	v2 =	vld [tilespmem:s12+$0x0];
	_ =	sdelay $0x1  }
0x16d: {  	(v2sf) =	vpush v1, $0xB;
	_ =	sdelay $0x2  }
0x16e: {  	s14 =	spop (v2sf);
	[tilespmem:$0x2300] =	vst v2  }
0x16f: {  	v2 =	vld [tilespmem:s14+$0x0];
	_ =	sdelay $0x1  }
0x170: {  	(v2sf) =	vpush v1, $0xC;
	_ =	sdelay $0x2  }
0x171: {  	s18 =	spop (v2sf);
	[tilespmem:$0x2380] =	vst v2  }
0x172: {  	v2 =	vld [tilespmem:s18+$0x0];
	_ =	sdelay $0x1  }
0x173: {  	(v2sf) =	vpush v1, $0xD;
	_ =	sdelay $0x2  }
0x174: {  	s12 =	spop (v2sf);
	[tilespmem:$0x2400] =	vst v2  }
0x175: {  	v2 =	vld [tilespmem:s12+$0x0];
	_ =	sdelay $0x1  }
0x176: {  	(v2sf) =	vpush v1, $0xE;
	_ =	sdelay $0x2  }
0x177: {  	v3 =	vld [tilespmem:$0x98];
	s14 =	spop (v2sf);
	[tilespmem:$0x2480] =	vst v2  }
0x178: {  	v2 =	vld [tilespmem:s14+$0x0];
	_ =	sdelay $0x1  }
0x179: {  	(v2sf) =	vpush v1, $0xF;
	_ =	sdelay $0x2  }
0x17a: {  	v1 =	vshll.u32 v3, $0x9;
	s18 =	spop (v2sf);
	[tilespmem:$0x2500] =	vst v2  }
0x17b: {  	v1 =	vshra.s32 v1, $0x2;
	v2 =	vld [tilespmem:s18+$0x0]  }
0x17c: {  	v1 =	vadd.s32 $0x2F00, v1  }
0x17d: {  	(v2sf) =	vpush v1, $0x0;
	_ =	sdelay $0x2  }
0x17e: {  	s12 =	spop (v2sf);
	[tilespmem:$0x2580] =	vst v2  }
0x17f: {  	v2 =	vld [tilespmem:s12+$0x0];
	_ =	sdelay $0x1  }
0x180: {  	(v2sf) =	vpush v1, $0x1;
	_ =	sdelay $0x2  }
0x181: {  	s14 =	spop (v2sf);
	[tilespmem:$0x2600] =	vst v2  }
0x182: {  	v2 =	vld [tilespmem:s14+$0x0];
	_ =	sdelay $0x1  }
0x183: {  	(v2sf) =	vpush v1, $0x2;
	_ =	sdelay $0x2  }
0x184: {  	s18 =	spop (v2sf);
	[tilespmem:$0x2680] =	vst v2  }
0x185: {  	v2 =	vld [tilespmem:s18+$0x0];
	_ =	sdelay $0x1  }
0x186: {  	(v2sf) =	vpush v1, $0x3;
	_ =	sdelay $0x2  }
0x187: {  	s12 =	spop (v2sf);
	[tilespmem:$0x2300] =	vst v2  }
0x188: {  	v2 =	vld [tilespmem:s12+$0x0];
	_ =	sdelay $0x1  }
0x189: {  	(v2sf) =	vpush v1, $0x4;
	_ =	sdelay $0x2  }
0x18a: {  	s14 =	spop (v2sf);
	[tilespmem:$0x2380] =	vst v2  }
0x18b: {  	v2 =	vld [tilespmem:s14+$0x0];
	_ =	sdelay $0x1  }
0x18c: {  	(v2sf) =	vpush v1, $0x5;
	_ =	sdelay $0x2  }
0x18d: {  	s18 =	spop (v2sf);
	[tilespmem:$0x2400] =	vst v2  }
0x18e: {  	v2 =	vld [tilespmem:s18+$0x0];
	_ =	sdelay $0x1  }
0x18f: {  	(v2sf) =	vpush v1, $0x6;
	_ =	sdelay $0x2  }
0x190: {  	s12 =	spop (v2sf);
	[tilespmem:$0x2480] =	vst v2  }
0x191: {  	v2 =	vld [tilespmem:s12+$0x0];
	_ =	sdelay $0x1  }
0x192: {  	(v2sf) =	vpush v1, $0x7;
	_ =	sdelay $0x2  }
0x193: {  	s14 =	spop (v2sf);
	[tilespmem:$0x2500] =	vst v2  }
0x194: {  	v2 =	vld [tilespmem:s14+$0x0];
	_ =	sdelay $0x1  }
0x195: {  	(v2sf) =	vpush v1, $0x8;
	_ =	sdelay $0x2  }
0x196: {  	s18 =	spop (v2sf);
	[tilespmem:$0x2580] =	vst v2  }
0x197: {  	v2 =	vld [tilespmem:s18+$0x0];
	_ =	sdelay $0x1  }
0x198: {  	(v2sf) =	vpush v1, $0x9;
	_ =	sdelay $0x2  }
0x199: {  	s12 =	spop (v2sf);
	[tilespmem:$0x2600] =	vst v2  }
0x19a: {  	v2 =	vld [tilespmem:s12+$0x0];
	_ =	sdelay $0x1  }
0x19b: {  	(v2sf) =	vpush v1, $0xA;
	_ =	sdelay $0x2  }
0x19c: {  	s14 =	spop (v2sf);
	[tilespmem:$0x2680] =	vst v2  }
0x19d: {  	v2 =	vld [tilespmem:s14+$0x0];
	_ =	sdelay $0x1  }
0x19e: {  	(v2sf) =	vpush v1, $0xB;
	_ =	sdelay $0x2  }
0x19f: {  	s18 =	spop (v2sf);
	[tilespmem:$0x2700] =	vst v2  }
0x1a0: {  	v2 =	vld [tilespmem:s18+$0x0];
	_ =	sdelay $0x1  }
0x1a1: {  	(v2sf) =	vpush v1, $0xC;
	_ =	sdelay $0x2  }
0x1a2: {  	s12 =	spop (v2sf);
	[tilespmem:$0x2780] =	vst v2  }
0x1a3: {  	v2 =	vld [tilespmem:s12+$0x0];
	_ =	sdelay $0x1  }
0x1a4: {  	(v2sf) =	vpush v1, $0xD;
	_ =	sdelay $0x2  }
0x1a5: {  	s14 =	spop (v2sf);
	[tilespmem:$0x2800] =	vst v2  }
0x1a6: {  	v2 =	vld [tilespmem:s14+$0x0];
	_ =	sdelay $0x1  }
0x1a7: {  	(v2sf) =	vpush v1, $0xE;
	_ =	sdelay $0x2  }
0x1a8: {  	s18 =	spop (v2sf);
	[tilespmem:$0x2880] =	vst v2  }
0x1a9: {  	v2 =	vld [tilespmem:s18+$0x0];
	_ =	sdelay $0x1  }
0x1aa: {  	(v2sf) =	vpush v1, $0xF;
	_ =	sdelay $0x2  }
0x1ab: {  	s12 =	spop (v2sf);
	[tilespmem:$0x2900] =	vst v2  }
0x1ac: {  	v1 =	vld [tilespmem:s12+$0x0];
	_ =	sdelay $0x4  }
0x1ad: {  	s14 =	spop (v2sf);
	[tilespmem:$0x2980] =	vst v1  }
0x1ae: {  	v1 =	vld [tilespmem:s14+$0x0];
	_ =	sdelay $0x4  }
0x1af: {  	s18 =	spop (v2sf);
	[tilespmem:$0x2A00] =	vst v1  }
0x1b0: {  	v1 =	vld [tilespmem:s18+$0x0];
	_ =	sdelay $0x1  }
.Ltmp4:
0x1b1: {  	_ = 	snop;
	(pc) =	sbr.rel @p2 .LBB2_10-.Ltmp4, $3  }
0x1b2: {  	_ =	sdelay $0x1  }
0x1b3: {  	[tilespmem:$0x2A80] =	vst v1  }
0x1b4: {  	[spmem:s3] =	stream.indirect.scatter.add.f32 [tilespmem:s31], [sflag:$0x4], $0x80, s30, s26, $0xb8;
	[tilespmem:$0x16B80] =	vst v63  }
.Ltmp5:
0x1b5: {  	(pc) =	sbr.rel .LBB2_8-.Ltmp5, $4  }
0x1b6: {  	s11 =	sadd.s32 s5, s16  }
0x1b7: {  	[tilespmem:s23], [sflag:$0x2] =	stream.linear.gather [hbm4b:s11+s4], $0x28, $0x38;
	[tilespmem:$0x16B80] =	vst v63  }
0x1b8: {  	s18 =	sadd.s32 s5, s15;
	s5 =	sadd.s32 $0xA, s5;
	s17 =	sadd.s32 $0x50, s17  }
0x1b9: {  	[tilespmem:s24], [sflag:$0x2] =	stream.linear.gather [hbm4b:s18+s4], $0x28, $0x38;
	[tilespmem:$0x16B80] =	vst v63  }
.LBB2_10:
0x1ba: {  	_ =	swait.ge [sflag:s0], $0x1400  }
0x1bb: {  	[sflag:s0] =	ssyncset.done $0x0  }
0x1bc: {  	[sflag:s0] =	ssyncadd.s32 $0xFFFFEC00  }
0x1bd: {  	s5 =	stileid.u32;
	_ =	swait.ge [sflag:s19], $0x1400  }
.Ltmp6:
0x1be: {  	s11 =	sshrl.u32 s9, $0x3;
	[sflag:s19] =	ssyncset.done $0x0;
	(pc) =	sbr.rel @!p0 .LBB2_12-.Ltmp6, $4  }
0x1bf: {  	s14 =	sshrl.u32 s10, $0x3;
	s5 =	sshll.u32 s5, $0x6;
	[sflag:s19] =	ssyncadd.s32 $0xFFFFEC00  }
0x1c0: {  	s11 =	sadd.s32 s2, s11;
	s5 =	sor.u32 $0x1C01, s5;
	[bflag:$0x0] =	sbarrier.arrive $0xFFFF  }
0x1c1: {  	[hbm:s11], [sflag:s5] =	dma.local [spmem:s14], $0x280  }
0x1c2: {  	s17 =	sadd.s32 $0xFFFFFFFF, s8;
	s18 =	smov.u32 s9;
	s14 =	smov.u32 s10  }
.LBB2_11:
0x1c3: {  	p1 =	sne.s32 s17, $0x1  }
.Ltmp7:
0x1c4: {  	_ = 	snop;
	(pc) =	sbr.rel @p1 .LBB2_11-.Ltmp7, $4  }
0x1c5: {  	s18 =	sadd.s32 $0x1400, s18  }
0x1c6: {  	s14 =	sadd.s32 $0x1400, s14;
	s11 =	sshrl.u32 s18, $0x3  }
0x1c7: {  	s17 =	sadd.s32 $0xFFFFFFFF, s17;
	s12 =	sshrl.u32 s14, $0x3;
	s11 =	sadd.s32 s2, s11  }
0x1c8: {  	[hbm:s11], [sflag:s5] =	dma.local [spmem:s12], $0x280  }
.LBB2_12:
.Ltmp8:
0x1c9: {  	(pc) =	sbr.rel @!p0 .LBB2_14-.Ltmp8, $3  }
0x1ca: {  	_ =	sdelay $0x1  }
0x1cb: {  	_ =	swait.ge [sflag:s25], $0x280  }
0x1cc: {  	s5 =	sadd.s32 $0xFFFFFFFF, s8;
	[sflag:s25] =	ssyncset.done $0x0  }
.LBB2_13:
0x1cd: {  	p0 =	sne.s32 s5, $0x1;
	s5 =	sadd.s32 $0xFFFFFFFF, s5;
	[sflag:s25] =	ssyncadd.s32 $0xFFFFFD80  }
.Ltmp9:
0x1ce: {  	(pc) =	sbr.rel @p0 .LBB2_13-.Ltmp9, $3  }
0x1cf: {  	_ =	sdelay $0x1  }
0x1d0: {  	_ =	swait.ge [sflag:s25], $0x280  }
0x1d1: {  	[sflag:s25] =	ssyncset.done $0x0  }
.LBB2_14:
0x1d2: {  	s22 =	sadd.s32 $0x1, s22  }
0x1d3: {  	p0 =	sne.s32 s22, s13  }
.Ltmp10:
0x1d4: {  	_ = 	snop;
	(pc) =	sbr.rel @p0 .LBB2_1-.Ltmp10, $2  }
0x1d5: {  	_ =	sdelay $0x2  }
0x1d6: {  	[sflag:s25] =	ssyncadd.s32 $0xFFFFFD80  }
0x1d7: {  	_ =	sfence.sel $0x180000  }
0x1d8: {  	[bflag:$0x0] =	sbarrier.arrive $0xFFFF  }
0x1d9: {  	_ =	strace $0x90000047  }
0x1da: {  	s0 =	stileid.u32;
	[bflag:$0x2] =	sbarrier.arrive $0xFFFF  }
0x1db: {  	p0 =	sne.s32 s0, $0x0;
	s0 =	rddreg [dreg:$0x4]  }
0x1dc: {  	s0 =	sadd.s32 @!p0 $0x100000, s0  }
0x1dd: {  	[sflag:s0] =	ssyncadd.tile.s32 @!p0 $0x1;
	_ =	shalt  }
.Lfunc_end2:
_tile_overlayer_lowered:
.L_overlay_start_2:
0x1de: {  	(tag) =	ssettag $0x2  }
0x1df: {  	s0 =	rddreg [dreg:$0x0];
	s2 =	stileid.u32  }
0x1e0: {  	s1 =	rddreg [dreg:$0x1];
	p0 =	sne.s32 s2, $0x0  }
0x1e1: {  	s3 =	rddreg [dreg:$0x2];
	[bflag:$0x3] =	sbarrier.arrive $0xFFFF;
	s2 =	simm.s32 @!p0 $0x1C05  }
0x1e2: {  	[timem:s3], [sflag:s2] =	dma.local @!p0 [hbm:s0], s1  }
0x1e3: {  	s0 =	simm.s32 @!p0 $0x5  }
0x1e4: {  	_ =	swait.ge @!p0 [sflag:s0], s1  }
0x1e5: {  	s1 =	ssub.s32 @!p0 $0x0, s1;
	[sflag:s0] =	ssyncset.done @!p0 $0x0  }
0x1e6: {  	[sflag:s0] =	ssyncadd.s32 @!p0 s1  }
0x1e7: {  	[bflag:$0x3] =	sbarrier.arrive $0xFFFF  }
0x1e8: {  	_ =	shalt  }

</sc_bundles>
